<compile_context>
chip_gen: v7x
topology: tpu7x:2x2x1
jax: 0.10.2.dev20260603
libtpu: 0.0.44.dev20260713+nightly
codegen_flags: <defaults>
</compile_context>

<pallas_src>
import functools

import jax
import jax.numpy as jnp
from jax import lax
from jax.experimental import pallas as pl
from jax.experimental.pallas import tpu as pltpu
from jax.experimental.pallas import tpu_sc as plsc

NC = 2
NS = 16
NW = NC * NS
L = 16
NBUF = 8


def _rsqrt(x):
    i = lax.bitcast_convert_type(x, jnp.int32)
    i = jnp.int32(0x5F3759DF) - lax.shift_right_arithmetic(i, jnp.int32(1))
    y = lax.bitcast_convert_type(i, jnp.float32)
    xh = x * jnp.float32(0.5)
    for _ in range(3):
        y = y * (jnp.float32(1.5) - xh * y * y)
    return y


def _make_kernel(B, S, V, D):
    assert D == 2 * L
    b_per_w = B // NW
    CB = 2
    K = CB * S
    assert K <= 128
    n_chunks = b_per_w // CB
    assert n_chunks % NBUF == 0
    mesh = plsc.VectorSubcoreMesh(core_axis_name="c", subcore_axis_name="s")

    @functools.partial(
        pl.kernel,
        out_type=jax.ShapeDtypeStruct((B, D), jnp.float32),
        mesh=mesh,
        compiler_params=pltpu.CompilerParams(
            needs_layout_passes=False, use_tc_tiling_on_sc=False
        ),
        scratch_types=[
            pltpu.VMEM((n_chunks, K), jnp.int32),
            pltpu.VMEM((NBUF * K, D), jnp.float32),
            pltpu.VMEM((b_per_w, D), jnp.float32),
        ]
        + [pltpu.SemaphoreType.DMA] * NBUF,
    )
    def k(idx_hbm, table_hbm, out_hbm, idx_v, rows, out_v, *sems):
        wid = lax.axis_index("s") * NC + lax.axis_index("c")
        pltpu.sync_copy(idx_hbm.at[pl.ds(wid * n_chunks, n_chunks)], idx_v)

        def fire(jj, s):
            pltpu.async_copy(
                table_hbm.at[idx_v.at[jj]],
                rows.at[pl.ds(s * K, K)],
                sems[s],
            )

        for s in range(NBUF):
            fire(s, s)

        lane = lax.broadcasted_iota(jnp.int32, (L,), 0)

        def body(jj, _):
            slot = lax.rem(jj, jnp.int32(NBUF))
            for s in range(NBUF):
                @pl.when(slot == s)
                def _():
                    pltpu.make_async_copy(
                        table_hbm.at[idx_v.at[jj]],
                        rows.at[pl.ds(s * K, K)],
                        sems[s],
                    ).wait()

            base = slot * K
            for b2 in range(CB):
                acc0 = jnp.zeros((L,), jnp.float32)
                acc1 = jnp.zeros((L,), jnp.float32)
                for g0 in range(0, S, 8):
                    gn = min(8, S - g0)
                    v0s, v1s = [], []
                    norms = jnp.full((L,), jnp.float32(1.0))
                    for t in range(gn):
                        row = base + b2 * S + g0 + t
                        v0 = rows[row, pl.ds(0, L)]
                        v1 = rows[row, pl.ds(L, L)]
                        v0s.append(v0)
                        v1s.append(v1)
                        tot = jnp.sum(v0 * v0 + v1 * v1)
                        norms = jnp.where(lane == t, tot, norms)
                    inv16 = _rsqrt(norms)
                    for t in range(gn):
                        iv = inv16[t]
                        acc0 = acc0 + v0s[t] * iv
                        acc1 = acc1 + v1s[t] * iv
                tot = jnp.sum(acc0 * acc0 + acc1 * acc1)
                inv = _rsqrt(tot)
                row_out = jj * CB + b2
                out_v[row_out, pl.ds(0, L)] = acc0 * inv
                out_v[row_out, pl.ds(L, L)] = acc1 * inv

            @pl.when(jj < n_chunks - NBUF)
            def _():
                for s in range(NBUF):
                    @pl.when(slot == s)
                    def _():
                        fire(jj + NBUF, s)
            return 0

        lax.fori_loop(0, n_chunks, body, 0)
        pltpu.sync_copy(out_v, out_hbm.at[pl.ds(wid * b_per_w, b_per_w)])

    return k


def kernel(indices, table):
    B, S = indices.shape
    V, D = table.shape
    k = _make_kernel(B, S, V, D)
    CB = 2
    idx2d = indices.astype(jnp.int32).reshape(B // CB, CB * S)
    return k(idx2d, table)

# --- scband reference (transcript-rebuilt; emitter-appended) ---
"""Pipeline reference for scband-point-feature-encoder-4569845203299 (READ-ONLY COPY).

The authoritative reference and input builder live on the scoring server;
editing this copy changes nothing except your own understanding.
"""

import jax, jax.numpy as jnp
import numpy as np

VOCAB = 1000000
EMBED_DIM = 32
BATCH = 16384
NUM_FEAT = 50


def setup_inputs(seed: int = 0) -> dict:
    key = jax.random.key(seed)
    k_idx, k_tab = jax.random.split(key)
    indices = jax.random.randint(k_idx, (BATCH, NUM_FEAT), 0, VOCAB, dtype=jnp.int64 if jax.config.jax_enable_x64 else jnp.int32)
    table = jax.random.normal(k_tab, (VOCAB, EMBED_DIM), dtype=jnp.float32)
    return {"indices": indices, "table": table}


def reference(indices, table):
    # embedding lookup (gather): one embedding per sampled feature id
    embeds = jnp.take(table, indices, axis=0)  # [B, S, d]
    # per-feature L2 normalization (dim=2 in torch)
    norm = jnp.linalg.norm(embeds, ord=2, axis=2, keepdims=True)
    embeds_norm = embeds / norm
    # aggregate over the feature-sample axis (torch.mean, dim=1)
    aggs = jnp.mean(embeds_norm, axis=1)  # [B, d]
    # final L2 normalization of the aggregated embedding
    aggs_norm = jnp.linalg.norm(aggs, ord=2, axis=1, keepdims=True)
    aggs_normalize = aggs / aggs_norm
    return aggs_normalize

if __name__ == "__main__":
    import jax
    _d = setup_inputs()
    print(jax.jit(kernel)(*tuple(_d.values())))

</pallas_src>

<mosaic_0001>
#map = affine_map<(d0, d1) -> (0, 0)>
module attributes {stable_mosaic.version = 14 : i64} {
  func.func @k(%arg0: i32, %arg1: i32, %arg2: memref<8192x100xi32, #tpu.memory_space<hbm>>, %arg3: memref<1000000x32xf32, #tpu.memory_space<hbm>>, %arg4: memref<16384x32xf32, #tpu.memory_space<hbm>>, %arg5: memref<256x100xi32, #tpu.memory_space<vmem>>, %arg6: memref<800x32xf32, #tpu.memory_space<vmem>>, %arg7: memref<512x32xf32, #tpu.memory_space<vmem>>, %arg8: memref<!tpu.dma_semaphore, #tpu.memory_space<semaphore_mem>>, %arg9: memref<!tpu.dma_semaphore, #tpu.memory_space<semaphore_mem>>, %arg10: memref<!tpu.dma_semaphore, #tpu.memory_space<semaphore_mem>>, %arg11: memref<!tpu.dma_semaphore, #tpu.memory_space<semaphore_mem>>, %arg12: memref<!tpu.dma_semaphore, #tpu.memory_space<semaphore_mem>>, %arg13: memref<!tpu.dma_semaphore, #tpu.memory_space<semaphore_mem>>, %arg14: memref<!tpu.dma_semaphore, #tpu.memory_space<semaphore_mem>>, %arg15: memref<!tpu.dma_semaphore, #tpu.memory_space<semaphore_mem>>) attributes {dimension_semantics = [#tpu.dimension_semantics<core_parallel>, #tpu.dimension_semantics<subcore_parallel>], iteration_bounds = array<i64: 2, 16>, scalar_prefetch = 0 : i64, scratch_operands = 11 : i64, tpu.core_type = #tpu.core_type<sc_vector_subcore>, window_params = [{transform_indices = #map}, {transform_indices = #map}, {transform_indices = #map}]} {
    %mul3A = arith.constant 2 : i32
    %mul3A_0 = arith.muli %arg1, %mul3A : i32
    %add3A = arith.addi %mul3A_0, %arg0 : i32
    %mul3A_1 = arith.constant 256 : i32
    %mul3A_2 = arith.muli %add3A, %mul3A_1 : i32
    "tpu.region"() ({
      %run_scoped3A = tpu.sem_alloc : memref<!tpu.dma_semaphore, #tpu.memory_space<semaphore_mem>>
      %dma_start3A_90 = arith.constant 0 : i32
      %dma_start3A_91 = tpu.memref_slice %arg2[%mul3A_2, %dma_start3A_90] : memref<8192x100xi32, #tpu.memory_space<hbm>> -> memref<256x100xi32, #tpu.memory_space<hbm>>
      %dma_start3A_92 = arith.constant 0 : i32
      %dma_start3A_93 = tpu.memref_slice %arg2[%mul3A_2, %dma_start3A_92] : memref<8192x100xi32, #tpu.memory_space<hbm>> -> memref<256x100xi32, #tpu.memory_space<hbm>>
      tpu.enqueue_dma source(%dma_start3A_93 : memref<256x100xi32, #tpu.memory_space<hbm>>) target(%arg5 : memref<256x100xi32, #tpu.memory_space<vmem>>) target_semaphore(%run_scoped3A : memref<!tpu.dma_semaphore, #tpu.memory_space<semaphore_mem>>)
      %dma_wait3A = arith.constant 0 : i32
      %dma_wait3A_94 = tpu.memref_slice %arg2[%mul3A_2, %dma_wait3A] : memref<8192x100xi32, #tpu.memory_space<hbm>> -> memref<256x100xi32, #tpu.memory_space<hbm>>
      %dma_wait3A_95 = arith.constant 0 : i32
      %dma_wait3A_96 = tpu.memref_slice %arg2[%mul3A_2, %dma_wait3A_95] : memref<8192x100xi32, #tpu.memory_space<hbm>> -> memref<256x100xi32, #tpu.memory_space<hbm>>
      tpu.wait_dma2 semaphore(%run_scoped3A : memref<!tpu.dma_semaphore, #tpu.memory_space<semaphore_mem>>) src(%dma_wait3A_96 : memref<256x100xi32, #tpu.memory_space<hbm>>) dst(%arg5 : memref<256x100xi32, #tpu.memory_space<vmem>>)
      tpu.yield
    }) : () -> ()
    %dma_start3A = arith.constant 0 : i32
    %dma_start3A_3 = arith.constant 0 : i32
    %dma_start3A_4 = arith.constant 0 : i32
    %dma_start3A_5 = tpu.memref_slice %arg6[%dma_start3A_3, %dma_start3A_4] : memref<800x32xf32, #tpu.memory_space<vmem>> -> memref<100x32xf32, #tpu.memory_space<vmem>>
    %dma_start3A_6 = arith.constant 0 : i32
    %dma_start3A_7 = tpu.memref_slice %arg5[%dma_start3A, %dma_start3A_6] : memref<256x100xi32, #tpu.memory_space<vmem>> -> memref<1x100xi32, #tpu.memory_space<vmem>>
    %dma_start3A_8 = tpu.memref_squeeze %dma_start3A_7 : memref<1x100xi32, #tpu.memory_space<vmem>> -> memref<100xi32, #tpu.memory_space<vmem>>
    %dma_start3A_9 = arith.constant 0 : i32
    %dma_start3A_10 = arith.constant 0 : i32
    %dma_start3A_11 = tpu.memref_slice %arg3[%dma_start3A_9, %dma_start3A_10] : memref<1000000x32xf32, #tpu.memory_space<hbm>> -> memref<1000000x32xf32, #tpu.memory_space<hbm>>
    tpu.enqueue_indirect_dma source(%dma_start3A_11 : memref<1000000x32xf32, #tpu.memory_space<hbm>>) target(%dma_start3A_5 : memref<100x32xf32, #tpu.memory_space<vmem>>) offsets(%dma_start3A_8 : memref<100xi32, #tpu.memory_space<vmem>>) semaphore(%arg8 : memref<!tpu.dma_semaphore, #tpu.memory_space<semaphore_mem>>)
    %dma_start3A_12 = arith.constant 1 : i32
    %dma_start3A_13 = arith.constant 100 : i32
    %dma_start3A_14 = arith.constant 0 : i32
    %dma_start3A_15 = tpu.memref_slice %arg6[%dma_start3A_13, %dma_start3A_14] : memref<800x32xf32, #tpu.memory_space<vmem>> -> memref<100x32xf32, #tpu.memory_space<vmem>>
    %dma_start3A_16 = arith.constant 0 : i32
    %dma_start3A_17 = tpu.memref_slice %arg5[%dma_start3A_12, %dma_start3A_16] : memref<256x100xi32, #tpu.memory_space<vmem>> -> memref<1x100xi32, #tpu.memory_space<vmem>>
    %dma_start3A_18 = tpu.memref_squeeze %dma_start3A_17 : memref<1x100xi32, #tpu.memory_space<vmem>> -> memref<100xi32, #tpu.memory_space<vmem>>
    %dma_start3A_19 = arith.constant 0 : i32
    %dma_start3A_20 = arith.constant 0 : i32
    %dma_start3A_21 = tpu.memref_slice %arg3[%dma_start3A_19, %dma_start3A_20] : memref<1000000x32xf32, #tpu.memory_space<hbm>> -> memref<1000000x32xf32, #tpu.memory_space<hbm>>
    tpu.enqueue_indirect_dma source(%dma_start3A_21 : memref<1000000x32xf32, #tpu.memory_space<hbm>>) target(%dma_start3A_15 : memref<100x32xf32, #tpu.memory_space<vmem>>) offsets(%dma_start3A_18 : memref<100xi32, #tpu.memory_space<vmem>>) semaphore(%arg9 : memref<!tpu.dma_semaphore, #tpu.memory_space<semaphore_mem>>)
    %dma_start3A_22 = arith.constant 2 : i32
    %dma_start3A_23 = arith.constant 200 : i32
    %dma_start3A_24 = arith.constant 0 : i32
    %dma_start3A_25 = tpu.memref_slice %arg6[%dma_start3A_23, %dma_start3A_24] : memref<800x32xf32, #tpu.memory_space<vmem>> -> memref<100x32xf32, #tpu.memory_space<vmem>>
    %dma_start3A_26 = arith.constant 0 : i32
    %dma_start3A_27 = tpu.memref_slice %arg5[%dma_start3A_22, %dma_start3A_26] : memref<256x100xi32, #tpu.memory_space<vmem>> -> memref<1x100xi32, #tpu.memory_space<vmem>>
    %dma_start3A_28 = tpu.memref_squeeze %dma_start3A_27 : memref<1x100xi32, #tpu.memory_space<vmem>> -> memref<100xi32, #tpu.memory_space<vmem>>
    %dma_start3A_29 = arith.constant 0 : i32
    %dma_start3A_30 = arith.constant 0 : i32
    %dma_start3A_31 = tpu.memref_slice %arg3[%dma_start3A_29, %dma_start3A_30] : memref<1000000x32xf32, #tpu.memory_space<hbm>> -> memref<1000000x32xf32, #tpu.memory_space<hbm>>
    tpu.enqueue_indirect_dma source(%dma_start3A_31 : memref<1000000x32xf32, #tpu.memory_space<hbm>>) target(%dma_start3A_25 : memref<100x32xf32, #tpu.memory_space<vmem>>) offsets(%dma_start3A_28 : memref<100xi32, #tpu.memory_space<vmem>>) semaphore(%arg10 : memref<!tpu.dma_semaphore, #tpu.memory_space<semaphore_mem>>)
    %dma_start3A_32 = arith.constant 3 : i32
    %dma_start3A_33 = arith.constant 300 : i32
    %dma_start3A_34 = arith.constant 0 : i32
    %dma_start3A_35 = tpu.memref_slice %arg6[%dma_start3A_33, %dma_start3A_34] : memref<800x32xf32, #tpu.memory_space<vmem>> -> memref<100x32xf32, #tpu.memory_space<vmem>>
    %dma_start3A_36 = arith.constant 0 : i32
    %dma_start3A_37 = tpu.memref_slice %arg5[%dma_start3A_32, %dma_start3A_36] : memref<256x100xi32, #tpu.memory_space<vmem>> -> memref<1x100xi32, #tpu.memory_space<vmem>>
    %dma_start3A_38 = tpu.memref_squeeze %dma_start3A_37 : memref<1x100xi32, #tpu.memory_space<vmem>> -> memref<100xi32, #tpu.memory_space<vmem>>
    %dma_start3A_39 = arith.constant 0 : i32
    %dma_start3A_40 = arith.constant 0 : i32
    %dma_start3A_41 = tpu.memref_slice %arg3[%dma_start3A_39, %dma_start3A_40] : memref<1000000x32xf32, #tpu.memory_space<hbm>> -> memref<1000000x32xf32, #tpu.memory_space<hbm>>
    tpu.enqueue_indirect_dma source(%dma_start3A_41 : memref<1000000x32xf32, #tpu.memory_space<hbm>>) target(%dma_start3A_35 : memref<100x32xf32, #tpu.memory_space<vmem>>) offsets(%dma_start3A_38 : memref<100xi32, #tpu.memory_space<vmem>>) semaphore(%arg11 : memref<!tpu.dma_semaphore, #tpu.memory_space<semaphore_mem>>)
    %dma_start3A_42 = arith.constant 4 : i32
    %dma_start3A_43 = arith.constant 400 : i32
    %dma_start3A_44 = arith.constant 0 : i32
    %dma_start3A_45 = tpu.memref_slice %arg6[%dma_start3A_43, %dma_start3A_44] : memref<800x32xf32, #tpu.memory_space<vmem>> -> memref<100x32xf32, #tpu.memory_space<vmem>>
    %dma_start3A_46 = arith.constant 0 : i32
    %dma_start3A_47 = tpu.memref_slice %arg5[%dma_start3A_42, %dma_start3A_46] : memref<256x100xi32, #tpu.memory_space<vmem>> -> memref<1x100xi32, #tpu.memory_space<vmem>>
    %dma_start3A_48 = tpu.memref_squeeze %dma_start3A_47 : memref<1x100xi32, #tpu.memory_space<vmem>> -> memref<100xi32, #tpu.memory_space<vmem>>
    %dma_start3A_49 = arith.constant 0 : i32
    %dma_start3A_50 = arith.constant 0 : i32
    %dma_start3A_51 = tpu.memref_slice %arg3[%dma_start3A_49, %dma_start3A_50] : memref<1000000x32xf32, #tpu.memory_space<hbm>> -> memref<1000000x32xf32, #tpu.memory_space<hbm>>
    tpu.enqueue_indirect_dma source(%dma_start3A_51 : memref<1000000x32xf32, #tpu.memory_space<hbm>>) target(%dma_start3A_45 : memref<100x32xf32, #tpu.memory_space<vmem>>) offsets(%dma_start3A_48 : memref<100xi32, #tpu.memory_space<vmem>>) semaphore(%arg12 : memref<!tpu.dma_semaphore, #tpu.memory_space<semaphore_mem>>)
    %dma_start3A_52 = arith.constant 5 : i32
    %dma_start3A_53 = arith.constant 500 : i32
    %dma_start3A_54 = arith.constant 0 : i32
    %dma_start3A_55 = tpu.memref_slice %arg6[%dma_start3A_53, %dma_start3A_54] : memref<800x32xf32, #tpu.memory_space<vmem>> -> memref<100x32xf32, #tpu.memory_space<vmem>>
    %dma_start3A_56 = arith.constant 0 : i32
    %dma_start3A_57 = tpu.memref_slice %arg5[%dma_start3A_52, %dma_start3A_56] : memref<256x100xi32, #tpu.memory_space<vmem>> -> memref<1x100xi32, #tpu.memory_space<vmem>>
    %dma_start3A_58 = tpu.memref_squeeze %dma_start3A_57 : memref<1x100xi32, #tpu.memory_space<vmem>> -> memref<100xi32, #tpu.memory_space<vmem>>
    %dma_start3A_59 = arith.constant 0 : i32
    %dma_start3A_60 = arith.constant 0 : i32
    %dma_start3A_61 = tpu.memref_slice %arg3[%dma_start3A_59, %dma_start3A_60] : memref<1000000x32xf32, #tpu.memory_space<hbm>> -> memref<1000000x32xf32, #tpu.memory_space<hbm>>
    tpu.enqueue_indirect_dma source(%dma_start3A_61 : memref<1000000x32xf32, #tpu.memory_space<hbm>>) target(%dma_start3A_55 : memref<100x32xf32, #tpu.memory_space<vmem>>) offsets(%dma_start3A_58 : memref<100xi32, #tpu.memory_space<vmem>>) semaphore(%arg13 : memref<!tpu.dma_semaphore, #tpu.memory_space<semaphore_mem>>)
    %dma_start3A_62 = arith.constant 6 : i32
    %dma_start3A_63 = arith.constant 600 : i32
    %dma_start3A_64 = arith.constant 0 : i32
    %dma_start3A_65 = tpu.memref_slice %arg6[%dma_start3A_63, %dma_start3A_64] : memref<800x32xf32, #tpu.memory_space<vmem>> -> memref<100x32xf32, #tpu.memory_space<vmem>>
    %dma_start3A_66 = arith.constant 0 : i32
    %dma_start3A_67 = tpu.memref_slice %arg5[%dma_start3A_62, %dma_start3A_66] : memref<256x100xi32, #tpu.memory_space<vmem>> -> memref<1x100xi32, #tpu.memory_space<vmem>>
    %dma_start3A_68 = tpu.memref_squeeze %dma_start3A_67 : memref<1x100xi32, #tpu.memory_space<vmem>> -> memref<100xi32, #tpu.memory_space<vmem>>
    %dma_start3A_69 = arith.constant 0 : i32
    %dma_start3A_70 = arith.constant 0 : i32
    %dma_start3A_71 = tpu.memref_slice %arg3[%dma_start3A_69, %dma_start3A_70] : memref<1000000x32xf32, #tpu.memory_space<hbm>> -> memref<1000000x32xf32, #tpu.memory_space<hbm>>
    tpu.enqueue_indirect_dma source(%dma_start3A_71 : memref<1000000x32xf32, #tpu.memory_space<hbm>>) target(%dma_start3A_65 : memref<100x32xf32, #tpu.memory_space<vmem>>) offsets(%dma_start3A_68 : memref<100xi32, #tpu.memory_space<vmem>>) semaphore(%arg14 : memref<!tpu.dma_semaphore, #tpu.memory_space<semaphore_mem>>)
    %dma_start3A_72 = arith.constant 7 : i32
    %dma_start3A_73 = arith.constant 700 : i32
    %dma_start3A_74 = arith.constant 0 : i32
    %dma_start3A_75 = tpu.memref_slice %arg6[%dma_start3A_73, %dma_start3A_74] : memref<800x32xf32, #tpu.memory_space<vmem>> -> memref<100x32xf32, #tpu.memory_space<vmem>>
    %dma_start3A_76 = arith.constant 0 : i32
    %dma_start3A_77 = tpu.memref_slice %arg5[%dma_start3A_72, %dma_start3A_76] : memref<256x100xi32, #tpu.memory_space<vmem>> -> memref<1x100xi32, #tpu.memory_space<vmem>>
    %dma_start3A_78 = tpu.memref_squeeze %dma_start3A_77 : memref<1x100xi32, #tpu.memory_space<vmem>> -> memref<100xi32, #tpu.memory_space<vmem>>
    %dma_start3A_79 = arith.constant 0 : i32
    %dma_start3A_80 = arith.constant 0 : i32
    %dma_start3A_81 = tpu.memref_slice %arg3[%dma_start3A_79, %dma_start3A_80] : memref<1000000x32xf32, #tpu.memory_space<hbm>> -> memref<1000000x32xf32, #tpu.memory_space<hbm>>
    tpu.enqueue_indirect_dma source(%dma_start3A_81 : memref<1000000x32xf32, #tpu.memory_space<hbm>>) target(%dma_start3A_75 : memref<100x32xf32, #tpu.memory_space<vmem>>) offsets(%dma_start3A_78 : memref<100xi32, #tpu.memory_space<vmem>>) semaphore(%arg15 : memref<!tpu.dma_semaphore, #tpu.memory_space<semaphore_mem>>)
    %iota3A = tpu.iota {dimensions = array<i32: 0>} : vector<16xi32>
    %scan3A = arith.constant 0 : i32
    %scan3A_82 = arith.constant 0 : i32
    %scan3A_83 = arith.constant 256 : i32
    %scan3A_84 = arith.addi %scan3A_82, %scan3A_83 : i32
    %scan3A_85 = arith.constant 1 : i32
    %scan3A_86 = scf.for %scan3A_90 = %scan3A_82 to %scan3A_84 step %scan3A_85 iter_args(%scan3A_91 = %scan3A) -> (i32)  : i32 {
      %rem3A = arith.constant 8 : i32
      %rem3A_92 = arith.remsi %scan3A_90, %rem3A : i32
      %eq3A = arith.constant 0 : i32
      %eq3A_93 = arith.cmpi eq, %rem3A_92, %eq3A : i32
      %convert_element_type3A = arith.extui %eq3A_93 : i1 to i32
      %cond3A = arith.constant 0 : i32
      %cond3A_94 = arith.cmpi ne, %convert_element_type3A, %cond3A : i32
      scf.if %cond3A_94 {
        %dma_wait3A = arith.constant 0 : i32
        %dma_wait3A_3857 = arith.constant 0 : i32
        %dma_wait3A_3858 = tpu.memref_slice %arg6[%dma_wait3A, %dma_wait3A_3857] : memref<800x32xf32, #tpu.memory_space<vmem>> -> memref<100x32xf32, #tpu.memory_space<vmem>>
        %dma_wait3A_3859 = arith.constant 0 : i32
        %dma_wait3A_3860 = tpu.memref_slice %arg5[%scan3A_90, %dma_wait3A_3859] : memref<256x100xi32, #tpu.memory_space<vmem>> -> memref<1x100xi32, #tpu.memory_space<vmem>>
        %dma_wait3A_3861 = tpu.memref_squeeze %dma_wait3A_3860 : memref<1x100xi32, #tpu.memory_space<vmem>> -> memref<100xi32, #tpu.memory_space<vmem>>
        %dma_wait3A_3862 = arith.constant 0 : i32
        %dma_wait3A_3863 = arith.constant 0 : i32
        %dma_wait3A_3864 = tpu.memref_slice %arg3[%dma_wait3A_3862, %dma_wait3A_3863] : memref<1000000x32xf32, #tpu.memory_space<hbm>> -> memref<1000000x32xf32, #tpu.memory_space<hbm>>
        tpu.wait_indirect_dma semaphore(%arg8 : memref<!tpu.dma_semaphore, #tpu.memory_space<semaphore_mem>>) src(%dma_wait3A_3864 : memref<1000000x32xf32, #tpu.memory_space<hbm>>) dst(%dma_wait3A_3858 : memref<100x32xf32, #tpu.memory_space<vmem>>)
      } else {
      }
      %eq3A_95 = arith.constant 1 : i32
      %eq3A_96 = arith.cmpi eq, %rem3A_92, %eq3A_95 : i32
      %convert_element_type3A_97 = arith.extui %eq3A_96 : i1 to i32
      %cond3A_98 = arith.constant 0 : i32
      %cond3A_99 = arith.cmpi ne, %convert_element_type3A_97, %cond3A_98 : i32
      scf.if %cond3A_99 {
        %dma_wait3A = arith.constant 100 : i32
        %dma_wait3A_3857 = arith.constant 0 : i32
        %dma_wait3A_3858 = tpu.memref_slice %arg6[%dma_wait3A, %dma_wait3A_3857] : memref<800x32xf32, #tpu.memory_space<vmem>> -> memref<100x32xf32, #tpu.memory_space<vmem>>
        %dma_wait3A_3859 = arith.constant 0 : i32
        %dma_wait3A_3860 = tpu.memref_slice %arg5[%scan3A_90, %dma_wait3A_3859] : memref<256x100xi32, #tpu.memory_space<vmem>> -> memref<1x100xi32, #tpu.memory_space<vmem>>
        %dma_wait3A_3861 = tpu.memref_squeeze %dma_wait3A_3860 : memref<1x100xi32, #tpu.memory_space<vmem>> -> memref<100xi32, #tpu.memory_space<vmem>>
        %dma_wait3A_3862 = arith.constant 0 : i32
        %dma_wait3A_3863 = arith.constant 0 : i32
        %dma_wait3A_3864 = tpu.memref_slice %arg3[%dma_wait3A_3862, %dma_wait3A_3863] : memref<1000000x32xf32, #tpu.memory_space<hbm>> -> memref<1000000x32xf32, #tpu.memory_space<hbm>>
        tpu.wait_indirect_dma semaphore(%arg9 : memref<!tpu.dma_semaphore, #tpu.memory_space<semaphore_mem>>) src(%dma_wait3A_3864 : memref<1000000x32xf32, #tpu.memory_space<hbm>>) dst(%dma_wait3A_3858 : memref<100x32xf32, #tpu.memory_space<vmem>>)
      } else {
      }
      %eq3A_100 = arith.constant 2 : i32
      %eq3A_101 = arith.cmpi eq, %rem3A_92, %eq3A_100 : i32
      %convert_element_type3A_102 = arith.extui %eq3A_101 : i1 to i32
      %cond3A_103 = arith.constant 0 : i32
      %cond3A_104 = arith.cmpi ne, %convert_element_type3A_102, %cond3A_103 : i32
      scf.if %cond3A_104 {
        %dma_wait3A = arith.constant 200 : i32
        %dma_wait3A_3857 = arith.constant 0 : i32
        %dma_wait3A_3858 = tpu.memref_slice %arg6[%dma_wait3A, %dma_wait3A_3857] : memref<800x32xf32, #tpu.memory_space<vmem>> -> memref<100x32xf32, #tpu.memory_space<vmem>>
        %dma_wait3A_3859 = arith.constant 0 : i32
        %dma_wait3A_3860 = tpu.memref_slice %arg5[%scan3A_90, %dma_wait3A_3859] : memref<256x100xi32, #tpu.memory_space<vmem>> -> memref<1x100xi32, #tpu.memory_space<vmem>>
        %dma_wait3A_3861 = tpu.memref_squeeze %dma_wait3A_3860 : memref<1x100xi32, #tpu.memory_space<vmem>> -> memref<100xi32, #tpu.memory_space<vmem>>
        %dma_wait3A_3862 = arith.constant 0 : i32
        %dma_wait3A_3863 = arith.constant 0 : i32
        %dma_wait3A_3864 = tpu.memref_slice %arg3[%dma_wait3A_3862, %dma_wait3A_3863] : memref<1000000x32xf32, #tpu.memory_space<hbm>> -> memref<1000000x32xf32, #tpu.memory_space<hbm>>
        tpu.wait_indirect_dma semaphore(%arg10 : memref<!tpu.dma_semaphore, #tpu.memory_space<semaphore_mem>>) src(%dma_wait3A_3864 : memref<1000000x32xf32, #tpu.memory_space<hbm>>) dst(%dma_wait3A_3858 : memref<100x32xf32, #tpu.memory_space<vmem>>)
      } else {
      }
      %eq3A_105 = arith.constant 3 : i32
      %eq3A_106 = arith.cmpi eq, %rem3A_92, %eq3A_105 : i32
      %convert_element_type3A_107 = arith.extui %eq3A_106 : i1 to i32
      %cond3A_108 = arith.constant 0 : i32
      %cond3A_109 = arith.cmpi ne, %convert_element_type3A_107, %cond3A_108 : i32
      scf.if %cond3A_109 {
        %dma_wait3A = arith.constant 300 : i32
        %dma_wait3A_3857 = arith.constant 0 : i32
        %dma_wait3A_3858 = tpu.memref_slice %arg6[%dma_wait3A, %dma_wait3A_3857] : memref<800x32xf32, #tpu.memory_space<vmem>> -> memref<100x32xf32, #tpu.memory_space<vmem>>
        %dma_wait3A_3859 = arith.constant 0 : i32
        %dma_wait3A_3860 = tpu.memref_slice %arg5[%scan3A_90, %dma_wait3A_3859] : memref<256x100xi32, #tpu.memory_space<vmem>> -> memref<1x100xi32, #tpu.memory_space<vmem>>
        %dma_wait3A_3861 = tpu.memref_squeeze %dma_wait3A_3860 : memref<1x100xi32, #tpu.memory_space<vmem>> -> memref<100xi32, #tpu.memory_space<vmem>>
        %dma_wait3A_3862 = arith.constant 0 : i32
        %dma_wait3A_3863 = arith.constant 0 : i32
        %dma_wait3A_3864 = tpu.memref_slice %arg3[%dma_wait3A_3862, %dma_wait3A_3863] : memref<1000000x32xf32, #tpu.memory_space<hbm>> -> memref<1000000x32xf32, #tpu.memory_space<hbm>>
        tpu.wait_indirect_dma semaphore(%arg11 : memref<!tpu.dma_semaphore, #tpu.memory_space<semaphore_mem>>) src(%dma_wait3A_3864 : memref<1000000x32xf32, #tpu.memory_space<hbm>>) dst(%dma_wait3A_3858 : memref<100x32xf32, #tpu.memory_space<vmem>>)
      } else {
      }
      %eq3A_110 = arith.constant 4 : i32
      %eq3A_111 = arith.cmpi eq, %rem3A_92, %eq3A_110 : i32
      %convert_element_type3A_112 = arith.extui %eq3A_111 : i1 to i32
      %cond3A_113 = arith.constant 0 : i32
      %cond3A_114 = arith.cmpi ne, %convert_element_type3A_112, %cond3A_113 : i32
      scf.if %cond3A_114 {
        %dma_wait3A = arith.constant 400 : i32
        %dma_wait3A_3857 = arith.constant 0 : i32
        %dma_wait3A_3858 = tpu.memref_slice %arg6[%dma_wait3A, %dma_wait3A_3857] : memref<800x32xf32, #tpu.memory_space<vmem>> -> memref<100x32xf32, #tpu.memory_space<vmem>>
        %dma_wait3A_3859 = arith.constant 0 : i32
        %dma_wait3A_3860 = tpu.memref_slice %arg5[%scan3A_90, %dma_wait3A_3859] : memref<256x100xi32, #tpu.memory_space<vmem>> -> memref<1x100xi32, #tpu.memory_space<vmem>>
        %dma_wait3A_3861 = tpu.memref_squeeze %dma_wait3A_3860 : memref<1x100xi32, #tpu.memory_space<vmem>> -> memref<100xi32, #tpu.memory_space<vmem>>
        %dma_wait3A_3862 = arith.constant 0 : i32
        %dma_wait3A_3863 = arith.constant 0 : i32
        %dma_wait3A_3864 = tpu.memref_slice %arg3[%dma_wait3A_3862, %dma_wait3A_3863] : memref<1000000x32xf32, #tpu.memory_space<hbm>> -> memref<1000000x32xf32, #tpu.memory_space<hbm>>
        tpu.wait_indirect_dma semaphore(%arg12 : memref<!tpu.dma_semaphore, #tpu.memory_space<semaphore_mem>>) src(%dma_wait3A_3864 : memref<1000000x32xf32, #tpu.memory_space<hbm>>) dst(%dma_wait3A_3858 : memref<100x32xf32, #tpu.memory_space<vmem>>)
      } else {
      }
      %eq3A_115 = arith.constant 5 : i32
      %eq3A_116 = arith.cmpi eq, %rem3A_92, %eq3A_115 : i32
      %convert_element_type3A_117 = arith.extui %eq3A_116 : i1 to i32
      %cond3A_118 = arith.constant 0 : i32
      %cond3A_119 = arith.cmpi ne, %convert_element_type3A_117, %cond3A_118 : i32
      scf.if %cond3A_119 {
        %dma_wait3A = arith.constant 500 : i32
        %dma_wait3A_3857 = arith.constant 0 : i32
        %dma_wait3A_3858 = tpu.memref_slice %arg6[%dma_wait3A, %dma_wait3A_3857] : memref<800x32xf32, #tpu.memory_space<vmem>> -> memref<100x32xf32, #tpu.memory_space<vmem>>
        %dma_wait3A_3859 = arith.constant 0 : i32
        %dma_wait3A_3860 = tpu.memref_slice %arg5[%scan3A_90, %dma_wait3A_3859] : memref<256x100xi32, #tpu.memory_space<vmem>> -> memref<1x100xi32, #tpu.memory_space<vmem>>
        %dma_wait3A_3861 = tpu.memref_squeeze %dma_wait3A_3860 : memref<1x100xi32, #tpu.memory_space<vmem>> -> memref<100xi32, #tpu.memory_space<vmem>>
        %dma_wait3A_3862 = arith.constant 0 : i32
        %dma_wait3A_3863 = arith.constant 0 : i32
        %dma_wait3A_3864 = tpu.memref_slice %arg3[%dma_wait3A_3862, %dma_wait3A_3863] : memref<1000000x32xf32, #tpu.memory_space<hbm>> -> memref<1000000x32xf32, #tpu.memory_space<hbm>>
        tpu.wait_indirect_dma semaphore(%arg13 : memref<!tpu.dma_semaphore, #tpu.memory_space<semaphore_mem>>) src(%dma_wait3A_3864 : memref<1000000x32xf32, #tpu.memory_space<hbm>>) dst(%dma_wait3A_3858 : memref<100x32xf32, #tpu.memory_space<vmem>>)
      } else {
      }
      %eq3A_120 = arith.constant 6 : i32
      %eq3A_121 = arith.cmpi eq, %rem3A_92, %eq3A_120 : i32
      %convert_element_type3A_122 = arith.extui %eq3A_121 : i1 to i32
      %cond3A_123 = arith.constant 0 : i32
      %cond3A_124 = arith.cmpi ne, %convert_element_type3A_122, %cond3A_123 : i32
      scf.if %cond3A_124 {
        %dma_wait3A = arith.constant 600 : i32
        %dma_wait3A_3857 = arith.constant 0 : i32
        %dma_wait3A_3858 = tpu.memref_slice %arg6[%dma_wait3A, %dma_wait3A_3857] : memref<800x32xf32, #tpu.memory_space<vmem>> -> memref<100x32xf32, #tpu.memory_space<vmem>>
        %dma_wait3A_3859 = arith.constant 0 : i32
        %dma_wait3A_3860 = tpu.memref_slice %arg5[%scan3A_90, %dma_wait3A_3859] : memref<256x100xi32, #tpu.memory_space<vmem>> -> memref<1x100xi32, #tpu.memory_space<vmem>>
        %dma_wait3A_3861 = tpu.memref_squeeze %dma_wait3A_3860 : memref<1x100xi32, #tpu.memory_space<vmem>> -> memref<100xi32, #tpu.memory_space<vmem>>
        %dma_wait3A_3862 = arith.constant 0 : i32
        %dma_wait3A_3863 = arith.constant 0 : i32
        %dma_wait3A_3864 = tpu.memref_slice %arg3[%dma_wait3A_3862, %dma_wait3A_3863] : memref<1000000x32xf32, #tpu.memory_space<hbm>> -> memref<1000000x32xf32, #tpu.memory_space<hbm>>
        tpu.wait_indirect_dma semaphore(%arg14 : memref<!tpu.dma_semaphore, #tpu.memory_space<semaphore_mem>>) src(%dma_wait3A_3864 : memref<1000000x32xf32, #tpu.memory_space<hbm>>) dst(%dma_wait3A_3858 : memref<100x32xf32, #tpu.memory_space<vmem>>)
      } else {
      }
      %eq3A_125 = arith.constant 7 : i32
      %eq3A_126 = arith.cmpi eq, %rem3A_92, %eq3A_125 : i32
      %convert_element_type3A_127 = arith.extui %eq3A_126 : i1 to i32
      %cond3A_128 = arith.constant 0 : i32
      %cond3A_129 = arith.cmpi ne, %convert_element_type3A_127, %cond3A_128 : i32
      scf.if %cond3A_129 {
        %dma_wait3A = arith.constant 700 : i32
        %dma_wait3A_3857 = arith.constant 0 : i32
        %dma_wait3A_3858 = tpu.memref_slice %arg6[%dma_wait3A, %dma_wait3A_3857] : memref<800x32xf32, #tpu.memory_space<vmem>> -> memref<100x32xf32, #tpu.memory_space<vmem>>
        %dma_wait3A_3859 = arith.constant 0 : i32
        %dma_wait3A_3860 = tpu.memref_slice %arg5[%scan3A_90, %dma_wait3A_3859] : memref<256x100xi32, #tpu.memory_space<vmem>> -> memref<1x100xi32, #tpu.memory_space<vmem>>
        %dma_wait3A_3861 = tpu.memref_squeeze %dma_wait3A_3860 : memref<1x100xi32, #tpu.memory_space<vmem>> -> memref<100xi32, #tpu.memory_space<vmem>>
        %dma_wait3A_3862 = arith.constant 0 : i32
        %dma_wait3A_3863 = arith.constant 0 : i32
        %dma_wait3A_3864 = tpu.memref_slice %arg3[%dma_wait3A_3862, %dma_wait3A_3863] : memref<1000000x32xf32, #tpu.memory_space<hbm>> -> memref<1000000x32xf32, #tpu.memory_space<hbm>>
        tpu.wait_indirect_dma semaphore(%arg15 : memref<!tpu.dma_semaphore, #tpu.memory_space<semaphore_mem>>) src(%dma_wait3A_3864 : memref<1000000x32xf32, #tpu.memory_space<hbm>>) dst(%dma_wait3A_3858 : memref<100x32xf32, #tpu.memory_space<vmem>>)
      } else {
      }
      %mul3A_130 = arith.constant 100 : i32
      %mul3A_131 = arith.muli %rem3A_92, %mul3A_130 : i32
      %broadcast_in_dim3A = arith.constant 0.000000e+00 : f32
      %broadcast_in_dim3A_132 = vector.broadcast %broadcast_in_dim3A : f32 to vector<16xf32>
      %broadcast_in_dim3A_133 = arith.constant 0.000000e+00 : f32
      %broadcast_in_dim3A_134 = vector.broadcast %broadcast_in_dim3A_133 : f32 to vector<16xf32>
      %broadcast_in_dim3A_135 = arith.constant 1.000000e+00 : f32
      %broadcast_in_dim3A_136 = vector.broadcast %broadcast_in_dim3A_135 : f32 to vector<16xf32>
      %add3A_137 = arith.constant 0 : i32
      %add3A_138 = arith.addi %mul3A_131, %add3A_137 : i32
      %add3A_139 = arith.constant 0 : i32
      %add3A_140 = arith.addi %add3A_138, %add3A_139 : i32
      %add3A_141 = arith.constant 0 : i32
      %add3A_142 = arith.addi %add3A_140, %add3A_141 : i32
      %get3A = arith.index_cast %add3A_142 : i32 to index
      %get3A_143 = arith.constant 0 : index
      %get3A_144 = tpu.vector_load %arg6[%get3A, %get3A_143] {strides = array<i32>} : memref<800x32xf32, #tpu.memory_space<vmem>>, vector<16xf32>,
      %get3A_145 = arith.index_cast %add3A_142 : i32 to index
      %get3A_146 = arith.constant 16 : index
      %get3A_147 = tpu.vector_load %arg6[%get3A_145, %get3A_146] {strides = array<i32>} : memref<800x32xf32, #tpu.memory_space<vmem>>, vector<16xf32>,
      %mul3A_148 = arith.mulf %get3A_144, %get3A_144 : vector<16xf32>
      %mul3A_149 = arith.mulf %get3A_147, %get3A_147 : vector<16xf32>
      %add3A_150 = arith.addf %mul3A_148, %mul3A_149 : vector<16xf32>
      %reduce_sum3A = arith.constant true
      %reduce_sum3A_151 = vector.broadcast %reduce_sum3A : i1 to vector<16xi1>
      %reduce_sum3A_152 = tpu.scan <sum>, %add3A_150 masked %reduce_sum3A_151 : vector<16xf32>, vector<16xi1> -> vector<16xf32>
      %reduce_sum3A_153 = vector.extract %reduce_sum3A_152[15] : f32 from vector<16xf32>
      %eq3A_154 = arith.constant 0 : i32
      %eq3A_155 = vector.broadcast %eq3A_154 : i32 to vector<16xi32>
      %eq3A_156 = arith.cmpi eq, %iota3A, %eq3A_155 : vector<16xi32>
      %broadcast_in_dim3A_157 = vector.broadcast %reduce_sum3A_153 : f32 to vector<16xf32>
      %select_n3A = arith.select %eq3A_156, %broadcast_in_dim3A_157, %broadcast_in_dim3A_136 : vector<16xi1>, vector<16xf32>
      %add3A_158 = arith.constant 0 : i32
      %add3A_159 = arith.addi %mul3A_131, %add3A_158 : i32
      %add3A_160 = arith.constant 0 : i32
      %add3A_161 = arith.addi %add3A_159, %add3A_160 : i32
      %add3A_162 = arith.constant 1 : i32
      %add3A_163 = arith.addi %add3A_161, %add3A_162 : i32
      %get3A_164 = arith.index_cast %add3A_163 : i32 to index
      %get3A_165 = arith.constant 0 : index
      %get3A_166 = tpu.vector_load %arg6[%get3A_164, %get3A_165] {strides = array<i32>} : memref<800x32xf32, #tpu.memory_space<vmem>>, vector<16xf32>,
      %get3A_167 = arith.index_cast %add3A_163 : i32 to index
      %get3A_168 = arith.constant 16 : index
      %get3A_169 = tpu.vector_load %arg6[%get3A_167, %get3A_168] {strides = array<i32>} : memref<800x32xf32, #tpu.memory_space<vmem>>, vector<16xf32>,
      %mul3A_170 = arith.mulf %get3A_166, %get3A_166 : vector<16xf32>
      %mul3A_171 = arith.mulf %get3A_169, %get3A_169 : vector<16xf32>
      %add3A_172 = arith.addf %mul3A_170, %mul3A_171 : vector<16xf32>
      %reduce_sum3A_173 = arith.constant true
      %reduce_sum3A_174 = vector.broadcast %reduce_sum3A_173 : i1 to vector<16xi1>
      %reduce_sum3A_175 = tpu.scan <sum>, %add3A_172 masked %reduce_sum3A_174 : vector<16xf32>, vector<16xi1> -> vector<16xf32>
      %reduce_sum3A_176 = vector.extract %reduce_sum3A_175[15] : f32 from vector<16xf32>
      %eq3A_177 = arith.constant 1 : i32
      %eq3A_178 = vector.broadcast %eq3A_177 : i32 to vector<16xi32>
      %eq3A_179 = arith.cmpi eq, %iota3A, %eq3A_178 : vector<16xi32>
      %broadcast_in_dim3A_180 = vector.broadcast %reduce_sum3A_176 : f32 to vector<16xf32>
      %select_n3A_181 = arith.select %eq3A_179, %broadcast_in_dim3A_180, %select_n3A : vector<16xi1>, vector<16xf32>
      %add3A_182 = arith.constant 0 : i32
      %add3A_183 = arith.addi %mul3A_131, %add3A_182 : i32
      %add3A_184 = arith.constant 0 : i32
      %add3A_185 = arith.addi %add3A_183, %add3A_184 : i32
      %add3A_186 = arith.constant 2 : i32
      %add3A_187 = arith.addi %add3A_185, %add3A_186 : i32
      %get3A_188 = arith.index_cast %add3A_187 : i32 to index
      %get3A_189 = arith.constant 0 : index
      %get3A_190 = tpu.vector_load %arg6[%get3A_188, %get3A_189] {strides = array<i32>} : memref<800x32xf32, #tpu.memory_space<vmem>>, vector<16xf32>,
      %get3A_191 = arith.index_cast %add3A_187 : i32 to index
      %get3A_192 = arith.constant 16 : index
      %get3A_193 = tpu.vector_load %arg6[%get3A_191, %get3A_192] {strides = array<i32>} : memref<800x32xf32, #tpu.memory_space<vmem>>, vector<16xf32>,
      %mul3A_194 = arith.mulf %get3A_190, %get3A_190 : vector<16xf32>
      %mul3A_195 = arith.mulf %get3A_193, %get3A_193 : vector<16xf32>
      %add3A_196 = arith.addf %mul3A_194, %mul3A_195 : vector<16xf32>
      %reduce_sum3A_197 = arith.constant true
      %reduce_sum3A_198 = vector.broadcast %reduce_sum3A_197 : i1 to vector<16xi1>
      %reduce_sum3A_199 = tpu.scan <sum>, %add3A_196 masked %reduce_sum3A_198 : vector<16xf32>, vector<16xi1> -> vector<16xf32>
      %reduce_sum3A_200 = vector.extract %reduce_sum3A_199[15] : f32 from vector<16xf32>
      %eq3A_201 = arith.constant 2 : i32
      %eq3A_202 = vector.broadcast %eq3A_201 : i32 to vector<16xi32>
      %eq3A_203 = arith.cmpi eq, %iota3A, %eq3A_202 : vector<16xi32>
      %broadcast_in_dim3A_204 = vector.broadcast %reduce_sum3A_200 : f32 to vector<16xf32>
      %select_n3A_205 = arith.select %eq3A_203, %broadcast_in_dim3A_204, %select_n3A_181 : vector<16xi1>, vector<16xf32>
      %add3A_206 = arith.constant 0 : i32
      %add3A_207 = arith.addi %mul3A_131, %add3A_206 : i32
      %add3A_208 = arith.constant 0 : i32
      %add3A_209 = arith.addi %add3A_207, %add3A_208 : i32
      %add3A_210 = arith.constant 3 : i32
      %add3A_211 = arith.addi %add3A_209, %add3A_210 : i32
      %get3A_212 = arith.index_cast %add3A_211 : i32 to index
      %get3A_213 = arith.constant 0 : index
      %get3A_214 = tpu.vector_load %arg6[%get3A_212, %get3A_213] {strides = array<i32>} : memref<800x32xf32, #tpu.memory_space<vmem>>, vector<16xf32>,
      %get3A_215 = arith.index_cast %add3A_211 : i32 to index
      %get3A_216 = arith.constant 16 : index
      %get3A_217 = tpu.vector_load %arg6[%get3A_215, %get3A_216] {strides = array<i32>} : memref<800x32xf32, #tpu.memory_space<vmem>>, vector<16xf32>,
      %mul3A_218 = arith.mulf %get3A_214, %get3A_214 : vector<16xf32>
      %mul3A_219 = arith.mulf %get3A_217, %get3A_217 : vector<16xf32>
      %add3A_220 = arith.addf %mul3A_218, %mul3A_219 : vector<16xf32>
      %reduce_sum3A_221 = arith.constant true
      %reduce_sum3A_222 = vector.broadcast %reduce_sum3A_221 : i1 to vector<16xi1>
      %reduce_sum3A_223 = tpu.scan <sum>, %add3A_220 masked %reduce_sum3A_222 : vector<16xf32>, vector<16xi1> -> vector<16xf32>
      %reduce_sum3A_224 = vector.extract %reduce_sum3A_223[15] : f32 from vector<16xf32>
      %eq3A_225 = arith.constant 3 : i32
      %eq3A_226 = vector.broadcast %eq3A_225 : i32 to vector<16xi32>
      %eq3A_227 = arith.cmpi eq, %iota3A, %eq3A_226 : vector<16xi32>
      %broadcast_in_dim3A_228 = vector.broadcast %reduce_sum3A_224 : f32 to vector<16xf32>
      %select_n3A_229 = arith.select %eq3A_227, %broadcast_in_dim3A_228, %select_n3A_205 : vector<16xi1>, vector<16xf32>
      %add3A_230 = arith.constant 0 : i32
      %add3A_231 = arith.addi %mul3A_131, %add3A_230 : i32
      %add3A_232 = arith.constant 0 : i32
      %add3A_233 = arith.addi %add3A_231, %add3A_232 : i32
      %add3A_234 = arith.constant 4 : i32
      %add3A_235 = arith.addi %add3A_233, %add3A_234 : i32
      %get3A_236 = arith.index_cast %add3A_235 : i32 to index
      %get3A_237 = arith.constant 0 : index
      %get3A_238 = tpu.vector_load %arg6[%get3A_236, %get3A_237] {strides = array<i32>} : memref<800x32xf32, #tpu.memory_space<vmem>>, vector<16xf32>,
      %get3A_239 = arith.index_cast %add3A_235 : i32 to index
      %get3A_240 = arith.constant 16 : index
      %get3A_241 = tpu.vector_load %arg6[%get3A_239, %get3A_240] {strides = array<i32>} : memref<800x32xf32, #tpu.memory_space<vmem>>, vector<16xf32>,
      %mul3A_242 = arith.mulf %get3A_238, %get3A_238 : vector<16xf32>
      %mul3A_243 = arith.mulf %get3A_241, %get3A_241 : vector<16xf32>
      %add3A_244 = arith.addf %mul3A_242, %mul3A_243 : vector<16xf32>
      %reduce_sum3A_245 = arith.constant true
      %reduce_sum3A_246 = vector.broadcast %reduce_sum3A_245 : i1 to vector<16xi1>
      %reduce_sum3A_247 = tpu.scan <sum>, %add3A_244 masked %reduce_sum3A_246 : vector<16xf32>, vector<16xi1> -> vector<16xf32>
      %reduce_sum3A_248 = vector.extract %reduce_sum3A_247[15] : f32 from vector<16xf32>
      %eq3A_249 = arith.constant 4 : i32
      %eq3A_250 = vector.broadcast %eq3A_249 : i32 to vector<16xi32>
      %eq3A_251 = arith.cmpi eq, %iota3A, %eq3A_250 : vector<16xi32>
      %broadcast_in_dim3A_252 = vector.broadcast %reduce_sum3A_248 : f32 to vector<16xf32>
      %select_n3A_253 = arith.select %eq3A_251, %broadcast_in_dim3A_252, %select_n3A_229 : vector<16xi1>, vector<16xf32>
      %add3A_254 = arith.constant 0 : i32
      %add3A_255 = arith.addi %mul3A_131, %add3A_254 : i32
      %add3A_256 = arith.constant 0 : i32
      %add3A_257 = arith.addi %add3A_255, %add3A_256 : i32
      %add3A_258 = arith.constant 5 : i32
      %add3A_259 = arith.addi %add3A_257, %add3A_258 : i32
      %get3A_260 = arith.index_cast %add3A_259 : i32 to index
      %get3A_261 = arith.constant 0 : index
      %get3A_262 = tpu.vector_load %arg6[%get3A_260, %get3A_261] {strides = array<i32>} : memref<800x32xf32, #tpu.memory_space<vmem>>, vector<16xf32>,
      %get3A_263 = arith.index_cast %add3A_259 : i32 to index
      %get3A_264 = arith.constant 16 : index
      %get3A_265 = tpu.vector_load %arg6[%get3A_263, %get3A_264] {strides = array<i32>} : memref<800x32xf32, #tpu.memory_space<vmem>>, vector<16xf32>,
      %mul3A_266 = arith.mulf %get3A_262, %get3A_262 : vector<16xf32>
      %mul3A_267 = arith.mulf %get3A_265, %get3A_265 : vector<16xf32>
      %add3A_268 = arith.addf %mul3A_266, %mul3A_267 : vector<16xf32>
      %reduce_sum3A_269 = arith.constant true
      %reduce_sum3A_270 = vector.broadcast %reduce_sum3A_269 : i1 to vector<16xi1>
      %reduce_sum3A_271 = tpu.scan <sum>, %add3A_268 masked %reduce_sum3A_270 : vector<16xf32>, vector<16xi1> -> vector<16xf32>
      %reduce_sum3A_272 = vector.extract %reduce_sum3A_271[15] : f32 from vector<16xf32>
      %eq3A_273 = arith.constant 5 : i32
      %eq3A_274 = vector.broadcast %eq3A_273 : i32 to vector<16xi32>
      %eq3A_275 = arith.cmpi eq, %iota3A, %eq3A_274 : vector<16xi32>
      %broadcast_in_dim3A_276 = vector.broadcast %reduce_sum3A_272 : f32 to vector<16xf32>
      %select_n3A_277 = arith.select %eq3A_275, %broadcast_in_dim3A_276, %select_n3A_253 : vector<16xi1>, vector<16xf32>
      %add3A_278 = arith.constant 0 : i32
      %add3A_279 = arith.addi %mul3A_131, %add3A_278 : i32
      %add3A_280 = arith.constant 0 : i32
      %add3A_281 = arith.addi %add3A_279, %add3A_280 : i32
      %add3A_282 = arith.constant 6 : i32
      %add3A_283 = arith.addi %add3A_281, %add3A_282 : i32
      %get3A_284 = arith.index_cast %add3A_283 : i32 to index
      %get3A_285 = arith.constant 0 : index
      %get3A_286 = tpu.vector_load %arg6[%get3A_284, %get3A_285] {strides = array<i32>} : memref<800x32xf32, #tpu.memory_space<vmem>>, vector<16xf32>,
      %get3A_287 = arith.index_cast %add3A_283 : i32 to index
      %get3A_288 = arith.constant 16 : index
      %get3A_289 = tpu.vector_load %arg6[%get3A_287, %get3A_288] {strides = array<i32>} : memref<800x32xf32, #tpu.memory_space<vmem>>, vector<16xf32>,
      %mul3A_290 = arith.mulf %get3A_286, %get3A_286 : vector<16xf32>
      %mul3A_291 = arith.mulf %get3A_289, %get3A_289 : vector<16xf32>
      %add3A_292 = arith.addf %mul3A_290, %mul3A_291 : vector<16xf32>
      %reduce_sum3A_293 = arith.constant true
      %reduce_sum3A_294 = vector.broadcast %reduce_sum3A_293 : i1 to vector<16xi1>
      %reduce_sum3A_295 = tpu.scan <sum>, %add3A_292 masked %reduce_sum3A_294 : vector<16xf32>, vector<16xi1> -> vector<16xf32>
      %reduce_sum3A_296 = vector.extract %reduce_sum3A_295[15] : f32 from vector<16xf32>
      %eq3A_297 = arith.constant 6 : i32
      %eq3A_298 = vector.broadcast %eq3A_297 : i32 to vector<16xi32>
      %eq3A_299 = arith.cmpi eq, %iota3A, %eq3A_298 : vector<16xi32>
      %broadcast_in_dim3A_300 = vector.broadcast %reduce_sum3A_296 : f32 to vector<16xf32>
      %select_n3A_301 = arith.select %eq3A_299, %broadcast_in_dim3A_300, %select_n3A_277 : vector<16xi1>, vector<16xf32>
      %add3A_302 = arith.constant 0 : i32
      %add3A_303 = arith.addi %mul3A_131, %add3A_302 : i32
      %add3A_304 = arith.constant 0 : i32
      %add3A_305 = arith.addi %add3A_303, %add3A_304 : i32
      %add3A_306 = arith.constant 7 : i32
      %add3A_307 = arith.addi %add3A_305, %add3A_306 : i32
      %get3A_308 = arith.index_cast %add3A_307 : i32 to index
      %get3A_309 = arith.constant 0 : index
      %get3A_310 = tpu.vector_load %arg6[%get3A_308, %get3A_309] {strides = array<i32>} : memref<800x32xf32, #tpu.memory_space<vmem>>, vector<16xf32>,
      %get3A_311 = arith.index_cast %add3A_307 : i32 to index
      %get3A_312 = arith.constant 16 : index
      %get3A_313 = tpu.vector_load %arg6[%get3A_311, %get3A_312] {strides = array<i32>} : memref<800x32xf32, #tpu.memory_space<vmem>>, vector<16xf32>,
      %mul3A_314 = arith.mulf %get3A_310, %get3A_310 : vector<16xf32>
      %mul3A_315 = arith.mulf %get3A_313, %get3A_313 : vector<16xf32>
      %add3A_316 = arith.addf %mul3A_314, %mul3A_315 : vector<16xf32>
      %reduce_sum3A_317 = arith.constant true
      %reduce_sum3A_318 = vector.broadcast %reduce_sum3A_317 : i1 to vector<16xi1>
      %reduce_sum3A_319 = tpu.scan <sum>, %add3A_316 masked %reduce_sum3A_318 : vector<16xf32>, vector<16xi1> -> vector<16xf32>
      %reduce_sum3A_320 = vector.extract %reduce_sum3A_319[15] : f32 from vector<16xf32>
      %eq3A_321 = arith.constant 7 : i32
      %eq3A_322 = vector.broadcast %eq3A_321 : i32 to vector<16xi32>
      %eq3A_323 = arith.cmpi eq, %iota3A, %eq3A_322 : vector<16xi32>
      %broadcast_in_dim3A_324 = vector.broadcast %reduce_sum3A_320 : f32 to vector<16xf32>
      %select_n3A_325 = arith.select %eq3A_323, %broadcast_in_dim3A_324, %select_n3A_301 : vector<16xi1>, vector<16xf32>
      %bitcast_convert_type3A = tpu.bitcast %select_n3A_325 : vector<16xf32> -> vector<16xi32>
      %shift_right_arithmetic3A = arith.constant 1 : i32
      %shift_right_arithmetic3A_326 = vector.broadcast %shift_right_arithmetic3A : i32 to vector<16xi32>
      %shift_right_arithmetic3A_327 = arith.shrsi %bitcast_convert_type3A, %shift_right_arithmetic3A_326 : vector<16xi32>
      %sub3A = arith.constant 1597463007 : i32
      %sub3A_328 = vector.broadcast %sub3A : i32 to vector<16xi32>
      %sub3A_329 = arith.subi %sub3A_328, %shift_right_arithmetic3A_327 : vector<16xi32>
      %bitcast_convert_type3A_330 = tpu.bitcast %sub3A_329 : vector<16xi32> -> vector<16xf32>
      %mul3A_331 = arith.constant 5.000000e-01 : f32
      %mul3A_332 = vector.broadcast %mul3A_331 : f32 to vector<16xf32>
      %mul3A_333 = arith.mulf %select_n3A_325, %mul3A_332 : vector<16xf32>
      %mul3A_334 = arith.mulf %mul3A_333, %bitcast_convert_type3A_330 : vector<16xf32>
      %mul3A_335 = arith.mulf %mul3A_334, %bitcast_convert_type3A_330 : vector<16xf32>
      %sub3A_336 = arith.constant 1.500000e+00 : f32
      %sub3A_337 = vector.broadcast %sub3A_336 : f32 to vector<16xf32>
      %sub3A_338 = arith.subf %sub3A_337, %mul3A_335 : vector<16xf32>
      %mul3A_339 = arith.mulf %bitcast_convert_type3A_330, %sub3A_338 : vector<16xf32>
      %mul3A_340 = arith.mulf %mul3A_333, %mul3A_339 : vector<16xf32>
      %mul3A_341 = arith.mulf %mul3A_340, %mul3A_339 : vector<16xf32>
      %sub3A_342 = arith.constant 1.500000e+00 : f32
      %sub3A_343 = vector.broadcast %sub3A_342 : f32 to vector<16xf32>
      %sub3A_344 = arith.subf %sub3A_343, %mul3A_341 : vector<16xf32>
      %mul3A_345 = arith.mulf %mul3A_339, %sub3A_344 : vector<16xf32>
      %mul3A_346 = arith.mulf %mul3A_333, %mul3A_345 : vector<16xf32>
      %mul3A_347 = arith.mulf %mul3A_346, %mul3A_345 : vector<16xf32>
      %sub3A_348 = arith.constant 1.500000e+00 : f32
      %sub3A_349 = vector.broadcast %sub3A_348 : f32 to vector<16xf32>
      %sub3A_350 = arith.subf %sub3A_349, %mul3A_347 : vector<16xf32>
      %mul3A_351 = arith.mulf %mul3A_345, %sub3A_350 : vector<16xf32>
      %slice3A = vector.extract_strided_slice %mul3A_351 {offsets = [0], sizes = [1], strides = [1]} : vector<16xf32> to vector<1xf32>
      %squeeze3A = vector.extract %slice3A[0] : f32 from vector<1xf32>
      %mul3A_352 = vector.broadcast %squeeze3A : f32 to vector<16xf32>
      %mul3A_353 = arith.mulf %get3A_144, %mul3A_352 : vector<16xf32>
      %add3A_354 = arith.addf %broadcast_in_dim3A_132, %mul3A_353 : vector<16xf32>
      %mul3A_355 = vector.broadcast %squeeze3A : f32 to vector<16xf32>
      %mul3A_356 = arith.mulf %get3A_147, %mul3A_355 : vector<16xf32>
      %add3A_357 = arith.addf %broadcast_in_dim3A_134, %mul3A_356 : vector<16xf32>
      %slice3A_358 = vector.extract_strided_slice %mul3A_351 {offsets = [1], sizes = [1], strides = [1]} : vector<16xf32> to vector<1xf32>
      %squeeze3A_359 = vector.extract %slice3A_358[0] : f32 from vector<1xf32>
      %mul3A_360 = vector.broadcast %squeeze3A_359 : f32 to vector<16xf32>
      %mul3A_361 = arith.mulf %get3A_166, %mul3A_360 : vector<16xf32>
      %add3A_362 = arith.addf %add3A_354, %mul3A_361 : vector<16xf32>
      %mul3A_363 = vector.broadcast %squeeze3A_359 : f32 to vector<16xf32>
      %mul3A_364 = arith.mulf %get3A_169, %mul3A_363 : vector<16xf32>
      %add3A_365 = arith.addf %add3A_357, %mul3A_364 : vector<16xf32>
      %slice3A_366 = vector.extract_strided_slice %mul3A_351 {offsets = [2], sizes = [1], strides = [1]} : vector<16xf32> to vector<1xf32>
      %squeeze3A_367 = vector.extract %slice3A_366[0] : f32 from vector<1xf32>
      %mul3A_368 = vector.broadcast %squeeze3A_367 : f32 to vector<16xf32>
      %mul3A_369 = arith.mulf %get3A_190, %mul3A_368 : vector<16xf32>
      %add3A_370 = arith.addf %add3A_362, %mul3A_369 : vector<16xf32>
      %mul3A_371 = vector.broadcast %squeeze3A_367 : f32 to vector<16xf32>
      %mul3A_372 = arith.mulf %get3A_193, %mul3A_371 : vector<16xf32>
      %add3A_373 = arith.addf %add3A_365, %mul3A_372 : vector<16xf32>
      %slice3A_374 = vector.extract_strided_slice %mul3A_351 {offsets = [3], sizes = [1], strides = [1]} : vector<16xf32> to vector<1xf32>
      %squeeze3A_375 = vector.extract %slice3A_374[0] : f32 from vector<1xf32>
      %mul3A_376 = vector.broadcast %squeeze3A_375 : f32 to vector<16xf32>
      %mul3A_377 = arith.mulf %get3A_214, %mul3A_376 : vector<16xf32>
      %add3A_378 = arith.addf %add3A_370, %mul3A_377 : vector<16xf32>
      %mul3A_379 = vector.broadcast %squeeze3A_375 : f32 to vector<16xf32>
      %mul3A_380 = arith.mulf %get3A_217, %mul3A_379 : vector<16xf32>
      %add3A_381 = arith.addf %add3A_373, %mul3A_380 : vector<16xf32>
      %slice3A_382 = vector.extract_strided_slice %mul3A_351 {offsets = [4], sizes = [1], strides = [1]} : vector<16xf32> to vector<1xf32>
      %squeeze3A_383 = vector.extract %slice3A_382[0] : f32 from vector<1xf32>
      %mul3A_384 = vector.broadcast %squeeze3A_383 : f32 to vector<16xf32>
      %mul3A_385 = arith.mulf %get3A_238, %mul3A_384 : vector<16xf32>
      %add3A_386 = arith.addf %add3A_378, %mul3A_385 : vector<16xf32>
      %mul3A_387 = vector.broadcast %squeeze3A_383 : f32 to vector<16xf32>
      %mul3A_388 = arith.mulf %get3A_241, %mul3A_387 : vector<16xf32>
      %add3A_389 = arith.addf %add3A_381, %mul3A_388 : vector<16xf32>
      %slice3A_390 = vector.extract_strided_slice %mul3A_351 {offsets = [5], sizes = [1], strides = [1]} : vector<16xf32> to vector<1xf32>
      %squeeze3A_391 = vector.extract %slice3A_390[0] : f32 from vector<1xf32>
      %mul3A_392 = vector.broadcast %squeeze3A_391 : f32 to vector<16xf32>
      %mul3A_393 = arith.mulf %get3A_262, %mul3A_392 : vector<16xf32>
      %add3A_394 = arith.addf %add3A_386, %mul3A_393 : vector<16xf32>
      %mul3A_395 = vector.broadcast %squeeze3A_391 : f32 to vector<16xf32>
      %mul3A_396 = arith.mulf %get3A_265, %mul3A_395 : vector<16xf32>
      %add3A_397 = arith.addf %add3A_389, %mul3A_396 : vector<16xf32>
      %slice3A_398 = vector.extract_strided_slice %mul3A_351 {offsets = [6], sizes = [1], strides = [1]} : vector<16xf32> to vector<1xf32>
      %squeeze3A_399 = vector.extract %slice3A_398[0] : f32 from vector<1xf32>
      %mul3A_400 = vector.broadcast %squeeze3A_399 : f32 to vector<16xf32>
      %mul3A_401 = arith.mulf %get3A_286, %mul3A_400 : vector<16xf32>
      %add3A_402 = arith.addf %add3A_394, %mul3A_401 : vector<16xf32>
      %mul3A_403 = vector.broadcast %squeeze3A_399 : f32 to vector<16xf32>
      %mul3A_404 = arith.mulf %get3A_289, %mul3A_403 : vector<16xf32>
      %add3A_405 = arith.addf %add3A_397, %mul3A_404 : vector<16xf32>
      %slice3A_406 = vector.extract_strided_slice %mul3A_351 {offsets = [7], sizes = [1], strides = [1]} : vector<16xf32> to vector<1xf32>
      %squeeze3A_407 = vector.extract %slice3A_406[0] : f32 from vector<1xf32>
      %mul3A_408 = vector.broadcast %squeeze3A_407 : f32 to vector<16xf32>
      %mul3A_409 = arith.mulf %get3A_310, %mul3A_408 : vector<16xf32>
      %add3A_410 = arith.addf %add3A_402, %mul3A_409 : vector<16xf32>
      %mul3A_411 = vector.broadcast %squeeze3A_407 : f32 to vector<16xf32>
      %mul3A_412 = arith.mulf %get3A_313, %mul3A_411 : vector<16xf32>
      %add3A_413 = arith.addf %add3A_405, %mul3A_412 : vector<16xf32>
      %broadcast_in_dim3A_414 = arith.constant 1.000000e+00 : f32
      %broadcast_in_dim3A_415 = vector.broadcast %broadcast_in_dim3A_414 : f32 to vector<16xf32>
      %add3A_416 = arith.constant 0 : i32
      %add3A_417 = arith.addi %mul3A_131, %add3A_416 : i32
      %add3A_418 = arith.constant 8 : i32
      %add3A_419 = arith.addi %add3A_417, %add3A_418 : i32
      %add3A_420 = arith.constant 0 : i32
      %add3A_421 = arith.addi %add3A_419, %add3A_420 : i32
      %get3A_422 = arith.index_cast %add3A_421 : i32 to index
      %get3A_423 = arith.constant 0 : index
      %get3A_424 = tpu.vector_load %arg6[%get3A_422, %get3A_423] {strides = array<i32>} : memref<800x32xf32, #tpu.memory_space<vmem>>, vector<16xf32>,
      %get3A_425 = arith.index_cast %add3A_421 : i32 to index
      %get3A_426 = arith.constant 16 : index
      %get3A_427 = tpu.vector_load %arg6[%get3A_425, %get3A_426] {strides = array<i32>} : memref<800x32xf32, #tpu.memory_space<vmem>>, vector<16xf32>,
      %mul3A_428 = arith.mulf %get3A_424, %get3A_424 : vector<16xf32>
      %mul3A_429 = arith.mulf %get3A_427, %get3A_427 : vector<16xf32>
      %add3A_430 = arith.addf %mul3A_428, %mul3A_429 : vector<16xf32>
      %reduce_sum3A_431 = arith.constant true
      %reduce_sum3A_432 = vector.broadcast %reduce_sum3A_431 : i1 to vector<16xi1>
      %reduce_sum3A_433 = tpu.scan <sum>, %add3A_430 masked %reduce_sum3A_432 : vector<16xf32>, vector<16xi1> -> vector<16xf32>
      %reduce_sum3A_434 = vector.extract %reduce_sum3A_433[15] : f32 from vector<16xf32>
      %eq3A_435 = arith.constant 0 : i32
      %eq3A_436 = vector.broadcast %eq3A_435 : i32 to vector<16xi32>
      %eq3A_437 = arith.cmpi eq, %iota3A, %eq3A_436 : vector<16xi32>
      %broadcast_in_dim3A_438 = vector.broadcast %reduce_sum3A_434 : f32 to vector<16xf32>
      %select_n3A_439 = arith.select %eq3A_437, %broadcast_in_dim3A_438, %broadcast_in_dim3A_415 : vector<16xi1>, vector<16xf32>
      %add3A_440 = arith.constant 0 : i32
      %add3A_441 = arith.addi %mul3A_131, %add3A_440 : i32
      %add3A_442 = arith.constant 8 : i32
      %add3A_443 = arith.addi %add3A_441, %add3A_442 : i32
      %add3A_444 = arith.constant 1 : i32
      %add3A_445 = arith.addi %add3A_443, %add3A_444 : i32
      %get3A_446 = arith.index_cast %add3A_445 : i32 to index
      %get3A_447 = arith.constant 0 : index
      %get3A_448 = tpu.vector_load %arg6[%get3A_446, %get3A_447] {strides = array<i32>} : memref<800x32xf32, #tpu.memory_space<vmem>>, vector<16xf32>,
      %get3A_449 = arith.index_cast %add3A_445 : i32 to index
      %get3A_450 = arith.constant 16 : index
      %get3A_451 = tpu.vector_load %arg6[%get3A_449, %get3A_450] {strides = array<i32>} : memref<800x32xf32, #tpu.memory_space<vmem>>, vector<16xf32>,
      %mul3A_452 = arith.mulf %get3A_448, %get3A_448 : vector<16xf32>
      %mul3A_453 = arith.mulf %get3A_451, %get3A_451 : vector<16xf32>
      %add3A_454 = arith.addf %mul3A_452, %mul3A_453 : vector<16xf32>
      %reduce_sum3A_455 = arith.constant true
      %reduce_sum3A_456 = vector.broadcast %reduce_sum3A_455 : i1 to vector<16xi1>
      %reduce_sum3A_457 = tpu.scan <sum>, %add3A_454 masked %reduce_sum3A_456 : vector<16xf32>, vector<16xi1> -> vector<16xf32>
      %reduce_sum3A_458 = vector.extract %reduce_sum3A_457[15] : f32 from vector<16xf32>
      %eq3A_459 = arith.constant 1 : i32
      %eq3A_460 = vector.broadcast %eq3A_459 : i32 to vector<16xi32>
      %eq3A_461 = arith.cmpi eq, %iota3A, %eq3A_460 : vector<16xi32>
      %broadcast_in_dim3A_462 = vector.broadcast %reduce_sum3A_458 : f32 to vector<16xf32>
      %select_n3A_463 = arith.select %eq3A_461, %broadcast_in_dim3A_462, %select_n3A_439 : vector<16xi1>, vector<16xf32>
      %add3A_464 = arith.constant 0 : i32
      %add3A_465 = arith.addi %mul3A_131, %add3A_464 : i32
      %add3A_466 = arith.constant 8 : i32
      %add3A_467 = arith.addi %add3A_465, %add3A_466 : i32
      %add3A_468 = arith.constant 2 : i32
      %add3A_469 = arith.addi %add3A_467, %add3A_468 : i32
      %get3A_470 = arith.index_cast %add3A_469 : i32 to index
      %get3A_471 = arith.constant 0 : index
      %get3A_472 = tpu.vector_load %arg6[%get3A_470, %get3A_471] {strides = array<i32>} : memref<800x32xf32, #tpu.memory_space<vmem>>, vector<16xf32>,
      %get3A_473 = arith.index_cast %add3A_469 : i32 to index
      %get3A_474 = arith.constant 16 : index
      %get3A_475 = tpu.vector_load %arg6[%get3A_473, %get3A_474] {strides = array<i32>} : memref<800x32xf32, #tpu.memory_space<vmem>>, vector<16xf32>,
      %mul3A_476 = arith.mulf %get3A_472, %get3A_472 : vector<16xf32>
      %mul3A_477 = arith.mulf %get3A_475, %get3A_475 : vector<16xf32>
      %add3A_478 = arith.addf %mul3A_476, %mul3A_477 : vector<16xf32>
      %reduce_sum3A_479 = arith.constant true
      %reduce_sum3A_480 = vector.broadcast %reduce_sum3A_479 : i1 to vector<16xi1>
      %reduce_sum3A_481 = tpu.scan <sum>, %add3A_478 masked %reduce_sum3A_480 : vector<16xf32>, vector<16xi1> -> vector<16xf32>
      %reduce_sum3A_482 = vector.extract %reduce_sum3A_481[15] : f32 from vector<16xf32>
      %eq3A_483 = arith.constant 2 : i32
      %eq3A_484 = vector.broadcast %eq3A_483 : i32 to vector<16xi32>
      %eq3A_485 = arith.cmpi eq, %iota3A, %eq3A_484 : vector<16xi32>
      %broadcast_in_dim3A_486 = vector.broadcast %reduce_sum3A_482 : f32 to vector<16xf32>
      %select_n3A_487 = arith.select %eq3A_485, %broadcast_in_dim3A_486, %select_n3A_463 : vector<16xi1>, vector<16xf32>
      %add3A_488 = arith.constant 0 : i32
      %add3A_489 = arith.addi %mul3A_131, %add3A_488 : i32
      %add3A_490 = arith.constant 8 : i32
      %add3A_491 = arith.addi %add3A_489, %add3A_490 : i32
      %add3A_492 = arith.constant 3 : i32
      %add3A_493 = arith.addi %add3A_491, %add3A_492 : i32
      %get3A_494 = arith.index_cast %add3A_493 : i32 to index
      %get3A_495 = arith.constant 0 : index
      %get3A_496 = tpu.vector_load %arg6[%get3A_494, %get3A_495] {strides = array<i32>} : memref<800x32xf32, #tpu.memory_space<vmem>>, vector<16xf32>,
      %get3A_497 = arith.index_cast %add3A_493 : i32 to index
      %get3A_498 = arith.constant 16 : index
      %get3A_499 = tpu.vector_load %arg6[%get3A_497, %get3A_498] {strides = array<i32>} : memref<800x32xf32, #tpu.memory_space<vmem>>, vector<16xf32>,
      %mul3A_500 = arith.mulf %get3A_496, %get3A_496 : vector<16xf32>
      %mul3A_501 = arith.mulf %get3A_499, %get3A_499 : vector<16xf32>
      %add3A_502 = arith.addf %mul3A_500, %mul3A_501 : vector<16xf32>
      %reduce_sum3A_503 = arith.constant true
      %reduce_sum3A_504 = vector.broadcast %reduce_sum3A_503 : i1 to vector<16xi1>
      %reduce_sum3A_505 = tpu.scan <sum>, %add3A_502 masked %reduce_sum3A_504 : vector<16xf32>, vector<16xi1> -> vector<16xf32>
      %reduce_sum3A_506 = vector.extract %reduce_sum3A_505[15] : f32 from vector<16xf32>
      %eq3A_507 = arith.constant 3 : i32
      %eq3A_508 = vector.broadcast %eq3A_507 : i32 to vector<16xi32>
      %eq3A_509 = arith.cmpi eq, %iota3A, %eq3A_508 : vector<16xi32>
      %broadcast_in_dim3A_510 = vector.broadcast %reduce_sum3A_506 : f32 to vector<16xf32>
      %select_n3A_511 = arith.select %eq3A_509, %broadcast_in_dim3A_510, %select_n3A_487 : vector<16xi1>, vector<16xf32>
      %add3A_512 = arith.constant 0 : i32
      %add3A_513 = arith.addi %mul3A_131, %add3A_512 : i32
      %add3A_514 = arith.constant 8 : i32
      %add3A_515 = arith.addi %add3A_513, %add3A_514 : i32
      %add3A_516 = arith.constant 4 : i32
      %add3A_517 = arith.addi %add3A_515, %add3A_516 : i32
      %get3A_518 = arith.index_cast %add3A_517 : i32 to index
      %get3A_519 = arith.constant 0 : index
      %get3A_520 = tpu.vector_load %arg6[%get3A_518, %get3A_519] {strides = array<i32>} : memref<800x32xf32, #tpu.memory_space<vmem>>, vector<16xf32>,
      %get3A_521 = arith.index_cast %add3A_517 : i32 to index
      %get3A_522 = arith.constant 16 : index
      %get3A_523 = tpu.vector_load %arg6[%get3A_521, %get3A_522] {strides = array<i32>} : memref<800x32xf32, #tpu.memory_space<vmem>>, vector<16xf32>,
      %mul3A_524 = arith.mulf %get3A_520, %get3A_520 : vector<16xf32>
      %mul3A_525 = arith.mulf %get3A_523, %get3A_523 : vector<16xf32>
      %add3A_526 = arith.addf %mul3A_524, %mul3A_525 : vector<16xf32>
      %reduce_sum3A_527 = arith.constant true
      %reduce_sum3A_528 = vector.broadcast %reduce_sum3A_527 : i1 to vector<16xi1>
      %reduce_sum3A_529 = tpu.scan <sum>, %add3A_526 masked %reduce_sum3A_528 : vector<16xf32>, vector<16xi1> -> vector<16xf32>
      %reduce_sum3A_530 = vector.extract %reduce_sum3A_529[15] : f32 from vector<16xf32>
      %eq3A_531 = arith.constant 4 : i32
      %eq3A_532 = vector.broadcast %eq3A_531 : i32 to vector<16xi32>
      %eq3A_533 = arith.cmpi eq, %iota3A, %eq3A_532 : vector<16xi32>
      %broadcast_in_dim3A_534 = vector.broadcast %reduce_sum3A_530 : f32 to vector<16xf32>
      %select_n3A_535 = arith.select %eq3A_533, %broadcast_in_dim3A_534, %select_n3A_511 : vector<16xi1>, vector<16xf32>
      %add3A_536 = arith.constant 0 : i32
      %add3A_537 = arith.addi %mul3A_131, %add3A_536 : i32
      %add3A_538 = arith.constant 8 : i32
      %add3A_539 = arith.addi %add3A_537, %add3A_538 : i32
      %add3A_540 = arith.constant 5 : i32
      %add3A_541 = arith.addi %add3A_539, %add3A_540 : i32
      %get3A_542 = arith.index_cast %add3A_541 : i32 to index
      %get3A_543 = arith.constant 0 : index
      %get3A_544 = tpu.vector_load %arg6[%get3A_542, %get3A_543] {strides = array<i32>} : memref<800x32xf32, #tpu.memory_space<vmem>>, vector<16xf32>,
      %get3A_545 = arith.index_cast %add3A_541 : i32 to index
      %get3A_546 = arith.constant 16 : index
      %get3A_547 = tpu.vector_load %arg6[%get3A_545, %get3A_546] {strides = array<i32>} : memref<800x32xf32, #tpu.memory_space<vmem>>, vector<16xf32>,
      %mul3A_548 = arith.mulf %get3A_544, %get3A_544 : vector<16xf32>
      %mul3A_549 = arith.mulf %get3A_547, %get3A_547 : vector<16xf32>
      %add3A_550 = arith.addf %mul3A_548, %mul3A_549 : vector<16xf32>
      %reduce_sum3A_551 = arith.constant true
      %reduce_sum3A_552 = vector.broadcast %reduce_sum3A_551 : i1 to vector<16xi1>
      %reduce_sum3A_553 = tpu.scan <sum>, %add3A_550 masked %reduce_sum3A_552 : vector<16xf32>, vector<16xi1> -> vector<16xf32>
      %reduce_sum3A_554 = vector.extract %reduce_sum3A_553[15] : f32 from vector<16xf32>
      %eq3A_555 = arith.constant 5 : i32
      %eq3A_556 = vector.broadcast %eq3A_555 : i32 to vector<16xi32>
      %eq3A_557 = arith.cmpi eq, %iota3A, %eq3A_556 : vector<16xi32>
      %broadcast_in_dim3A_558 = vector.broadcast %reduce_sum3A_554 : f32 to vector<16xf32>
      %select_n3A_559 = arith.select %eq3A_557, %broadcast_in_dim3A_558, %select_n3A_535 : vector<16xi1>, vector<16xf32>
      %add3A_560 = arith.constant 0 : i32
      %add3A_561 = arith.addi %mul3A_131, %add3A_560 : i32
      %add3A_562 = arith.constant 8 : i32
      %add3A_563 = arith.addi %add3A_561, %add3A_562 : i32
      %add3A_564 = arith.constant 6 : i32
      %add3A_565 = arith.addi %add3A_563, %add3A_564 : i32
      %get3A_566 = arith.index_cast %add3A_565 : i32 to index
      %get3A_567 = arith.constant 0 : index
      %get3A_568 = tpu.vector_load %arg6[%get3A_566, %get3A_567] {strides = array<i32>} : memref<800x32xf32, #tpu.memory_space<vmem>>, vector<16xf32>,
      %get3A_569 = arith.index_cast %add3A_565 : i32 to index
      %get3A_570 = arith.constant 16 : index
      %get3A_571 = tpu.vector_load %arg6[%get3A_569, %get3A_570] {strides = array<i32>} : memref<800x32xf32, #tpu.memory_space<vmem>>, vector<16xf32>,
      %mul3A_572 = arith.mulf %get3A_568, %get3A_568 : vector<16xf32>
      %mul3A_573 = arith.mulf %get3A_571, %get3A_571 : vector<16xf32>
      %add3A_574 = arith.addf %mul3A_572, %mul3A_573 : vector<16xf32>
      %reduce_sum3A_575 = arith.constant true
      %reduce_sum3A_576 = vector.broadcast %reduce_sum3A_575 : i1 to vector<16xi1>
      %reduce_sum3A_577 = tpu.scan <sum>, %add3A_574 masked %reduce_sum3A_576 : vector<16xf32>, vector<16xi1> -> vector<16xf32>
      %reduce_sum3A_578 = vector.extract %reduce_sum3A_577[15] : f32 from vector<16xf32>
      %eq3A_579 = arith.constant 6 : i32
      %eq3A_580 = vector.broadcast %eq3A_579 : i32 to vector<16xi32>
      %eq3A_581 = arith.cmpi eq, %iota3A, %eq3A_580 : vector<16xi32>
      %broadcast_in_dim3A_582 = vector.broadcast %reduce_sum3A_578 : f32 to vector<16xf32>
      %select_n3A_583 = arith.select %eq3A_581, %broadcast_in_dim3A_582, %select_n3A_559 : vector<16xi1>, vector<16xf32>
      %add3A_584 = arith.constant 0 : i32
      %add3A_585 = arith.addi %mul3A_131, %add3A_584 : i32
      %add3A_586 = arith.constant 8 : i32
      %add3A_587 = arith.addi %add3A_585, %add3A_586 : i32
      %add3A_588 = arith.constant 7 : i32
      %add3A_589 = arith.addi %add3A_587, %add3A_588 : i32
      %get3A_590 = arith.index_cast %add3A_589 : i32 to index
      %get3A_591 = arith.constant 0 : index
      %get3A_592 = tpu.vector_load %arg6[%get3A_590, %get3A_591] {strides = array<i32>} : memref<800x32xf32, #tpu.memory_space<vmem>>, vector<16xf32>,
      %get3A_593 = arith.index_cast %add3A_589 : i32 to index
      %get3A_594 = arith.constant 16 : index
      %get3A_595 = tpu.vector_load %arg6[%get3A_593, %get3A_594] {strides = array<i32>} : memref<800x32xf32, #tpu.memory_space<vmem>>, vector<16xf32>,
      %mul3A_596 = arith.mulf %get3A_592, %get3A_592 : vector<16xf32>
      %mul3A_597 = arith.mulf %get3A_595, %get3A_595 : vector<16xf32>
      %add3A_598 = arith.addf %mul3A_596, %mul3A_597 : vector<16xf32>
      %reduce_sum3A_599 = arith.constant true
      %reduce_sum3A_600 = vector.broadcast %reduce_sum3A_599 : i1 to vector<16xi1>
      %reduce_sum3A_601 = tpu.scan <sum>, %add3A_598 masked %reduce_sum3A_600 : vector<16xf32>, vector<16xi1> -> vector<16xf32>
      %reduce_sum3A_602 = vector.extract %reduce_sum3A_601[15] : f32 from vector<16xf32>
      %eq3A_603 = arith.constant 7 : i32
      %eq3A_604 = vector.broadcast %eq3A_603 : i32 to vector<16xi32>
      %eq3A_605 = arith.cmpi eq, %iota3A, %eq3A_604 : vector<16xi32>
      %broadcast_in_dim3A_606 = vector.broadcast %reduce_sum3A_602 : f32 to vector<16xf32>
      %select_n3A_607 = arith.select %eq3A_605, %broadcast_in_dim3A_606, %select_n3A_583 : vector<16xi1>, vector<16xf32>
      %bitcast_convert_type3A_608 = tpu.bitcast %select_n3A_607 : vector<16xf32> -> vector<16xi32>
      %shift_right_arithmetic3A_609 = arith.constant 1 : i32
      %shift_right_arithmetic3A_610 = vector.broadcast %shift_right_arithmetic3A_609 : i32 to vector<16xi32>
      %shift_right_arithmetic3A_611 = arith.shrsi %bitcast_convert_type3A_608, %shift_right_arithmetic3A_610 : vector<16xi32>
      %sub3A_612 = arith.constant 1597463007 : i32
      %sub3A_613 = vector.broadcast %sub3A_612 : i32 to vector<16xi32>
      %sub3A_614 = arith.subi %sub3A_613, %shift_right_arithmetic3A_611 : vector<16xi32>
      %bitcast_convert_type3A_615 = tpu.bitcast %sub3A_614 : vector<16xi32> -> vector<16xf32>
      %mul3A_616 = arith.constant 5.000000e-01 : f32
      %mul3A_617 = vector.broadcast %mul3A_616 : f32 to vector<16xf32>
      %mul3A_618 = arith.mulf %select_n3A_607, %mul3A_617 : vector<16xf32>
      %mul3A_619 = arith.mulf %mul3A_618, %bitcast_convert_type3A_615 : vector<16xf32>
      %mul3A_620 = arith.mulf %mul3A_619, %bitcast_convert_type3A_615 : vector<16xf32>
      %sub3A_621 = arith.constant 1.500000e+00 : f32
      %sub3A_622 = vector.broadcast %sub3A_621 : f32 to vector<16xf32>
      %sub3A_623 = arith.subf %sub3A_622, %mul3A_620 : vector<16xf32>
      %mul3A_624 = arith.mulf %bitcast_convert_type3A_615, %sub3A_623 : vector<16xf32>
      %mul3A_625 = arith.mulf %mul3A_618, %mul3A_624 : vector<16xf32>
      %mul3A_626 = arith.mulf %mul3A_625, %mul3A_624 : vector<16xf32>
      %sub3A_627 = arith.constant 1.500000e+00 : f32
      %sub3A_628 = vector.broadcast %sub3A_627 : f32 to vector<16xf32>
      %sub3A_629 = arith.subf %sub3A_628, %mul3A_626 : vector<16xf32>
      %mul3A_630 = arith.mulf %mul3A_624, %sub3A_629 : vector<16xf32>
      %mul3A_631 = arith.mulf %mul3A_618, %mul3A_630 : vector<16xf32>
      %mul3A_632 = arith.mulf %mul3A_631, %mul3A_630 : vector<16xf32>
      %sub3A_633 = arith.constant 1.500000e+00 : f32
      %sub3A_634 = vector.broadcast %sub3A_633 : f32 to vector<16xf32>
      %sub3A_635 = arith.subf %sub3A_634, %mul3A_632 : vector<16xf32>
      %mul3A_636 = arith.mulf %mul3A_630, %sub3A_635 : vector<16xf32>
      %slice3A_637 = vector.extract_strided_slice %mul3A_636 {offsets = [0], sizes = [1], strides = [1]} : vector<16xf32> to vector<1xf32>
      %squeeze3A_638 = vector.extract %slice3A_637[0] : f32 from vector<1xf32>
      %mul3A_639 = vector.broadcast %squeeze3A_638 : f32 to vector<16xf32>
      %mul3A_640 = arith.mulf %get3A_424, %mul3A_639 : vector<16xf32>
      %add3A_641 = arith.addf %add3A_410, %mul3A_640 : vector<16xf32>
      %mul3A_642 = vector.broadcast %squeeze3A_638 : f32 to vector<16xf32>
      %mul3A_643 = arith.mulf %get3A_427, %mul3A_642 : vector<16xf32>
      %add3A_644 = arith.addf %add3A_413, %mul3A_643 : vector<16xf32>
      %slice3A_645 = vector.extract_strided_slice %mul3A_636 {offsets = [1], sizes = [1], strides = [1]} : vector<16xf32> to vector<1xf32>
      %squeeze3A_646 = vector.extract %slice3A_645[0] : f32 from vector<1xf32>
      %mul3A_647 = vector.broadcast %squeeze3A_646 : f32 to vector<16xf32>
      %mul3A_648 = arith.mulf %get3A_448, %mul3A_647 : vector<16xf32>
      %add3A_649 = arith.addf %add3A_641, %mul3A_648 : vector<16xf32>
      %mul3A_650 = vector.broadcast %squeeze3A_646 : f32 to vector<16xf32>
      %mul3A_651 = arith.mulf %get3A_451, %mul3A_650 : vector<16xf32>
      %add3A_652 = arith.addf %add3A_644, %mul3A_651 : vector<16xf32>
      %slice3A_653 = vector.extract_strided_slice %mul3A_636 {offsets = [2], sizes = [1], strides = [1]} : vector<16xf32> to vector<1xf32>
      %squeeze3A_654 = vector.extract %slice3A_653[0] : f32 from vector<1xf32>
      %mul3A_655 = vector.broadcast %squeeze3A_654 : f32 to vector<16xf32>
      %mul3A_656 = arith.mulf %get3A_472, %mul3A_655 : vector<16xf32>
      %add3A_657 = arith.addf %add3A_649, %mul3A_656 : vector<16xf32>
      %mul3A_658 = vector.broadcast %squeeze3A_654 : f32 to vector<16xf32>
      %mul3A_659 = arith.mulf %get3A_475, %mul3A_658 : vector<16xf32>
      %add3A_660 = arith.addf %add3A_652, %mul3A_659 : vector<16xf32>
      %slice3A_661 = vector.extract_strided_slice %mul3A_636 {offsets = [3], sizes = [1], strides = [1]} : vector<16xf32> to vector<1xf32>
      %squeeze3A_662 = vector.extract %slice3A_661[0] : f32 from vector<1xf32>
      %mul3A_663 = vector.broadcast %squeeze3A_662 : f32 to vector<16xf32>
      %mul3A_664 = arith.mulf %get3A_496, %mul3A_663 : vector<16xf32>
      %add3A_665 = arith.addf %add3A_657, %mul3A_664 : vector<16xf32>
      %mul3A_666 = vector.broadcast %squeeze3A_662 : f32 to vector<16xf32>
      %mul3A_667 = arith.mulf %get3A_499, %mul3A_666 : vector<16xf32>
      %add3A_668 = arith.addf %add3A_660, %mul3A_667 : vector<16xf32>
      %slice3A_669 = vector.extract_strided_slice %mul3A_636 {offsets = [4], sizes = [1], strides = [1]} : vector<16xf32> to vector<1xf32>
      %squeeze3A_670 = vector.extract %slice3A_669[0] : f32 from vector<1xf32>
      %mul3A_671 = vector.broadcast %squeeze3A_670 : f32 to vector<16xf32>
      %mul3A_672 = arith.mulf %get3A_520, %mul3A_671 : vector<16xf32>
      %add3A_673 = arith.addf %add3A_665, %mul3A_672 : vector<16xf32>
      %mul3A_674 = vector.broadcast %squeeze3A_670 : f32 to vector<16xf32>
      %mul3A_675 = arith.mulf %get3A_523, %mul3A_674 : vector<16xf32>
      %add3A_676 = arith.addf %add3A_668, %mul3A_675 : vector<16xf32>
      %slice3A_677 = vector.extract_strided_slice %mul3A_636 {offsets = [5], sizes = [1], strides = [1]} : vector<16xf32> to vector<1xf32>
      %squeeze3A_678 = vector.extract %slice3A_677[0] : f32 from vector<1xf32>
      %mul3A_679 = vector.broadcast %squeeze3A_678 : f32 to vector<16xf32>
      %mul3A_680 = arith.mulf %get3A_544, %mul3A_679 : vector<16xf32>
      %add3A_681 = arith.addf %add3A_673, %mul3A_680 : vector<16xf32>
      %mul3A_682 = vector.broadcast %squeeze3A_678 : f32 to vector<16xf32>
      %mul3A_683 = arith.mulf %get3A_547, %mul3A_682 : vector<16xf32>
      %add3A_684 = arith.addf %add3A_676, %mul3A_683 : vector<16xf32>
      %slice3A_685 = vector.extract_strided_slice %mul3A_636 {offsets = [6], sizes = [1], strides = [1]} : vector<16xf32> to vector<1xf32>
      %squeeze3A_686 = vector.extract %slice3A_685[0] : f32 from vector<1xf32>
      %mul3A_687 = vector.broadcast %squeeze3A_686 : f32 to vector<16xf32>
      %mul3A_688 = arith.mulf %get3A_568, %mul3A_687 : vector<16xf32>
      %add3A_689 = arith.addf %add3A_681, %mul3A_688 : vector<16xf32>
      %mul3A_690 = vector.broadcast %squeeze3A_686 : f32 to vector<16xf32>
      %mul3A_691 = arith.mulf %get3A_571, %mul3A_690 : vector<16xf32>
      %add3A_692 = arith.addf %add3A_684, %mul3A_691 : vector<16xf32>
      %slice3A_693 = vector.extract_strided_slice %mul3A_636 {offsets = [7], sizes = [1], strides = [1]} : vector<16xf32> to vector<1xf32>
      %squeeze3A_694 = vector.extract %slice3A_693[0] : f32 from vector<1xf32>
      %mul3A_695 = vector.broadcast %squeeze3A_694 : f32 to vector<16xf32>
      %mul3A_696 = arith.mulf %get3A_592, %mul3A_695 : vector<16xf32>
      %add3A_697 = arith.addf %add3A_689, %mul3A_696 : vector<16xf32>
      %mul3A_698 = vector.broadcast %squeeze3A_694 : f32 to vector<16xf32>
      %mul3A_699 = arith.mulf %get3A_595, %mul3A_698 : vector<16xf32>
      %add3A_700 = arith.addf %add3A_692, %mul3A_699 : vector<16xf32>
      %broadcast_in_dim3A_701 = arith.constant 1.000000e+00 : f32
      %broadcast_in_dim3A_702 = vector.broadcast %broadcast_in_dim3A_701 : f32 to vector<16xf32>
      %add3A_703 = arith.constant 0 : i32
      %add3A_704 = arith.addi %mul3A_131, %add3A_703 : i32
      %add3A_705 = arith.constant 16 : i32
      %add3A_706 = arith.addi %add3A_704, %add3A_705 : i32
      %add3A_707 = arith.constant 0 : i32
      %add3A_708 = arith.addi %add3A_706, %add3A_707 : i32
      %get3A_709 = arith.index_cast %add3A_708 : i32 to index
      %get3A_710 = arith.constant 0 : index
      %get3A_711 = tpu.vector_load %arg6[%get3A_709, %get3A_710] {strides = array<i32>} : memref<800x32xf32, #tpu.memory_space<vmem>>, vector<16xf32>,
      %get3A_712 = arith.index_cast %add3A_708 : i32 to index
      %get3A_713 = arith.constant 16 : index
      %get3A_714 = tpu.vector_load %arg6[%get3A_712, %get3A_713] {strides = array<i32>} : memref<800x32xf32, #tpu.memory_space<vmem>>, vector<16xf32>,
      %mul3A_715 = arith.mulf %get3A_711, %get3A_711 : vector<16xf32>
      %mul3A_716 = arith.mulf %get3A_714, %get3A_714 : vector<16xf32>
      %add3A_717 = arith.addf %mul3A_715, %mul3A_716 : vector<16xf32>
      %reduce_sum3A_718 = arith.constant true
      %reduce_sum3A_719 = vector.broadcast %reduce_sum3A_718 : i1 to vector<16xi1>
      %reduce_sum3A_720 = tpu.scan <sum>, %add3A_717 masked %reduce_sum3A_719 : vector<16xf32>, vector<16xi1> -> vector<16xf32>
      %reduce_sum3A_721 = vector.extract %reduce_sum3A_720[15] : f32 from vector<16xf32>
      %eq3A_722 = arith.constant 0 : i32
      %eq3A_723 = vector.broadcast %eq3A_722 : i32 to vector<16xi32>
      %eq3A_724 = arith.cmpi eq, %iota3A, %eq3A_723 : vector<16xi32>
      %broadcast_in_dim3A_725 = vector.broadcast %reduce_sum3A_721 : f32 to vector<16xf32>
      %select_n3A_726 = arith.select %eq3A_724, %broadcast_in_dim3A_725, %broadcast_in_dim3A_702 : vector<16xi1>, vector<16xf32>
      %add3A_727 = arith.constant 0 : i32
      %add3A_728 = arith.addi %mul3A_131, %add3A_727 : i32
      %add3A_729 = arith.constant 16 : i32
      %add3A_730 = arith.addi %add3A_728, %add3A_729 : i32
      %add3A_731 = arith.constant 1 : i32
      %add3A_732 = arith.addi %add3A_730, %add3A_731 : i32
      %get3A_733 = arith.index_cast %add3A_732 : i32 to index
      %get3A_734 = arith.constant 0 : index
      %get3A_735 = tpu.vector_load %arg6[%get3A_733, %get3A_734] {strides = array<i32>} : memref<800x32xf32, #tpu.memory_space<vmem>>, vector<16xf32>,
      %get3A_736 = arith.index_cast %add3A_732 : i32 to index
      %get3A_737 = arith.constant 16 : index
      %get3A_738 = tpu.vector_load %arg6[%get3A_736, %get3A_737] {strides = array<i32>} : memref<800x32xf32, #tpu.memory_space<vmem>>, vector<16xf32>,
      %mul3A_739 = arith.mulf %get3A_735, %get3A_735 : vector<16xf32>
      %mul3A_740 = arith.mulf %get3A_738, %get3A_738 : vector<16xf32>
      %add3A_741 = arith.addf %mul3A_739, %mul3A_740 : vector<16xf32>
      %reduce_sum3A_742 = arith.constant true
      %reduce_sum3A_743 = vector.broadcast %reduce_sum3A_742 : i1 to vector<16xi1>
      %reduce_sum3A_744 = tpu.scan <sum>, %add3A_741 masked %reduce_sum3A_743 : vector<16xf32>, vector<16xi1> -> vector<16xf32>
      %reduce_sum3A_745 = vector.extract %reduce_sum3A_744[15] : f32 from vector<16xf32>
      %eq3A_746 = arith.constant 1 : i32
      %eq3A_747 = vector.broadcast %eq3A_746 : i32 to vector<16xi32>
      %eq3A_748 = arith.cmpi eq, %iota3A, %eq3A_747 : vector<16xi32>
      %broadcast_in_dim3A_749 = vector.broadcast %reduce_sum3A_745 : f32 to vector<16xf32>
      %select_n3A_750 = arith.select %eq3A_748, %broadcast_in_dim3A_749, %select_n3A_726 : vector<16xi1>, vector<16xf32>
      %add3A_751 = arith.constant 0 : i32
      %add3A_752 = arith.addi %mul3A_131, %add3A_751 : i32
      %add3A_753 = arith.constant 16 : i32
      %add3A_754 = arith.addi %add3A_752, %add3A_753 : i32
      %add3A_755 = arith.constant 2 : i32
      %add3A_756 = arith.addi %add3A_754, %add3A_755 : i32
      %get3A_757 = arith.index_cast %add3A_756 : i32 to index
      %get3A_758 = arith.constant 0 : index
      %get3A_759 = tpu.vector_load %arg6[%get3A_757, %get3A_758] {strides = array<i32>} : memref<800x32xf32, #tpu.memory_space<vmem>>, vector<16xf32>,
      %get3A_760 = arith.index_cast %add3A_756 : i32 to index
      %get3A_761 = arith.constant 16 : index
      %get3A_762 = tpu.vector_load %arg6[%get3A_760, %get3A_761] {strides = array<i32>} : memref<800x32xf32, #tpu.memory_space<vmem>>, vector<16xf32>,
      %mul3A_763 = arith.mulf %get3A_759, %get3A_759 : vector<16xf32>
      %mul3A_764 = arith.mulf %get3A_762, %get3A_762 : vector<16xf32>
      %add3A_765 = arith.addf %mul3A_763, %mul3A_764 : vector<16xf32>
      %reduce_sum3A_766 = arith.constant true
      %reduce_sum3A_767 = vector.broadcast %reduce_sum3A_766 : i1 to vector<16xi1>
      %reduce_sum3A_768 = tpu.scan <sum>, %add3A_765 masked %reduce_sum3A_767 : vector<16xf32>, vector<16xi1> -> vector<16xf32>
      %reduce_sum3A_769 = vector.extract %reduce_sum3A_768[15] : f32 from vector<16xf32>
      %eq3A_770 = arith.constant 2 : i32
      %eq3A_771 = vector.broadcast %eq3A_770 : i32 to vector<16xi32>
      %eq3A_772 = arith.cmpi eq, %iota3A, %eq3A_771 : vector<16xi32>
      %broadcast_in_dim3A_773 = vector.broadcast %reduce_sum3A_769 : f32 to vector<16xf32>
      %select_n3A_774 = arith.select %eq3A_772, %broadcast_in_dim3A_773, %select_n3A_750 : vector<16xi1>, vector<16xf32>
      %add3A_775 = arith.constant 0 : i32
      %add3A_776 = arith.addi %mul3A_131, %add3A_775 : i32
      %add3A_777 = arith.constant 16 : i32
      %add3A_778 = arith.addi %add3A_776, %add3A_777 : i32
      %add3A_779 = arith.constant 3 : i32
      %add3A_780 = arith.addi %add3A_778, %add3A_779 : i32
      %get3A_781 = arith.index_cast %add3A_780 : i32 to index
      %get3A_782 = arith.constant 0 : index
      %get3A_783 = tpu.vector_load %arg6[%get3A_781, %get3A_782] {strides = array<i32>} : memref<800x32xf32, #tpu.memory_space<vmem>>, vector<16xf32>,
      %get3A_784 = arith.index_cast %add3A_780 : i32 to index
      %get3A_785 = arith.constant 16 : index
      %get3A_786 = tpu.vector_load %arg6[%get3A_784, %get3A_785] {strides = array<i32>} : memref<800x32xf32, #tpu.memory_space<vmem>>, vector<16xf32>,
      %mul3A_787 = arith.mulf %get3A_783, %get3A_783 : vector<16xf32>
      %mul3A_788 = arith.mulf %get3A_786, %get3A_786 : vector<16xf32>
      %add3A_789 = arith.addf %mul3A_787, %mul3A_788 : vector<16xf32>
      %reduce_sum3A_790 = arith.constant true
      %reduce_sum3A_791 = vector.broadcast %reduce_sum3A_790 : i1 to vector<16xi1>
      %reduce_sum3A_792 = tpu.scan <sum>, %add3A_789 masked %reduce_sum3A_791 : vector<16xf32>, vector<16xi1> -> vector<16xf32>
      %reduce_sum3A_793 = vector.extract %reduce_sum3A_792[15] : f32 from vector<16xf32>
      %eq3A_794 = arith.constant 3 : i32
      %eq3A_795 = vector.broadcast %eq3A_794 : i32 to vector<16xi32>
      %eq3A_796 = arith.cmpi eq, %iota3A, %eq3A_795 : vector<16xi32>
      %broadcast_in_dim3A_797 = vector.broadcast %reduce_sum3A_793 : f32 to vector<16xf32>
      %select_n3A_798 = arith.select %eq3A_796, %broadcast_in_dim3A_797, %select_n3A_774 : vector<16xi1>, vector<16xf32>
      %add3A_799 = arith.constant 0 : i32
      %add3A_800 = arith.addi %mul3A_131, %add3A_799 : i32
      %add3A_801 = arith.constant 16 : i32
      %add3A_802 = arith.addi %add3A_800, %add3A_801 : i32
      %add3A_803 = arith.constant 4 : i32
      %add3A_804 = arith.addi %add3A_802, %add3A_803 : i32
      %get3A_805 = arith.index_cast %add3A_804 : i32 to index
      %get3A_806 = arith.constant 0 : index
      %get3A_807 = tpu.vector_load %arg6[%get3A_805, %get3A_806] {strides = array<i32>} : memref<800x32xf32, #tpu.memory_space<vmem>>, vector<16xf32>,
      %get3A_808 = arith.index_cast %add3A_804 : i32 to index
      %get3A_809 = arith.constant 16 : index
      %get3A_810 = tpu.vector_load %arg6[%get3A_808, %get3A_809] {strides = array<i32>} : memref<800x32xf32, #tpu.memory_space<vmem>>, vector<16xf32>,
      %mul3A_811 = arith.mulf %get3A_807, %get3A_807 : vector<16xf32>
      %mul3A_812 = arith.mulf %get3A_810, %get3A_810 : vector<16xf32>
      %add3A_813 = arith.addf %mul3A_811, %mul3A_812 : vector<16xf32>
      %reduce_sum3A_814 = arith.constant true
      %reduce_sum3A_815 = vector.broadcast %reduce_sum3A_814 : i1 to vector<16xi1>
      %reduce_sum3A_816 = tpu.scan <sum>, %add3A_813 masked %reduce_sum3A_815 : vector<16xf32>, vector<16xi1> -> vector<16xf32>
      %reduce_sum3A_817 = vector.extract %reduce_sum3A_816[15] : f32 from vector<16xf32>
      %eq3A_818 = arith.constant 4 : i32
      %eq3A_819 = vector.broadcast %eq3A_818 : i32 to vector<16xi32>
      %eq3A_820 = arith.cmpi eq, %iota3A, %eq3A_819 : vector<16xi32>
      %broadcast_in_dim3A_821 = vector.broadcast %reduce_sum3A_817 : f32 to vector<16xf32>
      %select_n3A_822 = arith.select %eq3A_820, %broadcast_in_dim3A_821, %select_n3A_798 : vector<16xi1>, vector<16xf32>
      %add3A_823 = arith.constant 0 : i32
      %add3A_824 = arith.addi %mul3A_131, %add3A_823 : i32
      %add3A_825 = arith.constant 16 : i32
      %add3A_826 = arith.addi %add3A_824, %add3A_825 : i32
      %add3A_827 = arith.constant 5 : i32
      %add3A_828 = arith.addi %add3A_826, %add3A_827 : i32
      %get3A_829 = arith.index_cast %add3A_828 : i32 to index
      %get3A_830 = arith.constant 0 : index
      %get3A_831 = tpu.vector_load %arg6[%get3A_829, %get3A_830] {strides = array<i32>} : memref<800x32xf32, #tpu.memory_space<vmem>>, vector<16xf32>,
      %get3A_832 = arith.index_cast %add3A_828 : i32 to index
      %get3A_833 = arith.constant 16 : index
      %get3A_834 = tpu.vector_load %arg6[%get3A_832, %get3A_833] {strides = array<i32>} : memref<800x32xf32, #tpu.memory_space<vmem>>, vector<16xf32>,
      %mul3A_835 = arith.mulf %get3A_831, %get3A_831 : vector<16xf32>
      %mul3A_836 = arith.mulf %get3A_834, %get3A_834 : vector<16xf32>
      %add3A_837 = arith.addf %mul3A_835, %mul3A_836 : vector<16xf32>
      %reduce_sum3A_838 = arith.constant true
      %reduce_sum3A_839 = vector.broadcast %reduce_sum3A_838 : i1 to vector<16xi1>
      %reduce_sum3A_840 = tpu.scan <sum>, %add3A_837 masked %reduce_sum3A_839 : vector<16xf32>, vector<16xi1> -> vector<16xf32>
      %reduce_sum3A_841 = vector.extract %reduce_sum3A_840[15] : f32 from vector<16xf32>
      %eq3A_842 = arith.constant 5 : i32
      %eq3A_843 = vector.broadcast %eq3A_842 : i32 to vector<16xi32>
      %eq3A_844 = arith.cmpi eq, %iota3A, %eq3A_843 : vector<16xi32>
      %broadcast_in_dim3A_845 = vector.broadcast %reduce_sum3A_841 : f32 to vector<16xf32>
      %select_n3A_846 = arith.select %eq3A_844, %broadcast_in_dim3A_845, %select_n3A_822 : vector<16xi1>, vector<16xf32>
      %add3A_847 = arith.constant 0 : i32
      %add3A_848 = arith.addi %mul3A_131, %add3A_847 : i32
      %add3A_849 = arith.constant 16 : i32
      %add3A_850 = arith.addi %add3A_848, %add3A_849 : i32
      %add3A_851 = arith.constant 6 : i32
      %add3A_852 = arith.addi %add3A_850, %add3A_851 : i32
      %get3A_853 = arith.index_cast %add3A_852 : i32 to index
      %get3A_854 = arith.constant 0 : index
      %get3A_855 = tpu.vector_load %arg6[%get3A_853, %get3A_854] {strides = array<i32>} : memref<800x32xf32, #tpu.memory_space<vmem>>, vector<16xf32>,
      %get3A_856 = arith.index_cast %add3A_852 : i32 to index
      %get3A_857 = arith.constant 16 : index
      %get3A_858 = tpu.vector_load %arg6[%get3A_856, %get3A_857] {strides = array<i32>} : memref<800x32xf32, #tpu.memory_space<vmem>>, vector<16xf32>,
      %mul3A_859 = arith.mulf %get3A_855, %get3A_855 : vector<16xf32>
      %mul3A_860 = arith.mulf %get3A_858, %get3A_858 : vector<16xf32>
      %add3A_861 = arith.addf %mul3A_859, %mul3A_860 : vector<16xf32>
      %reduce_sum3A_862 = arith.constant true
      %reduce_sum3A_863 = vector.broadcast %reduce_sum3A_862 : i1 to vector<16xi1>
      %reduce_sum3A_864 = tpu.scan <sum>, %add3A_861 masked %reduce_sum3A_863 : vector<16xf32>, vector<16xi1> -> vector<16xf32>
      %reduce_sum3A_865 = vector.extract %reduce_sum3A_864[15] : f32 from vector<16xf32>
      %eq3A_866 = arith.constant 6 : i32
      %eq3A_867 = vector.broadcast %eq3A_866 : i32 to vector<16xi32>
      %eq3A_868 = arith.cmpi eq, %iota3A, %eq3A_867 : vector<16xi32>
      %broadcast_in_dim3A_869 = vector.broadcast %reduce_sum3A_865 : f32 to vector<16xf32>
      %select_n3A_870 = arith.select %eq3A_868, %broadcast_in_dim3A_869, %select_n3A_846 : vector<16xi1>, vector<16xf32>
      %add3A_871 = arith.constant 0 : i32
      %add3A_872 = arith.addi %mul3A_131, %add3A_871 : i32
      %add3A_873 = arith.constant 16 : i32
      %add3A_874 = arith.addi %add3A_872, %add3A_873 : i32
      %add3A_875 = arith.constant 7 : i32
      %add3A_876 = arith.addi %add3A_874, %add3A_875 : i32
      %get3A_877 = arith.index_cast %add3A_876 : i32 to index
      %get3A_878 = arith.constant 0 : index
      %get3A_879 = tpu.vector_load %arg6[%get3A_877, %get3A_878] {strides = array<i32>} : memref<800x32xf32, #tpu.memory_space<vmem>>, vector<16xf32>,
      %get3A_880 = arith.index_cast %add3A_876 : i32 to index
      %get3A_881 = arith.constant 16 : index
      %get3A_882 = tpu.vector_load %arg6[%get3A_880, %get3A_881] {strides = array<i32>} : memref<800x32xf32, #tpu.memory_space<vmem>>, vector<16xf32>,
      %mul3A_883 = arith.mulf %get3A_879, %get3A_879 : vector<16xf32>
      %mul3A_884 = arith.mulf %get3A_882, %get3A_882 : vector<16xf32>
      %add3A_885 = arith.addf %mul3A_883, %mul3A_884 : vector<16xf32>
      %reduce_sum3A_886 = arith.constant true
      %reduce_sum3A_887 = vector.broadcast %reduce_sum3A_886 : i1 to vector<16xi1>
      %reduce_sum3A_888 = tpu.scan <sum>, %add3A_885 masked %reduce_sum3A_887 : vector<16xf32>, vector<16xi1> -> vector<16xf32>
      %reduce_sum3A_889 = vector.extract %reduce_sum3A_888[15] : f32 from vector<16xf32>
      %eq3A_890 = arith.constant 7 : i32
      %eq3A_891 = vector.broadcast %eq3A_890 : i32 to vector<16xi32>
      %eq3A_892 = arith.cmpi eq, %iota3A, %eq3A_891 : vector<16xi32>
      %broadcast_in_dim3A_893 = vector.broadcast %reduce_sum3A_889 : f32 to vector<16xf32>
      %select_n3A_894 = arith.select %eq3A_892, %broadcast_in_dim3A_893, %select_n3A_870 : vector<16xi1>, vector<16xf32>
      %bitcast_convert_type3A_895 = tpu.bitcast %select_n3A_894 : vector<16xf32> -> vector<16xi32>
      %shift_right_arithmetic3A_896 = arith.constant 1 : i32
      %shift_right_arithmetic3A_897 = vector.broadcast %shift_right_arithmetic3A_896 : i32 to vector<16xi32>
      %shift_right_arithmetic3A_898 = arith.shrsi %bitcast_convert_type3A_895, %shift_right_arithmetic3A_897 : vector<16xi32>
      %sub3A_899 = arith.constant 1597463007 : i32
      %sub3A_900 = vector.broadcast %sub3A_899 : i32 to vector<16xi32>
      %sub3A_901 = arith.subi %sub3A_900, %shift_right_arithmetic3A_898 : vector<16xi32>
      %bitcast_convert_type3A_902 = tpu.bitcast %sub3A_901 : vector<16xi32> -> vector<16xf32>
      %mul3A_903 = arith.constant 5.000000e-01 : f32
      %mul3A_904 = vector.broadcast %mul3A_903 : f32 to vector<16xf32>
      %mul3A_905 = arith.mulf %select_n3A_894, %mul3A_904 : vector<16xf32>
      %mul3A_906 = arith.mulf %mul3A_905, %bitcast_convert_type3A_902 : vector<16xf32>
      %mul3A_907 = arith.mulf %mul3A_906, %bitcast_convert_type3A_902 : vector<16xf32>
      %sub3A_908 = arith.constant 1.500000e+00 : f32
      %sub3A_909 = vector.broadcast %sub3A_908 : f32 to vector<16xf32>
      %sub3A_910 = arith.subf %sub3A_909, %mul3A_907 : vector<16xf32>
      %mul3A_911 = arith.mulf %bitcast_convert_type3A_902, %sub3A_910 : vector<16xf32>
      %mul3A_912 = arith.mulf %mul3A_905, %mul3A_911 : vector<16xf32>
      %mul3A_913 = arith.mulf %mul3A_912, %mul3A_911 : vector<16xf32>
      %sub3A_914 = arith.constant 1.500000e+00 : f32
      %sub3A_915 = vector.broadcast %sub3A_914 : f32 to vector<16xf32>
      %sub3A_916 = arith.subf %sub3A_915, %mul3A_913 : vector<16xf32>
      %mul3A_917 = arith.mulf %mul3A_911, %sub3A_916 : vector<16xf32>
      %mul3A_918 = arith.mulf %mul3A_905, %mul3A_917 : vector<16xf32>
      %mul3A_919 = arith.mulf %mul3A_918, %mul3A_917 : vector<16xf32>
      %sub3A_920 = arith.constant 1.500000e+00 : f32
      %sub3A_921 = vector.broadcast %sub3A_920 : f32 to vector<16xf32>
      %sub3A_922 = arith.subf %sub3A_921, %mul3A_919 : vector<16xf32>
      %mul3A_923 = arith.mulf %mul3A_917, %sub3A_922 : vector<16xf32>
      %slice3A_924 = vector.extract_strided_slice %mul3A_923 {offsets = [0], sizes = [1], strides = [1]} : vector<16xf32> to vector<1xf32>
      %squeeze3A_925 = vector.extract %slice3A_924[0] : f32 from vector<1xf32>
      %mul3A_926 = vector.broadcast %squeeze3A_925 : f32 to vector<16xf32>
      %mul3A_927 = arith.mulf %get3A_711, %mul3A_926 : vector<16xf32>
      %add3A_928 = arith.addf %add3A_697, %mul3A_927 : vector<16xf32>
      %mul3A_929 = vector.broadcast %squeeze3A_925 : f32 to vector<16xf32>
      %mul3A_930 = arith.mulf %get3A_714, %mul3A_929 : vector<16xf32>
      %add3A_931 = arith.addf %add3A_700, %mul3A_930 : vector<16xf32>
      %slice3A_932 = vector.extract_strided_slice %mul3A_923 {offsets = [1], sizes = [1], strides = [1]} : vector<16xf32> to vector<1xf32>
      %squeeze3A_933 = vector.extract %slice3A_932[0] : f32 from vector<1xf32>
      %mul3A_934 = vector.broadcast %squeeze3A_933 : f32 to vector<16xf32>
      %mul3A_935 = arith.mulf %get3A_735, %mul3A_934 : vector<16xf32>
      %add3A_936 = arith.addf %add3A_928, %mul3A_935 : vector<16xf32>
      %mul3A_937 = vector.broadcast %squeeze3A_933 : f32 to vector<16xf32>
      %mul3A_938 = arith.mulf %get3A_738, %mul3A_937 : vector<16xf32>
      %add3A_939 = arith.addf %add3A_931, %mul3A_938 : vector<16xf32>
      %slice3A_940 = vector.extract_strided_slice %mul3A_923 {offsets = [2], sizes = [1], strides = [1]} : vector<16xf32> to vector<1xf32>
      %squeeze3A_941 = vector.extract %slice3A_940[0] : f32 from vector<1xf32>
      %mul3A_942 = vector.broadcast %squeeze3A_941 : f32 to vector<16xf32>
      %mul3A_943 = arith.mulf %get3A_759, %mul3A_942 : vector<16xf32>
      %add3A_944 = arith.addf %add3A_936, %mul3A_943 : vector<16xf32>
      %mul3A_945 = vector.broadcast %squeeze3A_941 : f32 to vector<16xf32>
      %mul3A_946 = arith.mulf %get3A_762, %mul3A_945 : vector<16xf32>
      %add3A_947 = arith.addf %add3A_939, %mul3A_946 : vector<16xf32>
      %slice3A_948 = vector.extract_strided_slice %mul3A_923 {offsets = [3], sizes = [1], strides = [1]} : vector<16xf32> to vector<1xf32>
      %squeeze3A_949 = vector.extract %slice3A_948[0] : f32 from vector<1xf32>
      %mul3A_950 = vector.broadcast %squeeze3A_949 : f32 to vector<16xf32>
      %mul3A_951 = arith.mulf %get3A_783, %mul3A_950 : vector<16xf32>
      %add3A_952 = arith.addf %add3A_944, %mul3A_951 : vector<16xf32>
      %mul3A_953 = vector.broadcast %squeeze3A_949 : f32 to vector<16xf32>
      %mul3A_954 = arith.mulf %get3A_786, %mul3A_953 : vector<16xf32>
      %add3A_955 = arith.addf %add3A_947, %mul3A_954 : vector<16xf32>
      %slice3A_956 = vector.extract_strided_slice %mul3A_923 {offsets = [4], sizes = [1], strides = [1]} : vector<16xf32> to vector<1xf32>
      %squeeze3A_957 = vector.extract %slice3A_956[0] : f32 from vector<1xf32>
      %mul3A_958 = vector.broadcast %squeeze3A_957 : f32 to vector<16xf32>
      %mul3A_959 = arith.mulf %get3A_807, %mul3A_958 : vector<16xf32>
      %add3A_960 = arith.addf %add3A_952, %mul3A_959 : vector<16xf32>
      %mul3A_961 = vector.broadcast %squeeze3A_957 : f32 to vector<16xf32>
      %mul3A_962 = arith.mulf %get3A_810, %mul3A_961 : vector<16xf32>
      %add3A_963 = arith.addf %add3A_955, %mul3A_962 : vector<16xf32>
      %slice3A_964 = vector.extract_strided_slice %mul3A_923 {offsets = [5], sizes = [1], strides = [1]} : vector<16xf32> to vector<1xf32>
      %squeeze3A_965 = vector.extract %slice3A_964[0] : f32 from vector<1xf32>
      %mul3A_966 = vector.broadcast %squeeze3A_965 : f32 to vector<16xf32>
      %mul3A_967 = arith.mulf %get3A_831, %mul3A_966 : vector<16xf32>
      %add3A_968 = arith.addf %add3A_960, %mul3A_967 : vector<16xf32>
      %mul3A_969 = vector.broadcast %squeeze3A_965 : f32 to vector<16xf32>
      %mul3A_970 = arith.mulf %get3A_834, %mul3A_969 : vector<16xf32>
      %add3A_971 = arith.addf %add3A_963, %mul3A_970 : vector<16xf32>
      %slice3A_972 = vector.extract_strided_slice %mul3A_923 {offsets = [6], sizes = [1], strides = [1]} : vector<16xf32> to vector<1xf32>
      %squeeze3A_973 = vector.extract %slice3A_972[0] : f32 from vector<1xf32>
      %mul3A_974 = vector.broadcast %squeeze3A_973 : f32 to vector<16xf32>
      %mul3A_975 = arith.mulf %get3A_855, %mul3A_974 : vector<16xf32>
      %add3A_976 = arith.addf %add3A_968, %mul3A_975 : vector<16xf32>
      %mul3A_977 = vector.broadcast %squeeze3A_973 : f32 to vector<16xf32>
      %mul3A_978 = arith.mulf %get3A_858, %mul3A_977 : vector<16xf32>
      %add3A_979 = arith.addf %add3A_971, %mul3A_978 : vector<16xf32>
      %slice3A_980 = vector.extract_strided_slice %mul3A_923 {offsets = [7], sizes = [1], strides = [1]} : vector<16xf32> to vector<1xf32>
      %squeeze3A_981 = vector.extract %slice3A_980[0] : f32 from vector<1xf32>
      %mul3A_982 = vector.broadcast %squeeze3A_981 : f32 to vector<16xf32>
      %mul3A_983 = arith.mulf %get3A_879, %mul3A_982 : vector<16xf32>
      %add3A_984 = arith.addf %add3A_976, %mul3A_983 : vector<16xf32>
      %mul3A_985 = vector.broadcast %squeeze3A_981 : f32 to vector<16xf32>
      %mul3A_986 = arith.mulf %get3A_882, %mul3A_985 : vector<16xf32>
      %add3A_987 = arith.addf %add3A_979, %mul3A_986 : vector<16xf32>
      %broadcast_in_dim3A_988 = arith.constant 1.000000e+00 : f32
      %broadcast_in_dim3A_989 = vector.broadcast %broadcast_in_dim3A_988 : f32 to vector<16xf32>
      %add3A_990 = arith.constant 0 : i32
      %add3A_991 = arith.addi %mul3A_131, %add3A_990 : i32
      %add3A_992 = arith.constant 24 : i32
      %add3A_993 = arith.addi %add3A_991, %add3A_992 : i32
      %add3A_994 = arith.constant 0 : i32
      %add3A_995 = arith.addi %add3A_993, %add3A_994 : i32
      %get3A_996 = arith.index_cast %add3A_995 : i32 to index
      %get3A_997 = arith.constant 0 : index
      %get3A_998 = tpu.vector_load %arg6[%get3A_996, %get3A_997] {strides = array<i32>} : memref<800x32xf32, #tpu.memory_space<vmem>>, vector<16xf32>,
      %get3A_999 = arith.index_cast %add3A_995 : i32 to index
      %get3A_1000 = arith.constant 16 : index
      %get3A_1001 = tpu.vector_load %arg6[%get3A_999, %get3A_1000] {strides = array<i32>} : memref<800x32xf32, #tpu.memory_space<vmem>>, vector<16xf32>,
      %mul3A_1002 = arith.mulf %get3A_998, %get3A_998 : vector<16xf32>
      %mul3A_1003 = arith.mulf %get3A_1001, %get3A_1001 : vector<16xf32>
      %add3A_1004 = arith.addf %mul3A_1002, %mul3A_1003 : vector<16xf32>
      %reduce_sum3A_1005 = arith.constant true
      %reduce_sum3A_1006 = vector.broadcast %reduce_sum3A_1005 : i1 to vector<16xi1>
      %reduce_sum3A_1007 = tpu.scan <sum>, %add3A_1004 masked %reduce_sum3A_1006 : vector<16xf32>, vector<16xi1> -> vector<16xf32>
      %reduce_sum3A_1008 = vector.extract %reduce_sum3A_1007[15] : f32 from vector<16xf32>
      %eq3A_1009 = arith.constant 0 : i32
      %eq3A_1010 = vector.broadcast %eq3A_1009 : i32 to vector<16xi32>
      %eq3A_1011 = arith.cmpi eq, %iota3A, %eq3A_1010 : vector<16xi32>
      %broadcast_in_dim3A_1012 = vector.broadcast %reduce_sum3A_1008 : f32 to vector<16xf32>
      %select_n3A_1013 = arith.select %eq3A_1011, %broadcast_in_dim3A_1012, %broadcast_in_dim3A_989 : vector<16xi1>, vector<16xf32>
      %add3A_1014 = arith.constant 0 : i32
      %add3A_1015 = arith.addi %mul3A_131, %add3A_1014 : i32
      %add3A_1016 = arith.constant 24 : i32
      %add3A_1017 = arith.addi %add3A_1015, %add3A_1016 : i32
      %add3A_1018 = arith.constant 1 : i32
      %add3A_1019 = arith.addi %add3A_1017, %add3A_1018 : i32
      %get3A_1020 = arith.index_cast %add3A_1019 : i32 to index
      %get3A_1021 = arith.constant 0 : index
      %get3A_1022 = tpu.vector_load %arg6[%get3A_1020, %get3A_1021] {strides = array<i32>} : memref<800x32xf32, #tpu.memory_space<vmem>>, vector<16xf32>,
      %get3A_1023 = arith.index_cast %add3A_1019 : i32 to index
      %get3A_1024 = arith.constant 16 : index
      %get3A_1025 = tpu.vector_load %arg6[%get3A_1023, %get3A_1024] {strides = array<i32>} : memref<800x32xf32, #tpu.memory_space<vmem>>, vector<16xf32>,
      %mul3A_1026 = arith.mulf %get3A_1022, %get3A_1022 : vector<16xf32>
      %mul3A_1027 = arith.mulf %get3A_1025, %get3A_1025 : vector<16xf32>
      %add3A_1028 = arith.addf %mul3A_1026, %mul3A_1027 : vector<16xf32>
      %reduce_sum3A_1029 = arith.constant true
      %reduce_sum3A_1030 = vector.broadcast %reduce_sum3A_1029 : i1 to vector<16xi1>
      %reduce_sum3A_1031 = tpu.scan <sum>, %add3A_1028 masked %reduce_sum3A_1030 : vector<16xf32>, vector<16xi1> -> vector<16xf32>
      %reduce_sum3A_1032 = vector.extract %reduce_sum3A_1031[15] : f32 from vector<16xf32>
      %eq3A_1033 = arith.constant 1 : i32
      %eq3A_1034 = vector.broadcast %eq3A_1033 : i32 to vector<16xi32>
      %eq3A_1035 = arith.cmpi eq, %iota3A, %eq3A_1034 : vector<16xi32>
      %broadcast_in_dim3A_1036 = vector.broadcast %reduce_sum3A_1032 : f32 to vector<16xf32>
      %select_n3A_1037 = arith.select %eq3A_1035, %broadcast_in_dim3A_1036, %select_n3A_1013 : vector<16xi1>, vector<16xf32>
      %add3A_1038 = arith.constant 0 : i32
      %add3A_1039 = arith.addi %mul3A_131, %add3A_1038 : i32
      %add3A_1040 = arith.constant 24 : i32
      %add3A_1041 = arith.addi %add3A_1039, %add3A_1040 : i32
      %add3A_1042 = arith.constant 2 : i32
      %add3A_1043 = arith.addi %add3A_1041, %add3A_1042 : i32
      %get3A_1044 = arith.index_cast %add3A_1043 : i32 to index
      %get3A_1045 = arith.constant 0 : index
      %get3A_1046 = tpu.vector_load %arg6[%get3A_1044, %get3A_1045] {strides = array<i32>} : memref<800x32xf32, #tpu.memory_space<vmem>>, vector<16xf32>,
      %get3A_1047 = arith.index_cast %add3A_1043 : i32 to index
      %get3A_1048 = arith.constant 16 : index
      %get3A_1049 = tpu.vector_load %arg6[%get3A_1047, %get3A_1048] {strides = array<i32>} : memref<800x32xf32, #tpu.memory_space<vmem>>, vector<16xf32>,
      %mul3A_1050 = arith.mulf %get3A_1046, %get3A_1046 : vector<16xf32>
      %mul3A_1051 = arith.mulf %get3A_1049, %get3A_1049 : vector<16xf32>
      %add3A_1052 = arith.addf %mul3A_1050, %mul3A_1051 : vector<16xf32>
      %reduce_sum3A_1053 = arith.constant true
      %reduce_sum3A_1054 = vector.broadcast %reduce_sum3A_1053 : i1 to vector<16xi1>
      %reduce_sum3A_1055 = tpu.scan <sum>, %add3A_1052 masked %reduce_sum3A_1054 : vector<16xf32>, vector<16xi1> -> vector<16xf32>
      %reduce_sum3A_1056 = vector.extract %reduce_sum3A_1055[15] : f32 from vector<16xf32>
      %eq3A_1057 = arith.constant 2 : i32
      %eq3A_1058 = vector.broadcast %eq3A_1057 : i32 to vector<16xi32>
      %eq3A_1059 = arith.cmpi eq, %iota3A, %eq3A_1058 : vector<16xi32>
      %broadcast_in_dim3A_1060 = vector.broadcast %reduce_sum3A_1056 : f32 to vector<16xf32>
      %select_n3A_1061 = arith.select %eq3A_1059, %broadcast_in_dim3A_1060, %select_n3A_1037 : vector<16xi1>, vector<16xf32>
      %add3A_1062 = arith.constant 0 : i32
      %add3A_1063 = arith.addi %mul3A_131, %add3A_1062 : i32
      %add3A_1064 = arith.constant 24 : i32
      %add3A_1065 = arith.addi %add3A_1063, %add3A_1064 : i32
      %add3A_1066 = arith.constant 3 : i32
      %add3A_1067 = arith.addi %add3A_1065, %add3A_1066 : i32
      %get3A_1068 = arith.index_cast %add3A_1067 : i32 to index
      %get3A_1069 = arith.constant 0 : index
      %get3A_1070 = tpu.vector_load %arg6[%get3A_1068, %get3A_1069] {strides = array<i32>} : memref<800x32xf32, #tpu.memory_space<vmem>>, vector<16xf32>,
      %get3A_1071 = arith.index_cast %add3A_1067 : i32 to index
      %get3A_1072 = arith.constant 16 : index
      %get3A_1073 = tpu.vector_load %arg6[%get3A_1071, %get3A_1072] {strides = array<i32>} : memref<800x32xf32, #tpu.memory_space<vmem>>, vector<16xf32>,
      %mul3A_1074 = arith.mulf %get3A_1070, %get3A_1070 : vector<16xf32>
      %mul3A_1075 = arith.mulf %get3A_1073, %get3A_1073 : vector<16xf32>
      %add3A_1076 = arith.addf %mul3A_1074, %mul3A_1075 : vector<16xf32>
      %reduce_sum3A_1077 = arith.constant true
      %reduce_sum3A_1078 = vector.broadcast %reduce_sum3A_1077 : i1 to vector<16xi1>
      %reduce_sum3A_1079 = tpu.scan <sum>, %add3A_1076 masked %reduce_sum3A_1078 : vector<16xf32>, vector<16xi1> -> vector<16xf32>
      %reduce_sum3A_1080 = vector.extract %reduce_sum3A_1079[15] : f32 from vector<16xf32>
      %eq3A_1081 = arith.constant 3 : i32
      %eq3A_1082 = vector.broadcast %eq3A_1081 : i32 to vector<16xi32>
      %eq3A_1083 = arith.cmpi eq, %iota3A, %eq3A_1082 : vector<16xi32>
      %broadcast_in_dim3A_1084 = vector.broadcast %reduce_sum3A_1080 : f32 to vector<16xf32>
      %select_n3A_1085 = arith.select %eq3A_1083, %broadcast_in_dim3A_1084, %select_n3A_1061 : vector<16xi1>, vector<16xf32>
      %add3A_1086 = arith.constant 0 : i32
      %add3A_1087 = arith.addi %mul3A_131, %add3A_1086 : i32
      %add3A_1088 = arith.constant 24 : i32
      %add3A_1089 = arith.addi %add3A_1087, %add3A_1088 : i32
      %add3A_1090 = arith.constant 4 : i32
      %add3A_1091 = arith.addi %add3A_1089, %add3A_1090 : i32
      %get3A_1092 = arith.index_cast %add3A_1091 : i32 to index
      %get3A_1093 = arith.constant 0 : index
      %get3A_1094 = tpu.vector_load %arg6[%get3A_1092, %get3A_1093] {strides = array<i32>} : memref<800x32xf32, #tpu.memory_space<vmem>>, vector<16xf32>,
      %get3A_1095 = arith.index_cast %add3A_1091 : i32 to index
      %get3A_1096 = arith.constant 16 : index
      %get3A_1097 = tpu.vector_load %arg6[%get3A_1095, %get3A_1096] {strides = array<i32>} : memref<800x32xf32, #tpu.memory_space<vmem>>, vector<16xf32>,
      %mul3A_1098 = arith.mulf %get3A_1094, %get3A_1094 : vector<16xf32>
      %mul3A_1099 = arith.mulf %get3A_1097, %get3A_1097 : vector<16xf32>
      %add3A_1100 = arith.addf %mul3A_1098, %mul3A_1099 : vector<16xf32>
      %reduce_sum3A_1101 = arith.constant true
      %reduce_sum3A_1102 = vector.broadcast %reduce_sum3A_1101 : i1 to vector<16xi1>
      %reduce_sum3A_1103 = tpu.scan <sum>, %add3A_1100 masked %reduce_sum3A_1102 : vector<16xf32>, vector<16xi1> -> vector<16xf32>
      %reduce_sum3A_1104 = vector.extract %reduce_sum3A_1103[15] : f32 from vector<16xf32>
      %eq3A_1105 = arith.constant 4 : i32
      %eq3A_1106 = vector.broadcast %eq3A_1105 : i32 to vector<16xi32>
      %eq3A_1107 = arith.cmpi eq, %iota3A, %eq3A_1106 : vector<16xi32>
      %broadcast_in_dim3A_1108 = vector.broadcast %reduce_sum3A_1104 : f32 to vector<16xf32>
      %select_n3A_1109 = arith.select %eq3A_1107, %broadcast_in_dim3A_1108, %select_n3A_1085 : vector<16xi1>, vector<16xf32>
      %add3A_1110 = arith.constant 0 : i32
      %add3A_1111 = arith.addi %mul3A_131, %add3A_1110 : i32
      %add3A_1112 = arith.constant 24 : i32
      %add3A_1113 = arith.addi %add3A_1111, %add3A_1112 : i32
      %add3A_1114 = arith.constant 5 : i32
      %add3A_1115 = arith.addi %add3A_1113, %add3A_1114 : i32
      %get3A_1116 = arith.index_cast %add3A_1115 : i32 to index
      %get3A_1117 = arith.constant 0 : index
      %get3A_1118 = tpu.vector_load %arg6[%get3A_1116, %get3A_1117] {strides = array<i32>} : memref<800x32xf32, #tpu.memory_space<vmem>>, vector<16xf32>,
      %get3A_1119 = arith.index_cast %add3A_1115 : i32 to index
      %get3A_1120 = arith.constant 16 : index
      %get3A_1121 = tpu.vector_load %arg6[%get3A_1119, %get3A_1120] {strides = array<i32>} : memref<800x32xf32, #tpu.memory_space<vmem>>, vector<16xf32>,
      %mul3A_1122 = arith.mulf %get3A_1118, %get3A_1118 : vector<16xf32>
      %mul3A_1123 = arith.mulf %get3A_1121, %get3A_1121 : vector<16xf32>
      %add3A_1124 = arith.addf %mul3A_1122, %mul3A_1123 : vector<16xf32>
      %reduce_sum3A_1125 = arith.constant true
      %reduce_sum3A_1126 = vector.broadcast %reduce_sum3A_1125 : i1 to vector<16xi1>
      %reduce_sum3A_1127 = tpu.scan <sum>, %add3A_1124 masked %reduce_sum3A_1126 : vector<16xf32>, vector<16xi1> -> vector<16xf32>
      %reduce_sum3A_1128 = vector.extract %reduce_sum3A_1127[15] : f32 from vector<16xf32>
      %eq3A_1129 = arith.constant 5 : i32
      %eq3A_1130 = vector.broadcast %eq3A_1129 : i32 to vector<16xi32>
      %eq3A_1131 = arith.cmpi eq, %iota3A, %eq3A_1130 : vector<16xi32>
      %broadcast_in_dim3A_1132 = vector.broadcast %reduce_sum3A_1128 : f32 to vector<16xf32>
      %select_n3A_1133 = arith.select %eq3A_1131, %broadcast_in_dim3A_1132, %select_n3A_1109 : vector<16xi1>, vector<16xf32>
      %add3A_1134 = arith.constant 0 : i32
      %add3A_1135 = arith.addi %mul3A_131, %add3A_1134 : i32
      %add3A_1136 = arith.constant 24 : i32
      %add3A_1137 = arith.addi %add3A_1135, %add3A_1136 : i32
      %add3A_1138 = arith.constant 6 : i32
      %add3A_1139 = arith.addi %add3A_1137, %add3A_1138 : i32
      %get3A_1140 = arith.index_cast %add3A_1139 : i32 to index
      %get3A_1141 = arith.constant 0 : index
      %get3A_1142 = tpu.vector_load %arg6[%get3A_1140, %get3A_1141] {strides = array<i32>} : memref<800x32xf32, #tpu.memory_space<vmem>>, vector<16xf32>,
      %get3A_1143 = arith.index_cast %add3A_1139 : i32 to index
      %get3A_1144 = arith.constant 16 : index
      %get3A_1145 = tpu.vector_load %arg6[%get3A_1143, %get3A_1144] {strides = array<i32>} : memref<800x32xf32, #tpu.memory_space<vmem>>, vector<16xf32>,
      %mul3A_1146 = arith.mulf %get3A_1142, %get3A_1142 : vector<16xf32>
      %mul3A_1147 = arith.mulf %get3A_1145, %get3A_1145 : vector<16xf32>
      %add3A_1148 = arith.addf %mul3A_1146, %mul3A_1147 : vector<16xf32>
      %reduce_sum3A_1149 = arith.constant true
      %reduce_sum3A_1150 = vector.broadcast %reduce_sum3A_1149 : i1 to vector<16xi1>
      %reduce_sum3A_1151 = tpu.scan <sum>, %add3A_1148 masked %reduce_sum3A_1150 : vector<16xf32>, vector<16xi1> -> vector<16xf32>
      %reduce_sum3A_1152 = vector.extract %reduce_sum3A_1151[15] : f32 from vector<16xf32>
      %eq3A_1153 = arith.constant 6 : i32
      %eq3A_1154 = vector.broadcast %eq3A_1153 : i32 to vector<16xi32>
      %eq3A_1155 = arith.cmpi eq, %iota3A, %eq3A_1154 : vector<16xi32>
      %broadcast_in_dim3A_1156 = vector.broadcast %reduce_sum3A_1152 : f32 to vector<16xf32>
      %select_n3A_1157 = arith.select %eq3A_1155, %broadcast_in_dim3A_1156, %select_n3A_1133 : vector<16xi1>, vector<16xf32>
      %add3A_1158 = arith.constant 0 : i32
      %add3A_1159 = arith.addi %mul3A_131, %add3A_1158 : i32
      %add3A_1160 = arith.constant 24 : i32
      %add3A_1161 = arith.addi %add3A_1159, %add3A_1160 : i32
      %add3A_1162 = arith.constant 7 : i32
      %add3A_1163 = arith.addi %add3A_1161, %add3A_1162 : i32
      %get3A_1164 = arith.index_cast %add3A_1163 : i32 to index
      %get3A_1165 = arith.constant 0 : index
      %get3A_1166 = tpu.vector_load %arg6[%get3A_1164, %get3A_1165] {strides = array<i32>} : memref<800x32xf32, #tpu.memory_space<vmem>>, vector<16xf32>,
      %get3A_1167 = arith.index_cast %add3A_1163 : i32 to index
      %get3A_1168 = arith.constant 16 : index
      %get3A_1169 = tpu.vector_load %arg6[%get3A_1167, %get3A_1168] {strides = array<i32>} : memref<800x32xf32, #tpu.memory_space<vmem>>, vector<16xf32>,
      %mul3A_1170 = arith.mulf %get3A_1166, %get3A_1166 : vector<16xf32>
      %mul3A_1171 = arith.mulf %get3A_1169, %get3A_1169 : vector<16xf32>
      %add3A_1172 = arith.addf %mul3A_1170, %mul3A_1171 : vector<16xf32>
      %reduce_sum3A_1173 = arith.constant true
      %reduce_sum3A_1174 = vector.broadcast %reduce_sum3A_1173 : i1 to vector<16xi1>
      %reduce_sum3A_1175 = tpu.scan <sum>, %add3A_1172 masked %reduce_sum3A_1174 : vector<16xf32>, vector<16xi1> -> vector<16xf32>
      %reduce_sum3A_1176 = vector.extract %reduce_sum3A_1175[15] : f32 from vector<16xf32>
      %eq3A_1177 = arith.constant 7 : i32
      %eq3A_1178 = vector.broadcast %eq3A_1177 : i32 to vector<16xi32>
      %eq3A_1179 = arith.cmpi eq, %iota3A, %eq3A_1178 : vector<16xi32>
      %broadcast_in_dim3A_1180 = vector.broadcast %reduce_sum3A_1176 : f32 to vector<16xf32>
      %select_n3A_1181 = arith.select %eq3A_1179, %broadcast_in_dim3A_1180, %select_n3A_1157 : vector<16xi1>, vector<16xf32>
      %bitcast_convert_type3A_1182 = tpu.bitcast %select_n3A_1181 : vector<16xf32> -> vector<16xi32>
      %shift_right_arithmetic3A_1183 = arith.constant 1 : i32
      %shift_right_arithmetic3A_1184 = vector.broadcast %shift_right_arithmetic3A_1183 : i32 to vector<16xi32>
      %shift_right_arithmetic3A_1185 = arith.shrsi %bitcast_convert_type3A_1182, %shift_right_arithmetic3A_1184 : vector<16xi32>
      %sub3A_1186 = arith.constant 1597463007 : i32
      %sub3A_1187 = vector.broadcast %sub3A_1186 : i32 to vector<16xi32>
      %sub3A_1188 = arith.subi %sub3A_1187, %shift_right_arithmetic3A_1185 : vector<16xi32>
      %bitcast_convert_type3A_1189 = tpu.bitcast %sub3A_1188 : vector<16xi32> -> vector<16xf32>
      %mul3A_1190 = arith.constant 5.000000e-01 : f32
      %mul3A_1191 = vector.broadcast %mul3A_1190 : f32 to vector<16xf32>
      %mul3A_1192 = arith.mulf %select_n3A_1181, %mul3A_1191 : vector<16xf32>
      %mul3A_1193 = arith.mulf %mul3A_1192, %bitcast_convert_type3A_1189 : vector<16xf32>
      %mul3A_1194 = arith.mulf %mul3A_1193, %bitcast_convert_type3A_1189 : vector<16xf32>
      %sub3A_1195 = arith.constant 1.500000e+00 : f32
      %sub3A_1196 = vector.broadcast %sub3A_1195 : f32 to vector<16xf32>
      %sub3A_1197 = arith.subf %sub3A_1196, %mul3A_1194 : vector<16xf32>
      %mul3A_1198 = arith.mulf %bitcast_convert_type3A_1189, %sub3A_1197 : vector<16xf32>
      %mul3A_1199 = arith.mulf %mul3A_1192, %mul3A_1198 : vector<16xf32>
      %mul3A_1200 = arith.mulf %mul3A_1199, %mul3A_1198 : vector<16xf32>
      %sub3A_1201 = arith.constant 1.500000e+00 : f32
      %sub3A_1202 = vector.broadcast %sub3A_1201 : f32 to vector<16xf32>
      %sub3A_1203 = arith.subf %sub3A_1202, %mul3A_1200 : vector<16xf32>
      %mul3A_1204 = arith.mulf %mul3A_1198, %sub3A_1203 : vector<16xf32>
      %mul3A_1205 = arith.mulf %mul3A_1192, %mul3A_1204 : vector<16xf32>
      %mul3A_1206 = arith.mulf %mul3A_1205, %mul3A_1204 : vector<16xf32>
      %sub3A_1207 = arith.constant 1.500000e+00 : f32
      %sub3A_1208 = vector.broadcast %sub3A_1207 : f32 to vector<16xf32>
      %sub3A_1209 = arith.subf %sub3A_1208, %mul3A_1206 : vector<16xf32>
      %mul3A_1210 = arith.mulf %mul3A_1204, %sub3A_1209 : vector<16xf32>
      %slice3A_1211 = vector.extract_strided_slice %mul3A_1210 {offsets = [0], sizes = [1], strides = [1]} : vector<16xf32> to vector<1xf32>
      %squeeze3A_1212 = vector.extract %slice3A_1211[0] : f32 from vector<1xf32>
      %mul3A_1213 = vector.broadcast %squeeze3A_1212 : f32 to vector<16xf32>
      %mul3A_1214 = arith.mulf %get3A_998, %mul3A_1213 : vector<16xf32>
      %add3A_1215 = arith.addf %add3A_984, %mul3A_1214 : vector<16xf32>
      %mul3A_1216 = vector.broadcast %squeeze3A_1212 : f32 to vector<16xf32>
      %mul3A_1217 = arith.mulf %get3A_1001, %mul3A_1216 : vector<16xf32>
      %add3A_1218 = arith.addf %add3A_987, %mul3A_1217 : vector<16xf32>
      %slice3A_1219 = vector.extract_strided_slice %mul3A_1210 {offsets = [1], sizes = [1], strides = [1]} : vector<16xf32> to vector<1xf32>
      %squeeze3A_1220 = vector.extract %slice3A_1219[0] : f32 from vector<1xf32>
      %mul3A_1221 = vector.broadcast %squeeze3A_1220 : f32 to vector<16xf32>
      %mul3A_1222 = arith.mulf %get3A_1022, %mul3A_1221 : vector<16xf32>
      %add3A_1223 = arith.addf %add3A_1215, %mul3A_1222 : vector<16xf32>
      %mul3A_1224 = vector.broadcast %squeeze3A_1220 : f32 to vector<16xf32>
      %mul3A_1225 = arith.mulf %get3A_1025, %mul3A_1224 : vector<16xf32>
      %add3A_1226 = arith.addf %add3A_1218, %mul3A_1225 : vector<16xf32>
      %slice3A_1227 = vector.extract_strided_slice %mul3A_1210 {offsets = [2], sizes = [1], strides = [1]} : vector<16xf32> to vector<1xf32>
      %squeeze3A_1228 = vector.extract %slice3A_1227[0] : f32 from vector<1xf32>
      %mul3A_1229 = vector.broadcast %squeeze3A_1228 : f32 to vector<16xf32>
      %mul3A_1230 = arith.mulf %get3A_1046, %mul3A_1229 : vector<16xf32>
      %add3A_1231 = arith.addf %add3A_1223, %mul3A_1230 : vector<16xf32>
      %mul3A_1232 = vector.broadcast %squeeze3A_1228 : f32 to vector<16xf32>
      %mul3A_1233 = arith.mulf %get3A_1049, %mul3A_1232 : vector<16xf32>
      %add3A_1234 = arith.addf %add3A_1226, %mul3A_1233 : vector<16xf32>
      %slice3A_1235 = vector.extract_strided_slice %mul3A_1210 {offsets = [3], sizes = [1], strides = [1]} : vector<16xf32> to vector<1xf32>
      %squeeze3A_1236 = vector.extract %slice3A_1235[0] : f32 from vector<1xf32>
      %mul3A_1237 = vector.broadcast %squeeze3A_1236 : f32 to vector<16xf32>
      %mul3A_1238 = arith.mulf %get3A_1070, %mul3A_1237 : vector<16xf32>
      %add3A_1239 = arith.addf %add3A_1231, %mul3A_1238 : vector<16xf32>
      %mul3A_1240 = vector.broadcast %squeeze3A_1236 : f32 to vector<16xf32>
      %mul3A_1241 = arith.mulf %get3A_1073, %mul3A_1240 : vector<16xf32>
      %add3A_1242 = arith.addf %add3A_1234, %mul3A_1241 : vector<16xf32>
      %slice3A_1243 = vector.extract_strided_slice %mul3A_1210 {offsets = [4], sizes = [1], strides = [1]} : vector<16xf32> to vector<1xf32>
      %squeeze3A_1244 = vector.extract %slice3A_1243[0] : f32 from vector<1xf32>
      %mul3A_1245 = vector.broadcast %squeeze3A_1244 : f32 to vector<16xf32>
      %mul3A_1246 = arith.mulf %get3A_1094, %mul3A_1245 : vector<16xf32>
      %add3A_1247 = arith.addf %add3A_1239, %mul3A_1246 : vector<16xf32>
      %mul3A_1248 = vector.broadcast %squeeze3A_1244 : f32 to vector<16xf32>
      %mul3A_1249 = arith.mulf %get3A_1097, %mul3A_1248 : vector<16xf32>
      %add3A_1250 = arith.addf %add3A_1242, %mul3A_1249 : vector<16xf32>
      %slice3A_1251 = vector.extract_strided_slice %mul3A_1210 {offsets = [5], sizes = [1], strides = [1]} : vector<16xf32> to vector<1xf32>
      %squeeze3A_1252 = vector.extract %slice3A_1251[0] : f32 from vector<1xf32>
      %mul3A_1253 = vector.broadcast %squeeze3A_1252 : f32 to vector<16xf32>
      %mul3A_1254 = arith.mulf %get3A_1118, %mul3A_1253 : vector<16xf32>
      %add3A_1255 = arith.addf %add3A_1247, %mul3A_1254 : vector<16xf32>
      %mul3A_1256 = vector.broadcast %squeeze3A_1252 : f32 to vector<16xf32>
      %mul3A_1257 = arith.mulf %get3A_1121, %mul3A_1256 : vector<16xf32>
      %add3A_1258 = arith.addf %add3A_1250, %mul3A_1257 : vector<16xf32>
      %slice3A_1259 = vector.extract_strided_slice %mul3A_1210 {offsets = [6], sizes = [1], strides = [1]} : vector<16xf32> to vector<1xf32>
      %squeeze3A_1260 = vector.extract %slice3A_1259[0] : f32 from vector<1xf32>
      %mul3A_1261 = vector.broadcast %squeeze3A_1260 : f32 to vector<16xf32>
      %mul3A_1262 = arith.mulf %get3A_1142, %mul3A_1261 : vector<16xf32>
      %add3A_1263 = arith.addf %add3A_1255, %mul3A_1262 : vector<16xf32>
      %mul3A_1264 = vector.broadcast %squeeze3A_1260 : f32 to vector<16xf32>
      %mul3A_1265 = arith.mulf %get3A_1145, %mul3A_1264 : vector<16xf32>
      %add3A_1266 = arith.addf %add3A_1258, %mul3A_1265 : vector<16xf32>
      %slice3A_1267 = vector.extract_strided_slice %mul3A_1210 {offsets = [7], sizes = [1], strides = [1]} : vector<16xf32> to vector<1xf32>
      %squeeze3A_1268 = vector.extract %slice3A_1267[0] : f32 from vector<1xf32>
      %mul3A_1269 = vector.broadcast %squeeze3A_1268 : f32 to vector<16xf32>
      %mul3A_1270 = arith.mulf %get3A_1166, %mul3A_1269 : vector<16xf32>
      %add3A_1271 = arith.addf %add3A_1263, %mul3A_1270 : vector<16xf32>
      %mul3A_1272 = vector.broadcast %squeeze3A_1268 : f32 to vector<16xf32>
      %mul3A_1273 = arith.mulf %get3A_1169, %mul3A_1272 : vector<16xf32>
      %add3A_1274 = arith.addf %add3A_1266, %mul3A_1273 : vector<16xf32>
      %broadcast_in_dim3A_1275 = arith.constant 1.000000e+00 : f32
      %broadcast_in_dim3A_1276 = vector.broadcast %broadcast_in_dim3A_1275 : f32 to vector<16xf32>
      %add3A_1277 = arith.constant 0 : i32
      %add3A_1278 = arith.addi %mul3A_131, %add3A_1277 : i32
      %add3A_1279 = arith.constant 32 : i32
      %add3A_1280 = arith.addi %add3A_1278, %add3A_1279 : i32
      %add3A_1281 = arith.constant 0 : i32
      %add3A_1282 = arith.addi %add3A_1280, %add3A_1281 : i32
      %get3A_1283 = arith.index_cast %add3A_1282 : i32 to index
      %get3A_1284 = arith.constant 0 : index
      %get3A_1285 = tpu.vector_load %arg6[%get3A_1283, %get3A_1284] {strides = array<i32>} : memref<800x32xf32, #tpu.memory_space<vmem>>, vector<16xf32>,
      %get3A_1286 = arith.index_cast %add3A_1282 : i32 to index
      %get3A_1287 = arith.constant 16 : index
      %get3A_1288 = tpu.vector_load %arg6[%get3A_1286, %get3A_1287] {strides = array<i32>} : memref<800x32xf32, #tpu.memory_space<vmem>>, vector<16xf32>,
      %mul3A_1289 = arith.mulf %get3A_1285, %get3A_1285 : vector<16xf32>
      %mul3A_1290 = arith.mulf %get3A_1288, %get3A_1288 : vector<16xf32>
      %add3A_1291 = arith.addf %mul3A_1289, %mul3A_1290 : vector<16xf32>
      %reduce_sum3A_1292 = arith.constant true
      %reduce_sum3A_1293 = vector.broadcast %reduce_sum3A_1292 : i1 to vector<16xi1>
      %reduce_sum3A_1294 = tpu.scan <sum>, %add3A_1291 masked %reduce_sum3A_1293 : vector<16xf32>, vector<16xi1> -> vector<16xf32>
      %reduce_sum3A_1295 = vector.extract %reduce_sum3A_1294[15] : f32 from vector<16xf32>
      %eq3A_1296 = arith.constant 0 : i32
      %eq3A_1297 = vector.broadcast %eq3A_1296 : i32 to vector<16xi32>
      %eq3A_1298 = arith.cmpi eq, %iota3A, %eq3A_1297 : vector<16xi32>
      %broadcast_in_dim3A_1299 = vector.broadcast %reduce_sum3A_1295 : f32 to vector<16xf32>
      %select_n3A_1300 = arith.select %eq3A_1298, %broadcast_in_dim3A_1299, %broadcast_in_dim3A_1276 : vector<16xi1>, vector<16xf32>
      %add3A_1301 = arith.constant 0 : i32
      %add3A_1302 = arith.addi %mul3A_131, %add3A_1301 : i32
      %add3A_1303 = arith.constant 32 : i32
      %add3A_1304 = arith.addi %add3A_1302, %add3A_1303 : i32
      %add3A_1305 = arith.constant 1 : i32
      %add3A_1306 = arith.addi %add3A_1304, %add3A_1305 : i32
      %get3A_1307 = arith.index_cast %add3A_1306 : i32 to index
      %get3A_1308 = arith.constant 0 : index
      %get3A_1309 = tpu.vector_load %arg6[%get3A_1307, %get3A_1308] {strides = array<i32>} : memref<800x32xf32, #tpu.memory_space<vmem>>, vector<16xf32>,
      %get3A_1310 = arith.index_cast %add3A_1306 : i32 to index
      %get3A_1311 = arith.constant 16 : index
      %get3A_1312 = tpu.vector_load %arg6[%get3A_1310, %get3A_1311] {strides = array<i32>} : memref<800x32xf32, #tpu.memory_space<vmem>>, vector<16xf32>,
      %mul3A_1313 = arith.mulf %get3A_1309, %get3A_1309 : vector<16xf32>
      %mul3A_1314 = arith.mulf %get3A_1312, %get3A_1312 : vector<16xf32>
      %add3A_1315 = arith.addf %mul3A_1313, %mul3A_1314 : vector<16xf32>
      %reduce_sum3A_1316 = arith.constant true
      %reduce_sum3A_1317 = vector.broadcast %reduce_sum3A_1316 : i1 to vector<16xi1>
      %reduce_sum3A_1318 = tpu.scan <sum>, %add3A_1315 masked %reduce_sum3A_1317 : vector<16xf32>, vector<16xi1> -> vector<16xf32>
      %reduce_sum3A_1319 = vector.extract %reduce_sum3A_1318[15] : f32 from vector<16xf32>
      %eq3A_1320 = arith.constant 1 : i32
      %eq3A_1321 = vector.broadcast %eq3A_1320 : i32 to vector<16xi32>
      %eq3A_1322 = arith.cmpi eq, %iota3A, %eq3A_1321 : vector<16xi32>
      %broadcast_in_dim3A_1323 = vector.broadcast %reduce_sum3A_1319 : f32 to vector<16xf32>
      %select_n3A_1324 = arith.select %eq3A_1322, %broadcast_in_dim3A_1323, %select_n3A_1300 : vector<16xi1>, vector<16xf32>
      %add3A_1325 = arith.constant 0 : i32
      %add3A_1326 = arith.addi %mul3A_131, %add3A_1325 : i32
      %add3A_1327 = arith.constant 32 : i32
      %add3A_1328 = arith.addi %add3A_1326, %add3A_1327 : i32
      %add3A_1329 = arith.constant 2 : i32
      %add3A_1330 = arith.addi %add3A_1328, %add3A_1329 : i32
      %get3A_1331 = arith.index_cast %add3A_1330 : i32 to index
      %get3A_1332 = arith.constant 0 : index
      %get3A_1333 = tpu.vector_load %arg6[%get3A_1331, %get3A_1332] {strides = array<i32>} : memref<800x32xf32, #tpu.memory_space<vmem>>, vector<16xf32>,
      %get3A_1334 = arith.index_cast %add3A_1330 : i32 to index
      %get3A_1335 = arith.constant 16 : index
      %get3A_1336 = tpu.vector_load %arg6[%get3A_1334, %get3A_1335] {strides = array<i32>} : memref<800x32xf32, #tpu.memory_space<vmem>>, vector<16xf32>,
      %mul3A_1337 = arith.mulf %get3A_1333, %get3A_1333 : vector<16xf32>
      %mul3A_1338 = arith.mulf %get3A_1336, %get3A_1336 : vector<16xf32>
      %add3A_1339 = arith.addf %mul3A_1337, %mul3A_1338 : vector<16xf32>
      %reduce_sum3A_1340 = arith.constant true
      %reduce_sum3A_1341 = vector.broadcast %reduce_sum3A_1340 : i1 to vector<16xi1>
      %reduce_sum3A_1342 = tpu.scan <sum>, %add3A_1339 masked %reduce_sum3A_1341 : vector<16xf32>, vector<16xi1> -> vector<16xf32>
      %reduce_sum3A_1343 = vector.extract %reduce_sum3A_1342[15] : f32 from vector<16xf32>
      %eq3A_1344 = arith.constant 2 : i32
      %eq3A_1345 = vector.broadcast %eq3A_1344 : i32 to vector<16xi32>
      %eq3A_1346 = arith.cmpi eq, %iota3A, %eq3A_1345 : vector<16xi32>
      %broadcast_in_dim3A_1347 = vector.broadcast %reduce_sum3A_1343 : f32 to vector<16xf32>
      %select_n3A_1348 = arith.select %eq3A_1346, %broadcast_in_dim3A_1347, %select_n3A_1324 : vector<16xi1>, vector<16xf32>
      %add3A_1349 = arith.constant 0 : i32
      %add3A_1350 = arith.addi %mul3A_131, %add3A_1349 : i32
      %add3A_1351 = arith.constant 32 : i32
      %add3A_1352 = arith.addi %add3A_1350, %add3A_1351 : i32
      %add3A_1353 = arith.constant 3 : i32
      %add3A_1354 = arith.addi %add3A_1352, %add3A_1353 : i32
      %get3A_1355 = arith.index_cast %add3A_1354 : i32 to index
      %get3A_1356 = arith.constant 0 : index
      %get3A_1357 = tpu.vector_load %arg6[%get3A_1355, %get3A_1356] {strides = array<i32>} : memref<800x32xf32, #tpu.memory_space<vmem>>, vector<16xf32>,
      %get3A_1358 = arith.index_cast %add3A_1354 : i32 to index
      %get3A_1359 = arith.constant 16 : index
      %get3A_1360 = tpu.vector_load %arg6[%get3A_1358, %get3A_1359] {strides = array<i32>} : memref<800x32xf32, #tpu.memory_space<vmem>>, vector<16xf32>,
      %mul3A_1361 = arith.mulf %get3A_1357, %get3A_1357 : vector<16xf32>
      %mul3A_1362 = arith.mulf %get3A_1360, %get3A_1360 : vector<16xf32>
      %add3A_1363 = arith.addf %mul3A_1361, %mul3A_1362 : vector<16xf32>
      %reduce_sum3A_1364 = arith.constant true
      %reduce_sum3A_1365 = vector.broadcast %reduce_sum3A_1364 : i1 to vector<16xi1>
      %reduce_sum3A_1366 = tpu.scan <sum>, %add3A_1363 masked %reduce_sum3A_1365 : vector<16xf32>, vector<16xi1> -> vector<16xf32>
      %reduce_sum3A_1367 = vector.extract %reduce_sum3A_1366[15] : f32 from vector<16xf32>
      %eq3A_1368 = arith.constant 3 : i32
      %eq3A_1369 = vector.broadcast %eq3A_1368 : i32 to vector<16xi32>
      %eq3A_1370 = arith.cmpi eq, %iota3A, %eq3A_1369 : vector<16xi32>
      %broadcast_in_dim3A_1371 = vector.broadcast %reduce_sum3A_1367 : f32 to vector<16xf32>
      %select_n3A_1372 = arith.select %eq3A_1370, %broadcast_in_dim3A_1371, %select_n3A_1348 : vector<16xi1>, vector<16xf32>
      %add3A_1373 = arith.constant 0 : i32
      %add3A_1374 = arith.addi %mul3A_131, %add3A_1373 : i32
      %add3A_1375 = arith.constant 32 : i32
      %add3A_1376 = arith.addi %add3A_1374, %add3A_1375 : i32
      %add3A_1377 = arith.constant 4 : i32
      %add3A_1378 = arith.addi %add3A_1376, %add3A_1377 : i32
      %get3A_1379 = arith.index_cast %add3A_1378 : i32 to index
      %get3A_1380 = arith.constant 0 : index
      %get3A_1381 = tpu.vector_load %arg6[%get3A_1379, %get3A_1380] {strides = array<i32>} : memref<800x32xf32, #tpu.memory_space<vmem>>, vector<16xf32>,
      %get3A_1382 = arith.index_cast %add3A_1378 : i32 to index
      %get3A_1383 = arith.constant 16 : index
      %get3A_1384 = tpu.vector_load %arg6[%get3A_1382, %get3A_1383] {strides = array<i32>} : memref<800x32xf32, #tpu.memory_space<vmem>>, vector<16xf32>,
      %mul3A_1385 = arith.mulf %get3A_1381, %get3A_1381 : vector<16xf32>
      %mul3A_1386 = arith.mulf %get3A_1384, %get3A_1384 : vector<16xf32>
      %add3A_1387 = arith.addf %mul3A_1385, %mul3A_1386 : vector<16xf32>
      %reduce_sum3A_1388 = arith.constant true
      %reduce_sum3A_1389 = vector.broadcast %reduce_sum3A_1388 : i1 to vector<16xi1>
      %reduce_sum3A_1390 = tpu.scan <sum>, %add3A_1387 masked %reduce_sum3A_1389 : vector<16xf32>, vector<16xi1> -> vector<16xf32>
      %reduce_sum3A_1391 = vector.extract %reduce_sum3A_1390[15] : f32 from vector<16xf32>
      %eq3A_1392 = arith.constant 4 : i32
      %eq3A_1393 = vector.broadcast %eq3A_1392 : i32 to vector<16xi32>
      %eq3A_1394 = arith.cmpi eq, %iota3A, %eq3A_1393 : vector<16xi32>
      %broadcast_in_dim3A_1395 = vector.broadcast %reduce_sum3A_1391 : f32 to vector<16xf32>
      %select_n3A_1396 = arith.select %eq3A_1394, %broadcast_in_dim3A_1395, %select_n3A_1372 : vector<16xi1>, vector<16xf32>
      %add3A_1397 = arith.constant 0 : i32
      %add3A_1398 = arith.addi %mul3A_131, %add3A_1397 : i32
      %add3A_1399 = arith.constant 32 : i32
      %add3A_1400 = arith.addi %add3A_1398, %add3A_1399 : i32
      %add3A_1401 = arith.constant 5 : i32
      %add3A_1402 = arith.addi %add3A_1400, %add3A_1401 : i32
      %get3A_1403 = arith.index_cast %add3A_1402 : i32 to index
      %get3A_1404 = arith.constant 0 : index
      %get3A_1405 = tpu.vector_load %arg6[%get3A_1403, %get3A_1404] {strides = array<i32>} : memref<800x32xf32, #tpu.memory_space<vmem>>, vector<16xf32>,
      %get3A_1406 = arith.index_cast %add3A_1402 : i32 to index
      %get3A_1407 = arith.constant 16 : index
      %get3A_1408 = tpu.vector_load %arg6[%get3A_1406, %get3A_1407] {strides = array<i32>} : memref<800x32xf32, #tpu.memory_space<vmem>>, vector<16xf32>,
      %mul3A_1409 = arith.mulf %get3A_1405, %get3A_1405 : vector<16xf32>
      %mul3A_1410 = arith.mulf %get3A_1408, %get3A_1408 : vector<16xf32>
      %add3A_1411 = arith.addf %mul3A_1409, %mul3A_1410 : vector<16xf32>
      %reduce_sum3A_1412 = arith.constant true
      %reduce_sum3A_1413 = vector.broadcast %reduce_sum3A_1412 : i1 to vector<16xi1>
      %reduce_sum3A_1414 = tpu.scan <sum>, %add3A_1411 masked %reduce_sum3A_1413 : vector<16xf32>, vector<16xi1> -> vector<16xf32>
      %reduce_sum3A_1415 = vector.extract %reduce_sum3A_1414[15] : f32 from vector<16xf32>
      %eq3A_1416 = arith.constant 5 : i32
      %eq3A_1417 = vector.broadcast %eq3A_1416 : i32 to vector<16xi32>
      %eq3A_1418 = arith.cmpi eq, %iota3A, %eq3A_1417 : vector<16xi32>
      %broadcast_in_dim3A_1419 = vector.broadcast %reduce_sum3A_1415 : f32 to vector<16xf32>
      %select_n3A_1420 = arith.select %eq3A_1418, %broadcast_in_dim3A_1419, %select_n3A_1396 : vector<16xi1>, vector<16xf32>
      %add3A_1421 = arith.constant 0 : i32
      %add3A_1422 = arith.addi %mul3A_131, %add3A_1421 : i32
      %add3A_1423 = arith.constant 32 : i32
      %add3A_1424 = arith.addi %add3A_1422, %add3A_1423 : i32
      %add3A_1425 = arith.constant 6 : i32
      %add3A_1426 = arith.addi %add3A_1424, %add3A_1425 : i32
      %get3A_1427 = arith.index_cast %add3A_1426 : i32 to index
      %get3A_1428 = arith.constant 0 : index
      %get3A_1429 = tpu.vector_load %arg6[%get3A_1427, %get3A_1428] {strides = array<i32>} : memref<800x32xf32, #tpu.memory_space<vmem>>, vector<16xf32>,
      %get3A_1430 = arith.index_cast %add3A_1426 : i32 to index
      %get3A_1431 = arith.constant 16 : index
      %get3A_1432 = tpu.vector_load %arg6[%get3A_1430, %get3A_1431] {strides = array<i32>} : memref<800x32xf32, #tpu.memory_space<vmem>>, vector<16xf32>,
      %mul3A_1433 = arith.mulf %get3A_1429, %get3A_1429 : vector<16xf32>
      %mul3A_1434 = arith.mulf %get3A_1432, %get3A_1432 : vector<16xf32>
      %add3A_1435 = arith.addf %mul3A_1433, %mul3A_1434 : vector<16xf32>
      %reduce_sum3A_1436 = arith.constant true
      %reduce_sum3A_1437 = vector.broadcast %reduce_sum3A_1436 : i1 to vector<16xi1>
      %reduce_sum3A_1438 = tpu.scan <sum>, %add3A_1435 masked %reduce_sum3A_1437 : vector<16xf32>, vector<16xi1> -> vector<16xf32>
      %reduce_sum3A_1439 = vector.extract %reduce_sum3A_1438[15] : f32 from vector<16xf32>
      %eq3A_1440 = arith.constant 6 : i32
      %eq3A_1441 = vector.broadcast %eq3A_1440 : i32 to vector<16xi32>
      %eq3A_1442 = arith.cmpi eq, %iota3A, %eq3A_1441 : vector<16xi32>
      %broadcast_in_dim3A_1443 = vector.broadcast %reduce_sum3A_1439 : f32 to vector<16xf32>
      %select_n3A_1444 = arith.select %eq3A_1442, %broadcast_in_dim3A_1443, %select_n3A_1420 : vector<16xi1>, vector<16xf32>
      %add3A_1445 = arith.constant 0 : i32
      %add3A_1446 = arith.addi %mul3A_131, %add3A_1445 : i32
      %add3A_1447 = arith.constant 32 : i32
      %add3A_1448 = arith.addi %add3A_1446, %add3A_1447 : i32
      %add3A_1449 = arith.constant 7 : i32
      %add3A_1450 = arith.addi %add3A_1448, %add3A_1449 : i32
      %get3A_1451 = arith.index_cast %add3A_1450 : i32 to index
      %get3A_1452 = arith.constant 0 : index
      %get3A_1453 = tpu.vector_load %arg6[%get3A_1451, %get3A_1452] {strides = array<i32>} : memref<800x32xf32, #tpu.memory_space<vmem>>, vector<16xf32>,
      %get3A_1454 = arith.index_cast %add3A_1450 : i32 to index
      %get3A_1455 = arith.constant 16 : index
      %get3A_1456 = tpu.vector_load %arg6[%get3A_1454, %get3A_1455] {strides = array<i32>} : memref<800x32xf32, #tpu.memory_space<vmem>>, vector<16xf32>,
      %mul3A_1457 = arith.mulf %get3A_1453, %get3A_1453 : vector<16xf32>
      %mul3A_1458 = arith.mulf %get3A_1456, %get3A_1456 : vector<16xf32>
      %add3A_1459 = arith.addf %mul3A_1457, %mul3A_1458 : vector<16xf32>
      %reduce_sum3A_1460 = arith.constant true
      %reduce_sum3A_1461 = vector.broadcast %reduce_sum3A_1460 : i1 to vector<16xi1>
      %reduce_sum3A_1462 = tpu.scan <sum>, %add3A_1459 masked %reduce_sum3A_1461 : vector<16xf32>, vector<16xi1> -> vector<16xf32>
      %reduce_sum3A_1463 = vector.extract %reduce_sum3A_1462[15] : f32 from vector<16xf32>
      %eq3A_1464 = arith.constant 7 : i32
      %eq3A_1465 = vector.broadcast %eq3A_1464 : i32 to vector<16xi32>
      %eq3A_1466 = arith.cmpi eq, %iota3A, %eq3A_1465 : vector<16xi32>
      %broadcast_in_dim3A_1467 = vector.broadcast %reduce_sum3A_1463 : f32 to vector<16xf32>
      %select_n3A_1468 = arith.select %eq3A_1466, %broadcast_in_dim3A_1467, %select_n3A_1444 : vector<16xi1>, vector<16xf32>
      %bitcast_convert_type3A_1469 = tpu.bitcast %select_n3A_1468 : vector<16xf32> -> vector<16xi32>
      %shift_right_arithmetic3A_1470 = arith.constant 1 : i32
      %shift_right_arithmetic3A_1471 = vector.broadcast %shift_right_arithmetic3A_1470 : i32 to vector<16xi32>
      %shift_right_arithmetic3A_1472 = arith.shrsi %bitcast_convert_type3A_1469, %shift_right_arithmetic3A_1471 : vector<16xi32>
      %sub3A_1473 = arith.constant 1597463007 : i32
      %sub3A_1474 = vector.broadcast %sub3A_1473 : i32 to vector<16xi32>
      %sub3A_1475 = arith.subi %sub3A_1474, %shift_right_arithmetic3A_1472 : vector<16xi32>
      %bitcast_convert_type3A_1476 = tpu.bitcast %sub3A_1475 : vector<16xi32> -> vector<16xf32>
      %mul3A_1477 = arith.constant 5.000000e-01 : f32
      %mul3A_1478 = vector.broadcast %mul3A_1477 : f32 to vector<16xf32>
      %mul3A_1479 = arith.mulf %select_n3A_1468, %mul3A_1478 : vector<16xf32>
      %mul3A_1480 = arith.mulf %mul3A_1479, %bitcast_convert_type3A_1476 : vector<16xf32>
      %mul3A_1481 = arith.mulf %mul3A_1480, %bitcast_convert_type3A_1476 : vector<16xf32>
      %sub3A_1482 = arith.constant 1.500000e+00 : f32
      %sub3A_1483 = vector.broadcast %sub3A_1482 : f32 to vector<16xf32>
      %sub3A_1484 = arith.subf %sub3A_1483, %mul3A_1481 : vector<16xf32>
      %mul3A_1485 = arith.mulf %bitcast_convert_type3A_1476, %sub3A_1484 : vector<16xf32>
      %mul3A_1486 = arith.mulf %mul3A_1479, %mul3A_1485 : vector<16xf32>
      %mul3A_1487 = arith.mulf %mul3A_1486, %mul3A_1485 : vector<16xf32>
      %sub3A_1488 = arith.constant 1.500000e+00 : f32
      %sub3A_1489 = vector.broadcast %sub3A_1488 : f32 to vector<16xf32>
      %sub3A_1490 = arith.subf %sub3A_1489, %mul3A_1487 : vector<16xf32>
      %mul3A_1491 = arith.mulf %mul3A_1485, %sub3A_1490 : vector<16xf32>
      %mul3A_1492 = arith.mulf %mul3A_1479, %mul3A_1491 : vector<16xf32>
      %mul3A_1493 = arith.mulf %mul3A_1492, %mul3A_1491 : vector<16xf32>
      %sub3A_1494 = arith.constant 1.500000e+00 : f32
      %sub3A_1495 = vector.broadcast %sub3A_1494 : f32 to vector<16xf32>
      %sub3A_1496 = arith.subf %sub3A_1495, %mul3A_1493 : vector<16xf32>
      %mul3A_1497 = arith.mulf %mul3A_1491, %sub3A_1496 : vector<16xf32>
      %slice3A_1498 = vector.extract_strided_slice %mul3A_1497 {offsets = [0], sizes = [1], strides = [1]} : vector<16xf32> to vector<1xf32>
      %squeeze3A_1499 = vector.extract %slice3A_1498[0] : f32 from vector<1xf32>
      %mul3A_1500 = vector.broadcast %squeeze3A_1499 : f32 to vector<16xf32>
      %mul3A_1501 = arith.mulf %get3A_1285, %mul3A_1500 : vector<16xf32>
      %add3A_1502 = arith.addf %add3A_1271, %mul3A_1501 : vector<16xf32>
      %mul3A_1503 = vector.broadcast %squeeze3A_1499 : f32 to vector<16xf32>
      %mul3A_1504 = arith.mulf %get3A_1288, %mul3A_1503 : vector<16xf32>
      %add3A_1505 = arith.addf %add3A_1274, %mul3A_1504 : vector<16xf32>
      %slice3A_1506 = vector.extract_strided_slice %mul3A_1497 {offsets = [1], sizes = [1], strides = [1]} : vector<16xf32> to vector<1xf32>
      %squeeze3A_1507 = vector.extract %slice3A_1506[0] : f32 from vector<1xf32>
      %mul3A_1508 = vector.broadcast %squeeze3A_1507 : f32 to vector<16xf32>
      %mul3A_1509 = arith.mulf %get3A_1309, %mul3A_1508 : vector<16xf32>
      %add3A_1510 = arith.addf %add3A_1502, %mul3A_1509 : vector<16xf32>
      %mul3A_1511 = vector.broadcast %squeeze3A_1507 : f32 to vector<16xf32>
      %mul3A_1512 = arith.mulf %get3A_1312, %mul3A_1511 : vector<16xf32>
      %add3A_1513 = arith.addf %add3A_1505, %mul3A_1512 : vector<16xf32>
      %slice3A_1514 = vector.extract_strided_slice %mul3A_1497 {offsets = [2], sizes = [1], strides = [1]} : vector<16xf32> to vector<1xf32>
      %squeeze3A_1515 = vector.extract %slice3A_1514[0] : f32 from vector<1xf32>
      %mul3A_1516 = vector.broadcast %squeeze3A_1515 : f32 to vector<16xf32>
      %mul3A_1517 = arith.mulf %get3A_1333, %mul3A_1516 : vector<16xf32>
      %add3A_1518 = arith.addf %add3A_1510, %mul3A_1517 : vector<16xf32>
      %mul3A_1519 = vector.broadcast %squeeze3A_1515 : f32 to vector<16xf32>
      %mul3A_1520 = arith.mulf %get3A_1336, %mul3A_1519 : vector<16xf32>
      %add3A_1521 = arith.addf %add3A_1513, %mul3A_1520 : vector<16xf32>
      %slice3A_1522 = vector.extract_strided_slice %mul3A_1497 {offsets = [3], sizes = [1], strides = [1]} : vector<16xf32> to vector<1xf32>
      %squeeze3A_1523 = vector.extract %slice3A_1522[0] : f32 from vector<1xf32>
      %mul3A_1524 = vector.broadcast %squeeze3A_1523 : f32 to vector<16xf32>
      %mul3A_1525 = arith.mulf %get3A_1357, %mul3A_1524 : vector<16xf32>
      %add3A_1526 = arith.addf %add3A_1518, %mul3A_1525 : vector<16xf32>
      %mul3A_1527 = vector.broadcast %squeeze3A_1523 : f32 to vector<16xf32>
      %mul3A_1528 = arith.mulf %get3A_1360, %mul3A_1527 : vector<16xf32>
      %add3A_1529 = arith.addf %add3A_1521, %mul3A_1528 : vector<16xf32>
      %slice3A_1530 = vector.extract_strided_slice %mul3A_1497 {offsets = [4], sizes = [1], strides = [1]} : vector<16xf32> to vector<1xf32>
      %squeeze3A_1531 = vector.extract %slice3A_1530[0] : f32 from vector<1xf32>
      %mul3A_1532 = vector.broadcast %squeeze3A_1531 : f32 to vector<16xf32>
      %mul3A_1533 = arith.mulf %get3A_1381, %mul3A_1532 : vector<16xf32>
      %add3A_1534 = arith.addf %add3A_1526, %mul3A_1533 : vector<16xf32>
      %mul3A_1535 = vector.broadcast %squeeze3A_1531 : f32 to vector<16xf32>
      %mul3A_1536 = arith.mulf %get3A_1384, %mul3A_1535 : vector<16xf32>
      %add3A_1537 = arith.addf %add3A_1529, %mul3A_1536 : vector<16xf32>
      %slice3A_1538 = vector.extract_strided_slice %mul3A_1497 {offsets = [5], sizes = [1], strides = [1]} : vector<16xf32> to vector<1xf32>
      %squeeze3A_1539 = vector.extract %slice3A_1538[0] : f32 from vector<1xf32>
      %mul3A_1540 = vector.broadcast %squeeze3A_1539 : f32 to vector<16xf32>
      %mul3A_1541 = arith.mulf %get3A_1405, %mul3A_1540 : vector<16xf32>
      %add3A_1542 = arith.addf %add3A_1534, %mul3A_1541 : vector<16xf32>
      %mul3A_1543 = vector.broadcast %squeeze3A_1539 : f32 to vector<16xf32>
      %mul3A_1544 = arith.mulf %get3A_1408, %mul3A_1543 : vector<16xf32>
      %add3A_1545 = arith.addf %add3A_1537, %mul3A_1544 : vector<16xf32>
      %slice3A_1546 = vector.extract_strided_slice %mul3A_1497 {offsets = [6], sizes = [1], strides = [1]} : vector<16xf32> to vector<1xf32>
      %squeeze3A_1547 = vector.extract %slice3A_1546[0] : f32 from vector<1xf32>
      %mul3A_1548 = vector.broadcast %squeeze3A_1547 : f32 to vector<16xf32>
      %mul3A_1549 = arith.mulf %get3A_1429, %mul3A_1548 : vector<16xf32>
      %add3A_1550 = arith.addf %add3A_1542, %mul3A_1549 : vector<16xf32>
      %mul3A_1551 = vector.broadcast %squeeze3A_1547 : f32 to vector<16xf32>
      %mul3A_1552 = arith.mulf %get3A_1432, %mul3A_1551 : vector<16xf32>
      %add3A_1553 = arith.addf %add3A_1545, %mul3A_1552 : vector<16xf32>
      %slice3A_1554 = vector.extract_strided_slice %mul3A_1497 {offsets = [7], sizes = [1], strides = [1]} : vector<16xf32> to vector<1xf32>
      %squeeze3A_1555 = vector.extract %slice3A_1554[0] : f32 from vector<1xf32>
      %mul3A_1556 = vector.broadcast %squeeze3A_1555 : f32 to vector<16xf32>
      %mul3A_1557 = arith.mulf %get3A_1453, %mul3A_1556 : vector<16xf32>
      %add3A_1558 = arith.addf %add3A_1550, %mul3A_1557 : vector<16xf32>
      %mul3A_1559 = vector.broadcast %squeeze3A_1555 : f32 to vector<16xf32>
      %mul3A_1560 = arith.mulf %get3A_1456, %mul3A_1559 : vector<16xf32>
      %add3A_1561 = arith.addf %add3A_1553, %mul3A_1560 : vector<16xf32>
      %broadcast_in_dim3A_1562 = arith.constant 1.000000e+00 : f32
      %broadcast_in_dim3A_1563 = vector.broadcast %broadcast_in_dim3A_1562 : f32 to vector<16xf32>
      %add3A_1564 = arith.constant 0 : i32
      %add3A_1565 = arith.addi %mul3A_131, %add3A_1564 : i32
      %add3A_1566 = arith.constant 40 : i32
      %add3A_1567 = arith.addi %add3A_1565, %add3A_1566 : i32
      %add3A_1568 = arith.constant 0 : i32
      %add3A_1569 = arith.addi %add3A_1567, %add3A_1568 : i32
      %get3A_1570 = arith.index_cast %add3A_1569 : i32 to index
      %get3A_1571 = arith.constant 0 : index
      %get3A_1572 = tpu.vector_load %arg6[%get3A_1570, %get3A_1571] {strides = array<i32>} : memref<800x32xf32, #tpu.memory_space<vmem>>, vector<16xf32>,
      %get3A_1573 = arith.index_cast %add3A_1569 : i32 to index
      %get3A_1574 = arith.constant 16 : index
      %get3A_1575 = tpu.vector_load %arg6[%get3A_1573, %get3A_1574] {strides = array<i32>} : memref<800x32xf32, #tpu.memory_space<vmem>>, vector<16xf32>,
      %mul3A_1576 = arith.mulf %get3A_1572, %get3A_1572 : vector<16xf32>
      %mul3A_1577 = arith.mulf %get3A_1575, %get3A_1575 : vector<16xf32>
      %add3A_1578 = arith.addf %mul3A_1576, %mul3A_1577 : vector<16xf32>
      %reduce_sum3A_1579 = arith.constant true
      %reduce_sum3A_1580 = vector.broadcast %reduce_sum3A_1579 : i1 to vector<16xi1>
      %reduce_sum3A_1581 = tpu.scan <sum>, %add3A_1578 masked %reduce_sum3A_1580 : vector<16xf32>, vector<16xi1> -> vector<16xf32>
      %reduce_sum3A_1582 = vector.extract %reduce_sum3A_1581[15] : f32 from vector<16xf32>
      %eq3A_1583 = arith.constant 0 : i32
      %eq3A_1584 = vector.broadcast %eq3A_1583 : i32 to vector<16xi32>
      %eq3A_1585 = arith.cmpi eq, %iota3A, %eq3A_1584 : vector<16xi32>
      %broadcast_in_dim3A_1586 = vector.broadcast %reduce_sum3A_1582 : f32 to vector<16xf32>
      %select_n3A_1587 = arith.select %eq3A_1585, %broadcast_in_dim3A_1586, %broadcast_in_dim3A_1563 : vector<16xi1>, vector<16xf32>
      %add3A_1588 = arith.constant 0 : i32
      %add3A_1589 = arith.addi %mul3A_131, %add3A_1588 : i32
      %add3A_1590 = arith.constant 40 : i32
      %add3A_1591 = arith.addi %add3A_1589, %add3A_1590 : i32
      %add3A_1592 = arith.constant 1 : i32
      %add3A_1593 = arith.addi %add3A_1591, %add3A_1592 : i32
      %get3A_1594 = arith.index_cast %add3A_1593 : i32 to index
      %get3A_1595 = arith.constant 0 : index
      %get3A_1596 = tpu.vector_load %arg6[%get3A_1594, %get3A_1595] {strides = array<i32>} : memref<800x32xf32, #tpu.memory_space<vmem>>, vector<16xf32>,
      %get3A_1597 = arith.index_cast %add3A_1593 : i32 to index
      %get3A_1598 = arith.constant 16 : index
      %get3A_1599 = tpu.vector_load %arg6[%get3A_1597, %get3A_1598] {strides = array<i32>} : memref<800x32xf32, #tpu.memory_space<vmem>>, vector<16xf32>,
      %mul3A_1600 = arith.mulf %get3A_1596, %get3A_1596 : vector<16xf32>
      %mul3A_1601 = arith.mulf %get3A_1599, %get3A_1599 : vector<16xf32>
      %add3A_1602 = arith.addf %mul3A_1600, %mul3A_1601 : vector<16xf32>
      %reduce_sum3A_1603 = arith.constant true
      %reduce_sum3A_1604 = vector.broadcast %reduce_sum3A_1603 : i1 to vector<16xi1>
      %reduce_sum3A_1605 = tpu.scan <sum>, %add3A_1602 masked %reduce_sum3A_1604 : vector<16xf32>, vector<16xi1> -> vector<16xf32>
      %reduce_sum3A_1606 = vector.extract %reduce_sum3A_1605[15] : f32 from vector<16xf32>
      %eq3A_1607 = arith.constant 1 : i32
      %eq3A_1608 = vector.broadcast %eq3A_1607 : i32 to vector<16xi32>
      %eq3A_1609 = arith.cmpi eq, %iota3A, %eq3A_1608 : vector<16xi32>
      %broadcast_in_dim3A_1610 = vector.broadcast %reduce_sum3A_1606 : f32 to vector<16xf32>
      %select_n3A_1611 = arith.select %eq3A_1609, %broadcast_in_dim3A_1610, %select_n3A_1587 : vector<16xi1>, vector<16xf32>
      %add3A_1612 = arith.constant 0 : i32
      %add3A_1613 = arith.addi %mul3A_131, %add3A_1612 : i32
      %add3A_1614 = arith.constant 40 : i32
      %add3A_1615 = arith.addi %add3A_1613, %add3A_1614 : i32
      %add3A_1616 = arith.constant 2 : i32
      %add3A_1617 = arith.addi %add3A_1615, %add3A_1616 : i32
      %get3A_1618 = arith.index_cast %add3A_1617 : i32 to index
      %get3A_1619 = arith.constant 0 : index
      %get3A_1620 = tpu.vector_load %arg6[%get3A_1618, %get3A_1619] {strides = array<i32>} : memref<800x32xf32, #tpu.memory_space<vmem>>, vector<16xf32>,
      %get3A_1621 = arith.index_cast %add3A_1617 : i32 to index
      %get3A_1622 = arith.constant 16 : index
      %get3A_1623 = tpu.vector_load %arg6[%get3A_1621, %get3A_1622] {strides = array<i32>} : memref<800x32xf32, #tpu.memory_space<vmem>>, vector<16xf32>,
      %mul3A_1624 = arith.mulf %get3A_1620, %get3A_1620 : vector<16xf32>
      %mul3A_1625 = arith.mulf %get3A_1623, %get3A_1623 : vector<16xf32>
      %add3A_1626 = arith.addf %mul3A_1624, %mul3A_1625 : vector<16xf32>
      %reduce_sum3A_1627 = arith.constant true
      %reduce_sum3A_1628 = vector.broadcast %reduce_sum3A_1627 : i1 to vector<16xi1>
      %reduce_sum3A_1629 = tpu.scan <sum>, %add3A_1626 masked %reduce_sum3A_1628 : vector<16xf32>, vector<16xi1> -> vector<16xf32>
      %reduce_sum3A_1630 = vector.extract %reduce_sum3A_1629[15] : f32 from vector<16xf32>
      %eq3A_1631 = arith.constant 2 : i32
      %eq3A_1632 = vector.broadcast %eq3A_1631 : i32 to vector<16xi32>
      %eq3A_1633 = arith.cmpi eq, %iota3A, %eq3A_1632 : vector<16xi32>
      %broadcast_in_dim3A_1634 = vector.broadcast %reduce_sum3A_1630 : f32 to vector<16xf32>
      %select_n3A_1635 = arith.select %eq3A_1633, %broadcast_in_dim3A_1634, %select_n3A_1611 : vector<16xi1>, vector<16xf32>
      %add3A_1636 = arith.constant 0 : i32
      %add3A_1637 = arith.addi %mul3A_131, %add3A_1636 : i32
      %add3A_1638 = arith.constant 40 : i32
      %add3A_1639 = arith.addi %add3A_1637, %add3A_1638 : i32
      %add3A_1640 = arith.constant 3 : i32
      %add3A_1641 = arith.addi %add3A_1639, %add3A_1640 : i32
      %get3A_1642 = arith.index_cast %add3A_1641 : i32 to index
      %get3A_1643 = arith.constant 0 : index
      %get3A_1644 = tpu.vector_load %arg6[%get3A_1642, %get3A_1643] {strides = array<i32>} : memref<800x32xf32, #tpu.memory_space<vmem>>, vector<16xf32>,
      %get3A_1645 = arith.index_cast %add3A_1641 : i32 to index
      %get3A_1646 = arith.constant 16 : index
      %get3A_1647 = tpu.vector_load %arg6[%get3A_1645, %get3A_1646] {strides = array<i32>} : memref<800x32xf32, #tpu.memory_space<vmem>>, vector<16xf32>,
      %mul3A_1648 = arith.mulf %get3A_1644, %get3A_1644 : vector<16xf32>
      %mul3A_1649 = arith.mulf %get3A_1647, %get3A_1647 : vector<16xf32>
      %add3A_1650 = arith.addf %mul3A_1648, %mul3A_1649 : vector<16xf32>
      %reduce_sum3A_1651 = arith.constant true
      %reduce_sum3A_1652 = vector.broadcast %reduce_sum3A_1651 : i1 to vector<16xi1>
      %reduce_sum3A_1653 = tpu.scan <sum>, %add3A_1650 masked %reduce_sum3A_1652 : vector<16xf32>, vector<16xi1> -> vector<16xf32>
      %reduce_sum3A_1654 = vector.extract %reduce_sum3A_1653[15] : f32 from vector<16xf32>
      %eq3A_1655 = arith.constant 3 : i32
      %eq3A_1656 = vector.broadcast %eq3A_1655 : i32 to vector<16xi32>
      %eq3A_1657 = arith.cmpi eq, %iota3A, %eq3A_1656 : vector<16xi32>
      %broadcast_in_dim3A_1658 = vector.broadcast %reduce_sum3A_1654 : f32 to vector<16xf32>
      %select_n3A_1659 = arith.select %eq3A_1657, %broadcast_in_dim3A_1658, %select_n3A_1635 : vector<16xi1>, vector<16xf32>
      %add3A_1660 = arith.constant 0 : i32
      %add3A_1661 = arith.addi %mul3A_131, %add3A_1660 : i32
      %add3A_1662 = arith.constant 40 : i32
      %add3A_1663 = arith.addi %add3A_1661, %add3A_1662 : i32
      %add3A_1664 = arith.constant 4 : i32
      %add3A_1665 = arith.addi %add3A_1663, %add3A_1664 : i32
      %get3A_1666 = arith.index_cast %add3A_1665 : i32 to index
      %get3A_1667 = arith.constant 0 : index
      %get3A_1668 = tpu.vector_load %arg6[%get3A_1666, %get3A_1667] {strides = array<i32>} : memref<800x32xf32, #tpu.memory_space<vmem>>, vector<16xf32>,
      %get3A_1669 = arith.index_cast %add3A_1665 : i32 to index
      %get3A_1670 = arith.constant 16 : index
      %get3A_1671 = tpu.vector_load %arg6[%get3A_1669, %get3A_1670] {strides = array<i32>} : memref<800x32xf32, #tpu.memory_space<vmem>>, vector<16xf32>,
      %mul3A_1672 = arith.mulf %get3A_1668, %get3A_1668 : vector<16xf32>
      %mul3A_1673 = arith.mulf %get3A_1671, %get3A_1671 : vector<16xf32>
      %add3A_1674 = arith.addf %mul3A_1672, %mul3A_1673 : vector<16xf32>
      %reduce_sum3A_1675 = arith.constant true
      %reduce_sum3A_1676 = vector.broadcast %reduce_sum3A_1675 : i1 to vector<16xi1>
      %reduce_sum3A_1677 = tpu.scan <sum>, %add3A_1674 masked %reduce_sum3A_1676 : vector<16xf32>, vector<16xi1> -> vector<16xf32>
      %reduce_sum3A_1678 = vector.extract %reduce_sum3A_1677[15] : f32 from vector<16xf32>
      %eq3A_1679 = arith.constant 4 : i32
      %eq3A_1680 = vector.broadcast %eq3A_1679 : i32 to vector<16xi32>
      %eq3A_1681 = arith.cmpi eq, %iota3A, %eq3A_1680 : vector<16xi32>
      %broadcast_in_dim3A_1682 = vector.broadcast %reduce_sum3A_1678 : f32 to vector<16xf32>
      %select_n3A_1683 = arith.select %eq3A_1681, %broadcast_in_dim3A_1682, %select_n3A_1659 : vector<16xi1>, vector<16xf32>
      %add3A_1684 = arith.constant 0 : i32
      %add3A_1685 = arith.addi %mul3A_131, %add3A_1684 : i32
      %add3A_1686 = arith.constant 40 : i32
      %add3A_1687 = arith.addi %add3A_1685, %add3A_1686 : i32
      %add3A_1688 = arith.constant 5 : i32
      %add3A_1689 = arith.addi %add3A_1687, %add3A_1688 : i32
      %get3A_1690 = arith.index_cast %add3A_1689 : i32 to index
      %get3A_1691 = arith.constant 0 : index
      %get3A_1692 = tpu.vector_load %arg6[%get3A_1690, %get3A_1691] {strides = array<i32>} : memref<800x32xf32, #tpu.memory_space<vmem>>, vector<16xf32>,
      %get3A_1693 = arith.index_cast %add3A_1689 : i32 to index
      %get3A_1694 = arith.constant 16 : index
      %get3A_1695 = tpu.vector_load %arg6[%get3A_1693, %get3A_1694] {strides = array<i32>} : memref<800x32xf32, #tpu.memory_space<vmem>>, vector<16xf32>,
      %mul3A_1696 = arith.mulf %get3A_1692, %get3A_1692 : vector<16xf32>
      %mul3A_1697 = arith.mulf %get3A_1695, %get3A_1695 : vector<16xf32>
      %add3A_1698 = arith.addf %mul3A_1696, %mul3A_1697 : vector<16xf32>
      %reduce_sum3A_1699 = arith.constant true
      %reduce_sum3A_1700 = vector.broadcast %reduce_sum3A_1699 : i1 to vector<16xi1>
      %reduce_sum3A_1701 = tpu.scan <sum>, %add3A_1698 masked %reduce_sum3A_1700 : vector<16xf32>, vector<16xi1> -> vector<16xf32>
      %reduce_sum3A_1702 = vector.extract %reduce_sum3A_1701[15] : f32 from vector<16xf32>
      %eq3A_1703 = arith.constant 5 : i32
      %eq3A_1704 = vector.broadcast %eq3A_1703 : i32 to vector<16xi32>
      %eq3A_1705 = arith.cmpi eq, %iota3A, %eq3A_1704 : vector<16xi32>
      %broadcast_in_dim3A_1706 = vector.broadcast %reduce_sum3A_1702 : f32 to vector<16xf32>
      %select_n3A_1707 = arith.select %eq3A_1705, %broadcast_in_dim3A_1706, %select_n3A_1683 : vector<16xi1>, vector<16xf32>
      %add3A_1708 = arith.constant 0 : i32
      %add3A_1709 = arith.addi %mul3A_131, %add3A_1708 : i32
      %add3A_1710 = arith.constant 40 : i32
      %add3A_1711 = arith.addi %add3A_1709, %add3A_1710 : i32
      %add3A_1712 = arith.constant 6 : i32
      %add3A_1713 = arith.addi %add3A_1711, %add3A_1712 : i32
      %get3A_1714 = arith.index_cast %add3A_1713 : i32 to index
      %get3A_1715 = arith.constant 0 : index
      %get3A_1716 = tpu.vector_load %arg6[%get3A_1714, %get3A_1715] {strides = array<i32>} : memref<800x32xf32, #tpu.memory_space<vmem>>, vector<16xf32>,
      %get3A_1717 = arith.index_cast %add3A_1713 : i32 to index
      %get3A_1718 = arith.constant 16 : index
      %get3A_1719 = tpu.vector_load %arg6[%get3A_1717, %get3A_1718] {strides = array<i32>} : memref<800x32xf32, #tpu.memory_space<vmem>>, vector<16xf32>,
      %mul3A_1720 = arith.mulf %get3A_1716, %get3A_1716 : vector<16xf32>
      %mul3A_1721 = arith.mulf %get3A_1719, %get3A_1719 : vector<16xf32>
      %add3A_1722 = arith.addf %mul3A_1720, %mul3A_1721 : vector<16xf32>
      %reduce_sum3A_1723 = arith.constant true
      %reduce_sum3A_1724 = vector.broadcast %reduce_sum3A_1723 : i1 to vector<16xi1>
      %reduce_sum3A_1725 = tpu.scan <sum>, %add3A_1722 masked %reduce_sum3A_1724 : vector<16xf32>, vector<16xi1> -> vector<16xf32>
      %reduce_sum3A_1726 = vector.extract %reduce_sum3A_1725[15] : f32 from vector<16xf32>
      %eq3A_1727 = arith.constant 6 : i32
      %eq3A_1728 = vector.broadcast %eq3A_1727 : i32 to vector<16xi32>
      %eq3A_1729 = arith.cmpi eq, %iota3A, %eq3A_1728 : vector<16xi32>
      %broadcast_in_dim3A_1730 = vector.broadcast %reduce_sum3A_1726 : f32 to vector<16xf32>
      %select_n3A_1731 = arith.select %eq3A_1729, %broadcast_in_dim3A_1730, %select_n3A_1707 : vector<16xi1>, vector<16xf32>
      %add3A_1732 = arith.constant 0 : i32
      %add3A_1733 = arith.addi %mul3A_131, %add3A_1732 : i32
      %add3A_1734 = arith.constant 40 : i32
      %add3A_1735 = arith.addi %add3A_1733, %add3A_1734 : i32
      %add3A_1736 = arith.constant 7 : i32
      %add3A_1737 = arith.addi %add3A_1735, %add3A_1736 : i32
      %get3A_1738 = arith.index_cast %add3A_1737 : i32 to index
      %get3A_1739 = arith.constant 0 : index
      %get3A_1740 = tpu.vector_load %arg6[%get3A_1738, %get3A_1739] {strides = array<i32>} : memref<800x32xf32, #tpu.memory_space<vmem>>, vector<16xf32>,
      %get3A_1741 = arith.index_cast %add3A_1737 : i32 to index
      %get3A_1742 = arith.constant 16 : index
      %get3A_1743 = tpu.vector_load %arg6[%get3A_1741, %get3A_1742] {strides = array<i32>} : memref<800x32xf32, #tpu.memory_space<vmem>>, vector<16xf32>,
      %mul3A_1744 = arith.mulf %get3A_1740, %get3A_1740 : vector<16xf32>
      %mul3A_1745 = arith.mulf %get3A_1743, %get3A_1743 : vector<16xf32>
      %add3A_1746 = arith.addf %mul3A_1744, %mul3A_1745 : vector<16xf32>
      %reduce_sum3A_1747 = arith.constant true
      %reduce_sum3A_1748 = vector.broadcast %reduce_sum3A_1747 : i1 to vector<16xi1>
      %reduce_sum3A_1749 = tpu.scan <sum>, %add3A_1746 masked %reduce_sum3A_1748 : vector<16xf32>, vector<16xi1> -> vector<16xf32>
      %reduce_sum3A_1750 = vector.extract %reduce_sum3A_1749[15] : f32 from vector<16xf32>
      %eq3A_1751 = arith.constant 7 : i32
      %eq3A_1752 = vector.broadcast %eq3A_1751 : i32 to vector<16xi32>
      %eq3A_1753 = arith.cmpi eq, %iota3A, %eq3A_1752 : vector<16xi32>
      %broadcast_in_dim3A_1754 = vector.broadcast %reduce_sum3A_1750 : f32 to vector<16xf32>
      %select_n3A_1755 = arith.select %eq3A_1753, %broadcast_in_dim3A_1754, %select_n3A_1731 : vector<16xi1>, vector<16xf32>
      %bitcast_convert_type3A_1756 = tpu.bitcast %select_n3A_1755 : vector<16xf32> -> vector<16xi32>
      %shift_right_arithmetic3A_1757 = arith.constant 1 : i32
      %shift_right_arithmetic3A_1758 = vector.broadcast %shift_right_arithmetic3A_1757 : i32 to vector<16xi32>
      %shift_right_arithmetic3A_1759 = arith.shrsi %bitcast_convert_type3A_1756, %shift_right_arithmetic3A_1758 : vector<16xi32>
      %sub3A_1760 = arith.constant 1597463007 : i32
      %sub3A_1761 = vector.broadcast %sub3A_1760 : i32 to vector<16xi32>
      %sub3A_1762 = arith.subi %sub3A_1761, %shift_right_arithmetic3A_1759 : vector<16xi32>
      %bitcast_convert_type3A_1763 = tpu.bitcast %sub3A_1762 : vector<16xi32> -> vector<16xf32>
      %mul3A_1764 = arith.constant 5.000000e-01 : f32
      %mul3A_1765 = vector.broadcast %mul3A_1764 : f32 to vector<16xf32>
      %mul3A_1766 = arith.mulf %select_n3A_1755, %mul3A_1765 : vector<16xf32>
      %mul3A_1767 = arith.mulf %mul3A_1766, %bitcast_convert_type3A_1763 : vector<16xf32>
      %mul3A_1768 = arith.mulf %mul3A_1767, %bitcast_convert_type3A_1763 : vector<16xf32>
      %sub3A_1769 = arith.constant 1.500000e+00 : f32
      %sub3A_1770 = vector.broadcast %sub3A_1769 : f32 to vector<16xf32>
      %sub3A_1771 = arith.subf %sub3A_1770, %mul3A_1768 : vector<16xf32>
      %mul3A_1772 = arith.mulf %bitcast_convert_type3A_1763, %sub3A_1771 : vector<16xf32>
      %mul3A_1773 = arith.mulf %mul3A_1766, %mul3A_1772 : vector<16xf32>
      %mul3A_1774 = arith.mulf %mul3A_1773, %mul3A_1772 : vector<16xf32>
      %sub3A_1775 = arith.constant 1.500000e+00 : f32
      %sub3A_1776 = vector.broadcast %sub3A_1775 : f32 to vector<16xf32>
      %sub3A_1777 = arith.subf %sub3A_1776, %mul3A_1774 : vector<16xf32>
      %mul3A_1778 = arith.mulf %mul3A_1772, %sub3A_1777 : vector<16xf32>
      %mul3A_1779 = arith.mulf %mul3A_1766, %mul3A_1778 : vector<16xf32>
      %mul3A_1780 = arith.mulf %mul3A_1779, %mul3A_1778 : vector<16xf32>
      %sub3A_1781 = arith.constant 1.500000e+00 : f32
      %sub3A_1782 = vector.broadcast %sub3A_1781 : f32 to vector<16xf32>
      %sub3A_1783 = arith.subf %sub3A_1782, %mul3A_1780 : vector<16xf32>
      %mul3A_1784 = arith.mulf %mul3A_1778, %sub3A_1783 : vector<16xf32>
      %slice3A_1785 = vector.extract_strided_slice %mul3A_1784 {offsets = [0], sizes = [1], strides = [1]} : vector<16xf32> to vector<1xf32>
      %squeeze3A_1786 = vector.extract %slice3A_1785[0] : f32 from vector<1xf32>
      %mul3A_1787 = vector.broadcast %squeeze3A_1786 : f32 to vector<16xf32>
      %mul3A_1788 = arith.mulf %get3A_1572, %mul3A_1787 : vector<16xf32>
      %add3A_1789 = arith.addf %add3A_1558, %mul3A_1788 : vector<16xf32>
      %mul3A_1790 = vector.broadcast %squeeze3A_1786 : f32 to vector<16xf32>
      %mul3A_1791 = arith.mulf %get3A_1575, %mul3A_1790 : vector<16xf32>
      %add3A_1792 = arith.addf %add3A_1561, %mul3A_1791 : vector<16xf32>
      %slice3A_1793 = vector.extract_strided_slice %mul3A_1784 {offsets = [1], sizes = [1], strides = [1]} : vector<16xf32> to vector<1xf32>
      %squeeze3A_1794 = vector.extract %slice3A_1793[0] : f32 from vector<1xf32>
      %mul3A_1795 = vector.broadcast %squeeze3A_1794 : f32 to vector<16xf32>
      %mul3A_1796 = arith.mulf %get3A_1596, %mul3A_1795 : vector<16xf32>
      %add3A_1797 = arith.addf %add3A_1789, %mul3A_1796 : vector<16xf32>
      %mul3A_1798 = vector.broadcast %squeeze3A_1794 : f32 to vector<16xf32>
      %mul3A_1799 = arith.mulf %get3A_1599, %mul3A_1798 : vector<16xf32>
      %add3A_1800 = arith.addf %add3A_1792, %mul3A_1799 : vector<16xf32>
      %slice3A_1801 = vector.extract_strided_slice %mul3A_1784 {offsets = [2], sizes = [1], strides = [1]} : vector<16xf32> to vector<1xf32>
      %squeeze3A_1802 = vector.extract %slice3A_1801[0] : f32 from vector<1xf32>
      %mul3A_1803 = vector.broadcast %squeeze3A_1802 : f32 to vector<16xf32>
      %mul3A_1804 = arith.mulf %get3A_1620, %mul3A_1803 : vector<16xf32>
      %add3A_1805 = arith.addf %add3A_1797, %mul3A_1804 : vector<16xf32>
      %mul3A_1806 = vector.broadcast %squeeze3A_1802 : f32 to vector<16xf32>
      %mul3A_1807 = arith.mulf %get3A_1623, %mul3A_1806 : vector<16xf32>
      %add3A_1808 = arith.addf %add3A_1800, %mul3A_1807 : vector<16xf32>
      %slice3A_1809 = vector.extract_strided_slice %mul3A_1784 {offsets = [3], sizes = [1], strides = [1]} : vector<16xf32> to vector<1xf32>
      %squeeze3A_1810 = vector.extract %slice3A_1809[0] : f32 from vector<1xf32>
      %mul3A_1811 = vector.broadcast %squeeze3A_1810 : f32 to vector<16xf32>
      %mul3A_1812 = arith.mulf %get3A_1644, %mul3A_1811 : vector<16xf32>
      %add3A_1813 = arith.addf %add3A_1805, %mul3A_1812 : vector<16xf32>
      %mul3A_1814 = vector.broadcast %squeeze3A_1810 : f32 to vector<16xf32>
      %mul3A_1815 = arith.mulf %get3A_1647, %mul3A_1814 : vector<16xf32>
      %add3A_1816 = arith.addf %add3A_1808, %mul3A_1815 : vector<16xf32>
      %slice3A_1817 = vector.extract_strided_slice %mul3A_1784 {offsets = [4], sizes = [1], strides = [1]} : vector<16xf32> to vector<1xf32>
      %squeeze3A_1818 = vector.extract %slice3A_1817[0] : f32 from vector<1xf32>
      %mul3A_1819 = vector.broadcast %squeeze3A_1818 : f32 to vector<16xf32>
      %mul3A_1820 = arith.mulf %get3A_1668, %mul3A_1819 : vector<16xf32>
      %add3A_1821 = arith.addf %add3A_1813, %mul3A_1820 : vector<16xf32>
      %mul3A_1822 = vector.broadcast %squeeze3A_1818 : f32 to vector<16xf32>
      %mul3A_1823 = arith.mulf %get3A_1671, %mul3A_1822 : vector<16xf32>
      %add3A_1824 = arith.addf %add3A_1816, %mul3A_1823 : vector<16xf32>
      %slice3A_1825 = vector.extract_strided_slice %mul3A_1784 {offsets = [5], sizes = [1], strides = [1]} : vector<16xf32> to vector<1xf32>
      %squeeze3A_1826 = vector.extract %slice3A_1825[0] : f32 from vector<1xf32>
      %mul3A_1827 = vector.broadcast %squeeze3A_1826 : f32 to vector<16xf32>
      %mul3A_1828 = arith.mulf %get3A_1692, %mul3A_1827 : vector<16xf32>
      %add3A_1829 = arith.addf %add3A_1821, %mul3A_1828 : vector<16xf32>
      %mul3A_1830 = vector.broadcast %squeeze3A_1826 : f32 to vector<16xf32>
      %mul3A_1831 = arith.mulf %get3A_1695, %mul3A_1830 : vector<16xf32>
      %add3A_1832 = arith.addf %add3A_1824, %mul3A_1831 : vector<16xf32>
      %slice3A_1833 = vector.extract_strided_slice %mul3A_1784 {offsets = [6], sizes = [1], strides = [1]} : vector<16xf32> to vector<1xf32>
      %squeeze3A_1834 = vector.extract %slice3A_1833[0] : f32 from vector<1xf32>
      %mul3A_1835 = vector.broadcast %squeeze3A_1834 : f32 to vector<16xf32>
      %mul3A_1836 = arith.mulf %get3A_1716, %mul3A_1835 : vector<16xf32>
      %add3A_1837 = arith.addf %add3A_1829, %mul3A_1836 : vector<16xf32>
      %mul3A_1838 = vector.broadcast %squeeze3A_1834 : f32 to vector<16xf32>
      %mul3A_1839 = arith.mulf %get3A_1719, %mul3A_1838 : vector<16xf32>
      %add3A_1840 = arith.addf %add3A_1832, %mul3A_1839 : vector<16xf32>
      %slice3A_1841 = vector.extract_strided_slice %mul3A_1784 {offsets = [7], sizes = [1], strides = [1]} : vector<16xf32> to vector<1xf32>
      %squeeze3A_1842 = vector.extract %slice3A_1841[0] : f32 from vector<1xf32>
      %mul3A_1843 = vector.broadcast %squeeze3A_1842 : f32 to vector<16xf32>
      %mul3A_1844 = arith.mulf %get3A_1740, %mul3A_1843 : vector<16xf32>
      %add3A_1845 = arith.addf %add3A_1837, %mul3A_1844 : vector<16xf32>
      %mul3A_1846 = vector.broadcast %squeeze3A_1842 : f32 to vector<16xf32>
      %mul3A_1847 = arith.mulf %get3A_1743, %mul3A_1846 : vector<16xf32>
      %add3A_1848 = arith.addf %add3A_1840, %mul3A_1847 : vector<16xf32>
      %broadcast_in_dim3A_1849 = arith.constant 1.000000e+00 : f32
      %broadcast_in_dim3A_1850 = vector.broadcast %broadcast_in_dim3A_1849 : f32 to vector<16xf32>
      %add3A_1851 = arith.constant 0 : i32
      %add3A_1852 = arith.addi %mul3A_131, %add3A_1851 : i32
      %add3A_1853 = arith.constant 48 : i32
      %add3A_1854 = arith.addi %add3A_1852, %add3A_1853 : i32
      %add3A_1855 = arith.constant 0 : i32
      %add3A_1856 = arith.addi %add3A_1854, %add3A_1855 : i32
      %get3A_1857 = arith.index_cast %add3A_1856 : i32 to index
      %get3A_1858 = arith.constant 0 : index
      %get3A_1859 = tpu.vector_load %arg6[%get3A_1857, %get3A_1858] {strides = array<i32>} : memref<800x32xf32, #tpu.memory_space<vmem>>, vector<16xf32>,
      %get3A_1860 = arith.index_cast %add3A_1856 : i32 to index
      %get3A_1861 = arith.constant 16 : index
      %get3A_1862 = tpu.vector_load %arg6[%get3A_1860, %get3A_1861] {strides = array<i32>} : memref<800x32xf32, #tpu.memory_space<vmem>>, vector<16xf32>,
      %mul3A_1863 = arith.mulf %get3A_1859, %get3A_1859 : vector<16xf32>
      %mul3A_1864 = arith.mulf %get3A_1862, %get3A_1862 : vector<16xf32>
      %add3A_1865 = arith.addf %mul3A_1863, %mul3A_1864 : vector<16xf32>
      %reduce_sum3A_1866 = arith.constant true
      %reduce_sum3A_1867 = vector.broadcast %reduce_sum3A_1866 : i1 to vector<16xi1>
      %reduce_sum3A_1868 = tpu.scan <sum>, %add3A_1865 masked %reduce_sum3A_1867 : vector<16xf32>, vector<16xi1> -> vector<16xf32>
      %reduce_sum3A_1869 = vector.extract %reduce_sum3A_1868[15] : f32 from vector<16xf32>
      %eq3A_1870 = arith.constant 0 : i32
      %eq3A_1871 = vector.broadcast %eq3A_1870 : i32 to vector<16xi32>
      %eq3A_1872 = arith.cmpi eq, %iota3A, %eq3A_1871 : vector<16xi32>
      %broadcast_in_dim3A_1873 = vector.broadcast %reduce_sum3A_1869 : f32 to vector<16xf32>
      %select_n3A_1874 = arith.select %eq3A_1872, %broadcast_in_dim3A_1873, %broadcast_in_dim3A_1850 : vector<16xi1>, vector<16xf32>
      %add3A_1875 = arith.constant 0 : i32
      %add3A_1876 = arith.addi %mul3A_131, %add3A_1875 : i32
      %add3A_1877 = arith.constant 48 : i32
      %add3A_1878 = arith.addi %add3A_1876, %add3A_1877 : i32
      %add3A_1879 = arith.constant 1 : i32
      %add3A_1880 = arith.addi %add3A_1878, %add3A_1879 : i32
      %get3A_1881 = arith.index_cast %add3A_1880 : i32 to index
      %get3A_1882 = arith.constant 0 : index
      %get3A_1883 = tpu.vector_load %arg6[%get3A_1881, %get3A_1882] {strides = array<i32>} : memref<800x32xf32, #tpu.memory_space<vmem>>, vector<16xf32>,
      %get3A_1884 = arith.index_cast %add3A_1880 : i32 to index
      %get3A_1885 = arith.constant 16 : index
      %get3A_1886 = tpu.vector_load %arg6[%get3A_1884, %get3A_1885] {strides = array<i32>} : memref<800x32xf32, #tpu.memory_space<vmem>>, vector<16xf32>,
      %mul3A_1887 = arith.mulf %get3A_1883, %get3A_1883 : vector<16xf32>
      %mul3A_1888 = arith.mulf %get3A_1886, %get3A_1886 : vector<16xf32>
      %add3A_1889 = arith.addf %mul3A_1887, %mul3A_1888 : vector<16xf32>
      %reduce_sum3A_1890 = arith.constant true
      %reduce_sum3A_1891 = vector.broadcast %reduce_sum3A_1890 : i1 to vector<16xi1>
      %reduce_sum3A_1892 = tpu.scan <sum>, %add3A_1889 masked %reduce_sum3A_1891 : vector<16xf32>, vector<16xi1> -> vector<16xf32>
      %reduce_sum3A_1893 = vector.extract %reduce_sum3A_1892[15] : f32 from vector<16xf32>
      %eq3A_1894 = arith.constant 1 : i32
      %eq3A_1895 = vector.broadcast %eq3A_1894 : i32 to vector<16xi32>
      %eq3A_1896 = arith.cmpi eq, %iota3A, %eq3A_1895 : vector<16xi32>
      %broadcast_in_dim3A_1897 = vector.broadcast %reduce_sum3A_1893 : f32 to vector<16xf32>
      %select_n3A_1898 = arith.select %eq3A_1896, %broadcast_in_dim3A_1897, %select_n3A_1874 : vector<16xi1>, vector<16xf32>
      %bitcast_convert_type3A_1899 = tpu.bitcast %select_n3A_1898 : vector<16xf32> -> vector<16xi32>
      %shift_right_arithmetic3A_1900 = arith.constant 1 : i32
      %shift_right_arithmetic3A_1901 = vector.broadcast %shift_right_arithmetic3A_1900 : i32 to vector<16xi32>
      %shift_right_arithmetic3A_1902 = arith.shrsi %bitcast_convert_type3A_1899, %shift_right_arithmetic3A_1901 : vector<16xi32>
      %sub3A_1903 = arith.constant 1597463007 : i32
      %sub3A_1904 = vector.broadcast %sub3A_1903 : i32 to vector<16xi32>
      %sub3A_1905 = arith.subi %sub3A_1904, %shift_right_arithmetic3A_1902 : vector<16xi32>
      %bitcast_convert_type3A_1906 = tpu.bitcast %sub3A_1905 : vector<16xi32> -> vector<16xf32>
      %mul3A_1907 = arith.constant 5.000000e-01 : f32
      %mul3A_1908 = vector.broadcast %mul3A_1907 : f32 to vector<16xf32>
      %mul3A_1909 = arith.mulf %select_n3A_1898, %mul3A_1908 : vector<16xf32>
      %mul3A_1910 = arith.mulf %mul3A_1909, %bitcast_convert_type3A_1906 : vector<16xf32>
      %mul3A_1911 = arith.mulf %mul3A_1910, %bitcast_convert_type3A_1906 : vector<16xf32>
      %sub3A_1912 = arith.constant 1.500000e+00 : f32
      %sub3A_1913 = vector.broadcast %sub3A_1912 : f32 to vector<16xf32>
      %sub3A_1914 = arith.subf %sub3A_1913, %mul3A_1911 : vector<16xf32>
      %mul3A_1915 = arith.mulf %bitcast_convert_type3A_1906, %sub3A_1914 : vector<16xf32>
      %mul3A_1916 = arith.mulf %mul3A_1909, %mul3A_1915 : vector<16xf32>
      %mul3A_1917 = arith.mulf %mul3A_1916, %mul3A_1915 : vector<16xf32>
      %sub3A_1918 = arith.constant 1.500000e+00 : f32
      %sub3A_1919 = vector.broadcast %sub3A_1918 : f32 to vector<16xf32>
      %sub3A_1920 = arith.subf %sub3A_1919, %mul3A_1917 : vector<16xf32>
      %mul3A_1921 = arith.mulf %mul3A_1915, %sub3A_1920 : vector<16xf32>
      %mul3A_1922 = arith.mulf %mul3A_1909, %mul3A_1921 : vector<16xf32>
      %mul3A_1923 = arith.mulf %mul3A_1922, %mul3A_1921 : vector<16xf32>
      %sub3A_1924 = arith.constant 1.500000e+00 : f32
      %sub3A_1925 = vector.broadcast %sub3A_1924 : f32 to vector<16xf32>
      %sub3A_1926 = arith.subf %sub3A_1925, %mul3A_1923 : vector<16xf32>
      %mul3A_1927 = arith.mulf %mul3A_1921, %sub3A_1926 : vector<16xf32>
      %slice3A_1928 = vector.extract_strided_slice %mul3A_1927 {offsets = [0], sizes = [1], strides = [1]} : vector<16xf32> to vector<1xf32>
      %squeeze3A_1929 = vector.extract %slice3A_1928[0] : f32 from vector<1xf32>
      %mul3A_1930 = vector.broadcast %squeeze3A_1929 : f32 to vector<16xf32>
      %mul3A_1931 = arith.mulf %get3A_1859, %mul3A_1930 : vector<16xf32>
      %add3A_1932 = arith.addf %add3A_1845, %mul3A_1931 : vector<16xf32>
      %mul3A_1933 = vector.broadcast %squeeze3A_1929 : f32 to vector<16xf32>
      %mul3A_1934 = arith.mulf %get3A_1862, %mul3A_1933 : vector<16xf32>
      %add3A_1935 = arith.addf %add3A_1848, %mul3A_1934 : vector<16xf32>
      %slice3A_1936 = vector.extract_strided_slice %mul3A_1927 {offsets = [1], sizes = [1], strides = [1]} : vector<16xf32> to vector<1xf32>
      %squeeze3A_1937 = vector.extract %slice3A_1936[0] : f32 from vector<1xf32>
      %mul3A_1938 = vector.broadcast %squeeze3A_1937 : f32 to vector<16xf32>
      %mul3A_1939 = arith.mulf %get3A_1883, %mul3A_1938 : vector<16xf32>
      %add3A_1940 = arith.addf %add3A_1932, %mul3A_1939 : vector<16xf32>
      %mul3A_1941 = vector.broadcast %squeeze3A_1937 : f32 to vector<16xf32>
      %mul3A_1942 = arith.mulf %get3A_1886, %mul3A_1941 : vector<16xf32>
      %add3A_1943 = arith.addf %add3A_1935, %mul3A_1942 : vector<16xf32>
      %mul3A_1944 = arith.mulf %add3A_1940, %add3A_1940 : vector<16xf32>
      %mul3A_1945 = arith.mulf %add3A_1943, %add3A_1943 : vector<16xf32>
      %add3A_1946 = arith.addf %mul3A_1944, %mul3A_1945 : vector<16xf32>
      %reduce_sum3A_1947 = arith.constant true
      %reduce_sum3A_1948 = vector.broadcast %reduce_sum3A_1947 : i1 to vector<16xi1>
      %reduce_sum3A_1949 = tpu.scan <sum>, %add3A_1946 masked %reduce_sum3A_1948 : vector<16xf32>, vector<16xi1> -> vector<16xf32>
      %reduce_sum3A_1950 = vector.extract %reduce_sum3A_1949[15] : f32 from vector<16xf32>
      %bitcast_convert_type3A_1951 = arith.bitcast %reduce_sum3A_1950 : f32 to i32
      %shift_right_arithmetic3A_1952 = arith.constant 1 : i32
      %shift_right_arithmetic3A_1953 = arith.shrsi %bitcast_convert_type3A_1951, %shift_right_arithmetic3A_1952 : i32
      %sub3A_1954 = arith.constant 1597463007 : i32
      %sub3A_1955 = arith.subi %sub3A_1954, %shift_right_arithmetic3A_1953 : i32
      %bitcast_convert_type3A_1956 = arith.bitcast %sub3A_1955 : i32 to f32
      %mul3A_1957 = arith.constant 5.000000e-01 : f32
      %mul3A_1958 = arith.mulf %reduce_sum3A_1950, %mul3A_1957 : f32
      %mul3A_1959 = arith.mulf %mul3A_1958, %bitcast_convert_type3A_1956 : f32
      %mul3A_1960 = arith.mulf %mul3A_1959, %bitcast_convert_type3A_1956 : f32
      %sub3A_1961 = arith.constant 1.500000e+00 : f32
      %sub3A_1962 = arith.subf %sub3A_1961, %mul3A_1960 : f32
      %mul3A_1963 = arith.mulf %bitcast_convert_type3A_1956, %sub3A_1962 : f32
      %mul3A_1964 = arith.mulf %mul3A_1958, %mul3A_1963 : f32
      %mul3A_1965 = arith.mulf %mul3A_1964, %mul3A_1963 : f32
      %sub3A_1966 = arith.constant 1.500000e+00 : f32
      %sub3A_1967 = arith.subf %sub3A_1966, %mul3A_1965 : f32
      %mul3A_1968 = arith.mulf %mul3A_1963, %sub3A_1967 : f32
      %mul3A_1969 = arith.mulf %mul3A_1958, %mul3A_1968 : f32
      %mul3A_1970 = arith.mulf %mul3A_1969, %mul3A_1968 : f32
      %sub3A_1971 = arith.constant 1.500000e+00 : f32
      %sub3A_1972 = arith.subf %sub3A_1971, %mul3A_1970 : f32
      %mul3A_1973 = arith.mulf %mul3A_1968, %sub3A_1972 : f32
      %mul3A_1974 = arith.constant 2 : i32
      %mul3A_1975 = arith.muli %scan3A_90, %mul3A_1974 : i32
      %add3A_1976 = arith.constant 0 : i32
      %add3A_1977 = arith.addi %mul3A_1975, %add3A_1976 : i32
      %mul3A_1978 = vector.broadcast %mul3A_1973 : f32 to vector<16xf32>
      %mul3A_1979 = arith.mulf %add3A_1940, %mul3A_1978 : vector<16xf32>
      %swap3A = arith.index_cast %add3A_1977 : i32 to index
      %swap3A_1980 = arith.constant 0 : index
      %swap3A_1981 = tpu.vector_load %arg7[%swap3A, %swap3A_1980] {strides = array<i32>} : memref<512x32xf32, #tpu.memory_space<vmem>>, vector<16xf32>,
      tpu.vector_store %arg7[%swap3A, %swap3A_1980], %mul3A_1979 {strides = array<i32>} : memref<512x32xf32, #tpu.memory_space<vmem>>, vector<16xf32>,
      %mul3A_1982 = vector.broadcast %mul3A_1973 : f32 to vector<16xf32>
      %mul3A_1983 = arith.mulf %add3A_1943, %mul3A_1982 : vector<16xf32>
      %swap3A_1984 = arith.index_cast %add3A_1977 : i32 to index
      %swap3A_1985 = arith.constant 16 : index
      %swap3A_1986 = tpu.vector_load %arg7[%swap3A_1984, %swap3A_1985] {strides = array<i32>} : memref<512x32xf32, #tpu.memory_space<vmem>>, vector<16xf32>,
      tpu.vector_store %arg7[%swap3A_1984, %swap3A_1985], %mul3A_1983 {strides = array<i32>} : memref<512x32xf32, #tpu.memory_space<vmem>>, vector<16xf32>,
      %broadcast_in_dim3A_1987 = arith.constant 0.000000e+00 : f32
      %broadcast_in_dim3A_1988 = vector.broadcast %broadcast_in_dim3A_1987 : f32 to vector<16xf32>
      %broadcast_in_dim3A_1989 = arith.constant 0.000000e+00 : f32
      %broadcast_in_dim3A_1990 = vector.broadcast %broadcast_in_dim3A_1989 : f32 to vector<16xf32>
      %broadcast_in_dim3A_1991 = arith.constant 1.000000e+00 : f32
      %broadcast_in_dim3A_1992 = vector.broadcast %broadcast_in_dim3A_1991 : f32 to vector<16xf32>
      %add3A_1993 = arith.constant 50 : i32
      %add3A_1994 = arith.addi %mul3A_131, %add3A_1993 : i32
      %add3A_1995 = arith.constant 0 : i32
      %add3A_1996 = arith.addi %add3A_1994, %add3A_1995 : i32
      %add3A_1997 = arith.constant 0 : i32
      %add3A_1998 = arith.addi %add3A_1996, %add3A_1997 : i32
      %get3A_1999 = arith.index_cast %add3A_1998 : i32 to index
      %get3A_2000 = arith.constant 0 : index
      %get3A_2001 = tpu.vector_load %arg6[%get3A_1999, %get3A_2000] {strides = array<i32>} : memref<800x32xf32, #tpu.memory_space<vmem>>, vector<16xf32>,
      %get3A_2002 = arith.index_cast %add3A_1998 : i32 to index
      %get3A_2003 = arith.constant 16 : index
      %get3A_2004 = tpu.vector_load %arg6[%get3A_2002, %get3A_2003] {strides = array<i32>} : memref<800x32xf32, #tpu.memory_space<vmem>>, vector<16xf32>,
      %mul3A_2005 = arith.mulf %get3A_2001, %get3A_2001 : vector<16xf32>
      %mul3A_2006 = arith.mulf %get3A_2004, %get3A_2004 : vector<16xf32>
      %add3A_2007 = arith.addf %mul3A_2005, %mul3A_2006 : vector<16xf32>
      %reduce_sum3A_2008 = arith.constant true
      %reduce_sum3A_2009 = vector.broadcast %reduce_sum3A_2008 : i1 to vector<16xi1>
      %reduce_sum3A_2010 = tpu.scan <sum>, %add3A_2007 masked %reduce_sum3A_2009 : vector<16xf32>, vector<16xi1> -> vector<16xf32>
      %reduce_sum3A_2011 = vector.extract %reduce_sum3A_2010[15] : f32 from vector<16xf32>
      %eq3A_2012 = arith.constant 0 : i32
      %eq3A_2013 = vector.broadcast %eq3A_2012 : i32 to vector<16xi32>
      %eq3A_2014 = arith.cmpi eq, %iota3A, %eq3A_2013 : vector<16xi32>
      %broadcast_in_dim3A_2015 = vector.broadcast %reduce_sum3A_2011 : f32 to vector<16xf32>
      %select_n3A_2016 = arith.select %eq3A_2014, %broadcast_in_dim3A_2015, %broadcast_in_dim3A_1992 : vector<16xi1>, vector<16xf32>
      %add3A_2017 = arith.constant 50 : i32
      %add3A_2018 = arith.addi %mul3A_131, %add3A_2017 : i32
      %add3A_2019 = arith.constant 0 : i32
      %add3A_2020 = arith.addi %add3A_2018, %add3A_2019 : i32
      %add3A_2021 = arith.constant 1 : i32
      %add3A_2022 = arith.addi %add3A_2020, %add3A_2021 : i32
      %get3A_2023 = arith.index_cast %add3A_2022 : i32 to index
      %get3A_2024 = arith.constant 0 : index
      %get3A_2025 = tpu.vector_load %arg6[%get3A_2023, %get3A_2024] {strides = array<i32>} : memref<800x32xf32, #tpu.memory_space<vmem>>, vector<16xf32>,
      %get3A_2026 = arith.index_cast %add3A_2022 : i32 to index
      %get3A_2027 = arith.constant 16 : index
      %get3A_2028 = tpu.vector_load %arg6[%get3A_2026, %get3A_2027] {strides = array<i32>} : memref<800x32xf32, #tpu.memory_space<vmem>>, vector<16xf32>,
      %mul3A_2029 = arith.mulf %get3A_2025, %get3A_2025 : vector<16xf32>
      %mul3A_2030 = arith.mulf %get3A_2028, %get3A_2028 : vector<16xf32>
      %add3A_2031 = arith.addf %mul3A_2029, %mul3A_2030 : vector<16xf32>
      %reduce_sum3A_2032 = arith.constant true
      %reduce_sum3A_2033 = vector.broadcast %reduce_sum3A_2032 : i1 to vector<16xi1>
      %reduce_sum3A_2034 = tpu.scan <sum>, %add3A_2031 masked %reduce_sum3A_2033 : vector<16xf32>, vector<16xi1> -> vector<16xf32>
      %reduce_sum3A_2035 = vector.extract %reduce_sum3A_2034[15] : f32 from vector<16xf32>
      %eq3A_2036 = arith.constant 1 : i32
      %eq3A_2037 = vector.broadcast %eq3A_2036 : i32 to vector<16xi32>
      %eq3A_2038 = arith.cmpi eq, %iota3A, %eq3A_2037 : vector<16xi32>
      %broadcast_in_dim3A_2039 = vector.broadcast %reduce_sum3A_2035 : f32 to vector<16xf32>
      %select_n3A_2040 = arith.select %eq3A_2038, %broadcast_in_dim3A_2039, %select_n3A_2016 : vector<16xi1>, vector<16xf32>
      %add3A_2041 = arith.constant 50 : i32
      %add3A_2042 = arith.addi %mul3A_131, %add3A_2041 : i32
      %add3A_2043 = arith.constant 0 : i32
      %add3A_2044 = arith.addi %add3A_2042, %add3A_2043 : i32
      %add3A_2045 = arith.constant 2 : i32
      %add3A_2046 = arith.addi %add3A_2044, %add3A_2045 : i32
      %get3A_2047 = arith.index_cast %add3A_2046 : i32 to index
      %get3A_2048 = arith.constant 0 : index
      %get3A_2049 = tpu.vector_load %arg6[%get3A_2047, %get3A_2048] {strides = array<i32>} : memref<800x32xf32, #tpu.memory_space<vmem>>, vector<16xf32>,
      %get3A_2050 = arith.index_cast %add3A_2046 : i32 to index
      %get3A_2051 = arith.constant 16 : index
      %get3A_2052 = tpu.vector_load %arg6[%get3A_2050, %get3A_2051] {strides = array<i32>} : memref<800x32xf32, #tpu.memory_space<vmem>>, vector<16xf32>,
      %mul3A_2053 = arith.mulf %get3A_2049, %get3A_2049 : vector<16xf32>
      %mul3A_2054 = arith.mulf %get3A_2052, %get3A_2052 : vector<16xf32>
      %add3A_2055 = arith.addf %mul3A_2053, %mul3A_2054 : vector<16xf32>
      %reduce_sum3A_2056 = arith.constant true
      %reduce_sum3A_2057 = vector.broadcast %reduce_sum3A_2056 : i1 to vector<16xi1>
      %reduce_sum3A_2058 = tpu.scan <sum>, %add3A_2055 masked %reduce_sum3A_2057 : vector<16xf32>, vector<16xi1> -> vector<16xf32>
      %reduce_sum3A_2059 = vector.extract %reduce_sum3A_2058[15] : f32 from vector<16xf32>
      %eq3A_2060 = arith.constant 2 : i32
      %eq3A_2061 = vector.broadcast %eq3A_2060 : i32 to vector<16xi32>
      %eq3A_2062 = arith.cmpi eq, %iota3A, %eq3A_2061 : vector<16xi32>
      %broadcast_in_dim3A_2063 = vector.broadcast %reduce_sum3A_2059 : f32 to vector<16xf32>
      %select_n3A_2064 = arith.select %eq3A_2062, %broadcast_in_dim3A_2063, %select_n3A_2040 : vector<16xi1>, vector<16xf32>
      %add3A_2065 = arith.constant 50 : i32
      %add3A_2066 = arith.addi %mul3A_131, %add3A_2065 : i32
      %add3A_2067 = arith.constant 0 : i32
      %add3A_2068 = arith.addi %add3A_2066, %add3A_2067 : i32
      %add3A_2069 = arith.constant 3 : i32
      %add3A_2070 = arith.addi %add3A_2068, %add3A_2069 : i32
      %get3A_2071 = arith.index_cast %add3A_2070 : i32 to index
      %get3A_2072 = arith.constant 0 : index
      %get3A_2073 = tpu.vector_load %arg6[%get3A_2071, %get3A_2072] {strides = array<i32>} : memref<800x32xf32, #tpu.memory_space<vmem>>, vector<16xf32>,
      %get3A_2074 = arith.index_cast %add3A_2070 : i32 to index
      %get3A_2075 = arith.constant 16 : index
      %get3A_2076 = tpu.vector_load %arg6[%get3A_2074, %get3A_2075] {strides = array<i32>} : memref<800x32xf32, #tpu.memory_space<vmem>>, vector<16xf32>,
      %mul3A_2077 = arith.mulf %get3A_2073, %get3A_2073 : vector<16xf32>
      %mul3A_2078 = arith.mulf %get3A_2076, %get3A_2076 : vector<16xf32>
      %add3A_2079 = arith.addf %mul3A_2077, %mul3A_2078 : vector<16xf32>
      %reduce_sum3A_2080 = arith.constant true
      %reduce_sum3A_2081 = vector.broadcast %reduce_sum3A_2080 : i1 to vector<16xi1>
      %reduce_sum3A_2082 = tpu.scan <sum>, %add3A_2079 masked %reduce_sum3A_2081 : vector<16xf32>, vector<16xi1> -> vector<16xf32>
      %reduce_sum3A_2083 = vector.extract %reduce_sum3A_2082[15] : f32 from vector<16xf32>
      %eq3A_2084 = arith.constant 3 : i32
      %eq3A_2085 = vector.broadcast %eq3A_2084 : i32 to vector<16xi32>
      %eq3A_2086 = arith.cmpi eq, %iota3A, %eq3A_2085 : vector<16xi32>
      %broadcast_in_dim3A_2087 = vector.broadcast %reduce_sum3A_2083 : f32 to vector<16xf32>
      %select_n3A_2088 = arith.select %eq3A_2086, %broadcast_in_dim3A_2087, %select_n3A_2064 : vector<16xi1>, vector<16xf32>
      %add3A_2089 = arith.constant 50 : i32
      %add3A_2090 = arith.addi %mul3A_131, %add3A_2089 : i32
      %add3A_2091 = arith.constant 0 : i32
      %add3A_2092 = arith.addi %add3A_2090, %add3A_2091 : i32
      %add3A_2093 = arith.constant 4 : i32
      %add3A_2094 = arith.addi %add3A_2092, %add3A_2093 : i32
      %get3A_2095 = arith.index_cast %add3A_2094 : i32 to index
      %get3A_2096 = arith.constant 0 : index
      %get3A_2097 = tpu.vector_load %arg6[%get3A_2095, %get3A_2096] {strides = array<i32>} : memref<800x32xf32, #tpu.memory_space<vmem>>, vector<16xf32>,
      %get3A_2098 = arith.index_cast %add3A_2094 : i32 to index
      %get3A_2099 = arith.constant 16 : index
      %get3A_2100 = tpu.vector_load %arg6[%get3A_2098, %get3A_2099] {strides = array<i32>} : memref<800x32xf32, #tpu.memory_space<vmem>>, vector<16xf32>,
      %mul3A_2101 = arith.mulf %get3A_2097, %get3A_2097 : vector<16xf32>
      %mul3A_2102 = arith.mulf %get3A_2100, %get3A_2100 : vector<16xf32>
      %add3A_2103 = arith.addf %mul3A_2101, %mul3A_2102 : vector<16xf32>
      %reduce_sum3A_2104 = arith.constant true
      %reduce_sum3A_2105 = vector.broadcast %reduce_sum3A_2104 : i1 to vector<16xi1>
      %reduce_sum3A_2106 = tpu.scan <sum>, %add3A_2103 masked %reduce_sum3A_2105 : vector<16xf32>, vector<16xi1> -> vector<16xf32>
      %reduce_sum3A_2107 = vector.extract %reduce_sum3A_2106[15] : f32 from vector<16xf32>
      %eq3A_2108 = arith.constant 4 : i32
      %eq3A_2109 = vector.broadcast %eq3A_2108 : i32 to vector<16xi32>
      %eq3A_2110 = arith.cmpi eq, %iota3A, %eq3A_2109 : vector<16xi32>
      %broadcast_in_dim3A_2111 = vector.broadcast %reduce_sum3A_2107 : f32 to vector<16xf32>
      %select_n3A_2112 = arith.select %eq3A_2110, %broadcast_in_dim3A_2111, %select_n3A_2088 : vector<16xi1>, vector<16xf32>
      %add3A_2113 = arith.constant 50 : i32
      %add3A_2114 = arith.addi %mul3A_131, %add3A_2113 : i32
      %add3A_2115 = arith.constant 0 : i32
      %add3A_2116 = arith.addi %add3A_2114, %add3A_2115 : i32
      %add3A_2117 = arith.constant 5 : i32
      %add3A_2118 = arith.addi %add3A_2116, %add3A_2117 : i32
      %get3A_2119 = arith.index_cast %add3A_2118 : i32 to index
      %get3A_2120 = arith.constant 0 : index
      %get3A_2121 = tpu.vector_load %arg6[%get3A_2119, %get3A_2120] {strides = array<i32>} : memref<800x32xf32, #tpu.memory_space<vmem>>, vector<16xf32>,
      %get3A_2122 = arith.index_cast %add3A_2118 : i32 to index
      %get3A_2123 = arith.constant 16 : index
      %get3A_2124 = tpu.vector_load %arg6[%get3A_2122, %get3A_2123] {strides = array<i32>} : memref<800x32xf32, #tpu.memory_space<vmem>>, vector<16xf32>,
      %mul3A_2125 = arith.mulf %get3A_2121, %get3A_2121 : vector<16xf32>
      %mul3A_2126 = arith.mulf %get3A_2124, %get3A_2124 : vector<16xf32>
      %add3A_2127 = arith.addf %mul3A_2125, %mul3A_2126 : vector<16xf32>
      %reduce_sum3A_2128 = arith.constant true
      %reduce_sum3A_2129 = vector.broadcast %reduce_sum3A_2128 : i1 to vector<16xi1>
      %reduce_sum3A_2130 = tpu.scan <sum>, %add3A_2127 masked %reduce_sum3A_2129 : vector<16xf32>, vector<16xi1> -> vector<16xf32>
      %reduce_sum3A_2131 = vector.extract %reduce_sum3A_2130[15] : f32 from vector<16xf32>
      %eq3A_2132 = arith.constant 5 : i32
      %eq3A_2133 = vector.broadcast %eq3A_2132 : i32 to vector<16xi32>
      %eq3A_2134 = arith.cmpi eq, %iota3A, %eq3A_2133 : vector<16xi32>
      %broadcast_in_dim3A_2135 = vector.broadcast %reduce_sum3A_2131 : f32 to vector<16xf32>
      %select_n3A_2136 = arith.select %eq3A_2134, %broadcast_in_dim3A_2135, %select_n3A_2112 : vector<16xi1>, vector<16xf32>
      %add3A_2137 = arith.constant 50 : i32
      %add3A_2138 = arith.addi %mul3A_131, %add3A_2137 : i32
      %add3A_2139 = arith.constant 0 : i32
      %add3A_2140 = arith.addi %add3A_2138, %add3A_2139 : i32
      %add3A_2141 = arith.constant 6 : i32
      %add3A_2142 = arith.addi %add3A_2140, %add3A_2141 : i32
      %get3A_2143 = arith.index_cast %add3A_2142 : i32 to index
      %get3A_2144 = arith.constant 0 : index
      %get3A_2145 = tpu.vector_load %arg6[%get3A_2143, %get3A_2144] {strides = array<i32>} : memref<800x32xf32, #tpu.memory_space<vmem>>, vector<16xf32>,
      %get3A_2146 = arith.index_cast %add3A_2142 : i32 to index
      %get3A_2147 = arith.constant 16 : index
      %get3A_2148 = tpu.vector_load %arg6[%get3A_2146, %get3A_2147] {strides = array<i32>} : memref<800x32xf32, #tpu.memory_space<vmem>>, vector<16xf32>,
      %mul3A_2149 = arith.mulf %get3A_2145, %get3A_2145 : vector<16xf32>
      %mul3A_2150 = arith.mulf %get3A_2148, %get3A_2148 : vector<16xf32>
      %add3A_2151 = arith.addf %mul3A_2149, %mul3A_2150 : vector<16xf32>
      %reduce_sum3A_2152 = arith.constant true
      %reduce_sum3A_2153 = vector.broadcast %reduce_sum3A_2152 : i1 to vector<16xi1>
      %reduce_sum3A_2154 = tpu.scan <sum>, %add3A_2151 masked %reduce_sum3A_2153 : vector<16xf32>, vector<16xi1> -> vector<16xf32>
      %reduce_sum3A_2155 = vector.extract %reduce_sum3A_2154[15] : f32 from vector<16xf32>
      %eq3A_2156 = arith.constant 6 : i32
      %eq3A_2157 = vector.broadcast %eq3A_2156 : i32 to vector<16xi32>
      %eq3A_2158 = arith.cmpi eq, %iota3A, %eq3A_2157 : vector<16xi32>
      %broadcast_in_dim3A_2159 = vector.broadcast %reduce_sum3A_2155 : f32 to vector<16xf32>
      %select_n3A_2160 = arith.select %eq3A_2158, %broadcast_in_dim3A_2159, %select_n3A_2136 : vector<16xi1>, vector<16xf32>
      %add3A_2161 = arith.constant 50 : i32
      %add3A_2162 = arith.addi %mul3A_131, %add3A_2161 : i32
      %add3A_2163 = arith.constant 0 : i32
      %add3A_2164 = arith.addi %add3A_2162, %add3A_2163 : i32
      %add3A_2165 = arith.constant 7 : i32
      %add3A_2166 = arith.addi %add3A_2164, %add3A_2165 : i32
      %get3A_2167 = arith.index_cast %add3A_2166 : i32 to index
      %get3A_2168 = arith.constant 0 : index
      %get3A_2169 = tpu.vector_load %arg6[%get3A_2167, %get3A_2168] {strides = array<i32>} : memref<800x32xf32, #tpu.memory_space<vmem>>, vector<16xf32>,
      %get3A_2170 = arith.index_cast %add3A_2166 : i32 to index
      %get3A_2171 = arith.constant 16 : index
      %get3A_2172 = tpu.vector_load %arg6[%get3A_2170, %get3A_2171] {strides = array<i32>} : memref<800x32xf32, #tpu.memory_space<vmem>>, vector<16xf32>,
      %mul3A_2173 = arith.mulf %get3A_2169, %get3A_2169 : vector<16xf32>
      %mul3A_2174 = arith.mulf %get3A_2172, %get3A_2172 : vector<16xf32>
      %add3A_2175 = arith.addf %mul3A_2173, %mul3A_2174 : vector<16xf32>
      %reduce_sum3A_2176 = arith.constant true
      %reduce_sum3A_2177 = vector.broadcast %reduce_sum3A_2176 : i1 to vector<16xi1>
      %reduce_sum3A_2178 = tpu.scan <sum>, %add3A_2175 masked %reduce_sum3A_2177 : vector<16xf32>, vector<16xi1> -> vector<16xf32>
      %reduce_sum3A_2179 = vector.extract %reduce_sum3A_2178[15] : f32 from vector<16xf32>
      %eq3A_2180 = arith.constant 7 : i32
      %eq3A_2181 = vector.broadcast %eq3A_2180 : i32 to vector<16xi32>
      %eq3A_2182 = arith.cmpi eq, %iota3A, %eq3A_2181 : vector<16xi32>
      %broadcast_in_dim3A_2183 = vector.broadcast %reduce_sum3A_2179 : f32 to vector<16xf32>
      %select_n3A_2184 = arith.select %eq3A_2182, %broadcast_in_dim3A_2183, %select_n3A_2160 : vector<16xi1>, vector<16xf32>
      %bitcast_convert_type3A_2185 = tpu.bitcast %select_n3A_2184 : vector<16xf32> -> vector<16xi32>
      %shift_right_arithmetic3A_2186 = arith.constant 1 : i32
      %shift_right_arithmetic3A_2187 = vector.broadcast %shift_right_arithmetic3A_2186 : i32 to vector<16xi32>
      %shift_right_arithmetic3A_2188 = arith.shrsi %bitcast_convert_type3A_2185, %shift_right_arithmetic3A_2187 : vector<16xi32>
      %sub3A_2189 = arith.constant 1597463007 : i32
      %sub3A_2190 = vector.broadcast %sub3A_2189 : i32 to vector<16xi32>
      %sub3A_2191 = arith.subi %sub3A_2190, %shift_right_arithmetic3A_2188 : vector<16xi32>
      %bitcast_convert_type3A_2192 = tpu.bitcast %sub3A_2191 : vector<16xi32> -> vector<16xf32>
      %mul3A_2193 = arith.constant 5.000000e-01 : f32
      %mul3A_2194 = vector.broadcast %mul3A_2193 : f32 to vector<16xf32>
      %mul3A_2195 = arith.mulf %select_n3A_2184, %mul3A_2194 : vector<16xf32>
      %mul3A_2196 = arith.mulf %mul3A_2195, %bitcast_convert_type3A_2192 : vector<16xf32>
      %mul3A_2197 = arith.mulf %mul3A_2196, %bitcast_convert_type3A_2192 : vector<16xf32>
      %sub3A_2198 = arith.constant 1.500000e+00 : f32
      %sub3A_2199 = vector.broadcast %sub3A_2198 : f32 to vector<16xf32>
      %sub3A_2200 = arith.subf %sub3A_2199, %mul3A_2197 : vector<16xf32>
      %mul3A_2201 = arith.mulf %bitcast_convert_type3A_2192, %sub3A_2200 : vector<16xf32>
      %mul3A_2202 = arith.mulf %mul3A_2195, %mul3A_2201 : vector<16xf32>
      %mul3A_2203 = arith.mulf %mul3A_2202, %mul3A_2201 : vector<16xf32>
      %sub3A_2204 = arith.constant 1.500000e+00 : f32
      %sub3A_2205 = vector.broadcast %sub3A_2204 : f32 to vector<16xf32>
      %sub3A_2206 = arith.subf %sub3A_2205, %mul3A_2203 : vector<16xf32>
      %mul3A_2207 = arith.mulf %mul3A_2201, %sub3A_2206 : vector<16xf32>
      %mul3A_2208 = arith.mulf %mul3A_2195, %mul3A_2207 : vector<16xf32>
      %mul3A_2209 = arith.mulf %mul3A_2208, %mul3A_2207 : vector<16xf32>
      %sub3A_2210 = arith.constant 1.500000e+00 : f32
      %sub3A_2211 = vector.broadcast %sub3A_2210 : f32 to vector<16xf32>
      %sub3A_2212 = arith.subf %sub3A_2211, %mul3A_2209 : vector<16xf32>
      %mul3A_2213 = arith.mulf %mul3A_2207, %sub3A_2212 : vector<16xf32>
      %slice3A_2214 = vector.extract_strided_slice %mul3A_2213 {offsets = [0], sizes = [1], strides = [1]} : vector<16xf32> to vector<1xf32>
      %squeeze3A_2215 = vector.extract %slice3A_2214[0] : f32 from vector<1xf32>
      %mul3A_2216 = vector.broadcast %squeeze3A_2215 : f32 to vector<16xf32>
      %mul3A_2217 = arith.mulf %get3A_2001, %mul3A_2216 : vector<16xf32>
      %add3A_2218 = arith.addf %broadcast_in_dim3A_1988, %mul3A_2217 : vector<16xf32>
      %mul3A_2219 = vector.broadcast %squeeze3A_2215 : f32 to vector<16xf32>
      %mul3A_2220 = arith.mulf %get3A_2004, %mul3A_2219 : vector<16xf32>
      %add3A_2221 = arith.addf %broadcast_in_dim3A_1990, %mul3A_2220 : vector<16xf32>
      %slice3A_2222 = vector.extract_strided_slice %mul3A_2213 {offsets = [1], sizes = [1], strides = [1]} : vector<16xf32> to vector<1xf32>
      %squeeze3A_2223 = vector.extract %slice3A_2222[0] : f32 from vector<1xf32>
      %mul3A_2224 = vector.broadcast %squeeze3A_2223 : f32 to vector<16xf32>
      %mul3A_2225 = arith.mulf %get3A_2025, %mul3A_2224 : vector<16xf32>
      %add3A_2226 = arith.addf %add3A_2218, %mul3A_2225 : vector<16xf32>
      %mul3A_2227 = vector.broadcast %squeeze3A_2223 : f32 to vector<16xf32>
      %mul3A_2228 = arith.mulf %get3A_2028, %mul3A_2227 : vector<16xf32>
      %add3A_2229 = arith.addf %add3A_2221, %mul3A_2228 : vector<16xf32>
      %slice3A_2230 = vector.extract_strided_slice %mul3A_2213 {offsets = [2], sizes = [1], strides = [1]} : vector<16xf32> to vector<1xf32>
      %squeeze3A_2231 = vector.extract %slice3A_2230[0] : f32 from vector<1xf32>
      %mul3A_2232 = vector.broadcast %squeeze3A_2231 : f32 to vector<16xf32>
      %mul3A_2233 = arith.mulf %get3A_2049, %mul3A_2232 : vector<16xf32>
      %add3A_2234 = arith.addf %add3A_2226, %mul3A_2233 : vector<16xf32>
      %mul3A_2235 = vector.broadcast %squeeze3A_2231 : f32 to vector<16xf32>
      %mul3A_2236 = arith.mulf %get3A_2052, %mul3A_2235 : vector<16xf32>
      %add3A_2237 = arith.addf %add3A_2229, %mul3A_2236 : vector<16xf32>
      %slice3A_2238 = vector.extract_strided_slice %mul3A_2213 {offsets = [3], sizes = [1], strides = [1]} : vector<16xf32> to vector<1xf32>
      %squeeze3A_2239 = vector.extract %slice3A_2238[0] : f32 from vector<1xf32>
      %mul3A_2240 = vector.broadcast %squeeze3A_2239 : f32 to vector<16xf32>
      %mul3A_2241 = arith.mulf %get3A_2073, %mul3A_2240 : vector<16xf32>
      %add3A_2242 = arith.addf %add3A_2234, %mul3A_2241 : vector<16xf32>
      %mul3A_2243 = vector.broadcast %squeeze3A_2239 : f32 to vector<16xf32>
      %mul3A_2244 = arith.mulf %get3A_2076, %mul3A_2243 : vector<16xf32>
      %add3A_2245 = arith.addf %add3A_2237, %mul3A_2244 : vector<16xf32>
      %slice3A_2246 = vector.extract_strided_slice %mul3A_2213 {offsets = [4], sizes = [1], strides = [1]} : vector<16xf32> to vector<1xf32>
      %squeeze3A_2247 = vector.extract %slice3A_2246[0] : f32 from vector<1xf32>
      %mul3A_2248 = vector.broadcast %squeeze3A_2247 : f32 to vector<16xf32>
      %mul3A_2249 = arith.mulf %get3A_2097, %mul3A_2248 : vector<16xf32>
      %add3A_2250 = arith.addf %add3A_2242, %mul3A_2249 : vector<16xf32>
      %mul3A_2251 = vector.broadcast %squeeze3A_2247 : f32 to vector<16xf32>
      %mul3A_2252 = arith.mulf %get3A_2100, %mul3A_2251 : vector<16xf32>
      %add3A_2253 = arith.addf %add3A_2245, %mul3A_2252 : vector<16xf32>
      %slice3A_2254 = vector.extract_strided_slice %mul3A_2213 {offsets = [5], sizes = [1], strides = [1]} : vector<16xf32> to vector<1xf32>
      %squeeze3A_2255 = vector.extract %slice3A_2254[0] : f32 from vector<1xf32>
      %mul3A_2256 = vector.broadcast %squeeze3A_2255 : f32 to vector<16xf32>
      %mul3A_2257 = arith.mulf %get3A_2121, %mul3A_2256 : vector<16xf32>
      %add3A_2258 = arith.addf %add3A_2250, %mul3A_2257 : vector<16xf32>
      %mul3A_2259 = vector.broadcast %squeeze3A_2255 : f32 to vector<16xf32>
      %mul3A_2260 = arith.mulf %get3A_2124, %mul3A_2259 : vector<16xf32>
      %add3A_2261 = arith.addf %add3A_2253, %mul3A_2260 : vector<16xf32>
      %slice3A_2262 = vector.extract_strided_slice %mul3A_2213 {offsets = [6], sizes = [1], strides = [1]} : vector<16xf32> to vector<1xf32>
      %squeeze3A_2263 = vector.extract %slice3A_2262[0] : f32 from vector<1xf32>
      %mul3A_2264 = vector.broadcast %squeeze3A_2263 : f32 to vector<16xf32>
      %mul3A_2265 = arith.mulf %get3A_2145, %mul3A_2264 : vector<16xf32>
      %add3A_2266 = arith.addf %add3A_2258, %mul3A_2265 : vector<16xf32>
      %mul3A_2267 = vector.broadcast %squeeze3A_2263 : f32 to vector<16xf32>
      %mul3A_2268 = arith.mulf %get3A_2148, %mul3A_2267 : vector<16xf32>
      %add3A_2269 = arith.addf %add3A_2261, %mul3A_2268 : vector<16xf32>
      %slice3A_2270 = vector.extract_strided_slice %mul3A_2213 {offsets = [7], sizes = [1], strides = [1]} : vector<16xf32> to vector<1xf32>
      %squeeze3A_2271 = vector.extract %slice3A_2270[0] : f32 from vector<1xf32>
      %mul3A_2272 = vector.broadcast %squeeze3A_2271 : f32 to vector<16xf32>
      %mul3A_2273 = arith.mulf %get3A_2169, %mul3A_2272 : vector<16xf32>
      %add3A_2274 = arith.addf %add3A_2266, %mul3A_2273 : vector<16xf32>
      %mul3A_2275 = vector.broadcast %squeeze3A_2271 : f32 to vector<16xf32>
      %mul3A_2276 = arith.mulf %get3A_2172, %mul3A_2275 : vector<16xf32>
      %add3A_2277 = arith.addf %add3A_2269, %mul3A_2276 : vector<16xf32>
      %broadcast_in_dim3A_2278 = arith.constant 1.000000e+00 : f32
      %broadcast_in_dim3A_2279 = vector.broadcast %broadcast_in_dim3A_2278 : f32 to vector<16xf32>
      %add3A_2280 = arith.constant 50 : i32
      %add3A_2281 = arith.addi %mul3A_131, %add3A_2280 : i32
      %add3A_2282 = arith.constant 8 : i32
      %add3A_2283 = arith.addi %add3A_2281, %add3A_2282 : i32
      %add3A_2284 = arith.constant 0 : i32
      %add3A_2285 = arith.addi %add3A_2283, %add3A_2284 : i32
      %get3A_2286 = arith.index_cast %add3A_2285 : i32 to index
      %get3A_2287 = arith.constant 0 : index
      %get3A_2288 = tpu.vector_load %arg6[%get3A_2286, %get3A_2287] {strides = array<i32>} : memref<800x32xf32, #tpu.memory_space<vmem>>, vector<16xf32>,
      %get3A_2289 = arith.index_cast %add3A_2285 : i32 to index
      %get3A_2290 = arith.constant 16 : index
      %get3A_2291 = tpu.vector_load %arg6[%get3A_2289, %get3A_2290] {strides = array<i32>} : memref<800x32xf32, #tpu.memory_space<vmem>>, vector<16xf32>,
      %mul3A_2292 = arith.mulf %get3A_2288, %get3A_2288 : vector<16xf32>
      %mul3A_2293 = arith.mulf %get3A_2291, %get3A_2291 : vector<16xf32>
      %add3A_2294 = arith.addf %mul3A_2292, %mul3A_2293 : vector<16xf32>
      %reduce_sum3A_2295 = arith.constant true
      %reduce_sum3A_2296 = vector.broadcast %reduce_sum3A_2295 : i1 to vector<16xi1>
      %reduce_sum3A_2297 = tpu.scan <sum>, %add3A_2294 masked %reduce_sum3A_2296 : vector<16xf32>, vector<16xi1> -> vector<16xf32>
      %reduce_sum3A_2298 = vector.extract %reduce_sum3A_2297[15] : f32 from vector<16xf32>
      %eq3A_2299 = arith.constant 0 : i32
      %eq3A_2300 = vector.broadcast %eq3A_2299 : i32 to vector<16xi32>
      %eq3A_2301 = arith.cmpi eq, %iota3A, %eq3A_2300 : vector<16xi32>
      %broadcast_in_dim3A_2302 = vector.broadcast %reduce_sum3A_2298 : f32 to vector<16xf32>
      %select_n3A_2303 = arith.select %eq3A_2301, %broadcast_in_dim3A_2302, %broadcast_in_dim3A_2279 : vector<16xi1>, vector<16xf32>
      %add3A_2304 = arith.constant 50 : i32
      %add3A_2305 = arith.addi %mul3A_131, %add3A_2304 : i32
      %add3A_2306 = arith.constant 8 : i32
      %add3A_2307 = arith.addi %add3A_2305, %add3A_2306 : i32
      %add3A_2308 = arith.constant 1 : i32
      %add3A_2309 = arith.addi %add3A_2307, %add3A_2308 : i32
      %get3A_2310 = arith.index_cast %add3A_2309 : i32 to index
      %get3A_2311 = arith.constant 0 : index
      %get3A_2312 = tpu.vector_load %arg6[%get3A_2310, %get3A_2311] {strides = array<i32>} : memref<800x32xf32, #tpu.memory_space<vmem>>, vector<16xf32>,
      %get3A_2313 = arith.index_cast %add3A_2309 : i32 to index
      %get3A_2314 = arith.constant 16 : index
      %get3A_2315 = tpu.vector_load %arg6[%get3A_2313, %get3A_2314] {strides = array<i32>} : memref<800x32xf32, #tpu.memory_space<vmem>>, vector<16xf32>,
      %mul3A_2316 = arith.mulf %get3A_2312, %get3A_2312 : vector<16xf32>
      %mul3A_2317 = arith.mulf %get3A_2315, %get3A_2315 : vector<16xf32>
      %add3A_2318 = arith.addf %mul3A_2316, %mul3A_2317 : vector<16xf32>
      %reduce_sum3A_2319 = arith.constant true
      %reduce_sum3A_2320 = vector.broadcast %reduce_sum3A_2319 : i1 to vector<16xi1>
      %reduce_sum3A_2321 = tpu.scan <sum>, %add3A_2318 masked %reduce_sum3A_2320 : vector<16xf32>, vector<16xi1> -> vector<16xf32>
      %reduce_sum3A_2322 = vector.extract %reduce_sum3A_2321[15] : f32 from vector<16xf32>
      %eq3A_2323 = arith.constant 1 : i32
      %eq3A_2324 = vector.broadcast %eq3A_2323 : i32 to vector<16xi32>
      %eq3A_2325 = arith.cmpi eq, %iota3A, %eq3A_2324 : vector<16xi32>
      %broadcast_in_dim3A_2326 = vector.broadcast %reduce_sum3A_2322 : f32 to vector<16xf32>
      %select_n3A_2327 = arith.select %eq3A_2325, %broadcast_in_dim3A_2326, %select_n3A_2303 : vector<16xi1>, vector<16xf32>
      %add3A_2328 = arith.constant 50 : i32
      %add3A_2329 = arith.addi %mul3A_131, %add3A_2328 : i32
      %add3A_2330 = arith.constant 8 : i32
      %add3A_2331 = arith.addi %add3A_2329, %add3A_2330 : i32
      %add3A_2332 = arith.constant 2 : i32
      %add3A_2333 = arith.addi %add3A_2331, %add3A_2332 : i32
      %get3A_2334 = arith.index_cast %add3A_2333 : i32 to index
      %get3A_2335 = arith.constant 0 : index
      %get3A_2336 = tpu.vector_load %arg6[%get3A_2334, %get3A_2335] {strides = array<i32>} : memref<800x32xf32, #tpu.memory_space<vmem>>, vector<16xf32>,
      %get3A_2337 = arith.index_cast %add3A_2333 : i32 to index
      %get3A_2338 = arith.constant 16 : index
      %get3A_2339 = tpu.vector_load %arg6[%get3A_2337, %get3A_2338] {strides = array<i32>} : memref<800x32xf32, #tpu.memory_space<vmem>>, vector<16xf32>,
      %mul3A_2340 = arith.mulf %get3A_2336, %get3A_2336 : vector<16xf32>
      %mul3A_2341 = arith.mulf %get3A_2339, %get3A_2339 : vector<16xf32>
      %add3A_2342 = arith.addf %mul3A_2340, %mul3A_2341 : vector<16xf32>
      %reduce_sum3A_2343 = arith.constant true
      %reduce_sum3A_2344 = vector.broadcast %reduce_sum3A_2343 : i1 to vector<16xi1>
      %reduce_sum3A_2345 = tpu.scan <sum>, %add3A_2342 masked %reduce_sum3A_2344 : vector<16xf32>, vector<16xi1> -> vector<16xf32>
      %reduce_sum3A_2346 = vector.extract %reduce_sum3A_2345[15] : f32 from vector<16xf32>
      %eq3A_2347 = arith.constant 2 : i32
      %eq3A_2348 = vector.broadcast %eq3A_2347 : i32 to vector<16xi32>
      %eq3A_2349 = arith.cmpi eq, %iota3A, %eq3A_2348 : vector<16xi32>
      %broadcast_in_dim3A_2350 = vector.broadcast %reduce_sum3A_2346 : f32 to vector<16xf32>
      %select_n3A_2351 = arith.select %eq3A_2349, %broadcast_in_dim3A_2350, %select_n3A_2327 : vector<16xi1>, vector<16xf32>
      %add3A_2352 = arith.constant 50 : i32
      %add3A_2353 = arith.addi %mul3A_131, %add3A_2352 : i32
      %add3A_2354 = arith.constant 8 : i32
      %add3A_2355 = arith.addi %add3A_2353, %add3A_2354 : i32
      %add3A_2356 = arith.constant 3 : i32
      %add3A_2357 = arith.addi %add3A_2355, %add3A_2356 : i32
      %get3A_2358 = arith.index_cast %add3A_2357 : i32 to index
      %get3A_2359 = arith.constant 0 : index
      %get3A_2360 = tpu.vector_load %arg6[%get3A_2358, %get3A_2359] {strides = array<i32>} : memref<800x32xf32, #tpu.memory_space<vmem>>, vector<16xf32>,
      %get3A_2361 = arith.index_cast %add3A_2357 : i32 to index
      %get3A_2362 = arith.constant 16 : index
      %get3A_2363 = tpu.vector_load %arg6[%get3A_2361, %get3A_2362] {strides = array<i32>} : memref<800x32xf32, #tpu.memory_space<vmem>>, vector<16xf32>,
      %mul3A_2364 = arith.mulf %get3A_2360, %get3A_2360 : vector<16xf32>
      %mul3A_2365 = arith.mulf %get3A_2363, %get3A_2363 : vector<16xf32>
      %add3A_2366 = arith.addf %mul3A_2364, %mul3A_2365 : vector<16xf32>
      %reduce_sum3A_2367 = arith.constant true
      %reduce_sum3A_2368 = vector.broadcast %reduce_sum3A_2367 : i1 to vector<16xi1>
      %reduce_sum3A_2369 = tpu.scan <sum>, %add3A_2366 masked %reduce_sum3A_2368 : vector<16xf32>, vector<16xi1> -> vector<16xf32>
      %reduce_sum3A_2370 = vector.extract %reduce_sum3A_2369[15] : f32 from vector<16xf32>
      %eq3A_2371 = arith.constant 3 : i32
      %eq3A_2372 = vector.broadcast %eq3A_2371 : i32 to vector<16xi32>
      %eq3A_2373 = arith.cmpi eq, %iota3A, %eq3A_2372 : vector<16xi32>
      %broadcast_in_dim3A_2374 = vector.broadcast %reduce_sum3A_2370 : f32 to vector<16xf32>
      %select_n3A_2375 = arith.select %eq3A_2373, %broadcast_in_dim3A_2374, %select_n3A_2351 : vector<16xi1>, vector<16xf32>
      %add3A_2376 = arith.constant 50 : i32
      %add3A_2377 = arith.addi %mul3A_131, %add3A_2376 : i32
      %add3A_2378 = arith.constant 8 : i32
      %add3A_2379 = arith.addi %add3A_2377, %add3A_2378 : i32
      %add3A_2380 = arith.constant 4 : i32
      %add3A_2381 = arith.addi %add3A_2379, %add3A_2380 : i32
      %get3A_2382 = arith.index_cast %add3A_2381 : i32 to index
      %get3A_2383 = arith.constant 0 : index
      %get3A_2384 = tpu.vector_load %arg6[%get3A_2382, %get3A_2383] {strides = array<i32>} : memref<800x32xf32, #tpu.memory_space<vmem>>, vector<16xf32>,
      %get3A_2385 = arith.index_cast %add3A_2381 : i32 to index
      %get3A_2386 = arith.constant 16 : index
      %get3A_2387 = tpu.vector_load %arg6[%get3A_2385, %get3A_2386] {strides = array<i32>} : memref<800x32xf32, #tpu.memory_space<vmem>>, vector<16xf32>,
      %mul3A_2388 = arith.mulf %get3A_2384, %get3A_2384 : vector<16xf32>
      %mul3A_2389 = arith.mulf %get3A_2387, %get3A_2387 : vector<16xf32>
      %add3A_2390 = arith.addf %mul3A_2388, %mul3A_2389 : vector<16xf32>
      %reduce_sum3A_2391 = arith.constant true
      %reduce_sum3A_2392 = vector.broadcast %reduce_sum3A_2391 : i1 to vector<16xi1>
      %reduce_sum3A_2393 = tpu.scan <sum>, %add3A_2390 masked %reduce_sum3A_2392 : vector<16xf32>, vector<16xi1> -> vector<16xf32>
      %reduce_sum3A_2394 = vector.extract %reduce_sum3A_2393[15] : f32 from vector<16xf32>
      %eq3A_2395 = arith.constant 4 : i32
      %eq3A_2396 = vector.broadcast %eq3A_2395 : i32 to vector<16xi32>
      %eq3A_2397 = arith.cmpi eq, %iota3A, %eq3A_2396 : vector<16xi32>
      %broadcast_in_dim3A_2398 = vector.broadcast %reduce_sum3A_2394 : f32 to vector<16xf32>
      %select_n3A_2399 = arith.select %eq3A_2397, %broadcast_in_dim3A_2398, %select_n3A_2375 : vector<16xi1>, vector<16xf32>
      %add3A_2400 = arith.constant 50 : i32
      %add3A_2401 = arith.addi %mul3A_131, %add3A_2400 : i32
      %add3A_2402 = arith.constant 8 : i32
      %add3A_2403 = arith.addi %add3A_2401, %add3A_2402 : i32
      %add3A_2404 = arith.constant 5 : i32
      %add3A_2405 = arith.addi %add3A_2403, %add3A_2404 : i32
      %get3A_2406 = arith.index_cast %add3A_2405 : i32 to index
      %get3A_2407 = arith.constant 0 : index
      %get3A_2408 = tpu.vector_load %arg6[%get3A_2406, %get3A_2407] {strides = array<i32>} : memref<800x32xf32, #tpu.memory_space<vmem>>, vector<16xf32>,
      %get3A_2409 = arith.index_cast %add3A_2405 : i32 to index
      %get3A_2410 = arith.constant 16 : index
      %get3A_2411 = tpu.vector_load %arg6[%get3A_2409, %get3A_2410] {strides = array<i32>} : memref<800x32xf32, #tpu.memory_space<vmem>>, vector<16xf32>,
      %mul3A_2412 = arith.mulf %get3A_2408, %get3A_2408 : vector<16xf32>
      %mul3A_2413 = arith.mulf %get3A_2411, %get3A_2411 : vector<16xf32>
      %add3A_2414 = arith.addf %mul3A_2412, %mul3A_2413 : vector<16xf32>
      %reduce_sum3A_2415 = arith.constant true
      %reduce_sum3A_2416 = vector.broadcast %reduce_sum3A_2415 : i1 to vector<16xi1>
      %reduce_sum3A_2417 = tpu.scan <sum>, %add3A_2414 masked %reduce_sum3A_2416 : vector<16xf32>, vector<16xi1> -> vector<16xf32>
      %reduce_sum3A_2418 = vector.extract %reduce_sum3A_2417[15] : f32 from vector<16xf32>
      %eq3A_2419 = arith.constant 5 : i32
      %eq3A_2420 = vector.broadcast %eq3A_2419 : i32 to vector<16xi32>
      %eq3A_2421 = arith.cmpi eq, %iota3A, %eq3A_2420 : vector<16xi32>
      %broadcast_in_dim3A_2422 = vector.broadcast %reduce_sum3A_2418 : f32 to vector<16xf32>
      %select_n3A_2423 = arith.select %eq3A_2421, %broadcast_in_dim3A_2422, %select_n3A_2399 : vector<16xi1>, vector<16xf32>
      %add3A_2424 = arith.constant 50 : i32
      %add3A_2425 = arith.addi %mul3A_131, %add3A_2424 : i32
      %add3A_2426 = arith.constant 8 : i32
      %add3A_2427 = arith.addi %add3A_2425, %add3A_2426 : i32
      %add3A_2428 = arith.constant 6 : i32
      %add3A_2429 = arith.addi %add3A_2427, %add3A_2428 : i32
      %get3A_2430 = arith.index_cast %add3A_2429 : i32 to index
      %get3A_2431 = arith.constant 0 : index
      %get3A_2432 = tpu.vector_load %arg6[%get3A_2430, %get3A_2431] {strides = array<i32>} : memref<800x32xf32, #tpu.memory_space<vmem>>, vector<16xf32>,
      %get3A_2433 = arith.index_cast %add3A_2429 : i32 to index
      %get3A_2434 = arith.constant 16 : index
      %get3A_2435 = tpu.vector_load %arg6[%get3A_2433, %get3A_2434] {strides = array<i32>} : memref<800x32xf32, #tpu.memory_space<vmem>>, vector<16xf32>,
      %mul3A_2436 = arith.mulf %get3A_2432, %get3A_2432 : vector<16xf32>
      %mul3A_2437 = arith.mulf %get3A_2435, %get3A_2435 : vector<16xf32>
      %add3A_2438 = arith.addf %mul3A_2436, %mul3A_2437 : vector<16xf32>
      %reduce_sum3A_2439 = arith.constant true
      %reduce_sum3A_2440 = vector.broadcast %reduce_sum3A_2439 : i1 to vector<16xi1>
      %reduce_sum3A_2441 = tpu.scan <sum>, %add3A_2438 masked %reduce_sum3A_2440 : vector<16xf32>, vector<16xi1> -> vector<16xf32>
      %reduce_sum3A_2442 = vector.extract %reduce_sum3A_2441[15] : f32 from vector<16xf32>
      %eq3A_2443 = arith.constant 6 : i32
      %eq3A_2444 = vector.broadcast %eq3A_2443 : i32 to vector<16xi32>
      %eq3A_2445 = arith.cmpi eq, %iota3A, %eq3A_2444 : vector<16xi32>
      %broadcast_in_dim3A_2446 = vector.broadcast %reduce_sum3A_2442 : f32 to vector<16xf32>
      %select_n3A_2447 = arith.select %eq3A_2445, %broadcast_in_dim3A_2446, %select_n3A_2423 : vector<16xi1>, vector<16xf32>
      %add3A_2448 = arith.constant 50 : i32
      %add3A_2449 = arith.addi %mul3A_131, %add3A_2448 : i32
      %add3A_2450 = arith.constant 8 : i32
      %add3A_2451 = arith.addi %add3A_2449, %add3A_2450 : i32
      %add3A_2452 = arith.constant 7 : i32
      %add3A_2453 = arith.addi %add3A_2451, %add3A_2452 : i32
      %get3A_2454 = arith.index_cast %add3A_2453 : i32 to index
      %get3A_2455 = arith.constant 0 : index
      %get3A_2456 = tpu.vector_load %arg6[%get3A_2454, %get3A_2455] {strides = array<i32>} : memref<800x32xf32, #tpu.memory_space<vmem>>, vector<16xf32>,
      %get3A_2457 = arith.index_cast %add3A_2453 : i32 to index
      %get3A_2458 = arith.constant 16 : index
      %get3A_2459 = tpu.vector_load %arg6[%get3A_2457, %get3A_2458] {strides = array<i32>} : memref<800x32xf32, #tpu.memory_space<vmem>>, vector<16xf32>,
      %mul3A_2460 = arith.mulf %get3A_2456, %get3A_2456 : vector<16xf32>
      %mul3A_2461 = arith.mulf %get3A_2459, %get3A_2459 : vector<16xf32>
      %add3A_2462 = arith.addf %mul3A_2460, %mul3A_2461 : vector<16xf32>
      %reduce_sum3A_2463 = arith.constant true
      %reduce_sum3A_2464 = vector.broadcast %reduce_sum3A_2463 : i1 to vector<16xi1>
      %reduce_sum3A_2465 = tpu.scan <sum>, %add3A_2462 masked %reduce_sum3A_2464 : vector<16xf32>, vector<16xi1> -> vector<16xf32>
      %reduce_sum3A_2466 = vector.extract %reduce_sum3A_2465[15] : f32 from vector<16xf32>
      %eq3A_2467 = arith.constant 7 : i32
      %eq3A_2468 = vector.broadcast %eq3A_2467 : i32 to vector<16xi32>
      %eq3A_2469 = arith.cmpi eq, %iota3A, %eq3A_2468 : vector<16xi32>
      %broadcast_in_dim3A_2470 = vector.broadcast %reduce_sum3A_2466 : f32 to vector<16xf32>
      %select_n3A_2471 = arith.select %eq3A_2469, %broadcast_in_dim3A_2470, %select_n3A_2447 : vector<16xi1>, vector<16xf32>
      %bitcast_convert_type3A_2472 = tpu.bitcast %select_n3A_2471 : vector<16xf32> -> vector<16xi32>
      %shift_right_arithmetic3A_2473 = arith.constant 1 : i32
      %shift_right_arithmetic3A_2474 = vector.broadcast %shift_right_arithmetic3A_2473 : i32 to vector<16xi32>
      %shift_right_arithmetic3A_2475 = arith.shrsi %bitcast_convert_type3A_2472, %shift_right_arithmetic3A_2474 : vector<16xi32>
      %sub3A_2476 = arith.constant 1597463007 : i32
      %sub3A_2477 = vector.broadcast %sub3A_2476 : i32 to vector<16xi32>
      %sub3A_2478 = arith.subi %sub3A_2477, %shift_right_arithmetic3A_2475 : vector<16xi32>
      %bitcast_convert_type3A_2479 = tpu.bitcast %sub3A_2478 : vector<16xi32> -> vector<16xf32>
      %mul3A_2480 = arith.constant 5.000000e-01 : f32
      %mul3A_2481 = vector.broadcast %mul3A_2480 : f32 to vector<16xf32>
      %mul3A_2482 = arith.mulf %select_n3A_2471, %mul3A_2481 : vector<16xf32>
      %mul3A_2483 = arith.mulf %mul3A_2482, %bitcast_convert_type3A_2479 : vector<16xf32>
      %mul3A_2484 = arith.mulf %mul3A_2483, %bitcast_convert_type3A_2479 : vector<16xf32>
      %sub3A_2485 = arith.constant 1.500000e+00 : f32
      %sub3A_2486 = vector.broadcast %sub3A_2485 : f32 to vector<16xf32>
      %sub3A_2487 = arith.subf %sub3A_2486, %mul3A_2484 : vector<16xf32>
      %mul3A_2488 = arith.mulf %bitcast_convert_type3A_2479, %sub3A_2487 : vector<16xf32>
      %mul3A_2489 = arith.mulf %mul3A_2482, %mul3A_2488 : vector<16xf32>
      %mul3A_2490 = arith.mulf %mul3A_2489, %mul3A_2488 : vector<16xf32>
      %sub3A_2491 = arith.constant 1.500000e+00 : f32
      %sub3A_2492 = vector.broadcast %sub3A_2491 : f32 to vector<16xf32>
      %sub3A_2493 = arith.subf %sub3A_2492, %mul3A_2490 : vector<16xf32>
      %mul3A_2494 = arith.mulf %mul3A_2488, %sub3A_2493 : vector<16xf32>
      %mul3A_2495 = arith.mulf %mul3A_2482, %mul3A_2494 : vector<16xf32>
      %mul3A_2496 = arith.mulf %mul3A_2495, %mul3A_2494 : vector<16xf32>
      %sub3A_2497 = arith.constant 1.500000e+00 : f32
      %sub3A_2498 = vector.broadcast %sub3A_2497 : f32 to vector<16xf32>
      %sub3A_2499 = arith.subf %sub3A_2498, %mul3A_2496 : vector<16xf32>
      %mul3A_2500 = arith.mulf %mul3A_2494, %sub3A_2499 : vector<16xf32>
      %slice3A_2501 = vector.extract_strided_slice %mul3A_2500 {offsets = [0], sizes = [1], strides = [1]} : vector<16xf32> to vector<1xf32>
      %squeeze3A_2502 = vector.extract %slice3A_2501[0] : f32 from vector<1xf32>
      %mul3A_2503 = vector.broadcast %squeeze3A_2502 : f32 to vector<16xf32>
      %mul3A_2504 = arith.mulf %get3A_2288, %mul3A_2503 : vector<16xf32>
      %add3A_2505 = arith.addf %add3A_2274, %mul3A_2504 : vector<16xf32>
      %mul3A_2506 = vector.broadcast %squeeze3A_2502 : f32 to vector<16xf32>
      %mul3A_2507 = arith.mulf %get3A_2291, %mul3A_2506 : vector<16xf32>
      %add3A_2508 = arith.addf %add3A_2277, %mul3A_2507 : vector<16xf32>
      %slice3A_2509 = vector.extract_strided_slice %mul3A_2500 {offsets = [1], sizes = [1], strides = [1]} : vector<16xf32> to vector<1xf32>
      %squeeze3A_2510 = vector.extract %slice3A_2509[0] : f32 from vector<1xf32>
      %mul3A_2511 = vector.broadcast %squeeze3A_2510 : f32 to vector<16xf32>
      %mul3A_2512 = arith.mulf %get3A_2312, %mul3A_2511 : vector<16xf32>
      %add3A_2513 = arith.addf %add3A_2505, %mul3A_2512 : vector<16xf32>
      %mul3A_2514 = vector.broadcast %squeeze3A_2510 : f32 to vector<16xf32>
      %mul3A_2515 = arith.mulf %get3A_2315, %mul3A_2514 : vector<16xf32>
      %add3A_2516 = arith.addf %add3A_2508, %mul3A_2515 : vector<16xf32>
      %slice3A_2517 = vector.extract_strided_slice %mul3A_2500 {offsets = [2], sizes = [1], strides = [1]} : vector<16xf32> to vector<1xf32>
      %squeeze3A_2518 = vector.extract %slice3A_2517[0] : f32 from vector<1xf32>
      %mul3A_2519 = vector.broadcast %squeeze3A_2518 : f32 to vector<16xf32>
      %mul3A_2520 = arith.mulf %get3A_2336, %mul3A_2519 : vector<16xf32>
      %add3A_2521 = arith.addf %add3A_2513, %mul3A_2520 : vector<16xf32>
      %mul3A_2522 = vector.broadcast %squeeze3A_2518 : f32 to vector<16xf32>
      %mul3A_2523 = arith.mulf %get3A_2339, %mul3A_2522 : vector<16xf32>
      %add3A_2524 = arith.addf %add3A_2516, %mul3A_2523 : vector<16xf32>
      %slice3A_2525 = vector.extract_strided_slice %mul3A_2500 {offsets = [3], sizes = [1], strides = [1]} : vector<16xf32> to vector<1xf32>
      %squeeze3A_2526 = vector.extract %slice3A_2525[0] : f32 from vector<1xf32>
      %mul3A_2527 = vector.broadcast %squeeze3A_2526 : f32 to vector<16xf32>
      %mul3A_2528 = arith.mulf %get3A_2360, %mul3A_2527 : vector<16xf32>
      %add3A_2529 = arith.addf %add3A_2521, %mul3A_2528 : vector<16xf32>
      %mul3A_2530 = vector.broadcast %squeeze3A_2526 : f32 to vector<16xf32>
      %mul3A_2531 = arith.mulf %get3A_2363, %mul3A_2530 : vector<16xf32>
      %add3A_2532 = arith.addf %add3A_2524, %mul3A_2531 : vector<16xf32>
      %slice3A_2533 = vector.extract_strided_slice %mul3A_2500 {offsets = [4], sizes = [1], strides = [1]} : vector<16xf32> to vector<1xf32>
      %squeeze3A_2534 = vector.extract %slice3A_2533[0] : f32 from vector<1xf32>
      %mul3A_2535 = vector.broadcast %squeeze3A_2534 : f32 to vector<16xf32>
      %mul3A_2536 = arith.mulf %get3A_2384, %mul3A_2535 : vector<16xf32>
      %add3A_2537 = arith.addf %add3A_2529, %mul3A_2536 : vector<16xf32>
      %mul3A_2538 = vector.broadcast %squeeze3A_2534 : f32 to vector<16xf32>
      %mul3A_2539 = arith.mulf %get3A_2387, %mul3A_2538 : vector<16xf32>
      %add3A_2540 = arith.addf %add3A_2532, %mul3A_2539 : vector<16xf32>
      %slice3A_2541 = vector.extract_strided_slice %mul3A_2500 {offsets = [5], sizes = [1], strides = [1]} : vector<16xf32> to vector<1xf32>
      %squeeze3A_2542 = vector.extract %slice3A_2541[0] : f32 from vector<1xf32>
      %mul3A_2543 = vector.broadcast %squeeze3A_2542 : f32 to vector<16xf32>
      %mul3A_2544 = arith.mulf %get3A_2408, %mul3A_2543 : vector<16xf32>
      %add3A_2545 = arith.addf %add3A_2537, %mul3A_2544 : vector<16xf32>
      %mul3A_2546 = vector.broadcast %squeeze3A_2542 : f32 to vector<16xf32>
      %mul3A_2547 = arith.mulf %get3A_2411, %mul3A_2546 : vector<16xf32>
      %add3A_2548 = arith.addf %add3A_2540, %mul3A_2547 : vector<16xf32>
      %slice3A_2549 = vector.extract_strided_slice %mul3A_2500 {offsets = [6], sizes = [1], strides = [1]} : vector<16xf32> to vector<1xf32>
      %squeeze3A_2550 = vector.extract %slice3A_2549[0] : f32 from vector<1xf32>
      %mul3A_2551 = vector.broadcast %squeeze3A_2550 : f32 to vector<16xf32>
      %mul3A_2552 = arith.mulf %get3A_2432, %mul3A_2551 : vector<16xf32>
      %add3A_2553 = arith.addf %add3A_2545, %mul3A_2552 : vector<16xf32>
      %mul3A_2554 = vector.broadcast %squeeze3A_2550 : f32 to vector<16xf32>
      %mul3A_2555 = arith.mulf %get3A_2435, %mul3A_2554 : vector<16xf32>
      %add3A_2556 = arith.addf %add3A_2548, %mul3A_2555 : vector<16xf32>
      %slice3A_2557 = vector.extract_strided_slice %mul3A_2500 {offsets = [7], sizes = [1], strides = [1]} : vector<16xf32> to vector<1xf32>
      %squeeze3A_2558 = vector.extract %slice3A_2557[0] : f32 from vector<1xf32>
      %mul3A_2559 = vector.broadcast %squeeze3A_2558 : f32 to vector<16xf32>
      %mul3A_2560 = arith.mulf %get3A_2456, %mul3A_2559 : vector<16xf32>
      %add3A_2561 = arith.addf %add3A_2553, %mul3A_2560 : vector<16xf32>
      %mul3A_2562 = vector.broadcast %squeeze3A_2558 : f32 to vector<16xf32>
      %mul3A_2563 = arith.mulf %get3A_2459, %mul3A_2562 : vector<16xf32>
      %add3A_2564 = arith.addf %add3A_2556, %mul3A_2563 : vector<16xf32>
      %broadcast_in_dim3A_2565 = arith.constant 1.000000e+00 : f32
      %broadcast_in_dim3A_2566 = vector.broadcast %broadcast_in_dim3A_2565 : f32 to vector<16xf32>
      %add3A_2567 = arith.constant 50 : i32
      %add3A_2568 = arith.addi %mul3A_131, %add3A_2567 : i32
      %add3A_2569 = arith.constant 16 : i32
      %add3A_2570 = arith.addi %add3A_2568, %add3A_2569 : i32
      %add3A_2571 = arith.constant 0 : i32
      %add3A_2572 = arith.addi %add3A_2570, %add3A_2571 : i32
      %get3A_2573 = arith.index_cast %add3A_2572 : i32 to index
      %get3A_2574 = arith.constant 0 : index
      %get3A_2575 = tpu.vector_load %arg6[%get3A_2573, %get3A_2574] {strides = array<i32>} : memref<800x32xf32, #tpu.memory_space<vmem>>, vector<16xf32>,
      %get3A_2576 = arith.index_cast %add3A_2572 : i32 to index
      %get3A_2577 = arith.constant 16 : index
      %get3A_2578 = tpu.vector_load %arg6[%get3A_2576, %get3A_2577] {strides = array<i32>} : memref<800x32xf32, #tpu.memory_space<vmem>>, vector<16xf32>,
      %mul3A_2579 = arith.mulf %get3A_2575, %get3A_2575 : vector<16xf32>
      %mul3A_2580 = arith.mulf %get3A_2578, %get3A_2578 : vector<16xf32>
      %add3A_2581 = arith.addf %mul3A_2579, %mul3A_2580 : vector<16xf32>
      %reduce_sum3A_2582 = arith.constant true
      %reduce_sum3A_2583 = vector.broadcast %reduce_sum3A_2582 : i1 to vector<16xi1>
      %reduce_sum3A_2584 = tpu.scan <sum>, %add3A_2581 masked %reduce_sum3A_2583 : vector<16xf32>, vector<16xi1> -> vector<16xf32>
      %reduce_sum3A_2585 = vector.extract %reduce_sum3A_2584[15] : f32 from vector<16xf32>
      %eq3A_2586 = arith.constant 0 : i32
      %eq3A_2587 = vector.broadcast %eq3A_2586 : i32 to vector<16xi32>
      %eq3A_2588 = arith.cmpi eq, %iota3A, %eq3A_2587 : vector<16xi32>
      %broadcast_in_dim3A_2589 = vector.broadcast %reduce_sum3A_2585 : f32 to vector<16xf32>
      %select_n3A_2590 = arith.select %eq3A_2588, %broadcast_in_dim3A_2589, %broadcast_in_dim3A_2566 : vector<16xi1>, vector<16xf32>
      %add3A_2591 = arith.constant 50 : i32
      %add3A_2592 = arith.addi %mul3A_131, %add3A_2591 : i32
      %add3A_2593 = arith.constant 16 : i32
      %add3A_2594 = arith.addi %add3A_2592, %add3A_2593 : i32
      %add3A_2595 = arith.constant 1 : i32
      %add3A_2596 = arith.addi %add3A_2594, %add3A_2595 : i32
      %get3A_2597 = arith.index_cast %add3A_2596 : i32 to index
      %get3A_2598 = arith.constant 0 : index
      %get3A_2599 = tpu.vector_load %arg6[%get3A_2597, %get3A_2598] {strides = array<i32>} : memref<800x32xf32, #tpu.memory_space<vmem>>, vector<16xf32>,
      %get3A_2600 = arith.index_cast %add3A_2596 : i32 to index
      %get3A_2601 = arith.constant 16 : index
      %get3A_2602 = tpu.vector_load %arg6[%get3A_2600, %get3A_2601] {strides = array<i32>} : memref<800x32xf32, #tpu.memory_space<vmem>>, vector<16xf32>,
      %mul3A_2603 = arith.mulf %get3A_2599, %get3A_2599 : vector<16xf32>
      %mul3A_2604 = arith.mulf %get3A_2602, %get3A_2602 : vector<16xf32>
      %add3A_2605 = arith.addf %mul3A_2603, %mul3A_2604 : vector<16xf32>
      %reduce_sum3A_2606 = arith.constant true
      %reduce_sum3A_2607 = vector.broadcast %reduce_sum3A_2606 : i1 to vector<16xi1>
      %reduce_sum3A_2608 = tpu.scan <sum>, %add3A_2605 masked %reduce_sum3A_2607 : vector<16xf32>, vector<16xi1> -> vector<16xf32>
      %reduce_sum3A_2609 = vector.extract %reduce_sum3A_2608[15] : f32 from vector<16xf32>
      %eq3A_2610 = arith.constant 1 : i32
      %eq3A_2611 = vector.broadcast %eq3A_2610 : i32 to vector<16xi32>
      %eq3A_2612 = arith.cmpi eq, %iota3A, %eq3A_2611 : vector<16xi32>
      %broadcast_in_dim3A_2613 = vector.broadcast %reduce_sum3A_2609 : f32 to vector<16xf32>
      %select_n3A_2614 = arith.select %eq3A_2612, %broadcast_in_dim3A_2613, %select_n3A_2590 : vector<16xi1>, vector<16xf32>
      %add3A_2615 = arith.constant 50 : i32
      %add3A_2616 = arith.addi %mul3A_131, %add3A_2615 : i32
      %add3A_2617 = arith.constant 16 : i32
      %add3A_2618 = arith.addi %add3A_2616, %add3A_2617 : i32
      %add3A_2619 = arith.constant 2 : i32
      %add3A_2620 = arith.addi %add3A_2618, %add3A_2619 : i32
      %get3A_2621 = arith.index_cast %add3A_2620 : i32 to index
      %get3A_2622 = arith.constant 0 : index
      %get3A_2623 = tpu.vector_load %arg6[%get3A_2621, %get3A_2622] {strides = array<i32>} : memref<800x32xf32, #tpu.memory_space<vmem>>, vector<16xf32>,
      %get3A_2624 = arith.index_cast %add3A_2620 : i32 to index
      %get3A_2625 = arith.constant 16 : index
      %get3A_2626 = tpu.vector_load %arg6[%get3A_2624, %get3A_2625] {strides = array<i32>} : memref<800x32xf32, #tpu.memory_space<vmem>>, vector<16xf32>,
      %mul3A_2627 = arith.mulf %get3A_2623, %get3A_2623 : vector<16xf32>
      %mul3A_2628 = arith.mulf %get3A_2626, %get3A_2626 : vector<16xf32>
      %add3A_2629 = arith.addf %mul3A_2627, %mul3A_2628 : vector<16xf32>
      %reduce_sum3A_2630 = arith.constant true
      %reduce_sum3A_2631 = vector.broadcast %reduce_sum3A_2630 : i1 to vector<16xi1>
      %reduce_sum3A_2632 = tpu.scan <sum>, %add3A_2629 masked %reduce_sum3A_2631 : vector<16xf32>, vector<16xi1> -> vector<16xf32>
      %reduce_sum3A_2633 = vector.extract %reduce_sum3A_2632[15] : f32 from vector<16xf32>
      %eq3A_2634 = arith.constant 2 : i32
      %eq3A_2635 = vector.broadcast %eq3A_2634 : i32 to vector<16xi32>
      %eq3A_2636 = arith.cmpi eq, %iota3A, %eq3A_2635 : vector<16xi32>
      %broadcast_in_dim3A_2637 = vector.broadcast %reduce_sum3A_2633 : f32 to vector<16xf32>
      %select_n3A_2638 = arith.select %eq3A_2636, %broadcast_in_dim3A_2637, %select_n3A_2614 : vector<16xi1>, vector<16xf32>
      %add3A_2639 = arith.constant 50 : i32
      %add3A_2640 = arith.addi %mul3A_131, %add3A_2639 : i32
      %add3A_2641 = arith.constant 16 : i32
      %add3A_2642 = arith.addi %add3A_2640, %add3A_2641 : i32
      %add3A_2643 = arith.constant 3 : i32
      %add3A_2644 = arith.addi %add3A_2642, %add3A_2643 : i32
      %get3A_2645 = arith.index_cast %add3A_2644 : i32 to index
      %get3A_2646 = arith.constant 0 : index
      %get3A_2647 = tpu.vector_load %arg6[%get3A_2645, %get3A_2646] {strides = array<i32>} : memref<800x32xf32, #tpu.memory_space<vmem>>, vector<16xf32>,
      %get3A_2648 = arith.index_cast %add3A_2644 : i32 to index
      %get3A_2649 = arith.constant 16 : index
      %get3A_2650 = tpu.vector_load %arg6[%get3A_2648, %get3A_2649] {strides = array<i32>} : memref<800x32xf32, #tpu.memory_space<vmem>>, vector<16xf32>,
      %mul3A_2651 = arith.mulf %get3A_2647, %get3A_2647 : vector<16xf32>
      %mul3A_2652 = arith.mulf %get3A_2650, %get3A_2650 : vector<16xf32>
      %add3A_2653 = arith.addf %mul3A_2651, %mul3A_2652 : vector<16xf32>
      %reduce_sum3A_2654 = arith.constant true
      %reduce_sum3A_2655 = vector.broadcast %reduce_sum3A_2654 : i1 to vector<16xi1>
      %reduce_sum3A_2656 = tpu.scan <sum>, %add3A_2653 masked %reduce_sum3A_2655 : vector<16xf32>, vector<16xi1> -> vector<16xf32>
      %reduce_sum3A_2657 = vector.extract %reduce_sum3A_2656[15] : f32 from vector<16xf32>
      %eq3A_2658 = arith.constant 3 : i32
      %eq3A_2659 = vector.broadcast %eq3A_2658 : i32 to vector<16xi32>
      %eq3A_2660 = arith.cmpi eq, %iota3A, %eq3A_2659 : vector<16xi32>
      %broadcast_in_dim3A_2661 = vector.broadcast %reduce_sum3A_2657 : f32 to vector<16xf32>
      %select_n3A_2662 = arith.select %eq3A_2660, %broadcast_in_dim3A_2661, %select_n3A_2638 : vector<16xi1>, vector<16xf32>
      %add3A_2663 = arith.constant 50 : i32
      %add3A_2664 = arith.addi %mul3A_131, %add3A_2663 : i32
      %add3A_2665 = arith.constant 16 : i32
      %add3A_2666 = arith.addi %add3A_2664, %add3A_2665 : i32
      %add3A_2667 = arith.constant 4 : i32
      %add3A_2668 = arith.addi %add3A_2666, %add3A_2667 : i32
      %get3A_2669 = arith.index_cast %add3A_2668 : i32 to index
      %get3A_2670 = arith.constant 0 : index
      %get3A_2671 = tpu.vector_load %arg6[%get3A_2669, %get3A_2670] {strides = array<i32>} : memref<800x32xf32, #tpu.memory_space<vmem>>, vector<16xf32>,
      %get3A_2672 = arith.index_cast %add3A_2668 : i32 to index
      %get3A_2673 = arith.constant 16 : index
      %get3A_2674 = tpu.vector_load %arg6[%get3A_2672, %get3A_2673] {strides = array<i32>} : memref<800x32xf32, #tpu.memory_space<vmem>>, vector<16xf32>,
      %mul3A_2675 = arith.mulf %get3A_2671, %get3A_2671 : vector<16xf32>
      %mul3A_2676 = arith.mulf %get3A_2674, %get3A_2674 : vector<16xf32>
      %add3A_2677 = arith.addf %mul3A_2675, %mul3A_2676 : vector<16xf32>
      %reduce_sum3A_2678 = arith.constant true
      %reduce_sum3A_2679 = vector.broadcast %reduce_sum3A_2678 : i1 to vector<16xi1>
      %reduce_sum3A_2680 = tpu.scan <sum>, %add3A_2677 masked %reduce_sum3A_2679 : vector<16xf32>, vector<16xi1> -> vector<16xf32>
      %reduce_sum3A_2681 = vector.extract %reduce_sum3A_2680[15] : f32 from vector<16xf32>
      %eq3A_2682 = arith.constant 4 : i32
      %eq3A_2683 = vector.broadcast %eq3A_2682 : i32 to vector<16xi32>
      %eq3A_2684 = arith.cmpi eq, %iota3A, %eq3A_2683 : vector<16xi32>
      %broadcast_in_dim3A_2685 = vector.broadcast %reduce_sum3A_2681 : f32 to vector<16xf32>
      %select_n3A_2686 = arith.select %eq3A_2684, %broadcast_in_dim3A_2685, %select_n3A_2662 : vector<16xi1>, vector<16xf32>
      %add3A_2687 = arith.constant 50 : i32
      %add3A_2688 = arith.addi %mul3A_131, %add3A_2687 : i32
      %add3A_2689 = arith.constant 16 : i32
      %add3A_2690 = arith.addi %add3A_2688, %add3A_2689 : i32
      %add3A_2691 = arith.constant 5 : i32
      %add3A_2692 = arith.addi %add3A_2690, %add3A_2691 : i32
      %get3A_2693 = arith.index_cast %add3A_2692 : i32 to index
      %get3A_2694 = arith.constant 0 : index
      %get3A_2695 = tpu.vector_load %arg6[%get3A_2693, %get3A_2694] {strides = array<i32>} : memref<800x32xf32, #tpu.memory_space<vmem>>, vector<16xf32>,
      %get3A_2696 = arith.index_cast %add3A_2692 : i32 to index
      %get3A_2697 = arith.constant 16 : index
      %get3A_2698 = tpu.vector_load %arg6[%get3A_2696, %get3A_2697] {strides = array<i32>} : memref<800x32xf32, #tpu.memory_space<vmem>>, vector<16xf32>,
      %mul3A_2699 = arith.mulf %get3A_2695, %get3A_2695 : vector<16xf32>
      %mul3A_2700 = arith.mulf %get3A_2698, %get3A_2698 : vector<16xf32>
      %add3A_2701 = arith.addf %mul3A_2699, %mul3A_2700 : vector<16xf32>
      %reduce_sum3A_2702 = arith.constant true
      %reduce_sum3A_2703 = vector.broadcast %reduce_sum3A_2702 : i1 to vector<16xi1>
      %reduce_sum3A_2704 = tpu.scan <sum>, %add3A_2701 masked %reduce_sum3A_2703 : vector<16xf32>, vector<16xi1> -> vector<16xf32>
      %reduce_sum3A_2705 = vector.extract %reduce_sum3A_2704[15] : f32 from vector<16xf32>
      %eq3A_2706 = arith.constant 5 : i32
      %eq3A_2707 = vector.broadcast %eq3A_2706 : i32 to vector<16xi32>
      %eq3A_2708 = arith.cmpi eq, %iota3A, %eq3A_2707 : vector<16xi32>
      %broadcast_in_dim3A_2709 = vector.broadcast %reduce_sum3A_2705 : f32 to vector<16xf32>
      %select_n3A_2710 = arith.select %eq3A_2708, %broadcast_in_dim3A_2709, %select_n3A_2686 : vector<16xi1>, vector<16xf32>
      %add3A_2711 = arith.constant 50 : i32
      %add3A_2712 = arith.addi %mul3A_131, %add3A_2711 : i32
      %add3A_2713 = arith.constant 16 : i32
      %add3A_2714 = arith.addi %add3A_2712, %add3A_2713 : i32
      %add3A_2715 = arith.constant 6 : i32
      %add3A_2716 = arith.addi %add3A_2714, %add3A_2715 : i32
      %get3A_2717 = arith.index_cast %add3A_2716 : i32 to index
      %get3A_2718 = arith.constant 0 : index
      %get3A_2719 = tpu.vector_load %arg6[%get3A_2717, %get3A_2718] {strides = array<i32>} : memref<800x32xf32, #tpu.memory_space<vmem>>, vector<16xf32>,
      %get3A_2720 = arith.index_cast %add3A_2716 : i32 to index
      %get3A_2721 = arith.constant 16 : index
      %get3A_2722 = tpu.vector_load %arg6[%get3A_2720, %get3A_2721] {strides = array<i32>} : memref<800x32xf32, #tpu.memory_space<vmem>>, vector<16xf32>,
      %mul3A_2723 = arith.mulf %get3A_2719, %get3A_2719 : vector<16xf32>
      %mul3A_2724 = arith.mulf %get3A_2722, %get3A_2722 : vector<16xf32>
      %add3A_2725 = arith.addf %mul3A_2723, %mul3A_2724 : vector<16xf32>
      %reduce_sum3A_2726 = arith.constant true
      %reduce_sum3A_2727 = vector.broadcast %reduce_sum3A_2726 : i1 to vector<16xi1>
      %reduce_sum3A_2728 = tpu.scan <sum>, %add3A_2725 masked %reduce_sum3A_2727 : vector<16xf32>, vector<16xi1> -> vector<16xf32>
      %reduce_sum3A_2729 = vector.extract %reduce_sum3A_2728[15] : f32 from vector<16xf32>
      %eq3A_2730 = arith.constant 6 : i32
      %eq3A_2731 = vector.broadcast %eq3A_2730 : i32 to vector<16xi32>
      %eq3A_2732 = arith.cmpi eq, %iota3A, %eq3A_2731 : vector<16xi32>
      %broadcast_in_dim3A_2733 = vector.broadcast %reduce_sum3A_2729 : f32 to vector<16xf32>
      %select_n3A_2734 = arith.select %eq3A_2732, %broadcast_in_dim3A_2733, %select_n3A_2710 : vector<16xi1>, vector<16xf32>
      %add3A_2735 = arith.constant 50 : i32
      %add3A_2736 = arith.addi %mul3A_131, %add3A_2735 : i32
      %add3A_2737 = arith.constant 16 : i32
      %add3A_2738 = arith.addi %add3A_2736, %add3A_2737 : i32
      %add3A_2739 = arith.constant 7 : i32
      %add3A_2740 = arith.addi %add3A_2738, %add3A_2739 : i32
      %get3A_2741 = arith.index_cast %add3A_2740 : i32 to index
      %get3A_2742 = arith.constant 0 : index
      %get3A_2743 = tpu.vector_load %arg6[%get3A_2741, %get3A_2742] {strides = array<i32>} : memref<800x32xf32, #tpu.memory_space<vmem>>, vector<16xf32>,
      %get3A_2744 = arith.index_cast %add3A_2740 : i32 to index
      %get3A_2745 = arith.constant 16 : index
      %get3A_2746 = tpu.vector_load %arg6[%get3A_2744, %get3A_2745] {strides = array<i32>} : memref<800x32xf32, #tpu.memory_space<vmem>>, vector<16xf32>,
      %mul3A_2747 = arith.mulf %get3A_2743, %get3A_2743 : vector<16xf32>
      %mul3A_2748 = arith.mulf %get3A_2746, %get3A_2746 : vector<16xf32>
      %add3A_2749 = arith.addf %mul3A_2747, %mul3A_2748 : vector<16xf32>
      %reduce_sum3A_2750 = arith.constant true
      %reduce_sum3A_2751 = vector.broadcast %reduce_sum3A_2750 : i1 to vector<16xi1>
      %reduce_sum3A_2752 = tpu.scan <sum>, %add3A_2749 masked %reduce_sum3A_2751 : vector<16xf32>, vector<16xi1> -> vector<16xf32>
      %reduce_sum3A_2753 = vector.extract %reduce_sum3A_2752[15] : f32 from vector<16xf32>
      %eq3A_2754 = arith.constant 7 : i32
      %eq3A_2755 = vector.broadcast %eq3A_2754 : i32 to vector<16xi32>
      %eq3A_2756 = arith.cmpi eq, %iota3A, %eq3A_2755 : vector<16xi32>
      %broadcast_in_dim3A_2757 = vector.broadcast %reduce_sum3A_2753 : f32 to vector<16xf32>
      %select_n3A_2758 = arith.select %eq3A_2756, %broadcast_in_dim3A_2757, %select_n3A_2734 : vector<16xi1>, vector<16xf32>
      %bitcast_convert_type3A_2759 = tpu.bitcast %select_n3A_2758 : vector<16xf32> -> vector<16xi32>
      %shift_right_arithmetic3A_2760 = arith.constant 1 : i32
      %shift_right_arithmetic3A_2761 = vector.broadcast %shift_right_arithmetic3A_2760 : i32 to vector<16xi32>
      %shift_right_arithmetic3A_2762 = arith.shrsi %bitcast_convert_type3A_2759, %shift_right_arithmetic3A_2761 : vector<16xi32>
      %sub3A_2763 = arith.constant 1597463007 : i32
      %sub3A_2764 = vector.broadcast %sub3A_2763 : i32 to vector<16xi32>
      %sub3A_2765 = arith.subi %sub3A_2764, %shift_right_arithmetic3A_2762 : vector<16xi32>
      %bitcast_convert_type3A_2766 = tpu.bitcast %sub3A_2765 : vector<16xi32> -> vector<16xf32>
      %mul3A_2767 = arith.constant 5.000000e-01 : f32
      %mul3A_2768 = vector.broadcast %mul3A_2767 : f32 to vector<16xf32>
      %mul3A_2769 = arith.mulf %select_n3A_2758, %mul3A_2768 : vector<16xf32>
      %mul3A_2770 = arith.mulf %mul3A_2769, %bitcast_convert_type3A_2766 : vector<16xf32>
      %mul3A_2771 = arith.mulf %mul3A_2770, %bitcast_convert_type3A_2766 : vector<16xf32>
      %sub3A_2772 = arith.constant 1.500000e+00 : f32
      %sub3A_2773 = vector.broadcast %sub3A_2772 : f32 to vector<16xf32>
      %sub3A_2774 = arith.subf %sub3A_2773, %mul3A_2771 : vector<16xf32>
      %mul3A_2775 = arith.mulf %bitcast_convert_type3A_2766, %sub3A_2774 : vector<16xf32>
      %mul3A_2776 = arith.mulf %mul3A_2769, %mul3A_2775 : vector<16xf32>
      %mul3A_2777 = arith.mulf %mul3A_2776, %mul3A_2775 : vector<16xf32>
      %sub3A_2778 = arith.constant 1.500000e+00 : f32
      %sub3A_2779 = vector.broadcast %sub3A_2778 : f32 to vector<16xf32>
      %sub3A_2780 = arith.subf %sub3A_2779, %mul3A_2777 : vector<16xf32>
      %mul3A_2781 = arith.mulf %mul3A_2775, %sub3A_2780 : vector<16xf32>
      %mul3A_2782 = arith.mulf %mul3A_2769, %mul3A_2781 : vector<16xf32>
      %mul3A_2783 = arith.mulf %mul3A_2782, %mul3A_2781 : vector<16xf32>
      %sub3A_2784 = arith.constant 1.500000e+00 : f32
      %sub3A_2785 = vector.broadcast %sub3A_2784 : f32 to vector<16xf32>
      %sub3A_2786 = arith.subf %sub3A_2785, %mul3A_2783 : vector<16xf32>
      %mul3A_2787 = arith.mulf %mul3A_2781, %sub3A_2786 : vector<16xf32>
      %slice3A_2788 = vector.extract_strided_slice %mul3A_2787 {offsets = [0], sizes = [1], strides = [1]} : vector<16xf32> to vector<1xf32>
      %squeeze3A_2789 = vector.extract %slice3A_2788[0] : f32 from vector<1xf32>
      %mul3A_2790 = vector.broadcast %squeeze3A_2789 : f32 to vector<16xf32>
      %mul3A_2791 = arith.mulf %get3A_2575, %mul3A_2790 : vector<16xf32>
      %add3A_2792 = arith.addf %add3A_2561, %mul3A_2791 : vector<16xf32>
      %mul3A_2793 = vector.broadcast %squeeze3A_2789 : f32 to vector<16xf32>
      %mul3A_2794 = arith.mulf %get3A_2578, %mul3A_2793 : vector<16xf32>
      %add3A_2795 = arith.addf %add3A_2564, %mul3A_2794 : vector<16xf32>
      %slice3A_2796 = vector.extract_strided_slice %mul3A_2787 {offsets = [1], sizes = [1], strides = [1]} : vector<16xf32> to vector<1xf32>
      %squeeze3A_2797 = vector.extract %slice3A_2796[0] : f32 from vector<1xf32>
      %mul3A_2798 = vector.broadcast %squeeze3A_2797 : f32 to vector<16xf32>
      %mul3A_2799 = arith.mulf %get3A_2599, %mul3A_2798 : vector<16xf32>
      %add3A_2800 = arith.addf %add3A_2792, %mul3A_2799 : vector<16xf32>
      %mul3A_2801 = vector.broadcast %squeeze3A_2797 : f32 to vector<16xf32>
      %mul3A_2802 = arith.mulf %get3A_2602, %mul3A_2801 : vector<16xf32>
      %add3A_2803 = arith.addf %add3A_2795, %mul3A_2802 : vector<16xf32>
      %slice3A_2804 = vector.extract_strided_slice %mul3A_2787 {offsets = [2], sizes = [1], strides = [1]} : vector<16xf32> to vector<1xf32>
      %squeeze3A_2805 = vector.extract %slice3A_2804[0] : f32 from vector<1xf32>
      %mul3A_2806 = vector.broadcast %squeeze3A_2805 : f32 to vector<16xf32>
      %mul3A_2807 = arith.mulf %get3A_2623, %mul3A_2806 : vector<16xf32>
      %add3A_2808 = arith.addf %add3A_2800, %mul3A_2807 : vector<16xf32>
      %mul3A_2809 = vector.broadcast %squeeze3A_2805 : f32 to vector<16xf32>
      %mul3A_2810 = arith.mulf %get3A_2626, %mul3A_2809 : vector<16xf32>
      %add3A_2811 = arith.addf %add3A_2803, %mul3A_2810 : vector<16xf32>
      %slice3A_2812 = vector.extract_strided_slice %mul3A_2787 {offsets = [3], sizes = [1], strides = [1]} : vector<16xf32> to vector<1xf32>
      %squeeze3A_2813 = vector.extract %slice3A_2812[0] : f32 from vector<1xf32>
      %mul3A_2814 = vector.broadcast %squeeze3A_2813 : f32 to vector<16xf32>
      %mul3A_2815 = arith.mulf %get3A_2647, %mul3A_2814 : vector<16xf32>
      %add3A_2816 = arith.addf %add3A_2808, %mul3A_2815 : vector<16xf32>
      %mul3A_2817 = vector.broadcast %squeeze3A_2813 : f32 to vector<16xf32>
      %mul3A_2818 = arith.mulf %get3A_2650, %mul3A_2817 : vector<16xf32>
      %add3A_2819 = arith.addf %add3A_2811, %mul3A_2818 : vector<16xf32>
      %slice3A_2820 = vector.extract_strided_slice %mul3A_2787 {offsets = [4], sizes = [1], strides = [1]} : vector<16xf32> to vector<1xf32>
      %squeeze3A_2821 = vector.extract %slice3A_2820[0] : f32 from vector<1xf32>
      %mul3A_2822 = vector.broadcast %squeeze3A_2821 : f32 to vector<16xf32>
      %mul3A_2823 = arith.mulf %get3A_2671, %mul3A_2822 : vector<16xf32>
      %add3A_2824 = arith.addf %add3A_2816, %mul3A_2823 : vector<16xf32>
      %mul3A_2825 = vector.broadcast %squeeze3A_2821 : f32 to vector<16xf32>
      %mul3A_2826 = arith.mulf %get3A_2674, %mul3A_2825 : vector<16xf32>
      %add3A_2827 = arith.addf %add3A_2819, %mul3A_2826 : vector<16xf32>
      %slice3A_2828 = vector.extract_strided_slice %mul3A_2787 {offsets = [5], sizes = [1], strides = [1]} : vector<16xf32> to vector<1xf32>
      %squeeze3A_2829 = vector.extract %slice3A_2828[0] : f32 from vector<1xf32>
      %mul3A_2830 = vector.broadcast %squeeze3A_2829 : f32 to vector<16xf32>
      %mul3A_2831 = arith.mulf %get3A_2695, %mul3A_2830 : vector<16xf32>
      %add3A_2832 = arith.addf %add3A_2824, %mul3A_2831 : vector<16xf32>
      %mul3A_2833 = vector.broadcast %squeeze3A_2829 : f32 to vector<16xf32>
      %mul3A_2834 = arith.mulf %get3A_2698, %mul3A_2833 : vector<16xf32>
      %add3A_2835 = arith.addf %add3A_2827, %mul3A_2834 : vector<16xf32>
      %slice3A_2836 = vector.extract_strided_slice %mul3A_2787 {offsets = [6], sizes = [1], strides = [1]} : vector<16xf32> to vector<1xf32>
      %squeeze3A_2837 = vector.extract %slice3A_2836[0] : f32 from vector<1xf32>
      %mul3A_2838 = vector.broadcast %squeeze3A_2837 : f32 to vector<16xf32>
      %mul3A_2839 = arith.mulf %get3A_2719, %mul3A_2838 : vector<16xf32>
      %add3A_2840 = arith.addf %add3A_2832, %mul3A_2839 : vector<16xf32>
      %mul3A_2841 = vector.broadcast %squeeze3A_2837 : f32 to vector<16xf32>
      %mul3A_2842 = arith.mulf %get3A_2722, %mul3A_2841 : vector<16xf32>
      %add3A_2843 = arith.addf %add3A_2835, %mul3A_2842 : vector<16xf32>
      %slice3A_2844 = vector.extract_strided_slice %mul3A_2787 {offsets = [7], sizes = [1], strides = [1]} : vector<16xf32> to vector<1xf32>
      %squeeze3A_2845 = vector.extract %slice3A_2844[0] : f32 from vector<1xf32>
      %mul3A_2846 = vector.broadcast %squeeze3A_2845 : f32 to vector<16xf32>
      %mul3A_2847 = arith.mulf %get3A_2743, %mul3A_2846 : vector<16xf32>
      %add3A_2848 = arith.addf %add3A_2840, %mul3A_2847 : vector<16xf32>
      %mul3A_2849 = vector.broadcast %squeeze3A_2845 : f32 to vector<16xf32>
      %mul3A_2850 = arith.mulf %get3A_2746, %mul3A_2849 : vector<16xf32>
      %add3A_2851 = arith.addf %add3A_2843, %mul3A_2850 : vector<16xf32>
      %broadcast_in_dim3A_2852 = arith.constant 1.000000e+00 : f32
      %broadcast_in_dim3A_2853 = vector.broadcast %broadcast_in_dim3A_2852 : f32 to vector<16xf32>
      %add3A_2854 = arith.constant 50 : i32
      %add3A_2855 = arith.addi %mul3A_131, %add3A_2854 : i32
      %add3A_2856 = arith.constant 24 : i32
      %add3A_2857 = arith.addi %add3A_2855, %add3A_2856 : i32
      %add3A_2858 = arith.constant 0 : i32
      %add3A_2859 = arith.addi %add3A_2857, %add3A_2858 : i32
      %get3A_2860 = arith.index_cast %add3A_2859 : i32 to index
      %get3A_2861 = arith.constant 0 : index
      %get3A_2862 = tpu.vector_load %arg6[%get3A_2860, %get3A_2861] {strides = array<i32>} : memref<800x32xf32, #tpu.memory_space<vmem>>, vector<16xf32>,
      %get3A_2863 = arith.index_cast %add3A_2859 : i32 to index
      %get3A_2864 = arith.constant 16 : index
      %get3A_2865 = tpu.vector_load %arg6[%get3A_2863, %get3A_2864] {strides = array<i32>} : memref<800x32xf32, #tpu.memory_space<vmem>>, vector<16xf32>,
      %mul3A_2866 = arith.mulf %get3A_2862, %get3A_2862 : vector<16xf32>
      %mul3A_2867 = arith.mulf %get3A_2865, %get3A_2865 : vector<16xf32>
      %add3A_2868 = arith.addf %mul3A_2866, %mul3A_2867 : vector<16xf32>
      %reduce_sum3A_2869 = arith.constant true
      %reduce_sum3A_2870 = vector.broadcast %reduce_sum3A_2869 : i1 to vector<16xi1>
      %reduce_sum3A_2871 = tpu.scan <sum>, %add3A_2868 masked %reduce_sum3A_2870 : vector<16xf32>, vector<16xi1> -> vector<16xf32>
      %reduce_sum3A_2872 = vector.extract %reduce_sum3A_2871[15] : f32 from vector<16xf32>
      %eq3A_2873 = arith.constant 0 : i32
      %eq3A_2874 = vector.broadcast %eq3A_2873 : i32 to vector<16xi32>
      %eq3A_2875 = arith.cmpi eq, %iota3A, %eq3A_2874 : vector<16xi32>
      %broadcast_in_dim3A_2876 = vector.broadcast %reduce_sum3A_2872 : f32 to vector<16xf32>
      %select_n3A_2877 = arith.select %eq3A_2875, %broadcast_in_dim3A_2876, %broadcast_in_dim3A_2853 : vector<16xi1>, vector<16xf32>
      %add3A_2878 = arith.constant 50 : i32
      %add3A_2879 = arith.addi %mul3A_131, %add3A_2878 : i32
      %add3A_2880 = arith.constant 24 : i32
      %add3A_2881 = arith.addi %add3A_2879, %add3A_2880 : i32
      %add3A_2882 = arith.constant 1 : i32
      %add3A_2883 = arith.addi %add3A_2881, %add3A_2882 : i32
      %get3A_2884 = arith.index_cast %add3A_2883 : i32 to index
      %get3A_2885 = arith.constant 0 : index
      %get3A_2886 = tpu.vector_load %arg6[%get3A_2884, %get3A_2885] {strides = array<i32>} : memref<800x32xf32, #tpu.memory_space<vmem>>, vector<16xf32>,
      %get3A_2887 = arith.index_cast %add3A_2883 : i32 to index
      %get3A_2888 = arith.constant 16 : index
      %get3A_2889 = tpu.vector_load %arg6[%get3A_2887, %get3A_2888] {strides = array<i32>} : memref<800x32xf32, #tpu.memory_space<vmem>>, vector<16xf32>,
      %mul3A_2890 = arith.mulf %get3A_2886, %get3A_2886 : vector<16xf32>
      %mul3A_2891 = arith.mulf %get3A_2889, %get3A_2889 : vector<16xf32>
      %add3A_2892 = arith.addf %mul3A_2890, %mul3A_2891 : vector<16xf32>
      %reduce_sum3A_2893 = arith.constant true
      %reduce_sum3A_2894 = vector.broadcast %reduce_sum3A_2893 : i1 to vector<16xi1>
      %reduce_sum3A_2895 = tpu.scan <sum>, %add3A_2892 masked %reduce_sum3A_2894 : vector<16xf32>, vector<16xi1> -> vector<16xf32>
      %reduce_sum3A_2896 = vector.extract %reduce_sum3A_2895[15] : f32 from vector<16xf32>
      %eq3A_2897 = arith.constant 1 : i32
      %eq3A_2898 = vector.broadcast %eq3A_2897 : i32 to vector<16xi32>
      %eq3A_2899 = arith.cmpi eq, %iota3A, %eq3A_2898 : vector<16xi32>
      %broadcast_in_dim3A_2900 = vector.broadcast %reduce_sum3A_2896 : f32 to vector<16xf32>
      %select_n3A_2901 = arith.select %eq3A_2899, %broadcast_in_dim3A_2900, %select_n3A_2877 : vector<16xi1>, vector<16xf32>
      %add3A_2902 = arith.constant 50 : i32
      %add3A_2903 = arith.addi %mul3A_131, %add3A_2902 : i32
      %add3A_2904 = arith.constant 24 : i32
      %add3A_2905 = arith.addi %add3A_2903, %add3A_2904 : i32
      %add3A_2906 = arith.constant 2 : i32
      %add3A_2907 = arith.addi %add3A_2905, %add3A_2906 : i32
      %get3A_2908 = arith.index_cast %add3A_2907 : i32 to index
      %get3A_2909 = arith.constant 0 : index
      %get3A_2910 = tpu.vector_load %arg6[%get3A_2908, %get3A_2909] {strides = array<i32>} : memref<800x32xf32, #tpu.memory_space<vmem>>, vector<16xf32>,
      %get3A_2911 = arith.index_cast %add3A_2907 : i32 to index
      %get3A_2912 = arith.constant 16 : index
      %get3A_2913 = tpu.vector_load %arg6[%get3A_2911, %get3A_2912] {strides = array<i32>} : memref<800x32xf32, #tpu.memory_space<vmem>>, vector<16xf32>,
      %mul3A_2914 = arith.mulf %get3A_2910, %get3A_2910 : vector<16xf32>
      %mul3A_2915 = arith.mulf %get3A_2913, %get3A_2913 : vector<16xf32>
      %add3A_2916 = arith.addf %mul3A_2914, %mul3A_2915 : vector<16xf32>
      %reduce_sum3A_2917 = arith.constant true
      %reduce_sum3A_2918 = vector.broadcast %reduce_sum3A_2917 : i1 to vector<16xi1>
      %reduce_sum3A_2919 = tpu.scan <sum>, %add3A_2916 masked %reduce_sum3A_2918 : vector<16xf32>, vector<16xi1> -> vector<16xf32>
      %reduce_sum3A_2920 = vector.extract %reduce_sum3A_2919[15] : f32 from vector<16xf32>
      %eq3A_2921 = arith.constant 2 : i32
      %eq3A_2922 = vector.broadcast %eq3A_2921 : i32 to vector<16xi32>
      %eq3A_2923 = arith.cmpi eq, %iota3A, %eq3A_2922 : vector<16xi32>
      %broadcast_in_dim3A_2924 = vector.broadcast %reduce_sum3A_2920 : f32 to vector<16xf32>
      %select_n3A_2925 = arith.select %eq3A_2923, %broadcast_in_dim3A_2924, %select_n3A_2901 : vector<16xi1>, vector<16xf32>
      %add3A_2926 = arith.constant 50 : i32
      %add3A_2927 = arith.addi %mul3A_131, %add3A_2926 : i32
      %add3A_2928 = arith.constant 24 : i32
      %add3A_2929 = arith.addi %add3A_2927, %add3A_2928 : i32
      %add3A_2930 = arith.constant 3 : i32
      %add3A_2931 = arith.addi %add3A_2929, %add3A_2930 : i32
      %get3A_2932 = arith.index_cast %add3A_2931 : i32 to index
      %get3A_2933 = arith.constant 0 : index
      %get3A_2934 = tpu.vector_load %arg6[%get3A_2932, %get3A_2933] {strides = array<i32>} : memref<800x32xf32, #tpu.memory_space<vmem>>, vector<16xf32>,
      %get3A_2935 = arith.index_cast %add3A_2931 : i32 to index
      %get3A_2936 = arith.constant 16 : index
      %get3A_2937 = tpu.vector_load %arg6[%get3A_2935, %get3A_2936] {strides = array<i32>} : memref<800x32xf32, #tpu.memory_space<vmem>>, vector<16xf32>,
      %mul3A_2938 = arith.mulf %get3A_2934, %get3A_2934 : vector<16xf32>
      %mul3A_2939 = arith.mulf %get3A_2937, %get3A_2937 : vector<16xf32>
      %add3A_2940 = arith.addf %mul3A_2938, %mul3A_2939 : vector<16xf32>
      %reduce_sum3A_2941 = arith.constant true
      %reduce_sum3A_2942 = vector.broadcast %reduce_sum3A_2941 : i1 to vector<16xi1>
      %reduce_sum3A_2943 = tpu.scan <sum>, %add3A_2940 masked %reduce_sum3A_2942 : vector<16xf32>, vector<16xi1> -> vector<16xf32>
      %reduce_sum3A_2944 = vector.extract %reduce_sum3A_2943[15] : f32 from vector<16xf32>
      %eq3A_2945 = arith.constant 3 : i32
      %eq3A_2946 = vector.broadcast %eq3A_2945 : i32 to vector<16xi32>
      %eq3A_2947 = arith.cmpi eq, %iota3A, %eq3A_2946 : vector<16xi32>
      %broadcast_in_dim3A_2948 = vector.broadcast %reduce_sum3A_2944 : f32 to vector<16xf32>
      %select_n3A_2949 = arith.select %eq3A_2947, %broadcast_in_dim3A_2948, %select_n3A_2925 : vector<16xi1>, vector<16xf32>
      %add3A_2950 = arith.constant 50 : i32
      %add3A_2951 = arith.addi %mul3A_131, %add3A_2950 : i32
      %add3A_2952 = arith.constant 24 : i32
      %add3A_2953 = arith.addi %add3A_2951, %add3A_2952 : i32
      %add3A_2954 = arith.constant 4 : i32
      %add3A_2955 = arith.addi %add3A_2953, %add3A_2954 : i32
      %get3A_2956 = arith.index_cast %add3A_2955 : i32 to index
      %get3A_2957 = arith.constant 0 : index
      %get3A_2958 = tpu.vector_load %arg6[%get3A_2956, %get3A_2957] {strides = array<i32>} : memref<800x32xf32, #tpu.memory_space<vmem>>, vector<16xf32>,
      %get3A_2959 = arith.index_cast %add3A_2955 : i32 to index
      %get3A_2960 = arith.constant 16 : index
      %get3A_2961 = tpu.vector_load %arg6[%get3A_2959, %get3A_2960] {strides = array<i32>} : memref<800x32xf32, #tpu.memory_space<vmem>>, vector<16xf32>,
      %mul3A_2962 = arith.mulf %get3A_2958, %get3A_2958 : vector<16xf32>
      %mul3A_2963 = arith.mulf %get3A_2961, %get3A_2961 : vector<16xf32>
      %add3A_2964 = arith.addf %mul3A_2962, %mul3A_2963 : vector<16xf32>
      %reduce_sum3A_2965 = arith.constant true
      %reduce_sum3A_2966 = vector.broadcast %reduce_sum3A_2965 : i1 to vector<16xi1>
      %reduce_sum3A_2967 = tpu.scan <sum>, %add3A_2964 masked %reduce_sum3A_2966 : vector<16xf32>, vector<16xi1> -> vector<16xf32>
      %reduce_sum3A_2968 = vector.extract %reduce_sum3A_2967[15] : f32 from vector<16xf32>
      %eq3A_2969 = arith.constant 4 : i32
      %eq3A_2970 = vector.broadcast %eq3A_2969 : i32 to vector<16xi32>
      %eq3A_2971 = arith.cmpi eq, %iota3A, %eq3A_2970 : vector<16xi32>
      %broadcast_in_dim3A_2972 = vector.broadcast %reduce_sum3A_2968 : f32 to vector<16xf32>
      %select_n3A_2973 = arith.select %eq3A_2971, %broadcast_in_dim3A_2972, %select_n3A_2949 : vector<16xi1>, vector<16xf32>
      %add3A_2974 = arith.constant 50 : i32
      %add3A_2975 = arith.addi %mul3A_131, %add3A_2974 : i32
      %add3A_2976 = arith.constant 24 : i32
      %add3A_2977 = arith.addi %add3A_2975, %add3A_2976 : i32
      %add3A_2978 = arith.constant 5 : i32
      %add3A_2979 = arith.addi %add3A_2977, %add3A_2978 : i32
      %get3A_2980 = arith.index_cast %add3A_2979 : i32 to index
      %get3A_2981 = arith.constant 0 : index
      %get3A_2982 = tpu.vector_load %arg6[%get3A_2980, %get3A_2981] {strides = array<i32>} : memref<800x32xf32, #tpu.memory_space<vmem>>, vector<16xf32>,
      %get3A_2983 = arith.index_cast %add3A_2979 : i32 to index
      %get3A_2984 = arith.constant 16 : index
      %get3A_2985 = tpu.vector_load %arg6[%get3A_2983, %get3A_2984] {strides = array<i32>} : memref<800x32xf32, #tpu.memory_space<vmem>>, vector<16xf32>,
      %mul3A_2986 = arith.mulf %get3A_2982, %get3A_2982 : vector<16xf32>
      %mul3A_2987 = arith.mulf %get3A_2985, %get3A_2985 : vector<16xf32>
      %add3A_2988 = arith.addf %mul3A_2986, %mul3A_2987 : vector<16xf32>
      %reduce_sum3A_2989 = arith.constant true
      %reduce_sum3A_2990 = vector.broadcast %reduce_sum3A_2989 : i1 to vector<16xi1>
      %reduce_sum3A_2991 = tpu.scan <sum>, %add3A_2988 masked %reduce_sum3A_2990 : vector<16xf32>, vector<16xi1> -> vector<16xf32>
      %reduce_sum3A_2992 = vector.extract %reduce_sum3A_2991[15] : f32 from vector<16xf32>
      %eq3A_2993 = arith.constant 5 : i32
      %eq3A_2994 = vector.broadcast %eq3A_2993 : i32 to vector<16xi32>
      %eq3A_2995 = arith.cmpi eq, %iota3A, %eq3A_2994 : vector<16xi32>
      %broadcast_in_dim3A_2996 = vector.broadcast %reduce_sum3A_2992 : f32 to vector<16xf32>
      %select_n3A_2997 = arith.select %eq3A_2995, %broadcast_in_dim3A_2996, %select_n3A_2973 : vector<16xi1>, vector<16xf32>
      %add3A_2998 = arith.constant 50 : i32
      %add3A_2999 = arith.addi %mul3A_131, %add3A_2998 : i32
      %add3A_3000 = arith.constant 24 : i32
      %add3A_3001 = arith.addi %add3A_2999, %add3A_3000 : i32
      %add3A_3002 = arith.constant 6 : i32
      %add3A_3003 = arith.addi %add3A_3001, %add3A_3002 : i32
      %get3A_3004 = arith.index_cast %add3A_3003 : i32 to index
      %get3A_3005 = arith.constant 0 : index
      %get3A_3006 = tpu.vector_load %arg6[%get3A_3004, %get3A_3005] {strides = array<i32>} : memref<800x32xf32, #tpu.memory_space<vmem>>, vector<16xf32>,
      %get3A_3007 = arith.index_cast %add3A_3003 : i32 to index
      %get3A_3008 = arith.constant 16 : index
      %get3A_3009 = tpu.vector_load %arg6[%get3A_3007, %get3A_3008] {strides = array<i32>} : memref<800x32xf32, #tpu.memory_space<vmem>>, vector<16xf32>,
      %mul3A_3010 = arith.mulf %get3A_3006, %get3A_3006 : vector<16xf32>
      %mul3A_3011 = arith.mulf %get3A_3009, %get3A_3009 : vector<16xf32>
      %add3A_3012 = arith.addf %mul3A_3010, %mul3A_3011 : vector<16xf32>
      %reduce_sum3A_3013 = arith.constant true
      %reduce_sum3A_3014 = vector.broadcast %reduce_sum3A_3013 : i1 to vector<16xi1>
      %reduce_sum3A_3015 = tpu.scan <sum>, %add3A_3012 masked %reduce_sum3A_3014 : vector<16xf32>, vector<16xi1> -> vector<16xf32>
      %reduce_sum3A_3016 = vector.extract %reduce_sum3A_3015[15] : f32 from vector<16xf32>
      %eq3A_3017 = arith.constant 6 : i32
      %eq3A_3018 = vector.broadcast %eq3A_3017 : i32 to vector<16xi32>
      %eq3A_3019 = arith.cmpi eq, %iota3A, %eq3A_3018 : vector<16xi32>
      %broadcast_in_dim3A_3020 = vector.broadcast %reduce_sum3A_3016 : f32 to vector<16xf32>
      %select_n3A_3021 = arith.select %eq3A_3019, %broadcast_in_dim3A_3020, %select_n3A_2997 : vector<16xi1>, vector<16xf32>
      %add3A_3022 = arith.constant 50 : i32
      %add3A_3023 = arith.addi %mul3A_131, %add3A_3022 : i32
      %add3A_3024 = arith.constant 24 : i32
      %add3A_3025 = arith.addi %add3A_3023, %add3A_3024 : i32
      %add3A_3026 = arith.constant 7 : i32
      %add3A_3027 = arith.addi %add3A_3025, %add3A_3026 : i32
      %get3A_3028 = arith.index_cast %add3A_3027 : i32 to index
      %get3A_3029 = arith.constant 0 : index
      %get3A_3030 = tpu.vector_load %arg6[%get3A_3028, %get3A_3029] {strides = array<i32>} : memref<800x32xf32, #tpu.memory_space<vmem>>, vector<16xf32>,
      %get3A_3031 = arith.index_cast %add3A_3027 : i32 to index
      %get3A_3032 = arith.constant 16 : index
      %get3A_3033 = tpu.vector_load %arg6[%get3A_3031, %get3A_3032] {strides = array<i32>} : memref<800x32xf32, #tpu.memory_space<vmem>>, vector<16xf32>,
      %mul3A_3034 = arith.mulf %get3A_3030, %get3A_3030 : vector<16xf32>
      %mul3A_3035 = arith.mulf %get3A_3033, %get3A_3033 : vector<16xf32>
      %add3A_3036 = arith.addf %mul3A_3034, %mul3A_3035 : vector<16xf32>
      %reduce_sum3A_3037 = arith.constant true
      %reduce_sum3A_3038 = vector.broadcast %reduce_sum3A_3037 : i1 to vector<16xi1>
      %reduce_sum3A_3039 = tpu.scan <sum>, %add3A_3036 masked %reduce_sum3A_3038 : vector<16xf32>, vector<16xi1> -> vector<16xf32>
      %reduce_sum3A_3040 = vector.extract %reduce_sum3A_3039[15] : f32 from vector<16xf32>
      %eq3A_3041 = arith.constant 7 : i32
      %eq3A_3042 = vector.broadcast %eq3A_3041 : i32 to vector<16xi32>
      %eq3A_3043 = arith.cmpi eq, %iota3A, %eq3A_3042 : vector<16xi32>
      %broadcast_in_dim3A_3044 = vector.broadcast %reduce_sum3A_3040 : f32 to vector<16xf32>
      %select_n3A_3045 = arith.select %eq3A_3043, %broadcast_in_dim3A_3044, %select_n3A_3021 : vector<16xi1>, vector<16xf32>
      %bitcast_convert_type3A_3046 = tpu.bitcast %select_n3A_3045 : vector<16xf32> -> vector<16xi32>
      %shift_right_arithmetic3A_3047 = arith.constant 1 : i32
      %shift_right_arithmetic3A_3048 = vector.broadcast %shift_right_arithmetic3A_3047 : i32 to vector<16xi32>
      %shift_right_arithmetic3A_3049 = arith.shrsi %bitcast_convert_type3A_3046, %shift_right_arithmetic3A_3048 : vector<16xi32>
      %sub3A_3050 = arith.constant 1597463007 : i32
      %sub3A_3051 = vector.broadcast %sub3A_3050 : i32 to vector<16xi32>
      %sub3A_3052 = arith.subi %sub3A_3051, %shift_right_arithmetic3A_3049 : vector<16xi32>
      %bitcast_convert_type3A_3053 = tpu.bitcast %sub3A_3052 : vector<16xi32> -> vector<16xf32>
      %mul3A_3054 = arith.constant 5.000000e-01 : f32
      %mul3A_3055 = vector.broadcast %mul3A_3054 : f32 to vector<16xf32>
      %mul3A_3056 = arith.mulf %select_n3A_3045, %mul3A_3055 : vector<16xf32>
      %mul3A_3057 = arith.mulf %mul3A_3056, %bitcast_convert_type3A_3053 : vector<16xf32>
      %mul3A_3058 = arith.mulf %mul3A_3057, %bitcast_convert_type3A_3053 : vector<16xf32>
      %sub3A_3059 = arith.constant 1.500000e+00 : f32
      %sub3A_3060 = vector.broadcast %sub3A_3059 : f32 to vector<16xf32>
      %sub3A_3061 = arith.subf %sub3A_3060, %mul3A_3058 : vector<16xf32>
      %mul3A_3062 = arith.mulf %bitcast_convert_type3A_3053, %sub3A_3061 : vector<16xf32>
      %mul3A_3063 = arith.mulf %mul3A_3056, %mul3A_3062 : vector<16xf32>
      %mul3A_3064 = arith.mulf %mul3A_3063, %mul3A_3062 : vector<16xf32>
      %sub3A_3065 = arith.constant 1.500000e+00 : f32
      %sub3A_3066 = vector.broadcast %sub3A_3065 : f32 to vector<16xf32>
      %sub3A_3067 = arith.subf %sub3A_3066, %mul3A_3064 : vector<16xf32>
      %mul3A_3068 = arith.mulf %mul3A_3062, %sub3A_3067 : vector<16xf32>
      %mul3A_3069 = arith.mulf %mul3A_3056, %mul3A_3068 : vector<16xf32>
      %mul3A_3070 = arith.mulf %mul3A_3069, %mul3A_3068 : vector<16xf32>
      %sub3A_3071 = arith.constant 1.500000e+00 : f32
      %sub3A_3072 = vector.broadcast %sub3A_3071 : f32 to vector<16xf32>
      %sub3A_3073 = arith.subf %sub3A_3072, %mul3A_3070 : vector<16xf32>
      %mul3A_3074 = arith.mulf %mul3A_3068, %sub3A_3073 : vector<16xf32>
      %slice3A_3075 = vector.extract_strided_slice %mul3A_3074 {offsets = [0], sizes = [1], strides = [1]} : vector<16xf32> to vector<1xf32>
      %squeeze3A_3076 = vector.extract %slice3A_3075[0] : f32 from vector<1xf32>
      %mul3A_3077 = vector.broadcast %squeeze3A_3076 : f32 to vector<16xf32>
      %mul3A_3078 = arith.mulf %get3A_2862, %mul3A_3077 : vector<16xf32>
      %add3A_3079 = arith.addf %add3A_2848, %mul3A_3078 : vector<16xf32>
      %mul3A_3080 = vector.broadcast %squeeze3A_3076 : f32 to vector<16xf32>
      %mul3A_3081 = arith.mulf %get3A_2865, %mul3A_3080 : vector<16xf32>
      %add3A_3082 = arith.addf %add3A_2851, %mul3A_3081 : vector<16xf32>
      %slice3A_3083 = vector.extract_strided_slice %mul3A_3074 {offsets = [1], sizes = [1], strides = [1]} : vector<16xf32> to vector<1xf32>
      %squeeze3A_3084 = vector.extract %slice3A_3083[0] : f32 from vector<1xf32>
      %mul3A_3085 = vector.broadcast %squeeze3A_3084 : f32 to vector<16xf32>
      %mul3A_3086 = arith.mulf %get3A_2886, %mul3A_3085 : vector<16xf32>
      %add3A_3087 = arith.addf %add3A_3079, %mul3A_3086 : vector<16xf32>
      %mul3A_3088 = vector.broadcast %squeeze3A_3084 : f32 to vector<16xf32>
      %mul3A_3089 = arith.mulf %get3A_2889, %mul3A_3088 : vector<16xf32>
      %add3A_3090 = arith.addf %add3A_3082, %mul3A_3089 : vector<16xf32>
      %slice3A_3091 = vector.extract_strided_slice %mul3A_3074 {offsets = [2], sizes = [1], strides = [1]} : vector<16xf32> to vector<1xf32>
      %squeeze3A_3092 = vector.extract %slice3A_3091[0] : f32 from vector<1xf32>
      %mul3A_3093 = vector.broadcast %squeeze3A_3092 : f32 to vector<16xf32>
      %mul3A_3094 = arith.mulf %get3A_2910, %mul3A_3093 : vector<16xf32>
      %add3A_3095 = arith.addf %add3A_3087, %mul3A_3094 : vector<16xf32>
      %mul3A_3096 = vector.broadcast %squeeze3A_3092 : f32 to vector<16xf32>
      %mul3A_3097 = arith.mulf %get3A_2913, %mul3A_3096 : vector<16xf32>
      %add3A_3098 = arith.addf %add3A_3090, %mul3A_3097 : vector<16xf32>
      %slice3A_3099 = vector.extract_strided_slice %mul3A_3074 {offsets = [3], sizes = [1], strides = [1]} : vector<16xf32> to vector<1xf32>
      %squeeze3A_3100 = vector.extract %slice3A_3099[0] : f32 from vector<1xf32>
      %mul3A_3101 = vector.broadcast %squeeze3A_3100 : f32 to vector<16xf32>
      %mul3A_3102 = arith.mulf %get3A_2934, %mul3A_3101 : vector<16xf32>
      %add3A_3103 = arith.addf %add3A_3095, %mul3A_3102 : vector<16xf32>
      %mul3A_3104 = vector.broadcast %squeeze3A_3100 : f32 to vector<16xf32>
      %mul3A_3105 = arith.mulf %get3A_2937, %mul3A_3104 : vector<16xf32>
      %add3A_3106 = arith.addf %add3A_3098, %mul3A_3105 : vector<16xf32>
      %slice3A_3107 = vector.extract_strided_slice %mul3A_3074 {offsets = [4], sizes = [1], strides = [1]} : vector<16xf32> to vector<1xf32>
      %squeeze3A_3108 = vector.extract %slice3A_3107[0] : f32 from vector<1xf32>
      %mul3A_3109 = vector.broadcast %squeeze3A_3108 : f32 to vector<16xf32>
      %mul3A_3110 = arith.mulf %get3A_2958, %mul3A_3109 : vector<16xf32>
      %add3A_3111 = arith.addf %add3A_3103, %mul3A_3110 : vector<16xf32>
      %mul3A_3112 = vector.broadcast %squeeze3A_3108 : f32 to vector<16xf32>
      %mul3A_3113 = arith.mulf %get3A_2961, %mul3A_3112 : vector<16xf32>
      %add3A_3114 = arith.addf %add3A_3106, %mul3A_3113 : vector<16xf32>
      %slice3A_3115 = vector.extract_strided_slice %mul3A_3074 {offsets = [5], sizes = [1], strides = [1]} : vector<16xf32> to vector<1xf32>
      %squeeze3A_3116 = vector.extract %slice3A_3115[0] : f32 from vector<1xf32>
      %mul3A_3117 = vector.broadcast %squeeze3A_3116 : f32 to vector<16xf32>
      %mul3A_3118 = arith.mulf %get3A_2982, %mul3A_3117 : vector<16xf32>
      %add3A_3119 = arith.addf %add3A_3111, %mul3A_3118 : vector<16xf32>
      %mul3A_3120 = vector.broadcast %squeeze3A_3116 : f32 to vector<16xf32>
      %mul3A_3121 = arith.mulf %get3A_2985, %mul3A_3120 : vector<16xf32>
      %add3A_3122 = arith.addf %add3A_3114, %mul3A_3121 : vector<16xf32>
      %slice3A_3123 = vector.extract_strided_slice %mul3A_3074 {offsets = [6], sizes = [1], strides = [1]} : vector<16xf32> to vector<1xf32>
      %squeeze3A_3124 = vector.extract %slice3A_3123[0] : f32 from vector<1xf32>
      %mul3A_3125 = vector.broadcast %squeeze3A_3124 : f32 to vector<16xf32>
      %mul3A_3126 = arith.mulf %get3A_3006, %mul3A_3125 : vector<16xf32>
      %add3A_3127 = arith.addf %add3A_3119, %mul3A_3126 : vector<16xf32>
      %mul3A_3128 = vector.broadcast %squeeze3A_3124 : f32 to vector<16xf32>
      %mul3A_3129 = arith.mulf %get3A_3009, %mul3A_3128 : vector<16xf32>
      %add3A_3130 = arith.addf %add3A_3122, %mul3A_3129 : vector<16xf32>
      %slice3A_3131 = vector.extract_strided_slice %mul3A_3074 {offsets = [7], sizes = [1], strides = [1]} : vector<16xf32> to vector<1xf32>
      %squeeze3A_3132 = vector.extract %slice3A_3131[0] : f32 from vector<1xf32>
      %mul3A_3133 = vector.broadcast %squeeze3A_3132 : f32 to vector<16xf32>
      %mul3A_3134 = arith.mulf %get3A_3030, %mul3A_3133 : vector<16xf32>
      %add3A_3135 = arith.addf %add3A_3127, %mul3A_3134 : vector<16xf32>
      %mul3A_3136 = vector.broadcast %squeeze3A_3132 : f32 to vector<16xf32>
      %mul3A_3137 = arith.mulf %get3A_3033, %mul3A_3136 : vector<16xf32>
      %add3A_3138 = arith.addf %add3A_3130, %mul3A_3137 : vector<16xf32>
      %broadcast_in_dim3A_3139 = arith.constant 1.000000e+00 : f32
      %broadcast_in_dim3A_3140 = vector.broadcast %broadcast_in_dim3A_3139 : f32 to vector<16xf32>
      %add3A_3141 = arith.constant 50 : i32
      %add3A_3142 = arith.addi %mul3A_131, %add3A_3141 : i32
      %add3A_3143 = arith.constant 32 : i32
      %add3A_3144 = arith.addi %add3A_3142, %add3A_3143 : i32
      %add3A_3145 = arith.constant 0 : i32
      %add3A_3146 = arith.addi %add3A_3144, %add3A_3145 : i32
      %get3A_3147 = arith.index_cast %add3A_3146 : i32 to index
      %get3A_3148 = arith.constant 0 : index
      %get3A_3149 = tpu.vector_load %arg6[%get3A_3147, %get3A_3148] {strides = array<i32>} : memref<800x32xf32, #tpu.memory_space<vmem>>, vector<16xf32>,
      %get3A_3150 = arith.index_cast %add3A_3146 : i32 to index
      %get3A_3151 = arith.constant 16 : index
      %get3A_3152 = tpu.vector_load %arg6[%get3A_3150, %get3A_3151] {strides = array<i32>} : memref<800x32xf32, #tpu.memory_space<vmem>>, vector<16xf32>,
      %mul3A_3153 = arith.mulf %get3A_3149, %get3A_3149 : vector<16xf32>
      %mul3A_3154 = arith.mulf %get3A_3152, %get3A_3152 : vector<16xf32>
      %add3A_3155 = arith.addf %mul3A_3153, %mul3A_3154 : vector<16xf32>
      %reduce_sum3A_3156 = arith.constant true
      %reduce_sum3A_3157 = vector.broadcast %reduce_sum3A_3156 : i1 to vector<16xi1>
      %reduce_sum3A_3158 = tpu.scan <sum>, %add3A_3155 masked %reduce_sum3A_3157 : vector<16xf32>, vector<16xi1> -> vector<16xf32>
      %reduce_sum3A_3159 = vector.extract %reduce_sum3A_3158[15] : f32 from vector<16xf32>
      %eq3A_3160 = arith.constant 0 : i32
      %eq3A_3161 = vector.broadcast %eq3A_3160 : i32 to vector<16xi32>
      %eq3A_3162 = arith.cmpi eq, %iota3A, %eq3A_3161 : vector<16xi32>
      %broadcast_in_dim3A_3163 = vector.broadcast %reduce_sum3A_3159 : f32 to vector<16xf32>
      %select_n3A_3164 = arith.select %eq3A_3162, %broadcast_in_dim3A_3163, %broadcast_in_dim3A_3140 : vector<16xi1>, vector<16xf32>
      %add3A_3165 = arith.constant 50 : i32
      %add3A_3166 = arith.addi %mul3A_131, %add3A_3165 : i32
      %add3A_3167 = arith.constant 32 : i32
      %add3A_3168 = arith.addi %add3A_3166, %add3A_3167 : i32
      %add3A_3169 = arith.constant 1 : i32
      %add3A_3170 = arith.addi %add3A_3168, %add3A_3169 : i32
      %get3A_3171 = arith.index_cast %add3A_3170 : i32 to index
      %get3A_3172 = arith.constant 0 : index
      %get3A_3173 = tpu.vector_load %arg6[%get3A_3171, %get3A_3172] {strides = array<i32>} : memref<800x32xf32, #tpu.memory_space<vmem>>, vector<16xf32>,
      %get3A_3174 = arith.index_cast %add3A_3170 : i32 to index
      %get3A_3175 = arith.constant 16 : index
      %get3A_3176 = tpu.vector_load %arg6[%get3A_3174, %get3A_3175] {strides = array<i32>} : memref<800x32xf32, #tpu.memory_space<vmem>>, vector<16xf32>,
      %mul3A_3177 = arith.mulf %get3A_3173, %get3A_3173 : vector<16xf32>
      %mul3A_3178 = arith.mulf %get3A_3176, %get3A_3176 : vector<16xf32>
      %add3A_3179 = arith.addf %mul3A_3177, %mul3A_3178 : vector<16xf32>
      %reduce_sum3A_3180 = arith.constant true
      %reduce_sum3A_3181 = vector.broadcast %reduce_sum3A_3180 : i1 to vector<16xi1>
      %reduce_sum3A_3182 = tpu.scan <sum>, %add3A_3179 masked %reduce_sum3A_3181 : vector<16xf32>, vector<16xi1> -> vector<16xf32>
      %reduce_sum3A_3183 = vector.extract %reduce_sum3A_3182[15] : f32 from vector<16xf32>
      %eq3A_3184 = arith.constant 1 : i32
      %eq3A_3185 = vector.broadcast %eq3A_3184 : i32 to vector<16xi32>
      %eq3A_3186 = arith.cmpi eq, %iota3A, %eq3A_3185 : vector<16xi32>
      %broadcast_in_dim3A_3187 = vector.broadcast %reduce_sum3A_3183 : f32 to vector<16xf32>
      %select_n3A_3188 = arith.select %eq3A_3186, %broadcast_in_dim3A_3187, %select_n3A_3164 : vector<16xi1>, vector<16xf32>
      %add3A_3189 = arith.constant 50 : i32
      %add3A_3190 = arith.addi %mul3A_131, %add3A_3189 : i32
      %add3A_3191 = arith.constant 32 : i32
      %add3A_3192 = arith.addi %add3A_3190, %add3A_3191 : i32
      %add3A_3193 = arith.constant 2 : i32
      %add3A_3194 = arith.addi %add3A_3192, %add3A_3193 : i32
      %get3A_3195 = arith.index_cast %add3A_3194 : i32 to index
      %get3A_3196 = arith.constant 0 : index
      %get3A_3197 = tpu.vector_load %arg6[%get3A_3195, %get3A_3196] {strides = array<i32>} : memref<800x32xf32, #tpu.memory_space<vmem>>, vector<16xf32>,
      %get3A_3198 = arith.index_cast %add3A_3194 : i32 to index
      %get3A_3199 = arith.constant 16 : index
      %get3A_3200 = tpu.vector_load %arg6[%get3A_3198, %get3A_3199] {strides = array<i32>} : memref<800x32xf32, #tpu.memory_space<vmem>>, vector<16xf32>,
      %mul3A_3201 = arith.mulf %get3A_3197, %get3A_3197 : vector<16xf32>
      %mul3A_3202 = arith.mulf %get3A_3200, %get3A_3200 : vector<16xf32>
      %add3A_3203 = arith.addf %mul3A_3201, %mul3A_3202 : vector<16xf32>
      %reduce_sum3A_3204 = arith.constant true
      %reduce_sum3A_3205 = vector.broadcast %reduce_sum3A_3204 : i1 to vector<16xi1>
      %reduce_sum3A_3206 = tpu.scan <sum>, %add3A_3203 masked %reduce_sum3A_3205 : vector<16xf32>, vector<16xi1> -> vector<16xf32>
      %reduce_sum3A_3207 = vector.extract %reduce_sum3A_3206[15] : f32 from vector<16xf32>
      %eq3A_3208 = arith.constant 2 : i32
      %eq3A_3209 = vector.broadcast %eq3A_3208 : i32 to vector<16xi32>
      %eq3A_3210 = arith.cmpi eq, %iota3A, %eq3A_3209 : vector<16xi32>
      %broadcast_in_dim3A_3211 = vector.broadcast %reduce_sum3A_3207 : f32 to vector<16xf32>
      %select_n3A_3212 = arith.select %eq3A_3210, %broadcast_in_dim3A_3211, %select_n3A_3188 : vector<16xi1>, vector<16xf32>
      %add3A_3213 = arith.constant 50 : i32
      %add3A_3214 = arith.addi %mul3A_131, %add3A_3213 : i32
      %add3A_3215 = arith.constant 32 : i32
      %add3A_3216 = arith.addi %add3A_3214, %add3A_3215 : i32
      %add3A_3217 = arith.constant 3 : i32
      %add3A_3218 = arith.addi %add3A_3216, %add3A_3217 : i32
      %get3A_3219 = arith.index_cast %add3A_3218 : i32 to index
      %get3A_3220 = arith.constant 0 : index
      %get3A_3221 = tpu.vector_load %arg6[%get3A_3219, %get3A_3220] {strides = array<i32>} : memref<800x32xf32, #tpu.memory_space<vmem>>, vector<16xf32>,
      %get3A_3222 = arith.index_cast %add3A_3218 : i32 to index
      %get3A_3223 = arith.constant 16 : index
      %get3A_3224 = tpu.vector_load %arg6[%get3A_3222, %get3A_3223] {strides = array<i32>} : memref<800x32xf32, #tpu.memory_space<vmem>>, vector<16xf32>,
      %mul3A_3225 = arith.mulf %get3A_3221, %get3A_3221 : vector<16xf32>
      %mul3A_3226 = arith.mulf %get3A_3224, %get3A_3224 : vector<16xf32>
      %add3A_3227 = arith.addf %mul3A_3225, %mul3A_3226 : vector<16xf32>
      %reduce_sum3A_3228 = arith.constant true
      %reduce_sum3A_3229 = vector.broadcast %reduce_sum3A_3228 : i1 to vector<16xi1>
      %reduce_sum3A_3230 = tpu.scan <sum>, %add3A_3227 masked %reduce_sum3A_3229 : vector<16xf32>, vector<16xi1> -> vector<16xf32>
      %reduce_sum3A_3231 = vector.extract %reduce_sum3A_3230[15] : f32 from vector<16xf32>
      %eq3A_3232 = arith.constant 3 : i32
      %eq3A_3233 = vector.broadcast %eq3A_3232 : i32 to vector<16xi32>
      %eq3A_3234 = arith.cmpi eq, %iota3A, %eq3A_3233 : vector<16xi32>
      %broadcast_in_dim3A_3235 = vector.broadcast %reduce_sum3A_3231 : f32 to vector<16xf32>
      %select_n3A_3236 = arith.select %eq3A_3234, %broadcast_in_dim3A_3235, %select_n3A_3212 : vector<16xi1>, vector<16xf32>
      %add3A_3237 = arith.constant 50 : i32
      %add3A_3238 = arith.addi %mul3A_131, %add3A_3237 : i32
      %add3A_3239 = arith.constant 32 : i32
      %add3A_3240 = arith.addi %add3A_3238, %add3A_3239 : i32
      %add3A_3241 = arith.constant 4 : i32
      %add3A_3242 = arith.addi %add3A_3240, %add3A_3241 : i32
      %get3A_3243 = arith.index_cast %add3A_3242 : i32 to index
      %get3A_3244 = arith.constant 0 : index
      %get3A_3245 = tpu.vector_load %arg6[%get3A_3243, %get3A_3244] {strides = array<i32>} : memref<800x32xf32, #tpu.memory_space<vmem>>, vector<16xf32>,
      %get3A_3246 = arith.index_cast %add3A_3242 : i32 to index
      %get3A_3247 = arith.constant 16 : index
      %get3A_3248 = tpu.vector_load %arg6[%get3A_3246, %get3A_3247] {strides = array<i32>} : memref<800x32xf32, #tpu.memory_space<vmem>>, vector<16xf32>,
      %mul3A_3249 = arith.mulf %get3A_3245, %get3A_3245 : vector<16xf32>
      %mul3A_3250 = arith.mulf %get3A_3248, %get3A_3248 : vector<16xf32>
      %add3A_3251 = arith.addf %mul3A_3249, %mul3A_3250 : vector<16xf32>
      %reduce_sum3A_3252 = arith.constant true
      %reduce_sum3A_3253 = vector.broadcast %reduce_sum3A_3252 : i1 to vector<16xi1>
      %reduce_sum3A_3254 = tpu.scan <sum>, %add3A_3251 masked %reduce_sum3A_3253 : vector<16xf32>, vector<16xi1> -> vector<16xf32>
      %reduce_sum3A_3255 = vector.extract %reduce_sum3A_3254[15] : f32 from vector<16xf32>
      %eq3A_3256 = arith.constant 4 : i32
      %eq3A_3257 = vector.broadcast %eq3A_3256 : i32 to vector<16xi32>
      %eq3A_3258 = arith.cmpi eq, %iota3A, %eq3A_3257 : vector<16xi32>
      %broadcast_in_dim3A_3259 = vector.broadcast %reduce_sum3A_3255 : f32 to vector<16xf32>
      %select_n3A_3260 = arith.select %eq3A_3258, %broadcast_in_dim3A_3259, %select_n3A_3236 : vector<16xi1>, vector<16xf32>
      %add3A_3261 = arith.constant 50 : i32
      %add3A_3262 = arith.addi %mul3A_131, %add3A_3261 : i32
      %add3A_3263 = arith.constant 32 : i32
      %add3A_3264 = arith.addi %add3A_3262, %add3A_3263 : i32
      %add3A_3265 = arith.constant 5 : i32
      %add3A_3266 = arith.addi %add3A_3264, %add3A_3265 : i32
      %get3A_3267 = arith.index_cast %add3A_3266 : i32 to index
      %get3A_3268 = arith.constant 0 : index
      %get3A_3269 = tpu.vector_load %arg6[%get3A_3267, %get3A_3268] {strides = array<i32>} : memref<800x32xf32, #tpu.memory_space<vmem>>, vector<16xf32>,
      %get3A_3270 = arith.index_cast %add3A_3266 : i32 to index
      %get3A_3271 = arith.constant 16 : index
      %get3A_3272 = tpu.vector_load %arg6[%get3A_3270, %get3A_3271] {strides = array<i32>} : memref<800x32xf32, #tpu.memory_space<vmem>>, vector<16xf32>,
      %mul3A_3273 = arith.mulf %get3A_3269, %get3A_3269 : vector<16xf32>
      %mul3A_3274 = arith.mulf %get3A_3272, %get3A_3272 : vector<16xf32>
      %add3A_3275 = arith.addf %mul3A_3273, %mul3A_3274 : vector<16xf32>
      %reduce_sum3A_3276 = arith.constant true
      %reduce_sum3A_3277 = vector.broadcast %reduce_sum3A_3276 : i1 to vector<16xi1>
      %reduce_sum3A_3278 = tpu.scan <sum>, %add3A_3275 masked %reduce_sum3A_3277 : vector<16xf32>, vector<16xi1> -> vector<16xf32>
      %reduce_sum3A_3279 = vector.extract %reduce_sum3A_3278[15] : f32 from vector<16xf32>
      %eq3A_3280 = arith.constant 5 : i32
      %eq3A_3281 = vector.broadcast %eq3A_3280 : i32 to vector<16xi32>
      %eq3A_3282 = arith.cmpi eq, %iota3A, %eq3A_3281 : vector<16xi32>
      %broadcast_in_dim3A_3283 = vector.broadcast %reduce_sum3A_3279 : f32 to vector<16xf32>
      %select_n3A_3284 = arith.select %eq3A_3282, %broadcast_in_dim3A_3283, %select_n3A_3260 : vector<16xi1>, vector<16xf32>
      %add3A_3285 = arith.constant 50 : i32
      %add3A_3286 = arith.addi %mul3A_131, %add3A_3285 : i32
      %add3A_3287 = arith.constant 32 : i32
      %add3A_3288 = arith.addi %add3A_3286, %add3A_3287 : i32
      %add3A_3289 = arith.constant 6 : i32
      %add3A_3290 = arith.addi %add3A_3288, %add3A_3289 : i32
      %get3A_3291 = arith.index_cast %add3A_3290 : i32 to index
      %get3A_3292 = arith.constant 0 : index
      %get3A_3293 = tpu.vector_load %arg6[%get3A_3291, %get3A_3292] {strides = array<i32>} : memref<800x32xf32, #tpu.memory_space<vmem>>, vector<16xf32>,
      %get3A_3294 = arith.index_cast %add3A_3290 : i32 to index
      %get3A_3295 = arith.constant 16 : index
      %get3A_3296 = tpu.vector_load %arg6[%get3A_3294, %get3A_3295] {strides = array<i32>} : memref<800x32xf32, #tpu.memory_space<vmem>>, vector<16xf32>,
      %mul3A_3297 = arith.mulf %get3A_3293, %get3A_3293 : vector<16xf32>
      %mul3A_3298 = arith.mulf %get3A_3296, %get3A_3296 : vector<16xf32>
      %add3A_3299 = arith.addf %mul3A_3297, %mul3A_3298 : vector<16xf32>
      %reduce_sum3A_3300 = arith.constant true
      %reduce_sum3A_3301 = vector.broadcast %reduce_sum3A_3300 : i1 to vector<16xi1>
      %reduce_sum3A_3302 = tpu.scan <sum>, %add3A_3299 masked %reduce_sum3A_3301 : vector<16xf32>, vector<16xi1> -> vector<16xf32>
      %reduce_sum3A_3303 = vector.extract %reduce_sum3A_3302[15] : f32 from vector<16xf32>
      %eq3A_3304 = arith.constant 6 : i32
      %eq3A_3305 = vector.broadcast %eq3A_3304 : i32 to vector<16xi32>
      %eq3A_3306 = arith.cmpi eq, %iota3A, %eq3A_3305 : vector<16xi32>
      %broadcast_in_dim3A_3307 = vector.broadcast %reduce_sum3A_3303 : f32 to vector<16xf32>
      %select_n3A_3308 = arith.select %eq3A_3306, %broadcast_in_dim3A_3307, %select_n3A_3284 : vector<16xi1>, vector<16xf32>
      %add3A_3309 = arith.constant 50 : i32
      %add3A_3310 = arith.addi %mul3A_131, %add3A_3309 : i32
      %add3A_3311 = arith.constant 32 : i32
      %add3A_3312 = arith.addi %add3A_3310, %add3A_3311 : i32
      %add3A_3313 = arith.constant 7 : i32
      %add3A_3314 = arith.addi %add3A_3312, %add3A_3313 : i32
      %get3A_3315 = arith.index_cast %add3A_3314 : i32 to index
      %get3A_3316 = arith.constant 0 : index
      %get3A_3317 = tpu.vector_load %arg6[%get3A_3315, %get3A_3316] {strides = array<i32>} : memref<800x32xf32, #tpu.memory_space<vmem>>, vector<16xf32>,
      %get3A_3318 = arith.index_cast %add3A_3314 : i32 to index
      %get3A_3319 = arith.constant 16 : index
      %get3A_3320 = tpu.vector_load %arg6[%get3A_3318, %get3A_3319] {strides = array<i32>} : memref<800x32xf32, #tpu.memory_space<vmem>>, vector<16xf32>,
      %mul3A_3321 = arith.mulf %get3A_3317, %get3A_3317 : vector<16xf32>
      %mul3A_3322 = arith.mulf %get3A_3320, %get3A_3320 : vector<16xf32>
      %add3A_3323 = arith.addf %mul3A_3321, %mul3A_3322 : vector<16xf32>
      %reduce_sum3A_3324 = arith.constant true
      %reduce_sum3A_3325 = vector.broadcast %reduce_sum3A_3324 : i1 to vector<16xi1>
      %reduce_sum3A_3326 = tpu.scan <sum>, %add3A_3323 masked %reduce_sum3A_3325 : vector<16xf32>, vector<16xi1> -> vector<16xf32>
      %reduce_sum3A_3327 = vector.extract %reduce_sum3A_3326[15] : f32 from vector<16xf32>
      %eq3A_3328 = arith.constant 7 : i32
      %eq3A_3329 = vector.broadcast %eq3A_3328 : i32 to vector<16xi32>
      %eq3A_3330 = arith.cmpi eq, %iota3A, %eq3A_3329 : vector<16xi32>
      %broadcast_in_dim3A_3331 = vector.broadcast %reduce_sum3A_3327 : f32 to vector<16xf32>
      %select_n3A_3332 = arith.select %eq3A_3330, %broadcast_in_dim3A_3331, %select_n3A_3308 : vector<16xi1>, vector<16xf32>
      %bitcast_convert_type3A_3333 = tpu.bitcast %select_n3A_3332 : vector<16xf32> -> vector<16xi32>
      %shift_right_arithmetic3A_3334 = arith.constant 1 : i32
      %shift_right_arithmetic3A_3335 = vector.broadcast %shift_right_arithmetic3A_3334 : i32 to vector<16xi32>
      %shift_right_arithmetic3A_3336 = arith.shrsi %bitcast_convert_type3A_3333, %shift_right_arithmetic3A_3335 : vector<16xi32>
      %sub3A_3337 = arith.constant 1597463007 : i32
      %sub3A_3338 = vector.broadcast %sub3A_3337 : i32 to vector<16xi32>
      %sub3A_3339 = arith.subi %sub3A_3338, %shift_right_arithmetic3A_3336 : vector<16xi32>
      %bitcast_convert_type3A_3340 = tpu.bitcast %sub3A_3339 : vector<16xi32> -> vector<16xf32>
      %mul3A_3341 = arith.constant 5.000000e-01 : f32
      %mul3A_3342 = vector.broadcast %mul3A_3341 : f32 to vector<16xf32>
      %mul3A_3343 = arith.mulf %select_n3A_3332, %mul3A_3342 : vector<16xf32>
      %mul3A_3344 = arith.mulf %mul3A_3343, %bitcast_convert_type3A_3340 : vector<16xf32>
      %mul3A_3345 = arith.mulf %mul3A_3344, %bitcast_convert_type3A_3340 : vector<16xf32>
      %sub3A_3346 = arith.constant 1.500000e+00 : f32
      %sub3A_3347 = vector.broadcast %sub3A_3346 : f32 to vector<16xf32>
      %sub3A_3348 = arith.subf %sub3A_3347, %mul3A_3345 : vector<16xf32>
      %mul3A_3349 = arith.mulf %bitcast_convert_type3A_3340, %sub3A_3348 : vector<16xf32>
      %mul3A_3350 = arith.mulf %mul3A_3343, %mul3A_3349 : vector<16xf32>
      %mul3A_3351 = arith.mulf %mul3A_3350, %mul3A_3349 : vector<16xf32>
      %sub3A_3352 = arith.constant 1.500000e+00 : f32
      %sub3A_3353 = vector.broadcast %sub3A_3352 : f32 to vector<16xf32>
      %sub3A_3354 = arith.subf %sub3A_3353, %mul3A_3351 : vector<16xf32>
      %mul3A_3355 = arith.mulf %mul3A_3349, %sub3A_3354 : vector<16xf32>
      %mul3A_3356 = arith.mulf %mul3A_3343, %mul3A_3355 : vector<16xf32>
      %mul3A_3357 = arith.mulf %mul3A_3356, %mul3A_3355 : vector<16xf32>
      %sub3A_3358 = arith.constant 1.500000e+00 : f32
      %sub3A_3359 = vector.broadcast %sub3A_3358 : f32 to vector<16xf32>
      %sub3A_3360 = arith.subf %sub3A_3359, %mul3A_3357 : vector<16xf32>
      %mul3A_3361 = arith.mulf %mul3A_3355, %sub3A_3360 : vector<16xf32>
      %slice3A_3362 = vector.extract_strided_slice %mul3A_3361 {offsets = [0], sizes = [1], strides = [1]} : vector<16xf32> to vector<1xf32>
      %squeeze3A_3363 = vector.extract %slice3A_3362[0] : f32 from vector<1xf32>
      %mul3A_3364 = vector.broadcast %squeeze3A_3363 : f32 to vector<16xf32>
      %mul3A_3365 = arith.mulf %get3A_3149, %mul3A_3364 : vector<16xf32>
      %add3A_3366 = arith.addf %add3A_3135, %mul3A_3365 : vector<16xf32>
      %mul3A_3367 = vector.broadcast %squeeze3A_3363 : f32 to vector<16xf32>
      %mul3A_3368 = arith.mulf %get3A_3152, %mul3A_3367 : vector<16xf32>
      %add3A_3369 = arith.addf %add3A_3138, %mul3A_3368 : vector<16xf32>
      %slice3A_3370 = vector.extract_strided_slice %mul3A_3361 {offsets = [1], sizes = [1], strides = [1]} : vector<16xf32> to vector<1xf32>
      %squeeze3A_3371 = vector.extract %slice3A_3370[0] : f32 from vector<1xf32>
      %mul3A_3372 = vector.broadcast %squeeze3A_3371 : f32 to vector<16xf32>
      %mul3A_3373 = arith.mulf %get3A_3173, %mul3A_3372 : vector<16xf32>
      %add3A_3374 = arith.addf %add3A_3366, %mul3A_3373 : vector<16xf32>
      %mul3A_3375 = vector.broadcast %squeeze3A_3371 : f32 to vector<16xf32>
      %mul3A_3376 = arith.mulf %get3A_3176, %mul3A_3375 : vector<16xf32>
      %add3A_3377 = arith.addf %add3A_3369, %mul3A_3376 : vector<16xf32>
      %slice3A_3378 = vector.extract_strided_slice %mul3A_3361 {offsets = [2], sizes = [1], strides = [1]} : vector<16xf32> to vector<1xf32>
      %squeeze3A_3379 = vector.extract %slice3A_3378[0] : f32 from vector<1xf32>
      %mul3A_3380 = vector.broadcast %squeeze3A_3379 : f32 to vector<16xf32>
      %mul3A_3381 = arith.mulf %get3A_3197, %mul3A_3380 : vector<16xf32>
      %add3A_3382 = arith.addf %add3A_3374, %mul3A_3381 : vector<16xf32>
      %mul3A_3383 = vector.broadcast %squeeze3A_3379 : f32 to vector<16xf32>
      %mul3A_3384 = arith.mulf %get3A_3200, %mul3A_3383 : vector<16xf32>
      %add3A_3385 = arith.addf %add3A_3377, %mul3A_3384 : vector<16xf32>
      %slice3A_3386 = vector.extract_strided_slice %mul3A_3361 {offsets = [3], sizes = [1], strides = [1]} : vector<16xf32> to vector<1xf32>
      %squeeze3A_3387 = vector.extract %slice3A_3386[0] : f32 from vector<1xf32>
      %mul3A_3388 = vector.broadcast %squeeze3A_3387 : f32 to vector<16xf32>
      %mul3A_3389 = arith.mulf %get3A_3221, %mul3A_3388 : vector<16xf32>
      %add3A_3390 = arith.addf %add3A_3382, %mul3A_3389 : vector<16xf32>
      %mul3A_3391 = vector.broadcast %squeeze3A_3387 : f32 to vector<16xf32>
      %mul3A_3392 = arith.mulf %get3A_3224, %mul3A_3391 : vector<16xf32>
      %add3A_3393 = arith.addf %add3A_3385, %mul3A_3392 : vector<16xf32>
      %slice3A_3394 = vector.extract_strided_slice %mul3A_3361 {offsets = [4], sizes = [1], strides = [1]} : vector<16xf32> to vector<1xf32>
      %squeeze3A_3395 = vector.extract %slice3A_3394[0] : f32 from vector<1xf32>
      %mul3A_3396 = vector.broadcast %squeeze3A_3395 : f32 to vector<16xf32>
      %mul3A_3397 = arith.mulf %get3A_3245, %mul3A_3396 : vector<16xf32>
      %add3A_3398 = arith.addf %add3A_3390, %mul3A_3397 : vector<16xf32>
      %mul3A_3399 = vector.broadcast %squeeze3A_3395 : f32 to vector<16xf32>
      %mul3A_3400 = arith.mulf %get3A_3248, %mul3A_3399 : vector<16xf32>
      %add3A_3401 = arith.addf %add3A_3393, %mul3A_3400 : vector<16xf32>
      %slice3A_3402 = vector.extract_strided_slice %mul3A_3361 {offsets = [5], sizes = [1], strides = [1]} : vector<16xf32> to vector<1xf32>
      %squeeze3A_3403 = vector.extract %slice3A_3402[0] : f32 from vector<1xf32>
      %mul3A_3404 = vector.broadcast %squeeze3A_3403 : f32 to vector<16xf32>
      %mul3A_3405 = arith.mulf %get3A_3269, %mul3A_3404 : vector<16xf32>
      %add3A_3406 = arith.addf %add3A_3398, %mul3A_3405 : vector<16xf32>
      %mul3A_3407 = vector.broadcast %squeeze3A_3403 : f32 to vector<16xf32>
      %mul3A_3408 = arith.mulf %get3A_3272, %mul3A_3407 : vector<16xf32>
      %add3A_3409 = arith.addf %add3A_3401, %mul3A_3408 : vector<16xf32>
      %slice3A_3410 = vector.extract_strided_slice %mul3A_3361 {offsets = [6], sizes = [1], strides = [1]} : vector<16xf32> to vector<1xf32>
      %squeeze3A_3411 = vector.extract %slice3A_3410[0] : f32 from vector<1xf32>
      %mul3A_3412 = vector.broadcast %squeeze3A_3411 : f32 to vector<16xf32>
      %mul3A_3413 = arith.mulf %get3A_3293, %mul3A_3412 : vector<16xf32>
      %add3A_3414 = arith.addf %add3A_3406, %mul3A_3413 : vector<16xf32>
      %mul3A_3415 = vector.broadcast %squeeze3A_3411 : f32 to vector<16xf32>
      %mul3A_3416 = arith.mulf %get3A_3296, %mul3A_3415 : vector<16xf32>
      %add3A_3417 = arith.addf %add3A_3409, %mul3A_3416 : vector<16xf32>
      %slice3A_3418 = vector.extract_strided_slice %mul3A_3361 {offsets = [7], sizes = [1], strides = [1]} : vector<16xf32> to vector<1xf32>
      %squeeze3A_3419 = vector.extract %slice3A_3418[0] : f32 from vector<1xf32>
      %mul3A_3420 = vector.broadcast %squeeze3A_3419 : f32 to vector<16xf32>
      %mul3A_3421 = arith.mulf %get3A_3317, %mul3A_3420 : vector<16xf32>
      %add3A_3422 = arith.addf %add3A_3414, %mul3A_3421 : vector<16xf32>
      %mul3A_3423 = vector.broadcast %squeeze3A_3419 : f32 to vector<16xf32>
      %mul3A_3424 = arith.mulf %get3A_3320, %mul3A_3423 : vector<16xf32>
      %add3A_3425 = arith.addf %add3A_3417, %mul3A_3424 : vector<16xf32>
      %broadcast_in_dim3A_3426 = arith.constant 1.000000e+00 : f32
      %broadcast_in_dim3A_3427 = vector.broadcast %broadcast_in_dim3A_3426 : f32 to vector<16xf32>
      %add3A_3428 = arith.constant 50 : i32
      %add3A_3429 = arith.addi %mul3A_131, %add3A_3428 : i32
      %add3A_3430 = arith.constant 40 : i32
      %add3A_3431 = arith.addi %add3A_3429, %add3A_3430 : i32
      %add3A_3432 = arith.constant 0 : i32
      %add3A_3433 = arith.addi %add3A_3431, %add3A_3432 : i32
      %get3A_3434 = arith.index_cast %add3A_3433 : i32 to index
      %get3A_3435 = arith.constant 0 : index
      %get3A_3436 = tpu.vector_load %arg6[%get3A_3434, %get3A_3435] {strides = array<i32>} : memref<800x32xf32, #tpu.memory_space<vmem>>, vector<16xf32>,
      %get3A_3437 = arith.index_cast %add3A_3433 : i32 to index
      %get3A_3438 = arith.constant 16 : index
      %get3A_3439 = tpu.vector_load %arg6[%get3A_3437, %get3A_3438] {strides = array<i32>} : memref<800x32xf32, #tpu.memory_space<vmem>>, vector<16xf32>,
      %mul3A_3440 = arith.mulf %get3A_3436, %get3A_3436 : vector<16xf32>
      %mul3A_3441 = arith.mulf %get3A_3439, %get3A_3439 : vector<16xf32>
      %add3A_3442 = arith.addf %mul3A_3440, %mul3A_3441 : vector<16xf32>
      %reduce_sum3A_3443 = arith.constant true
      %reduce_sum3A_3444 = vector.broadcast %reduce_sum3A_3443 : i1 to vector<16xi1>
      %reduce_sum3A_3445 = tpu.scan <sum>, %add3A_3442 masked %reduce_sum3A_3444 : vector<16xf32>, vector<16xi1> -> vector<16xf32>
      %reduce_sum3A_3446 = vector.extract %reduce_sum3A_3445[15] : f32 from vector<16xf32>
      %eq3A_3447 = arith.constant 0 : i32
      %eq3A_3448 = vector.broadcast %eq3A_3447 : i32 to vector<16xi32>
      %eq3A_3449 = arith.cmpi eq, %iota3A, %eq3A_3448 : vector<16xi32>
      %broadcast_in_dim3A_3450 = vector.broadcast %reduce_sum3A_3446 : f32 to vector<16xf32>
      %select_n3A_3451 = arith.select %eq3A_3449, %broadcast_in_dim3A_3450, %broadcast_in_dim3A_3427 : vector<16xi1>, vector<16xf32>
      %add3A_3452 = arith.constant 50 : i32
      %add3A_3453 = arith.addi %mul3A_131, %add3A_3452 : i32
      %add3A_3454 = arith.constant 40 : i32
      %add3A_3455 = arith.addi %add3A_3453, %add3A_3454 : i32
      %add3A_3456 = arith.constant 1 : i32
      %add3A_3457 = arith.addi %add3A_3455, %add3A_3456 : i32
      %get3A_3458 = arith.index_cast %add3A_3457 : i32 to index
      %get3A_3459 = arith.constant 0 : index
      %get3A_3460 = tpu.vector_load %arg6[%get3A_3458, %get3A_3459] {strides = array<i32>} : memref<800x32xf32, #tpu.memory_space<vmem>>, vector<16xf32>,
      %get3A_3461 = arith.index_cast %add3A_3457 : i32 to index
      %get3A_3462 = arith.constant 16 : index
      %get3A_3463 = tpu.vector_load %arg6[%get3A_3461, %get3A_3462] {strides = array<i32>} : memref<800x32xf32, #tpu.memory_space<vmem>>, vector<16xf32>,
      %mul3A_3464 = arith.mulf %get3A_3460, %get3A_3460 : vector<16xf32>
      %mul3A_3465 = arith.mulf %get3A_3463, %get3A_3463 : vector<16xf32>
      %add3A_3466 = arith.addf %mul3A_3464, %mul3A_3465 : vector<16xf32>
      %reduce_sum3A_3467 = arith.constant true
      %reduce_sum3A_3468 = vector.broadcast %reduce_sum3A_3467 : i1 to vector<16xi1>
      %reduce_sum3A_3469 = tpu.scan <sum>, %add3A_3466 masked %reduce_sum3A_3468 : vector<16xf32>, vector<16xi1> -> vector<16xf32>
      %reduce_sum3A_3470 = vector.extract %reduce_sum3A_3469[15] : f32 from vector<16xf32>
      %eq3A_3471 = arith.constant 1 : i32
      %eq3A_3472 = vector.broadcast %eq3A_3471 : i32 to vector<16xi32>
      %eq3A_3473 = arith.cmpi eq, %iota3A, %eq3A_3472 : vector<16xi32>
      %broadcast_in_dim3A_3474 = vector.broadcast %reduce_sum3A_3470 : f32 to vector<16xf32>
      %select_n3A_3475 = arith.select %eq3A_3473, %broadcast_in_dim3A_3474, %select_n3A_3451 : vector<16xi1>, vector<16xf32>
      %add3A_3476 = arith.constant 50 : i32
      %add3A_3477 = arith.addi %mul3A_131, %add3A_3476 : i32
      %add3A_3478 = arith.constant 40 : i32
      %add3A_3479 = arith.addi %add3A_3477, %add3A_3478 : i32
      %add3A_3480 = arith.constant 2 : i32
      %add3A_3481 = arith.addi %add3A_3479, %add3A_3480 : i32
      %get3A_3482 = arith.index_cast %add3A_3481 : i32 to index
      %get3A_3483 = arith.constant 0 : index
      %get3A_3484 = tpu.vector_load %arg6[%get3A_3482, %get3A_3483] {strides = array<i32>} : memref<800x32xf32, #tpu.memory_space<vmem>>, vector<16xf32>,
      %get3A_3485 = arith.index_cast %add3A_3481 : i32 to index
      %get3A_3486 = arith.constant 16 : index
      %get3A_3487 = tpu.vector_load %arg6[%get3A_3485, %get3A_3486] {strides = array<i32>} : memref<800x32xf32, #tpu.memory_space<vmem>>, vector<16xf32>,
      %mul3A_3488 = arith.mulf %get3A_3484, %get3A_3484 : vector<16xf32>
      %mul3A_3489 = arith.mulf %get3A_3487, %get3A_3487 : vector<16xf32>
      %add3A_3490 = arith.addf %mul3A_3488, %mul3A_3489 : vector<16xf32>
      %reduce_sum3A_3491 = arith.constant true
      %reduce_sum3A_3492 = vector.broadcast %reduce_sum3A_3491 : i1 to vector<16xi1>
      %reduce_sum3A_3493 = tpu.scan <sum>, %add3A_3490 masked %reduce_sum3A_3492 : vector<16xf32>, vector<16xi1> -> vector<16xf32>
      %reduce_sum3A_3494 = vector.extract %reduce_sum3A_3493[15] : f32 from vector<16xf32>
      %eq3A_3495 = arith.constant 2 : i32
      %eq3A_3496 = vector.broadcast %eq3A_3495 : i32 to vector<16xi32>
      %eq3A_3497 = arith.cmpi eq, %iota3A, %eq3A_3496 : vector<16xi32>
      %broadcast_in_dim3A_3498 = vector.broadcast %reduce_sum3A_3494 : f32 to vector<16xf32>
      %select_n3A_3499 = arith.select %eq3A_3497, %broadcast_in_dim3A_3498, %select_n3A_3475 : vector<16xi1>, vector<16xf32>
      %add3A_3500 = arith.constant 50 : i32
      %add3A_3501 = arith.addi %mul3A_131, %add3A_3500 : i32
      %add3A_3502 = arith.constant 40 : i32
      %add3A_3503 = arith.addi %add3A_3501, %add3A_3502 : i32
      %add3A_3504 = arith.constant 3 : i32
      %add3A_3505 = arith.addi %add3A_3503, %add3A_3504 : i32
      %get3A_3506 = arith.index_cast %add3A_3505 : i32 to index
      %get3A_3507 = arith.constant 0 : index
      %get3A_3508 = tpu.vector_load %arg6[%get3A_3506, %get3A_3507] {strides = array<i32>} : memref<800x32xf32, #tpu.memory_space<vmem>>, vector<16xf32>,
      %get3A_3509 = arith.index_cast %add3A_3505 : i32 to index
      %get3A_3510 = arith.constant 16 : index
      %get3A_3511 = tpu.vector_load %arg6[%get3A_3509, %get3A_3510] {strides = array<i32>} : memref<800x32xf32, #tpu.memory_space<vmem>>, vector<16xf32>,
      %mul3A_3512 = arith.mulf %get3A_3508, %get3A_3508 : vector<16xf32>
      %mul3A_3513 = arith.mulf %get3A_3511, %get3A_3511 : vector<16xf32>
      %add3A_3514 = arith.addf %mul3A_3512, %mul3A_3513 : vector<16xf32>
      %reduce_sum3A_3515 = arith.constant true
      %reduce_sum3A_3516 = vector.broadcast %reduce_sum3A_3515 : i1 to vector<16xi1>
      %reduce_sum3A_3517 = tpu.scan <sum>, %add3A_3514 masked %reduce_sum3A_3516 : vector<16xf32>, vector<16xi1> -> vector<16xf32>
      %reduce_sum3A_3518 = vector.extract %reduce_sum3A_3517[15] : f32 from vector<16xf32>
      %eq3A_3519 = arith.constant 3 : i32
      %eq3A_3520 = vector.broadcast %eq3A_3519 : i32 to vector<16xi32>
      %eq3A_3521 = arith.cmpi eq, %iota3A, %eq3A_3520 : vector<16xi32>
      %broadcast_in_dim3A_3522 = vector.broadcast %reduce_sum3A_3518 : f32 to vector<16xf32>
      %select_n3A_3523 = arith.select %eq3A_3521, %broadcast_in_dim3A_3522, %select_n3A_3499 : vector<16xi1>, vector<16xf32>
      %add3A_3524 = arith.constant 50 : i32
      %add3A_3525 = arith.addi %mul3A_131, %add3A_3524 : i32
      %add3A_3526 = arith.constant 40 : i32
      %add3A_3527 = arith.addi %add3A_3525, %add3A_3526 : i32
      %add3A_3528 = arith.constant 4 : i32
      %add3A_3529 = arith.addi %add3A_3527, %add3A_3528 : i32
      %get3A_3530 = arith.index_cast %add3A_3529 : i32 to index
      %get3A_3531 = arith.constant 0 : index
      %get3A_3532 = tpu.vector_load %arg6[%get3A_3530, %get3A_3531] {strides = array<i32>} : memref<800x32xf32, #tpu.memory_space<vmem>>, vector<16xf32>,
      %get3A_3533 = arith.index_cast %add3A_3529 : i32 to index
      %get3A_3534 = arith.constant 16 : index
      %get3A_3535 = tpu.vector_load %arg6[%get3A_3533, %get3A_3534] {strides = array<i32>} : memref<800x32xf32, #tpu.memory_space<vmem>>, vector<16xf32>,
      %mul3A_3536 = arith.mulf %get3A_3532, %get3A_3532 : vector<16xf32>
      %mul3A_3537 = arith.mulf %get3A_3535, %get3A_3535 : vector<16xf32>
      %add3A_3538 = arith.addf %mul3A_3536, %mul3A_3537 : vector<16xf32>
      %reduce_sum3A_3539 = arith.constant true
      %reduce_sum3A_3540 = vector.broadcast %reduce_sum3A_3539 : i1 to vector<16xi1>
      %reduce_sum3A_3541 = tpu.scan <sum>, %add3A_3538 masked %reduce_sum3A_3540 : vector<16xf32>, vector<16xi1> -> vector<16xf32>
      %reduce_sum3A_3542 = vector.extract %reduce_sum3A_3541[15] : f32 from vector<16xf32>
      %eq3A_3543 = arith.constant 4 : i32
      %eq3A_3544 = vector.broadcast %eq3A_3543 : i32 to vector<16xi32>
      %eq3A_3545 = arith.cmpi eq, %iota3A, %eq3A_3544 : vector<16xi32>
      %broadcast_in_dim3A_3546 = vector.broadcast %reduce_sum3A_3542 : f32 to vector<16xf32>
      %select_n3A_3547 = arith.select %eq3A_3545, %broadcast_in_dim3A_3546, %select_n3A_3523 : vector<16xi1>, vector<16xf32>
      %add3A_3548 = arith.constant 50 : i32
      %add3A_3549 = arith.addi %mul3A_131, %add3A_3548 : i32
      %add3A_3550 = arith.constant 40 : i32
      %add3A_3551 = arith.addi %add3A_3549, %add3A_3550 : i32
      %add3A_3552 = arith.constant 5 : i32
      %add3A_3553 = arith.addi %add3A_3551, %add3A_3552 : i32
      %get3A_3554 = arith.index_cast %add3A_3553 : i32 to index
      %get3A_3555 = arith.constant 0 : index
      %get3A_3556 = tpu.vector_load %arg6[%get3A_3554, %get3A_3555] {strides = array<i32>} : memref<800x32xf32, #tpu.memory_space<vmem>>, vector<16xf32>,
      %get3A_3557 = arith.index_cast %add3A_3553 : i32 to index
      %get3A_3558 = arith.constant 16 : index
      %get3A_3559 = tpu.vector_load %arg6[%get3A_3557, %get3A_3558] {strides = array<i32>} : memref<800x32xf32, #tpu.memory_space<vmem>>, vector<16xf32>,
      %mul3A_3560 = arith.mulf %get3A_3556, %get3A_3556 : vector<16xf32>
      %mul3A_3561 = arith.mulf %get3A_3559, %get3A_3559 : vector<16xf32>
      %add3A_3562 = arith.addf %mul3A_3560, %mul3A_3561 : vector<16xf32>
      %reduce_sum3A_3563 = arith.constant true
      %reduce_sum3A_3564 = vector.broadcast %reduce_sum3A_3563 : i1 to vector<16xi1>
      %reduce_sum3A_3565 = tpu.scan <sum>, %add3A_3562 masked %reduce_sum3A_3564 : vector<16xf32>, vector<16xi1> -> vector<16xf32>
      %reduce_sum3A_3566 = vector.extract %reduce_sum3A_3565[15] : f32 from vector<16xf32>
      %eq3A_3567 = arith.constant 5 : i32
      %eq3A_3568 = vector.broadcast %eq3A_3567 : i32 to vector<16xi32>
      %eq3A_3569 = arith.cmpi eq, %iota3A, %eq3A_3568 : vector<16xi32>
      %broadcast_in_dim3A_3570 = vector.broadcast %reduce_sum3A_3566 : f32 to vector<16xf32>
      %select_n3A_3571 = arith.select %eq3A_3569, %broadcast_in_dim3A_3570, %select_n3A_3547 : vector<16xi1>, vector<16xf32>
      %add3A_3572 = arith.constant 50 : i32
      %add3A_3573 = arith.addi %mul3A_131, %add3A_3572 : i32
      %add3A_3574 = arith.constant 40 : i32
      %add3A_3575 = arith.addi %add3A_3573, %add3A_3574 : i32
      %add3A_3576 = arith.constant 6 : i32
      %add3A_3577 = arith.addi %add3A_3575, %add3A_3576 : i32
      %get3A_3578 = arith.index_cast %add3A_3577 : i32 to index
      %get3A_3579 = arith.constant 0 : index
      %get3A_3580 = tpu.vector_load %arg6[%get3A_3578, %get3A_3579] {strides = array<i32>} : memref<800x32xf32, #tpu.memory_space<vmem>>, vector<16xf32>,
      %get3A_3581 = arith.index_cast %add3A_3577 : i32 to index
      %get3A_3582 = arith.constant 16 : index
      %get3A_3583 = tpu.vector_load %arg6[%get3A_3581, %get3A_3582] {strides = array<i32>} : memref<800x32xf32, #tpu.memory_space<vmem>>, vector<16xf32>,
      %mul3A_3584 = arith.mulf %get3A_3580, %get3A_3580 : vector<16xf32>
      %mul3A_3585 = arith.mulf %get3A_3583, %get3A_3583 : vector<16xf32>
      %add3A_3586 = arith.addf %mul3A_3584, %mul3A_3585 : vector<16xf32>
      %reduce_sum3A_3587 = arith.constant true
      %reduce_sum3A_3588 = vector.broadcast %reduce_sum3A_3587 : i1 to vector<16xi1>
      %reduce_sum3A_3589 = tpu.scan <sum>, %add3A_3586 masked %reduce_sum3A_3588 : vector<16xf32>, vector<16xi1> -> vector<16xf32>
      %reduce_sum3A_3590 = vector.extract %reduce_sum3A_3589[15] : f32 from vector<16xf32>
      %eq3A_3591 = arith.constant 6 : i32
      %eq3A_3592 = vector.broadcast %eq3A_3591 : i32 to vector<16xi32>
      %eq3A_3593 = arith.cmpi eq, %iota3A, %eq3A_3592 : vector<16xi32>
      %broadcast_in_dim3A_3594 = vector.broadcast %reduce_sum3A_3590 : f32 to vector<16xf32>
      %select_n3A_3595 = arith.select %eq3A_3593, %broadcast_in_dim3A_3594, %select_n3A_3571 : vector<16xi1>, vector<16xf32>
      %add3A_3596 = arith.constant 50 : i32
      %add3A_3597 = arith.addi %mul3A_131, %add3A_3596 : i32
      %add3A_3598 = arith.constant 40 : i32
      %add3A_3599 = arith.addi %add3A_3597, %add3A_3598 : i32
      %add3A_3600 = arith.constant 7 : i32
      %add3A_3601 = arith.addi %add3A_3599, %add3A_3600 : i32
      %get3A_3602 = arith.index_cast %add3A_3601 : i32 to index
      %get3A_3603 = arith.constant 0 : index
      %get3A_3604 = tpu.vector_load %arg6[%get3A_3602, %get3A_3603] {strides = array<i32>} : memref<800x32xf32, #tpu.memory_space<vmem>>, vector<16xf32>,
      %get3A_3605 = arith.index_cast %add3A_3601 : i32 to index
      %get3A_3606 = arith.constant 16 : index
      %get3A_3607 = tpu.vector_load %arg6[%get3A_3605, %get3A_3606] {strides = array<i32>} : memref<800x32xf32, #tpu.memory_space<vmem>>, vector<16xf32>,
      %mul3A_3608 = arith.mulf %get3A_3604, %get3A_3604 : vector<16xf32>
      %mul3A_3609 = arith.mulf %get3A_3607, %get3A_3607 : vector<16xf32>
      %add3A_3610 = arith.addf %mul3A_3608, %mul3A_3609 : vector<16xf32>
      %reduce_sum3A_3611 = arith.constant true
      %reduce_sum3A_3612 = vector.broadcast %reduce_sum3A_3611 : i1 to vector<16xi1>
      %reduce_sum3A_3613 = tpu.scan <sum>, %add3A_3610 masked %reduce_sum3A_3612 : vector<16xf32>, vector<16xi1> -> vector<16xf32>
      %reduce_sum3A_3614 = vector.extract %reduce_sum3A_3613[15] : f32 from vector<16xf32>
      %eq3A_3615 = arith.constant 7 : i32
      %eq3A_3616 = vector.broadcast %eq3A_3615 : i32 to vector<16xi32>
      %eq3A_3617 = arith.cmpi eq, %iota3A, %eq3A_3616 : vector<16xi32>
      %broadcast_in_dim3A_3618 = vector.broadcast %reduce_sum3A_3614 : f32 to vector<16xf32>
      %select_n3A_3619 = arith.select %eq3A_3617, %broadcast_in_dim3A_3618, %select_n3A_3595 : vector<16xi1>, vector<16xf32>
      %bitcast_convert_type3A_3620 = tpu.bitcast %select_n3A_3619 : vector<16xf32> -> vector<16xi32>
      %shift_right_arithmetic3A_3621 = arith.constant 1 : i32
      %shift_right_arithmetic3A_3622 = vector.broadcast %shift_right_arithmetic3A_3621 : i32 to vector<16xi32>
      %shift_right_arithmetic3A_3623 = arith.shrsi %bitcast_convert_type3A_3620, %shift_right_arithmetic3A_3622 : vector<16xi32>
      %sub3A_3624 = arith.constant 1597463007 : i32
      %sub3A_3625 = vector.broadcast %sub3A_3624 : i32 to vector<16xi32>
      %sub3A_3626 = arith.subi %sub3A_3625, %shift_right_arithmetic3A_3623 : vector<16xi32>
      %bitcast_convert_type3A_3627 = tpu.bitcast %sub3A_3626 : vector<16xi32> -> vector<16xf32>
      %mul3A_3628 = arith.constant 5.000000e-01 : f32
      %mul3A_3629 = vector.broadcast %mul3A_3628 : f32 to vector<16xf32>
      %mul3A_3630 = arith.mulf %select_n3A_3619, %mul3A_3629 : vector<16xf32>
      %mul3A_3631 = arith.mulf %mul3A_3630, %bitcast_convert_type3A_3627 : vector<16xf32>
      %mul3A_3632 = arith.mulf %mul3A_3631, %bitcast_convert_type3A_3627 : vector<16xf32>
      %sub3A_3633 = arith.constant 1.500000e+00 : f32
      %sub3A_3634 = vector.broadcast %sub3A_3633 : f32 to vector<16xf32>
      %sub3A_3635 = arith.subf %sub3A_3634, %mul3A_3632 : vector<16xf32>
      %mul3A_3636 = arith.mulf %bitcast_convert_type3A_3627, %sub3A_3635 : vector<16xf32>
      %mul3A_3637 = arith.mulf %mul3A_3630, %mul3A_3636 : vector<16xf32>
      %mul3A_3638 = arith.mulf %mul3A_3637, %mul3A_3636 : vector<16xf32>
      %sub3A_3639 = arith.constant 1.500000e+00 : f32
      %sub3A_3640 = vector.broadcast %sub3A_3639 : f32 to vector<16xf32>
      %sub3A_3641 = arith.subf %sub3A_3640, %mul3A_3638 : vector<16xf32>
      %mul3A_3642 = arith.mulf %mul3A_3636, %sub3A_3641 : vector<16xf32>
      %mul3A_3643 = arith.mulf %mul3A_3630, %mul3A_3642 : vector<16xf32>
      %mul3A_3644 = arith.mulf %mul3A_3643, %mul3A_3642 : vector<16xf32>
      %sub3A_3645 = arith.constant 1.500000e+00 : f32
      %sub3A_3646 = vector.broadcast %sub3A_3645 : f32 to vector<16xf32>
      %sub3A_3647 = arith.subf %sub3A_3646, %mul3A_3644 : vector<16xf32>
      %mul3A_3648 = arith.mulf %mul3A_3642, %sub3A_3647 : vector<16xf32>
      %slice3A_3649 = vector.extract_strided_slice %mul3A_3648 {offsets = [0], sizes = [1], strides = [1]} : vector<16xf32> to vector<1xf32>
      %squeeze3A_3650 = vector.extract %slice3A_3649[0] : f32 from vector<1xf32>
      %mul3A_3651 = vector.broadcast %squeeze3A_3650 : f32 to vector<16xf32>
      %mul3A_3652 = arith.mulf %get3A_3436, %mul3A_3651 : vector<16xf32>
      %add3A_3653 = arith.addf %add3A_3422, %mul3A_3652 : vector<16xf32>
      %mul3A_3654 = vector.broadcast %squeeze3A_3650 : f32 to vector<16xf32>
      %mul3A_3655 = arith.mulf %get3A_3439, %mul3A_3654 : vector<16xf32>
      %add3A_3656 = arith.addf %add3A_3425, %mul3A_3655 : vector<16xf32>
      %slice3A_3657 = vector.extract_strided_slice %mul3A_3648 {offsets = [1], sizes = [1], strides = [1]} : vector<16xf32> to vector<1xf32>
      %squeeze3A_3658 = vector.extract %slice3A_3657[0] : f32 from vector<1xf32>
      %mul3A_3659 = vector.broadcast %squeeze3A_3658 : f32 to vector<16xf32>
      %mul3A_3660 = arith.mulf %get3A_3460, %mul3A_3659 : vector<16xf32>
      %add3A_3661 = arith.addf %add3A_3653, %mul3A_3660 : vector<16xf32>
      %mul3A_3662 = vector.broadcast %squeeze3A_3658 : f32 to vector<16xf32>
      %mul3A_3663 = arith.mulf %get3A_3463, %mul3A_3662 : vector<16xf32>
      %add3A_3664 = arith.addf %add3A_3656, %mul3A_3663 : vector<16xf32>
      %slice3A_3665 = vector.extract_strided_slice %mul3A_3648 {offsets = [2], sizes = [1], strides = [1]} : vector<16xf32> to vector<1xf32>
      %squeeze3A_3666 = vector.extract %slice3A_3665[0] : f32 from vector<1xf32>
      %mul3A_3667 = vector.broadcast %squeeze3A_3666 : f32 to vector<16xf32>
      %mul3A_3668 = arith.mulf %get3A_3484, %mul3A_3667 : vector<16xf32>
      %add3A_3669 = arith.addf %add3A_3661, %mul3A_3668 : vector<16xf32>
      %mul3A_3670 = vector.broadcast %squeeze3A_3666 : f32 to vector<16xf32>
      %mul3A_3671 = arith.mulf %get3A_3487, %mul3A_3670 : vector<16xf32>
      %add3A_3672 = arith.addf %add3A_3664, %mul3A_3671 : vector<16xf32>
      %slice3A_3673 = vector.extract_strided_slice %mul3A_3648 {offsets = [3], sizes = [1], strides = [1]} : vector<16xf32> to vector<1xf32>
      %squeeze3A_3674 = vector.extract %slice3A_3673[0] : f32 from vector<1xf32>
      %mul3A_3675 = vector.broadcast %squeeze3A_3674 : f32 to vector<16xf32>
      %mul3A_3676 = arith.mulf %get3A_3508, %mul3A_3675 : vector<16xf32>
      %add3A_3677 = arith.addf %add3A_3669, %mul3A_3676 : vector<16xf32>
      %mul3A_3678 = vector.broadcast %squeeze3A_3674 : f32 to vector<16xf32>
      %mul3A_3679 = arith.mulf %get3A_3511, %mul3A_3678 : vector<16xf32>
      %add3A_3680 = arith.addf %add3A_3672, %mul3A_3679 : vector<16xf32>
      %slice3A_3681 = vector.extract_strided_slice %mul3A_3648 {offsets = [4], sizes = [1], strides = [1]} : vector<16xf32> to vector<1xf32>
      %squeeze3A_3682 = vector.extract %slice3A_3681[0] : f32 from vector<1xf32>
      %mul3A_3683 = vector.broadcast %squeeze3A_3682 : f32 to vector<16xf32>
      %mul3A_3684 = arith.mulf %get3A_3532, %mul3A_3683 : vector<16xf32>
      %add3A_3685 = arith.addf %add3A_3677, %mul3A_3684 : vector<16xf32>
      %mul3A_3686 = vector.broadcast %squeeze3A_3682 : f32 to vector<16xf32>
      %mul3A_3687 = arith.mulf %get3A_3535, %mul3A_3686 : vector<16xf32>
      %add3A_3688 = arith.addf %add3A_3680, %mul3A_3687 : vector<16xf32>
      %slice3A_3689 = vector.extract_strided_slice %mul3A_3648 {offsets = [5], sizes = [1], strides = [1]} : vector<16xf32> to vector<1xf32>
      %squeeze3A_3690 = vector.extract %slice3A_3689[0] : f32 from vector<1xf32>
      %mul3A_3691 = vector.broadcast %squeeze3A_3690 : f32 to vector<16xf32>
      %mul3A_3692 = arith.mulf %get3A_3556, %mul3A_3691 : vector<16xf32>
      %add3A_3693 = arith.addf %add3A_3685, %mul3A_3692 : vector<16xf32>
      %mul3A_3694 = vector.broadcast %squeeze3A_3690 : f32 to vector<16xf32>
      %mul3A_3695 = arith.mulf %get3A_3559, %mul3A_3694 : vector<16xf32>
      %add3A_3696 = arith.addf %add3A_3688, %mul3A_3695 : vector<16xf32>
      %slice3A_3697 = vector.extract_strided_slice %mul3A_3648 {offsets = [6], sizes = [1], strides = [1]} : vector<16xf32> to vector<1xf32>
      %squeeze3A_3698 = vector.extract %slice3A_3697[0] : f32 from vector<1xf32>
      %mul3A_3699 = vector.broadcast %squeeze3A_3698 : f32 to vector<16xf32>
      %mul3A_3700 = arith.mulf %get3A_3580, %mul3A_3699 : vector<16xf32>
      %add3A_3701 = arith.addf %add3A_3693, %mul3A_3700 : vector<16xf32>
      %mul3A_3702 = vector.broadcast %squeeze3A_3698 : f32 to vector<16xf32>
      %mul3A_3703 = arith.mulf %get3A_3583, %mul3A_3702 : vector<16xf32>
      %add3A_3704 = arith.addf %add3A_3696, %mul3A_3703 : vector<16xf32>
      %slice3A_3705 = vector.extract_strided_slice %mul3A_3648 {offsets = [7], sizes = [1], strides = [1]} : vector<16xf32> to vector<1xf32>
      %squeeze3A_3706 = vector.extract %slice3A_3705[0] : f32 from vector<1xf32>
      %mul3A_3707 = vector.broadcast %squeeze3A_3706 : f32 to vector<16xf32>
      %mul3A_3708 = arith.mulf %get3A_3604, %mul3A_3707 : vector<16xf32>
      %add3A_3709 = arith.addf %add3A_3701, %mul3A_3708 : vector<16xf32>
      %mul3A_3710 = vector.broadcast %squeeze3A_3706 : f32 to vector<16xf32>
      %mul3A_3711 = arith.mulf %get3A_3607, %mul3A_3710 : vector<16xf32>
      %add3A_3712 = arith.addf %add3A_3704, %mul3A_3711 : vector<16xf32>
      %broadcast_in_dim3A_3713 = arith.constant 1.000000e+00 : f32
      %broadcast_in_dim3A_3714 = vector.broadcast %broadcast_in_dim3A_3713 : f32 to vector<16xf32>
      %add3A_3715 = arith.constant 50 : i32
      %add3A_3716 = arith.addi %mul3A_131, %add3A_3715 : i32
      %add3A_3717 = arith.constant 48 : i32
      %add3A_3718 = arith.addi %add3A_3716, %add3A_3717 : i32
      %add3A_3719 = arith.constant 0 : i32
      %add3A_3720 = arith.addi %add3A_3718, %add3A_3719 : i32
      %get3A_3721 = arith.index_cast %add3A_3720 : i32 to index
      %get3A_3722 = arith.constant 0 : index
      %get3A_3723 = tpu.vector_load %arg6[%get3A_3721, %get3A_3722] {strides = array<i32>} : memref<800x32xf32, #tpu.memory_space<vmem>>, vector<16xf32>,
      %get3A_3724 = arith.index_cast %add3A_3720 : i32 to index
      %get3A_3725 = arith.constant 16 : index
      %get3A_3726 = tpu.vector_load %arg6[%get3A_3724, %get3A_3725] {strides = array<i32>} : memref<800x32xf32, #tpu.memory_space<vmem>>, vector<16xf32>,
      %mul3A_3727 = arith.mulf %get3A_3723, %get3A_3723 : vector<16xf32>
      %mul3A_3728 = arith.mulf %get3A_3726, %get3A_3726 : vector<16xf32>
      %add3A_3729 = arith.addf %mul3A_3727, %mul3A_3728 : vector<16xf32>
      %reduce_sum3A_3730 = arith.constant true
      %reduce_sum3A_3731 = vector.broadcast %reduce_sum3A_3730 : i1 to vector<16xi1>
      %reduce_sum3A_3732 = tpu.scan <sum>, %add3A_3729 masked %reduce_sum3A_3731 : vector<16xf32>, vector<16xi1> -> vector<16xf32>
      %reduce_sum3A_3733 = vector.extract %reduce_sum3A_3732[15] : f32 from vector<16xf32>
      %eq3A_3734 = arith.constant 0 : i32
      %eq3A_3735 = vector.broadcast %eq3A_3734 : i32 to vector<16xi32>
      %eq3A_3736 = arith.cmpi eq, %iota3A, %eq3A_3735 : vector<16xi32>
      %broadcast_in_dim3A_3737 = vector.broadcast %reduce_sum3A_3733 : f32 to vector<16xf32>
      %select_n3A_3738 = arith.select %eq3A_3736, %broadcast_in_dim3A_3737, %broadcast_in_dim3A_3714 : vector<16xi1>, vector<16xf32>
      %add3A_3739 = arith.constant 50 : i32
      %add3A_3740 = arith.addi %mul3A_131, %add3A_3739 : i32
      %add3A_3741 = arith.constant 48 : i32
      %add3A_3742 = arith.addi %add3A_3740, %add3A_3741 : i32
      %add3A_3743 = arith.constant 1 : i32
      %add3A_3744 = arith.addi %add3A_3742, %add3A_3743 : i32
      %get3A_3745 = arith.index_cast %add3A_3744 : i32 to index
      %get3A_3746 = arith.constant 0 : index
      %get3A_3747 = tpu.vector_load %arg6[%get3A_3745, %get3A_3746] {strides = array<i32>} : memref<800x32xf32, #tpu.memory_space<vmem>>, vector<16xf32>,
      %get3A_3748 = arith.index_cast %add3A_3744 : i32 to index
      %get3A_3749 = arith.constant 16 : index
      %get3A_3750 = tpu.vector_load %arg6[%get3A_3748, %get3A_3749] {strides = array<i32>} : memref<800x32xf32, #tpu.memory_space<vmem>>, vector<16xf32>,
      %mul3A_3751 = arith.mulf %get3A_3747, %get3A_3747 : vector<16xf32>
      %mul3A_3752 = arith.mulf %get3A_3750, %get3A_3750 : vector<16xf32>
      %add3A_3753 = arith.addf %mul3A_3751, %mul3A_3752 : vector<16xf32>
      %reduce_sum3A_3754 = arith.constant true
      %reduce_sum3A_3755 = vector.broadcast %reduce_sum3A_3754 : i1 to vector<16xi1>
      %reduce_sum3A_3756 = tpu.scan <sum>, %add3A_3753 masked %reduce_sum3A_3755 : vector<16xf32>, vector<16xi1> -> vector<16xf32>
      %reduce_sum3A_3757 = vector.extract %reduce_sum3A_3756[15] : f32 from vector<16xf32>
      %eq3A_3758 = arith.constant 1 : i32
      %eq3A_3759 = vector.broadcast %eq3A_3758 : i32 to vector<16xi32>
      %eq3A_3760 = arith.cmpi eq, %iota3A, %eq3A_3759 : vector<16xi32>
      %broadcast_in_dim3A_3761 = vector.broadcast %reduce_sum3A_3757 : f32 to vector<16xf32>
      %select_n3A_3762 = arith.select %eq3A_3760, %broadcast_in_dim3A_3761, %select_n3A_3738 : vector<16xi1>, vector<16xf32>
      %bitcast_convert_type3A_3763 = tpu.bitcast %select_n3A_3762 : vector<16xf32> -> vector<16xi32>
      %shift_right_arithmetic3A_3764 = arith.constant 1 : i32
      %shift_right_arithmetic3A_3765 = vector.broadcast %shift_right_arithmetic3A_3764 : i32 to vector<16xi32>
      %shift_right_arithmetic3A_3766 = arith.shrsi %bitcast_convert_type3A_3763, %shift_right_arithmetic3A_3765 : vector<16xi32>
      %sub3A_3767 = arith.constant 1597463007 : i32
      %sub3A_3768 = vector.broadcast %sub3A_3767 : i32 to vector<16xi32>
      %sub3A_3769 = arith.subi %sub3A_3768, %shift_right_arithmetic3A_3766 : vector<16xi32>
      %bitcast_convert_type3A_3770 = tpu.bitcast %sub3A_3769 : vector<16xi32> -> vector<16xf32>
      %mul3A_3771 = arith.constant 5.000000e-01 : f32
      %mul3A_3772 = vector.broadcast %mul3A_3771 : f32 to vector<16xf32>
      %mul3A_3773 = arith.mulf %select_n3A_3762, %mul3A_3772 : vector<16xf32>
      %mul3A_3774 = arith.mulf %mul3A_3773, %bitcast_convert_type3A_3770 : vector<16xf32>
      %mul3A_3775 = arith.mulf %mul3A_3774, %bitcast_convert_type3A_3770 : vector<16xf32>
      %sub3A_3776 = arith.constant 1.500000e+00 : f32
      %sub3A_3777 = vector.broadcast %sub3A_3776 : f32 to vector<16xf32>
      %sub3A_3778 = arith.subf %sub3A_3777, %mul3A_3775 : vector<16xf32>
      %mul3A_3779 = arith.mulf %bitcast_convert_type3A_3770, %sub3A_3778 : vector<16xf32>
      %mul3A_3780 = arith.mulf %mul3A_3773, %mul3A_3779 : vector<16xf32>
      %mul3A_3781 = arith.mulf %mul3A_3780, %mul3A_3779 : vector<16xf32>
      %sub3A_3782 = arith.constant 1.500000e+00 : f32
      %sub3A_3783 = vector.broadcast %sub3A_3782 : f32 to vector<16xf32>
      %sub3A_3784 = arith.subf %sub3A_3783, %mul3A_3781 : vector<16xf32>
      %mul3A_3785 = arith.mulf %mul3A_3779, %sub3A_3784 : vector<16xf32>
      %mul3A_3786 = arith.mulf %mul3A_3773, %mul3A_3785 : vector<16xf32>
      %mul3A_3787 = arith.mulf %mul3A_3786, %mul3A_3785 : vector<16xf32>
      %sub3A_3788 = arith.constant 1.500000e+00 : f32
      %sub3A_3789 = vector.broadcast %sub3A_3788 : f32 to vector<16xf32>
      %sub3A_3790 = arith.subf %sub3A_3789, %mul3A_3787 : vector<16xf32>
      %mul3A_3791 = arith.mulf %mul3A_3785, %sub3A_3790 : vector<16xf32>
      %slice3A_3792 = vector.extract_strided_slice %mul3A_3791 {offsets = [0], sizes = [1], strides = [1]} : vector<16xf32> to vector<1xf32>
      %squeeze3A_3793 = vector.extract %slice3A_3792[0] : f32 from vector<1xf32>
      %mul3A_3794 = vector.broadcast %squeeze3A_3793 : f32 to vector<16xf32>
      %mul3A_3795 = arith.mulf %get3A_3723, %mul3A_3794 : vector<16xf32>
      %add3A_3796 = arith.addf %add3A_3709, %mul3A_3795 : vector<16xf32>
      %mul3A_3797 = vector.broadcast %squeeze3A_3793 : f32 to vector<16xf32>
      %mul3A_3798 = arith.mulf %get3A_3726, %mul3A_3797 : vector<16xf32>
      %add3A_3799 = arith.addf %add3A_3712, %mul3A_3798 : vector<16xf32>
      %slice3A_3800 = vector.extract_strided_slice %mul3A_3791 {offsets = [1], sizes = [1], strides = [1]} : vector<16xf32> to vector<1xf32>
      %squeeze3A_3801 = vector.extract %slice3A_3800[0] : f32 from vector<1xf32>
      %mul3A_3802 = vector.broadcast %squeeze3A_3801 : f32 to vector<16xf32>
      %mul3A_3803 = arith.mulf %get3A_3747, %mul3A_3802 : vector<16xf32>
      %add3A_3804 = arith.addf %add3A_3796, %mul3A_3803 : vector<16xf32>
      %mul3A_3805 = vector.broadcast %squeeze3A_3801 : f32 to vector<16xf32>
      %mul3A_3806 = arith.mulf %get3A_3750, %mul3A_3805 : vector<16xf32>
      %add3A_3807 = arith.addf %add3A_3799, %mul3A_3806 : vector<16xf32>
      %mul3A_3808 = arith.mulf %add3A_3804, %add3A_3804 : vector<16xf32>
      %mul3A_3809 = arith.mulf %add3A_3807, %add3A_3807 : vector<16xf32>
      %add3A_3810 = arith.addf %mul3A_3808, %mul3A_3809 : vector<16xf32>
      %reduce_sum3A_3811 = arith.constant true
      %reduce_sum3A_3812 = vector.broadcast %reduce_sum3A_3811 : i1 to vector<16xi1>
      %reduce_sum3A_3813 = tpu.scan <sum>, %add3A_3810 masked %reduce_sum3A_3812 : vector<16xf32>, vector<16xi1> -> vector<16xf32>
      %reduce_sum3A_3814 = vector.extract %reduce_sum3A_3813[15] : f32 from vector<16xf32>
      %bitcast_convert_type3A_3815 = arith.bitcast %reduce_sum3A_3814 : f32 to i32
      %shift_right_arithmetic3A_3816 = arith.constant 1 : i32
      %shift_right_arithmetic3A_3817 = arith.shrsi %bitcast_convert_type3A_3815, %shift_right_arithmetic3A_3816 : i32
      %sub3A_3818 = arith.constant 1597463007 : i32
      %sub3A_3819 = arith.subi %sub3A_3818, %shift_right_arithmetic3A_3817 : i32
      %bitcast_convert_type3A_3820 = arith.bitcast %sub3A_3819 : i32 to f32
      %mul3A_3821 = arith.constant 5.000000e-01 : f32
      %mul3A_3822 = arith.mulf %reduce_sum3A_3814, %mul3A_3821 : f32
      %mul3A_3823 = arith.mulf %mul3A_3822, %bitcast_convert_type3A_3820 : f32
      %mul3A_3824 = arith.mulf %mul3A_3823, %bitcast_convert_type3A_3820 : f32
      %sub3A_3825 = arith.constant 1.500000e+00 : f32
      %sub3A_3826 = arith.subf %sub3A_3825, %mul3A_3824 : f32
      %mul3A_3827 = arith.mulf %bitcast_convert_type3A_3820, %sub3A_3826 : f32
      %mul3A_3828 = arith.mulf %mul3A_3822, %mul3A_3827 : f32
      %mul3A_3829 = arith.mulf %mul3A_3828, %mul3A_3827 : f32
      %sub3A_3830 = arith.constant 1.500000e+00 : f32
      %sub3A_3831 = arith.subf %sub3A_3830, %mul3A_3829 : f32
      %mul3A_3832 = arith.mulf %mul3A_3827, %sub3A_3831 : f32
      %mul3A_3833 = arith.mulf %mul3A_3822, %mul3A_3832 : f32
      %mul3A_3834 = arith.mulf %mul3A_3833, %mul3A_3832 : f32
      %sub3A_3835 = arith.constant 1.500000e+00 : f32
      %sub3A_3836 = arith.subf %sub3A_3835, %mul3A_3834 : f32
      %mul3A_3837 = arith.mulf %mul3A_3832, %sub3A_3836 : f32
      %mul3A_3838 = arith.constant 2 : i32
      %mul3A_3839 = arith.muli %scan3A_90, %mul3A_3838 : i32
      %add3A_3840 = arith.constant 1 : i32
      %add3A_3841 = arith.addi %mul3A_3839, %add3A_3840 : i32
      %mul3A_3842 = vector.broadcast %mul3A_3837 : f32 to vector<16xf32>
      %mul3A_3843 = arith.mulf %add3A_3804, %mul3A_3842 : vector<16xf32>
      %swap3A_3844 = arith.index_cast %add3A_3841 : i32 to index
      %swap3A_3845 = arith.constant 0 : index
      %swap3A_3846 = tpu.vector_load %arg7[%swap3A_3844, %swap3A_3845] {strides = array<i32>} : memref<512x32xf32, #tpu.memory_space<vmem>>, vector<16xf32>,
      tpu.vector_store %arg7[%swap3A_3844, %swap3A_3845], %mul3A_3843 {strides = array<i32>} : memref<512x32xf32, #tpu.memory_space<vmem>>, vector<16xf32>,
      %mul3A_3847 = vector.broadcast %mul3A_3837 : f32 to vector<16xf32>
      %mul3A_3848 = arith.mulf %add3A_3807, %mul3A_3847 : vector<16xf32>
      %swap3A_3849 = arith.index_cast %add3A_3841 : i32 to index
      %swap3A_3850 = arith.constant 16 : index
      %swap3A_3851 = tpu.vector_load %arg7[%swap3A_3849, %swap3A_3850] {strides = array<i32>} : memref<512x32xf32, #tpu.memory_space<vmem>>, vector<16xf32>,
      tpu.vector_store %arg7[%swap3A_3849, %swap3A_3850], %mul3A_3848 {strides = array<i32>} : memref<512x32xf32, #tpu.memory_space<vmem>>, vector<16xf32>,
      %lt3A = arith.constant 248 : i32
      %lt3A_3852 = arith.cmpi slt, %scan3A_90, %lt3A : i32
      %convert_element_type3A_3853 = arith.extui %lt3A_3852 : i1 to i32
      %cond3A_3854 = arith.constant 0 : i32
      %cond3A_3855 = arith.cmpi ne, %convert_element_type3A_3853, %cond3A_3854 : i32
      scf.if %cond3A_3855 {
        %eq3A_3857 = arith.constant 0 : i32
        %eq3A_3858 = arith.cmpi eq, %rem3A_92, %eq3A_3857 : i32
        %convert_element_type3A_3859 = arith.extui %eq3A_3858 : i1 to i32
        %cond3A_3860 = arith.constant 0 : i32
        %cond3A_3861 = arith.cmpi ne, %convert_element_type3A_3859, %cond3A_3860 : i32
        scf.if %cond3A_3861 {
          %add3A_3897 = arith.constant 8 : i32
          %add3A_3898 = arith.addi %scan3A_90, %add3A_3897 : i32
          %dma_start3A_3899 = arith.constant 0 : i32
          %dma_start3A_3900 = arith.constant 0 : i32
          %dma_start3A_3901 = tpu.memref_slice %arg6[%dma_start3A_3899, %dma_start3A_3900] : memref<800x32xf32, #tpu.memory_space<vmem>> -> memref<100x32xf32, #tpu.memory_space<vmem>>
          %dma_start3A_3902 = arith.constant 0 : i32
          %dma_start3A_3903 = tpu.memref_slice %arg5[%add3A_3898, %dma_start3A_3902] : memref<256x100xi32, #tpu.memory_space<vmem>> -> memref<1x100xi32, #tpu.memory_space<vmem>>
          %dma_start3A_3904 = tpu.memref_squeeze %dma_start3A_3903 : memref<1x100xi32, #tpu.memory_space<vmem>> -> memref<100xi32, #tpu.memory_space<vmem>>
          %dma_start3A_3905 = arith.constant 0 : i32
          %dma_start3A_3906 = arith.constant 0 : i32
          %dma_start3A_3907 = tpu.memref_slice %arg3[%dma_start3A_3905, %dma_start3A_3906] : memref<1000000x32xf32, #tpu.memory_space<hbm>> -> memref<1000000x32xf32, #tpu.memory_space<hbm>>
          tpu.enqueue_indirect_dma source(%dma_start3A_3907 : memref<1000000x32xf32, #tpu.memory_space<hbm>>) target(%dma_start3A_3901 : memref<100x32xf32, #tpu.memory_space<vmem>>) offsets(%dma_start3A_3904 : memref<100xi32, #tpu.memory_space<vmem>>) semaphore(%arg8 : memref<!tpu.dma_semaphore, #tpu.memory_space<semaphore_mem>>)
        } else {
        }
        %eq3A_3862 = arith.constant 1 : i32
        %eq3A_3863 = arith.cmpi eq, %rem3A_92, %eq3A_3862 : i32
        %convert_element_type3A_3864 = arith.extui %eq3A_3863 : i1 to i32
        %cond3A_3865 = arith.constant 0 : i32
        %cond3A_3866 = arith.cmpi ne, %convert_element_type3A_3864, %cond3A_3865 : i32
        scf.if %cond3A_3866 {
          %add3A_3897 = arith.constant 8 : i32
          %add3A_3898 = arith.addi %scan3A_90, %add3A_3897 : i32
          %dma_start3A_3899 = arith.constant 100 : i32
          %dma_start3A_3900 = arith.constant 0 : i32
          %dma_start3A_3901 = tpu.memref_slice %arg6[%dma_start3A_3899, %dma_start3A_3900] : memref<800x32xf32, #tpu.memory_space<vmem>> -> memref<100x32xf32, #tpu.memory_space<vmem>>
          %dma_start3A_3902 = arith.constant 0 : i32
          %dma_start3A_3903 = tpu.memref_slice %arg5[%add3A_3898, %dma_start3A_3902] : memref<256x100xi32, #tpu.memory_space<vmem>> -> memref<1x100xi32, #tpu.memory_space<vmem>>
          %dma_start3A_3904 = tpu.memref_squeeze %dma_start3A_3903 : memref<1x100xi32, #tpu.memory_space<vmem>> -> memref<100xi32, #tpu.memory_space<vmem>>
          %dma_start3A_3905 = arith.constant 0 : i32
          %dma_start3A_3906 = arith.constant 0 : i32
          %dma_start3A_3907 = tpu.memref_slice %arg3[%dma_start3A_3905, %dma_start3A_3906] : memref<1000000x32xf32, #tpu.memory_space<hbm>> -> memref<1000000x32xf32, #tpu.memory_space<hbm>>
          tpu.enqueue_indirect_dma source(%dma_start3A_3907 : memref<1000000x32xf32, #tpu.memory_space<hbm>>) target(%dma_start3A_3901 : memref<100x32xf32, #tpu.memory_space<vmem>>) offsets(%dma_start3A_3904 : memref<100xi32, #tpu.memory_space<vmem>>) semaphore(%arg9 : memref<!tpu.dma_semaphore, #tpu.memory_space<semaphore_mem>>)
        } else {
        }
        %eq3A_3867 = arith.constant 2 : i32
        %eq3A_3868 = arith.cmpi eq, %rem3A_92, %eq3A_3867 : i32
        %convert_element_type3A_3869 = arith.extui %eq3A_3868 : i1 to i32
        %cond3A_3870 = arith.constant 0 : i32
        %cond3A_3871 = arith.cmpi ne, %convert_element_type3A_3869, %cond3A_3870 : i32
        scf.if %cond3A_3871 {
          %add3A_3897 = arith.constant 8 : i32
          %add3A_3898 = arith.addi %scan3A_90, %add3A_3897 : i32
          %dma_start3A_3899 = arith.constant 200 : i32
          %dma_start3A_3900 = arith.constant 0 : i32
          %dma_start3A_3901 = tpu.memref_slice %arg6[%dma_start3A_3899, %dma_start3A_3900] : memref<800x32xf32, #tpu.memory_space<vmem>> -> memref<100x32xf32, #tpu.memory_space<vmem>>
          %dma_start3A_3902 = arith.constant 0 : i32
          %dma_start3A_3903 = tpu.memref_slice %arg5[%add3A_3898, %dma_start3A_3902] : memref<256x100xi32, #tpu.memory_space<vmem>> -> memref<1x100xi32, #tpu.memory_space<vmem>>
          %dma_start3A_3904 = tpu.memref_squeeze %dma_start3A_3903 : memref<1x100xi32, #tpu.memory_space<vmem>> -> memref<100xi32, #tpu.memory_space<vmem>>
          %dma_start3A_3905 = arith.constant 0 : i32
          %dma_start3A_3906 = arith.constant 0 : i32
          %dma_start3A_3907 = tpu.memref_slice %arg3[%dma_start3A_3905, %dma_start3A_3906] : memref<1000000x32xf32, #tpu.memory_space<hbm>> -> memref<1000000x32xf32, #tpu.memory_space<hbm>>
          tpu.enqueue_indirect_dma source(%dma_start3A_3907 : memref<1000000x32xf32, #tpu.memory_space<hbm>>) target(%dma_start3A_3901 : memref<100x32xf32, #tpu.memory_space<vmem>>) offsets(%dma_start3A_3904 : memref<100xi32, #tpu.memory_space<vmem>>) semaphore(%arg10 : memref<!tpu.dma_semaphore, #tpu.memory_space<semaphore_mem>>)
        } else {
        }
        %eq3A_3872 = arith.constant 3 : i32
        %eq3A_3873 = arith.cmpi eq, %rem3A_92, %eq3A_3872 : i32
        %convert_element_type3A_3874 = arith.extui %eq3A_3873 : i1 to i32
        %cond3A_3875 = arith.constant 0 : i32
        %cond3A_3876 = arith.cmpi ne, %convert_element_type3A_3874, %cond3A_3875 : i32
        scf.if %cond3A_3876 {
          %add3A_3897 = arith.constant 8 : i32
          %add3A_3898 = arith.addi %scan3A_90, %add3A_3897 : i32
          %dma_start3A_3899 = arith.constant 300 : i32
          %dma_start3A_3900 = arith.constant 0 : i32
          %dma_start3A_3901 = tpu.memref_slice %arg6[%dma_start3A_3899, %dma_start3A_3900] : memref<800x32xf32, #tpu.memory_space<vmem>> -> memref<100x32xf32, #tpu.memory_space<vmem>>
          %dma_start3A_3902 = arith.constant 0 : i32
          %dma_start3A_3903 = tpu.memref_slice %arg5[%add3A_3898, %dma_start3A_3902] : memref<256x100xi32, #tpu.memory_space<vmem>> -> memref<1x100xi32, #tpu.memory_space<vmem>>
          %dma_start3A_3904 = tpu.memref_squeeze %dma_start3A_3903 : memref<1x100xi32, #tpu.memory_space<vmem>> -> memref<100xi32, #tpu.memory_space<vmem>>
          %dma_start3A_3905 = arith.constant 0 : i32
          %dma_start3A_3906 = arith.constant 0 : i32
          %dma_start3A_3907 = tpu.memref_slice %arg3[%dma_start3A_3905, %dma_start3A_3906] : memref<1000000x32xf32, #tpu.memory_space<hbm>> -> memref<1000000x32xf32, #tpu.memory_space<hbm>>
          tpu.enqueue_indirect_dma source(%dma_start3A_3907 : memref<1000000x32xf32, #tpu.memory_space<hbm>>) target(%dma_start3A_3901 : memref<100x32xf32, #tpu.memory_space<vmem>>) offsets(%dma_start3A_3904 : memref<100xi32, #tpu.memory_space<vmem>>) semaphore(%arg11 : memref<!tpu.dma_semaphore, #tpu.memory_space<semaphore_mem>>)
        } else {
        }
        %eq3A_3877 = arith.constant 4 : i32
        %eq3A_3878 = arith.cmpi eq, %rem3A_92, %eq3A_3877 : i32
        %convert_element_type3A_3879 = arith.extui %eq3A_3878 : i1 to i32
        %cond3A_3880 = arith.constant 0 : i32
        %cond3A_3881 = arith.cmpi ne, %convert_element_type3A_3879, %cond3A_3880 : i32
        scf.if %cond3A_3881 {
          %add3A_3897 = arith.constant 8 : i32
          %add3A_3898 = arith.addi %scan3A_90, %add3A_3897 : i32
          %dma_start3A_3899 = arith.constant 400 : i32
          %dma_start3A_3900 = arith.constant 0 : i32
          %dma_start3A_3901 = tpu.memref_slice %arg6[%dma_start3A_3899, %dma_start3A_3900] : memref<800x32xf32, #tpu.memory_space<vmem>> -> memref<100x32xf32, #tpu.memory_space<vmem>>
          %dma_start3A_3902 = arith.constant 0 : i32
          %dma_start3A_3903 = tpu.memref_slice %arg5[%add3A_3898, %dma_start3A_3902] : memref<256x100xi32, #tpu.memory_space<vmem>> -> memref<1x100xi32, #tpu.memory_space<vmem>>
          %dma_start3A_3904 = tpu.memref_squeeze %dma_start3A_3903 : memref<1x100xi32, #tpu.memory_space<vmem>> -> memref<100xi32, #tpu.memory_space<vmem>>
          %dma_start3A_3905 = arith.constant 0 : i32
          %dma_start3A_3906 = arith.constant 0 : i32
          %dma_start3A_3907 = tpu.memref_slice %arg3[%dma_start3A_3905, %dma_start3A_3906] : memref<1000000x32xf32, #tpu.memory_space<hbm>> -> memref<1000000x32xf32, #tpu.memory_space<hbm>>
          tpu.enqueue_indirect_dma source(%dma_start3A_3907 : memref<1000000x32xf32, #tpu.memory_space<hbm>>) target(%dma_start3A_3901 : memref<100x32xf32, #tpu.memory_space<vmem>>) offsets(%dma_start3A_3904 : memref<100xi32, #tpu.memory_space<vmem>>) semaphore(%arg12 : memref<!tpu.dma_semaphore, #tpu.memory_space<semaphore_mem>>)
        } else {
        }
        %eq3A_3882 = arith.constant 5 : i32
        %eq3A_3883 = arith.cmpi eq, %rem3A_92, %eq3A_3882 : i32
        %convert_element_type3A_3884 = arith.extui %eq3A_3883 : i1 to i32
        %cond3A_3885 = arith.constant 0 : i32
        %cond3A_3886 = arith.cmpi ne, %convert_element_type3A_3884, %cond3A_3885 : i32
        scf.if %cond3A_3886 {
          %add3A_3897 = arith.constant 8 : i32
          %add3A_3898 = arith.addi %scan3A_90, %add3A_3897 : i32
          %dma_start3A_3899 = arith.constant 500 : i32
          %dma_start3A_3900 = arith.constant 0 : i32
          %dma_start3A_3901 = tpu.memref_slice %arg6[%dma_start3A_3899, %dma_start3A_3900] : memref<800x32xf32, #tpu.memory_space<vmem>> -> memref<100x32xf32, #tpu.memory_space<vmem>>
          %dma_start3A_3902 = arith.constant 0 : i32
          %dma_start3A_3903 = tpu.memref_slice %arg5[%add3A_3898, %dma_start3A_3902] : memref<256x100xi32, #tpu.memory_space<vmem>> -> memref<1x100xi32, #tpu.memory_space<vmem>>
          %dma_start3A_3904 = tpu.memref_squeeze %dma_start3A_3903 : memref<1x100xi32, #tpu.memory_space<vmem>> -> memref<100xi32, #tpu.memory_space<vmem>>
          %dma_start3A_3905 = arith.constant 0 : i32
          %dma_start3A_3906 = arith.constant 0 : i32
          %dma_start3A_3907 = tpu.memref_slice %arg3[%dma_start3A_3905, %dma_start3A_3906] : memref<1000000x32xf32, #tpu.memory_space<hbm>> -> memref<1000000x32xf32, #tpu.memory_space<hbm>>
          tpu.enqueue_indirect_dma source(%dma_start3A_3907 : memref<1000000x32xf32, #tpu.memory_space<hbm>>) target(%dma_start3A_3901 : memref<100x32xf32, #tpu.memory_space<vmem>>) offsets(%dma_start3A_3904 : memref<100xi32, #tpu.memory_space<vmem>>) semaphore(%arg13 : memref<!tpu.dma_semaphore, #tpu.memory_space<semaphore_mem>>)
        } else {
        }
        %eq3A_3887 = arith.constant 6 : i32
        %eq3A_3888 = arith.cmpi eq, %rem3A_92, %eq3A_3887 : i32
        %convert_element_type3A_3889 = arith.extui %eq3A_3888 : i1 to i32
        %cond3A_3890 = arith.constant 0 : i32
        %cond3A_3891 = arith.cmpi ne, %convert_element_type3A_3889, %cond3A_3890 : i32
        scf.if %cond3A_3891 {
          %add3A_3897 = arith.constant 8 : i32
          %add3A_3898 = arith.addi %scan3A_90, %add3A_3897 : i32
          %dma_start3A_3899 = arith.constant 600 : i32
          %dma_start3A_3900 = arith.constant 0 : i32
          %dma_start3A_3901 = tpu.memref_slice %arg6[%dma_start3A_3899, %dma_start3A_3900] : memref<800x32xf32, #tpu.memory_space<vmem>> -> memref<100x32xf32, #tpu.memory_space<vmem>>
          %dma_start3A_3902 = arith.constant 0 : i32
          %dma_start3A_3903 = tpu.memref_slice %arg5[%add3A_3898, %dma_start3A_3902] : memref<256x100xi32, #tpu.memory_space<vmem>> -> memref<1x100xi32, #tpu.memory_space<vmem>>
          %dma_start3A_3904 = tpu.memref_squeeze %dma_start3A_3903 : memref<1x100xi32, #tpu.memory_space<vmem>> -> memref<100xi32, #tpu.memory_space<vmem>>
          %dma_start3A_3905 = arith.constant 0 : i32
          %dma_start3A_3906 = arith.constant 0 : i32
          %dma_start3A_3907 = tpu.memref_slice %arg3[%dma_start3A_3905, %dma_start3A_3906] : memref<1000000x32xf32, #tpu.memory_space<hbm>> -> memref<1000000x32xf32, #tpu.memory_space<hbm>>
          tpu.enqueue_indirect_dma source(%dma_start3A_3907 : memref<1000000x32xf32, #tpu.memory_space<hbm>>) target(%dma_start3A_3901 : memref<100x32xf32, #tpu.memory_space<vmem>>) offsets(%dma_start3A_3904 : memref<100xi32, #tpu.memory_space<vmem>>) semaphore(%arg14 : memref<!tpu.dma_semaphore, #tpu.memory_space<semaphore_mem>>)
        } else {
        }
        %eq3A_3892 = arith.constant 7 : i32
        %eq3A_3893 = arith.cmpi eq, %rem3A_92, %eq3A_3892 : i32
        %convert_element_type3A_3894 = arith.extui %eq3A_3893 : i1 to i32
        %cond3A_3895 = arith.constant 0 : i32
        %cond3A_3896 = arith.cmpi ne, %convert_element_type3A_3894, %cond3A_3895 : i32
        scf.if %cond3A_3896 {
          %add3A_3897 = arith.constant 8 : i32
          %add3A_3898 = arith.addi %scan3A_90, %add3A_3897 : i32
          %dma_start3A_3899 = arith.constant 700 : i32
          %dma_start3A_3900 = arith.constant 0 : i32
          %dma_start3A_3901 = tpu.memref_slice %arg6[%dma_start3A_3899, %dma_start3A_3900] : memref<800x32xf32, #tpu.memory_space<vmem>> -> memref<100x32xf32, #tpu.memory_space<vmem>>
          %dma_start3A_3902 = arith.constant 0 : i32
          %dma_start3A_3903 = tpu.memref_slice %arg5[%add3A_3898, %dma_start3A_3902] : memref<256x100xi32, #tpu.memory_space<vmem>> -> memref<1x100xi32, #tpu.memory_space<vmem>>
          %dma_start3A_3904 = tpu.memref_squeeze %dma_start3A_3903 : memref<1x100xi32, #tpu.memory_space<vmem>> -> memref<100xi32, #tpu.memory_space<vmem>>
          %dma_start3A_3905 = arith.constant 0 : i32
          %dma_start3A_3906 = arith.constant 0 : i32
          %dma_start3A_3907 = tpu.memref_slice %arg3[%dma_start3A_3905, %dma_start3A_3906] : memref<1000000x32xf32, #tpu.memory_space<hbm>> -> memref<1000000x32xf32, #tpu.memory_space<hbm>>
          tpu.enqueue_indirect_dma source(%dma_start3A_3907 : memref<1000000x32xf32, #tpu.memory_space<hbm>>) target(%dma_start3A_3901 : memref<100x32xf32, #tpu.memory_space<vmem>>) offsets(%dma_start3A_3904 : memref<100xi32, #tpu.memory_space<vmem>>) semaphore(%arg15 : memref<!tpu.dma_semaphore, #tpu.memory_space<semaphore_mem>>)
        } else {
        }
      } else {
      }
      %scan3A_3856 = arith.constant 0 : i32
      scf.yield %scan3A_3856 : i32
    }
    %scan3A_87 = arith.constant 256 : i32
    %mul3A_88 = arith.constant 512 : i32
    %mul3A_89 = arith.muli %add3A, %mul3A_88 : i32
    "tpu.region"() ({
      %run_scoped3A = tpu.sem_alloc : memref<!tpu.dma_semaphore, #tpu.memory_space<semaphore_mem>>
      %dma_start3A_90 = arith.constant 0 : i32
      %dma_start3A_91 = tpu.memref_slice %arg4[%mul3A_89, %dma_start3A_90] : memref<16384x32xf32, #tpu.memory_space<hbm>> -> memref<512x32xf32, #tpu.memory_space<hbm>>
      %dma_start3A_92 = arith.constant 0 : i32
      %dma_start3A_93 = tpu.memref_slice %arg4[%mul3A_89, %dma_start3A_92] : memref<16384x32xf32, #tpu.memory_space<hbm>> -> memref<512x32xf32, #tpu.memory_space<hbm>>
      tpu.enqueue_dma source(%arg7 : memref<512x32xf32, #tpu.memory_space<vmem>>) target(%dma_start3A_93 : memref<512x32xf32, #tpu.memory_space<hbm>>) target_semaphore(%run_scoped3A : memref<!tpu.dma_semaphore, #tpu.memory_space<semaphore_mem>>)
      %dma_wait3A = arith.constant 0 : i32
      %dma_wait3A_94 = tpu.memref_slice %arg4[%mul3A_89, %dma_wait3A] : memref<16384x32xf32, #tpu.memory_space<hbm>> -> memref<512x32xf32, #tpu.memory_space<hbm>>
      %dma_wait3A_95 = arith.constant 0 : i32
      %dma_wait3A_96 = tpu.memref_slice %arg4[%mul3A_89, %dma_wait3A_95] : memref<16384x32xf32, #tpu.memory_space<hbm>> -> memref<512x32xf32, #tpu.memory_space<hbm>>
      tpu.wait_dma2 semaphore(%run_scoped3A : memref<!tpu.dma_semaphore, #tpu.memory_space<semaphore_mem>>) src(%arg7 : memref<512x32xf32, #tpu.memory_space<vmem>>) dst(%dma_wait3A_96 : memref<512x32xf32, #tpu.memory_space<hbm>>)
      tpu.yield
    }) : () -> ()
    return
  }
}

</mosaic_0001>

<sc_bundles>
// kernel: kernel.3.cloned.1.call-start
scs
__scs_entry_jumppad:
0x0: {  	(pc) =	sbr.rel $0x88, $3  }
0x1: {  	(tag) =	ssettag $0x0;
	lr =	simm.s32 $0x1  }
0x2: {  	[smem:$0x3F9F] =	sst lr;
	_ =	strace $0xD0000000  }
0x3: {  	_ = 	snop  }
0x4: {  	_ = 	snop  }
0x5: {  	_ = 	snop  }
0x6: {  	_ = 	snop  }
0x7: {  	_ = 	snop  }
__scs_overlays_trampoline_lowered:
0x8: {  	[smem:$0x3FAE] =	sst s0  }
0x9: {  	[smem:$0x3FAF] =	sst s1  }
0xa: {  	[smem:$0x3FB0] =	sst s2  }
0xb: {  	[smem:$0x3FB1] =	sst s3  }
0xc: {  	[smem:$0x3FB2] =	sst s4  }
0xd: {  	[smem:$0x3FB3] =	sst s5  }
0xe: {  	[smem:$0x3FB4] =	sst s6  }
0xf: {  	[smem:$0x3FB5] =	sst s7  }
0x10: {  	[smem:$0x3FB6] =	sst s8  }
0x11: {  	[smem:$0x3FB7] =	sst s9;
	s0 =	simm.s32 @!p0 $0x0  }
0x12: {  	s1 =	sld [smem:$0x3F9D];
	s0 =	simm.s32 @p0 $0x1  }
0x13: {  	[smem:$0x3FB8] =	sst s0;
	s0 =	simm.s32 @!p1 $0x0  }
0x14: {  	s2 =	sld [smem:$0x3F9C];
	s0 =	simm.s32 @p1 $0x1  }
0x15: {  	[smem:$0x3FB9] =	sst s0;
	s0 =	simm.s32 @!p2 $0x0  }
0x16: {  	s3 =	sld [smem:$0x3FDB];
	s0 =	simm.s32 @p2 $0x1  }
0x17: {  	s4 =	simm.s32 $0x1BF5;
	[smem:$0x3FBB] =	sst s0  }
0x18: {  	s0 =	sld [smem:$0x3F9E];
	_ =	swait.ge [sflag:s4], $0x0  }
0x19: {  	s7 =	sld [smem:$0x3F9F]  }
0x1a: {  	s8 =	sadd.s32 $0xFFFFE003, lr  }
0x1b: {  	s9 =	sadd.s32 $0xFFFFFEF7, lr;
	s5 =	simm.s32 $0xFFFFFFFF;
	p2 =	slt.u32 s8, $0xFFFFF086  }
0x1c: {  	p1 =	slt.u32 s9, $0xF7A;
	s5 =	simm.s32 @!p2 $0x0  }
0x1d: {  	s5 =	simm.s32 @p1 $0x1;
	p0 =	seq.s32 s7, s2  }
0x1e: {  	s7 =	smul.u32 @!p0 $0xF7A, s2;
	p2 =	seq.s32 @!p0 s5, $0x0  }
0x1f: {  	s9 =	smul.u32 $0xF7A, s1;
	s8 =	simm.s32 @!p0 $0x1BF5;
	p2 =	por !p2, p0  }
0x20: {  	[sflag:s8] =	ssyncset.s32 @!p0 $0xFFFFF086;
	s6 =	sadd.s32 @!p0 s3, s7;
	s7 =	simm.s32 @!p0 $0x108  }
0x21: {  	s3 =	sadd.s32 s3, s9;
	s6 =	sadd.s32 @!p0 $0x88, s6;
	s7 =	simm.s32 @p2 $0x1082  }
0x22: {  	[simem:s7], [sflag:s8] =	dma.local @!p0 [hbm:s6], $0xF7A  }
0x23: {  	s9 =	sor.u32 $0xD0000000, s2;
	s6 =	simm.s32 $0x108;
	_ =	swait.ge @!p0 [sflag:s8], $0x0  }
0x24: {  	s3 =	sadd.s32 $0x88, s3;
	s6 =	simm.s32 @!p1 $0x1082;
	[sflag:s4] =	ssyncset.s32 $0xFFFFF086  }
0x25: {  	[simem:s6], [sflag:s4] =	dma.local [hbm:s3], $0xF7A  }
0x26: {  	[smem:$0x3F9F] =	sst s1;
	(tag) =	ssettag s2;
	_ =	strace s9  }
0x27: {  	s1 =	sld [smem:$0x3FAF]  }
0x28: {  	s2 =	sld [smem:$0x3FB0]  }
0x29: {  	s4 =	sld [smem:$0x3FB2]  }
0x2a: {  	p0 =	seq.s32 s5, $0x0;
	s5 =	sld [smem:$0x3FB3]  }
0x2b: {  	s6 =	sld [smem:$0x3FB4]  }
0x2c: {  	s7 =	sld [smem:$0x3FB5]  }
0x2d: {  	s3 =	simm.s32 $0x108;
	s8 =	sld [smem:$0x3FB6]  }
0x2e: {  	s3 =	simm.s32 @!p0 $0x1082;
	s9 =	sld [smem:$0x3FB7]  }
0x2f: {  	lr =	sadd.s32 s0, s3;
	s0 =	sld [smem:$0x3FAE]  }
0x30: {  	s3 =	sld [smem:$0x3FB1]  }
0x31: {  	[smem:$0x3FBA] =	sst s10  }
0x32: {  	s10 =	sld [smem:$0x3FB8];
	_ =	sdelay $0x3  }
0x33: {  	p0 =	seq.s32 s10, $0x1;
	s10 =	sld [smem:$0x3FBA];
	_ =	sdelay $0x3  }
0x34: {  	[smem:$0x3FBA] =	sst s10  }
0x35: {  	s10 =	sld [smem:$0x3FB9];
	_ =	sdelay $0x3  }
0x36: {  	p1 =	seq.s32 s10, $0x1;
	s10 =	sld [smem:$0x3FBA];
	_ =	sdelay $0x3  }
0x37: {  	[smem:$0x3FBA] =	sst s10  }
0x38: {  	s10 =	sld [smem:$0x3FBB]  }
0x39: {  	_ = 	snop;
	(pc) =	sbr.ind lr, $3  }
0x3a: {  	_ = 	snop  }
0x3b: {  	_ = 	snop  }
0x3c: {  	p2 =	seq.s32 s10, $0x1;
	s10 =	sld [smem:$0x3FBA]  }
0x3d: {  	_ =	shalt  }
0x3e: {  	_ =	shalt  }
0x3f: {  	_ =	shalt  }
0x40: {  	_ =	shalt  }
0x41: {  	_ =	shalt  }
0x42: {  	_ =	shalt  }
0x43: {  	_ =	shalt  }
0x44: {  	_ =	shalt  }
0x45: {  	_ =	shalt  }
0x46: {  	_ =	shalt  }
0x47: {  	_ =	shalt  }
0x48: {  	_ =	shalt  }
0x49: {  	_ =	shalt  }
0x4a: {  	_ =	shalt  }
0x4b: {  	_ =	shalt  }
0x4c: {  	_ =	shalt  }
0x4d: {  	_ =	shalt  }
0x4e: {  	_ =	shalt  }
0x4f: {  	_ =	shalt  }
0x50: {  	_ =	shalt  }
0x51: {  	_ =	shalt  }
0x52: {  	_ =	shalt  }
0x53: {  	_ =	shalt  }
0x54: {  	_ =	shalt  }
0x55: {  	_ =	shalt  }
0x56: {  	_ =	shalt  }
0x57: {  	_ =	shalt  }
0x58: {  	_ =	shalt  }
0x59: {  	_ =	shalt  }
0x5a: {  	_ =	shalt  }
0x5b: {  	_ =	shalt  }
0x5c: {  	_ =	shalt  }
0x5d: {  	_ =	shalt  }
0x5e: {  	_ =	shalt  }
0x5f: {  	_ =	shalt  }
0x60: {  	_ =	shalt  }
0x61: {  	_ =	shalt  }
0x62: {  	_ =	shalt  }
0x63: {  	_ =	shalt  }
0x64: {  	_ =	shalt  }
0x65: {  	_ =	shalt  }
0x66: {  	_ =	shalt  }
0x67: {  	_ =	shalt  }
0x68: {  	_ =	shalt  }
0x69: {  	_ =	shalt  }
0x6a: {  	_ =	shalt  }
0x6b: {  	_ =	shalt  }
0x6c: {  	_ =	shalt  }
0x6d: {  	_ =	shalt  }
0x6e: {  	_ =	shalt  }
0x6f: {  	_ =	shalt  }
0x70: {  	_ =	shalt  }
0x71: {  	_ =	shalt  }
0x72: {  	_ =	shalt  }
0x73: {  	_ =	shalt  }
0x74: {  	_ =	shalt  }
0x75: {  	_ =	shalt  }
0x76: {  	_ =	shalt  }
0x77: {  	_ =	shalt  }
0x78: {  	_ =	shalt  }
0x79: {  	_ =	shalt  }
0x7a: {  	_ =	shalt  }
0x7b: {  	_ =	shalt  }
0x7c: {  	_ =	shalt  }
0x7d: {  	_ =	shalt  }
0x7e: {  	_ =	shalt  }
0x7f: {  	_ =	shalt  }
0x80: {  	_ =	shalt  }
0x81: {  	_ =	shalt  }
0x82: {  	_ =	shalt  }
0x83: {  	_ =	shalt  }
0x84: {  	_ =	shalt  }
0x85: {  	_ =	shalt  }
0x86: {  	_ =	shalt  }
0x87: {  	_ =	shalt  }
.Lfunc_end0:
.L_simem_size_0:
called_computation_lowered:
.L_overlay_start_0:
0x88: {  	s2 =	sld [smem:$0x3FD9]  }
0x89: {  	s3 =	sld [smem:$0x3FFE];
	_ =	sdelay $0x1  }
0x8a: {  	s1 =	srdreg.scid  }
0x8b: {  	s0 =	sand.u32 $0x1, s1  }
0x8c: {  	s17 =	sshll.u32 s0, $0xA;
	s2 =	sadd.s32 s3, s2  }
0x8d: {  	s2 =	sadd.s32 s2, s17  }
0x8e: {  	[smem:$0x3FC6] =	sst s2  }
0x8f: {  	_ = 	snop  }
0x90: {  	s2 =	sld [smem:$0x3FD0];
	(tm) =	ssettm $0x1  }
0x91: {  	s18 =	sld [smem:$0x3FFB];
	_ =	sdelay $0x3  }
0x92: {  	_ =	strace s18  }
0x93: {  	s3 =	sld [smem:$0x3FFC];
	_ =	sdelay $0x3  }
0x94: {  	_ =	strace s3  }
0x95: {  	s3 =	sld [smem:$0x3FFD];
	_ =	sdelay $0x3  }
0x96: {  	_ =	strace s3  }
0x97: {  	_ =	strace $0x8FFFFFFF  }
0x98: {  	s19 =	sld [smem:$0x3FDB];
	_ =	sdelay $0x1  }
0x99: {  	s4 =	simm.s32 $_scs_section_size  }
0x9a: {  	s5 =	simm.s32 $_size__tile_overlayer_lowered;
	s6 =	simm.s32 $_tile_overlayer_lowered  }
0x9b: {  	s22 =	simm.s32 $0x1BFF;
	s21 =	sshll.u32 s6, $0x1;
	s3 =	sadd.s32 s4, s19  }
0x9c: {  	s7 =	simm.s32 $0x0;
	s20 =	sshll.u32 s5, $0x1;
	s5 =	sadd.s32 s21, s3  }
0x9d: {  	[timem:s7], [sflag:s22] =	dma.local [hbm:s5], s20  }
0x9e: {  	_ =	swait.ge [sflag:s22], s20  }
0x9f: {  	s4 =	ssub.s32 $0x0, s20;
	[sflag:s22] =	ssyncset.done $0x0  }
0xa0: {  	[sflag:s22] =	ssyncadd.s32 s4;
	_ =	sdelay $0x1  }
0xa1: {  	s23 =	simm.s32 $0x1B8B  }
0xa2: {  	_ =	swait.ge [sflag:s23], $0x1  }
0xa3: {  	[sflag:s23] =	ssyncset.done $0x0  }
0xa4: {  	s25 =	simm.s32 $0x1B8E;
	s24 =	sld [smem:$0x3FFE];
	[sflag:s23] =	ssyncadd.s32 $0xFFFFFFFF  }
0xa5: {  	s26 =	simm.s32 $execute0_lowered;
	[smem:$0x3FD2] =	sst s25  }
0xa6: {  	s5 =	sshll.u32 s26, $0x1;
	_ =	strace $0x80000046;
	[dreg:$0x1] =	wrdreg $0xFFFFFFFF  }
0xa7: {  	s28 =	simm.s32 $_size_execute0_lowered;
	s3 =	sadd.s32 s3, s5;
	[dreg:$0x0] =	wrdreg $0x0  }
0xa8: {  	s5 =	sshll.u32 s28, $0x1;
	[dreg:$0x2] =	wrdreg s3  }
0xa9: {  	[dreg:$0x3] =	wrdreg s5  }
0xaa: {  	[dreg:$0x4] =	wrdreg $0xC0  }
0xab: {  	_ =	task [dreg:s7], $0x5FFFF  }
0xac: {  	[dreg:$0x1] =	wrdreg $0xFFFFFFFF  }
0xad: {  	[dreg:$0x0] =	wrdreg $0x60  }
0xae: {  	[dreg:$0x2] =	wrdreg s24  }
0xaf: {  	[dreg:$0x3] =	wrdreg s2  }
0xb0: {  	[dreg:$0x4] =	wrdreg $0x9  }
0xb1: {  	_ =	task.clear_ibuf [dreg:s7], $0x5FFFF;
	_ =	strace $0x90000046  }
0xb2: {  	s29 =	simm.s32 $0x9;
	_ =	strace $0x80000048  }
0xb3: {  	_ =	swait.ge [sflag:s29], $0x1  }
0xb4: {  	[sflag:s29] =	ssyncadd.s32 $0xFFFFFFFF  }
0xb5: {  	_ =	strace $0x90000048  }
0xb6: {  	_ =	sfence  }
0xb7: {  	s30 =	sld [smem:$0x0];
	_ =	sdelay $0x2  }
0xb8: {  	s31 =	sshll.u32 s1, $0xD;
	s1 =	sshrl.u32 s1, $0x2  }
0xb9: {  	s3 =	sand.u32 $0x4000, s31;
	s1 =	sadd.s32 s1, s30  }
0xba: {  	s0 =	sor.u32 s3, s0;
	s1 =	sshll.u32 s1, $0x11  }
0xbb: {  	s0 =	sor.u32 s1, s0  }
0xbc: {  	s0 =	sadd.s32 $0x8F2B, s0  }
0xbd: {  	[sflag:s0] =	ssyncadd.remote.s32 $0x1  }
0xbe: {  	_ =	sfence.sel $0xFFFF  }
0xbf: {  	[dreg:$0x0] =	wrdreg $0xFFFFFFFF;
	(pc) =	sbr.abs _section_cstart, $3  }
0xc0: {  	[dreg:$0x1] =	wrdreg $0xFFFFFFFF  }
0xc1: {  	_ =	task.clear_ibuf [dreg:s7], $0x2FFFF;
	_ =	strace $0x9FFFFFFF  }
0xc2: {  	(tm) =	ssettm $0x7FFFFFFF  }
0xc3: {  	_ =	shalt  }
tec
execute0_lowered:
.L_overlay_start_1:
0x0: {  	(tag) =	ssettag $0x1  }
0x1: {  	s1 =	srdreg.scid  }
0x2: {  	s0 =	stileid.u32;
	s3 =	rddreg [dreg:$0x0]  }
0x3: {  	s5 =	rddreg [dreg:$0x1];
	s2 =	simm.s32 $0x0;
	s10 =	simm.s32 $0x68  }
0x4: {  	s11 =	simm.s32 $0x7480;
	s12 =	simm.s32 $0xD0;
	s13 =	simm.s32 $0x8100  }
0x5: {  	s14 =	simm.s32 $0x138;
	s15 =	simm.s32 $0x8D80;
	s16 =	simm.s32 $0x1A0  }
0x6: {  	s17 =	simm.s32 $0x9A00;
	s18 =	simm.s32 $0x208;
	s19 =	simm.s32 $0xA680  }
0x7: {  	s20 =	simm.s32 $0x270;
	s21 =	simm.s32 $0xB300;
	s22 =	simm.s32 $0x2D8  }
0x8: {  	s23 =	simm.s32 $0xBF80;
	s24 =	simm.s32 $0xCC00;
	s25 =	simm.s32 $0x0  }
0x9: {  	s4 =	sand.u32 $0x1, s1;
	s31 =	sshll.u32 s0, $0x1;
	[smem:$0x7FF] =	sst s2  }
.Ltmp0:
0xa: {  	s6 =	sor.u32 s4, s31;
	s4 =	ssub.s32 $0x2, s4;
	(pc) =	sbr.rel .LBB2_1-.Ltmp0, $4  }
0xb: {  	s7 =	smul.u32 $0xD00, s6;
	s8 =	sshrl.u32 s4, $0x1;
	s6 =	sshll.u32 s6, $0xB  }
0xc: {  	vm0 =	vmmov $0x1;
	vm1 =	vcmask $0x320;
	vm2 =	vcmask $0x720;
	_ =	strace $0x80000047;
	s8 =	ssub.s32 s4, s8;
	s5 =	sadd.s32 s5, s6  }
0xd: {  	vm3 =	vcmask $0xB20;
	vm4 =	vcmask $0xF20;
	vm5 =	vcmask $0x1320;
	s7 =	sadd.s32 s7, s3;
	s3 =	sadd.s32 $0xF42A00, s3;
	s6 =	smax.u32 s8, $0x1  }
0xe: {  	vm6 =	vcmask $0x1720;
	vm7 =	vcmask $0x1B20;
	vm8 =	vcmask $0x308;
	s8 =	simm.s32 $0x64;
	s4 =	sadd.s32 $0x600, s7;
	s7 =	simm.s32 $0x9  }
.LBB2_6:
0xf: {  	s25 =	sadd.s32 $0x1, s25  }
0x10: {  	p0 =	sne.s32 s25, s6  }
.Ltmp1:
0x11: {  	_ = 	snop;
	(pc) =	sbr.rel @!p0 .LBB2_7-.Ltmp1, $4  }
0x12: {  	[hbm4b:s5+s2] =	stream.linear.scatter [tilespmem:s24], [sflag:$0x9], $0x4000, $0x38;
	[tilespmem:$0x10C00] =	vst v63  }
0x13: {  	_ =	swait.ge [sflag:s7], $0x4000  }
0x14: {  	[sflag:s7] =	ssyncset.done $0x0  }
0x15: {  	[sflag:s7] =	ssyncadd.s32 $0xFFFFC000  }
.LBB2_1:
0x16: {  	[tilespmem:s2], [sflag:$0x9] =	stream.linear.gather [hbm4b:s4+s2], $0x6800, $0x38;
	[tilespmem:$0x10C00] =	vst v63  }
0x17: {  	_ =	swait.ge [sflag:s7], $0x6800  }
0x18: {  	[sflag:s7] =	ssyncset.done $0x0  }
0x19: {  	s0 =	simm.s32 $0x6800;
	[sflag:s7] =	ssyncadd.s32 $0xFFFF9800  }
0x1a: {  	[tilespmem:s0], [sflag:$0x1] =	stream.indirect.gather [hbm4b:s3+s8], $0x20, s2, s8, $0xb8;
	[tilespmem:$0x10C00] =	vst v63  }
0x1b: {  	_ = 	snop  }
0x1c: {  	[tilespmem:s11], [sflag:$0x2] =	stream.indirect.gather [hbm4b:s3+s8], $0x20, s10, s8, $0xb8;
	[tilespmem:$0x10C00] =	vst v63  }
0x1d: {  	_ = 	snop  }
0x1e: {  	[tilespmem:s13], [sflag:$0x3] =	stream.indirect.gather [hbm4b:s3+s8], $0x20, s12, s8, $0xb8;
	[tilespmem:$0x10C00] =	vst v63  }
0x1f: {  	_ = 	snop  }
0x20: {  	[tilespmem:s15], [sflag:$0x4] =	stream.indirect.gather [hbm4b:s3+s8], $0x20, s14, s8, $0xb8;
	[tilespmem:$0x10C00] =	vst v63  }
0x21: {  	_ = 	snop  }
0x22: {  	[tilespmem:s17], [sflag:$0x5] =	stream.indirect.gather [hbm4b:s3+s8], $0x20, s16, s8, $0xb8;
	[tilespmem:$0x10C00] =	vst v63  }
0x23: {  	_ = 	snop  }
0x24: {  	[tilespmem:s19], [sflag:$0x6] =	stream.indirect.gather [hbm4b:s3+s8], $0x20, s18, s8, $0xb8;
	[tilespmem:$0x10C00] =	vst v63  }
.Ltmp2:
0x25: {  	_ = 	snop;
	(pc) =	sbr.rel .LBB2_2-.Ltmp2, $4  }
0x26: {  	_ = 	snop  }
0x27: {  	[tilespmem:s21], [sflag:$0x7] =	stream.indirect.gather [hbm4b:s3+s8], $0x20, s20, s8, $0xb8;
	[tilespmem:$0x10C00] =	vst v63  }
0x28: {  	s26 =	simm.s32 $0x340;
	s28 =	simm.s32 $0xCC20;
	s29 =	simm.s32 $0x0  }
0x29: {  	[tilespmem:s23], [sflag:$0x8] =	stream.indirect.gather [hbm4b:s3+s8], $0x20, s22, s8, $0xb8;
	[tilespmem:$0x10C00] =	vst v63  }
.LBB2_4:
0x2a: {  	p6 =	sgt.s32 s30, $0x5  }
0x2b: {  	p0 =	seq.s32 @p6 s30, $0x6  }
0x2c: {  	p2 =	por p0, !p6;
	p4 =	por !p0, !p6  }
0x2d: {  	p1 =	por @!p2 $0x0, $0x0;
	p0 =	por @!p4 $0x0, $0x0;
	p5 =	por @!p2 $0x1, $0x1  }
0x2e: {  	p2 =	seq.s32 @!p6 s30, $0x4;
	s1 =	simm.s32 @!p4 $0x7;
	p5 =	por @!p4 p0, p0  }
0x2f: {  	p3 =	por p1, p1;
	s1 =	simm.s32 @p4 $0x8;
	s0 =	simm.s32 @!p5 $0x0  }
0x30: {  	p3 =	por @!p4 p0, p0;
	p0 =	por @!p4 $0x1, $0x1;
	s0 =	simm.s32 @p5 $0x1  }
0x31: {  	p5 =	por p2, p6;
	[smem:$0x7FB] =	sst s0;
	s0 =	simm.s32 @!p3 $0x0  }
0x32: {  	p1 =	por @!p4 p0, p0;
	s0 =	simm.s32 @p3 $0x1;
	s9 =	sld [smem:$0x7FB]  }
0x33: {  	p3 =	por !p2, p6;
	p2 =	por p5, p5;
	p5 =	por @!p5 $0x0, $0x0  }
0x34: {  	[smem:$0x7F7] =	sst s0;
	s0 =	simm.s32 @!p1 $0x0;
	p0 =	por p5, p5  }
0x35: {  	p4 =	por @!p2 $0x1, $0x1;
	p2 =	seq.s32 s9, $0x1;
	s9 =	sld [smem:$0x7F7]  }
0x36: {  	s31 =	simm.s32 @!p3 $0x5;
	s0 =	simm.s32 @p1 $0x1;
	p1 =	por @!p3 $0x0, $0x0  }
0x37: {  	p0 =	por @!p3 p1, p1;
	p4 =	por @!p3 p1, p1;
	p1 =	por @!p3 $0x1, $0x1  }
0x38: {  	s31 =	simm.s32 @p3 $0x6;
	p5 =	por @!p3 p1, p1;
	p3 =	seq.s32 s9, $0x1  }
0x39: {  	[smem:$0x7FA] =	sst s0;
	s0 =	simm.s32 @!p3 $0x0  }
0x3a: {  	s0 =	simm.s32 @p3 $0x1  }
0x3b: {  	[smem:$0x7FD] =	sst s0;
	s0 =	simm.s32 @!p3 $0x0  }
0x3c: {  	s0 =	simm.s32 @p3 $0x1;
	s9 =	sld [smem:$0x7FD]  }
0x3d: {  	[smem:$0x7F9] =	sst s0;
	s0 =	simm.s32 @!p3 $0x0  }
0x3e: {  	s0 =	simm.s32 @p3 $0x1  }
0x3f: {  	p1 =	por p3, p3;
	[smem:$0x7F8] =	sst s0  }
0x40: {  	p1 =	por @!p6 p4, p4;
	p4 =	seq.s32 s9, $0x1;
	s9 =	sld [smem:$0x7F8]  }
0x41: {  	_ = 	snop  }
0x42: {  	p3 =	por @!p6 p5, p5  }
0x43: {  	s0 =	simm.s32 @!p1 $0x0;
	p5 =	seq.s32 s9, $0x1;
	s9 =	sld [smem:$0x7F9]  }
0x44: {  	s0 =	simm.s32 @p1 $0x1  }
0x45: {  	p2 =	por @!p6 p0, p0;
	[smem:$0x7FC] =	sst s0  }
0x46: {  	s0 =	simm.s32 @!p2 $0x0;
	p1 =	seq.s32 s9, $0x1;
	s9 =	sld [smem:$0x7FA]  }
0x47: {  	s31 =	smov.u32 @p6 s1;
	p4 =	por @!p6 p0, p0;
	s0 =	simm.s32 @p2 $0x1  }
0x48: {  	[smem:$0x7FB] =	sst s0;
	s0 =	simm.s32 @!p4 $0x0;
	p5 =	por @!p6 p0, p0  }
0x49: {  	s0 =	simm.s32 @p4 $0x1;
	p4 =	por p5, p5;
	p5 =	seq.s32 s9, $0x1  }
0x4a: {  	[smem:$0x7FD] =	sst s0;
	p1 =	por @!p6 p0, p0;
	p5 =	por @!p6 p0, p0  }
.LBB2_5:
0x4b: {  	_ =	swait.ge [sflag:s31], $0xC80;
	s1 =	smul.u32 $0x3200, s30  }
0x4c: {  	[sflag:s31] =	ssyncset.done $0x0  }
0x4d: {  	[sflag:s31] =	ssyncadd.s32 $0xFFFFF380;
	s31 =	sshrl.u32 s1, $0x2  }
0x4e: {  	v12 =	vld [tilespmem:s31+$0x6800]  }
0x4f: {  	v3 =	vld [tilespmem:s31+$0x6810]  }
0x50: {  	v8 =	vld [tilespmem:s31+$0x6820]  }
0x51: {  	v2 =	vld [tilespmem:s31+$0x6830]  }
0x52: {  	v1 =	vld [tilespmem:s31+$0x6840]  }
0x53: {  	v41 =	vld [tilespmem:s31+$0x6850]  }
0x54: {  	v40 =	vld [tilespmem:s31+$0x6860]  }
0x55: {  	v21 =	vld [tilespmem:s31+$0x6870]  }
0x56: {  	v22 =	vld [tilespmem:s31+$0x6880]  }
0x57: {  	v18 =	vld [tilespmem:s31+$0x6890]  }
0x58: {  	v17 =	vld [tilespmem:s31+$0x68A0]  }
0x59: {  	v7 =	vld [tilespmem:s31+$0x68B0]  }
0x5a: {  	v6 =	vld [tilespmem:s31+$0x68C0]  }
0x5b: {  	v5 =	vld [tilespmem:s31+$0x68D0];
	v0 =	vmul.f32 v12, v12;
	v9 =	vmul.f32 v3, v3  }
0x5c: {  	v4 =	vld [tilespmem:s31+$0x68E0];
	v10 =	vmul.f32 v8, v8;
	v11 =	vmul.f32 v2, v2  }
0x5d: {  	v13 =	vmul.f32 v1, v1;
	v14 =	vmul.f32 v41, v41;
	v9 =	vadd.f32 v9, v0;
	v0 =	vld [tilespmem:s31+$0x68F0]  }
0x5e: {  	v61 =	vmul.f32 v40, v40;
	v15 =	vmul.f32 v21, v21;
	v10 =	vadd.f32 v11, v10  }
0x5f: {  	v63 =	vmul.f32 v22, v22;
	v19 =	vmul.f32 v18, v18;
	v62 =	vadd.f32 v14, v13;
	(xrf2) =	vadd.scan.msk.f32 $0xffff, v9  }
0x60: {  	v23 =	vmul.f32 v17, v17;
	v24 =	vmul.f32 v7, v7;
	v20 =	vadd.f32 v15, v61;
	(xrf2) =	vadd.scan.msk.f32 $0xffff, v10  }
0x61: {  	v26 =	vmul.f32 v6, v6;
	v27 =	vmul.f32 v5, v5;
	v25 =	vadd.f32 v19, v63;
	(xrf2) =	vadd.scan.msk.f32 $0xffff, v62  }
0x62: {  	v29 =	vmul.f32 v4, v4;
	v28 =	vadd.f32 v24, v23;
	(xrf2) =	vadd.scan.msk.f32 $0xffff, v20;
	v30 =	vmul.f32 v0, v0  }
0x63: {  	v31 =	vadd.f32 v27, v26;
	(xrf2) =	vadd.scan.msk.f32 $0xffff, v25  }
0x64: {  	(xrf2) =	vadd.scan.msk.f32 $0xffff, v28;
	v32 =	vadd.f32 v30, v29  }
0x65: {  	(xrf2) =	vadd.scan.msk.f32 $0xffff, v31  }
0x66: {  	(xrf2) =	vadd.scan.msk.f32 $0xffff, v32;
	_ =	sdelay $0x2  }
0x67: {  	v33, _, _ =	vpop (xrf2)  }
0x68: {  	v9 =	vbroadcast v33, $0xF;
	v34, _, _ =	vpop (xrf2)  }
0x69: {  	v19 =	vld [tilespmem:s31+$0x6910];
	v10 =	vbroadcast v34, $0xF;
	v35, _, _ =	vpop (xrf2)  }
0x6a: {  	v23 =	vld [tilespmem:s31+$0x6920];
	v9 =	vnsel vm0, $0x3F800000, v9;
	v11 =	vbroadcast v35, $0xF;
	v36, _, _ =	vpop (xrf2)  }
0x6b: {  	v24 =	vld [tilespmem:s31+$0x6930];
	v9 =	vsel vm1, v9, v10;
	v37 =	vbroadcast v36, $0xF;
	v38, _, _ =	vpop (xrf2)  }
0x6c: {  	v26 =	vld [tilespmem:s31+$0x69C0];
	v9 =	vsel vm2, v9, v11;
	v39 =	vbroadcast v38, $0xF;
	v42, _, _ =	vpop (xrf2)  }
0x6d: {  	v29 =	vld [tilespmem:s31+$0x69A0];
	v9 =	vsel vm3, v9, v37;
	v43 =	vbroadcast v42, $0xF;
	v44, _, _ =	vpop (xrf2)  }
0x6e: {  	v35 =	vld [tilespmem:s31+$0x6990];
	v9 =	vsel vm4, v9, v39;
	v45 =	vbroadcast v44, $0xF;
	v46, _, _ =	vpop (xrf2)  }
0x6f: {  	v36 =	vld [tilespmem:s31+$0x6970];
	v9 =	vsel vm5, v9, v43;
	v47 =	vbroadcast v46, $0xF  }
0x70: {  	v43 =	vld [tilespmem:s31+$0x6900];
	v9 =	vsel vm6, v9, v45  }
0x71: {  	v38 =	vld [tilespmem:s31+$0x6950];
	v9 =	vsel vm7, v9, v47  }
0x72: {  	v10 =	vshra.s32 v9, $0x1;
	v48 =	vmul.f32 $5.000000000e-01, v9;
	v9 =	vld [tilespmem:s31+$0x6940]  }
0x73: {  	v16 =	vmul.f32 v23, v23;
	v39 =	vld [tilespmem:s31+$0x6960];
	v10 =	vsub.s32 $0x5F3759DF, v10  }
0x74: {  	v30 =	vmul.f32 v24, v24;
	v37 =	vld [tilespmem:s31+$0x6980];
	v49 =	vmul.f32 v10, v48  }
0x75: {  	v51 =	vmul.f32 v19, v19;
	v28 =	vld [tilespmem:s31+$0x69B0];
	v50 =	vmul.f32 v43, v43  }
0x76: {  	v27 =	vld [tilespmem:s31+$0x69D0];
	v16 =	vadd.f32 v30, v16;
	v58 =	vmul.f32 v29, v29;
	v13 =	vmul.f32 v10, v49  }
0x77: {  	v20 =	vld [tilespmem:s31+$0x69F0];
	v31 =	vmul.f32 v38, v38;
	v14 =	vadd.f32 v51, v50;
	v52 =	vmul.f32 v9, v9  }
0x78: {  	v25 =	vld [tilespmem:s31+$0x69E0];
	v32 =	vmul.f32 v36, v36;
	v53 =	vmul.f32 v39, v39;
	v13 =	vsub.f32 $1.500000000e+00, v13  }
0x79: {  	v56 =	vmul.f32 v35, v35;
	v55 =	vmul.f32 v37, v37;
	(xrf2) =	vadd.scan.msk.f32 $0xffff, v14;
	v54 =	vadd.f32 v31, v52  }
0x7a: {  	v59 =	vmul.f32 v28, v28;
	v57 =	vadd.f32 v32, v53;
	(xrf2) =	vadd.scan.msk.f32 $0xffff, v16;
	v10 =	vmul.f32 v10, v13  }
0x7b: {  	v61 =	vmul.f32 v26, v26;
	v60 =	vadd.f32 v56, v55;
	(xrf2) =	vadd.scan.msk.f32 $0xffff, v54  }
0x7c: {  	v62 =	vmul.f32 v27, v27;
	v63 =	vadd.f32 v59, v58;
	v13 =	vmul.f32 v10, v48;
	(xrf2) =	vadd.scan.msk.f32 $0xffff, v57  }
0x7d: {  	v42 =	vmul.f32 v25, v25;
	v44 =	vmul.f32 v20, v20;
	(xrf2) =	vadd.scan.msk.f32 $0xffff, v60  }
0x7e: {  	v45 =	vadd.f32 v62, v61;
	v13 =	vmul.f32 v13, v10;
	(xrf2) =	vadd.scan.msk.f32 $0xffff, v63  }
0x7f: {  	v46 =	vadd.f32 v44, v42  }
0x80: {  	(xrf2) =	vadd.scan.msk.f32 $0xffff, v45;
	v13 =	vsub.f32 $1.500000000e+00, v13  }
0x81: {  	(xrf2) =	vadd.scan.msk.f32 $0xffff, v46  }
0x82: {  	v30 =	vld [tilespmem:s31+$0x6A00];
	v10 =	vmul.f32 v13, v10  }
0x83: {  	v47, _, _ =	vpop (xrf2)  }
0x84: {  	v34 =	vld [tilespmem:s31+$0x6A20];
	v13 =	vbroadcast v47, $0xF;
	v11 =	vmul.f32 v10, v48;
	v48, _, _ =	vpop (xrf2)  }
0x85: {  	v31 =	vld [tilespmem:s31+$0x6A10];
	v14 =	vbroadcast v48, $0xF;
	v49, _, _ =	vpop (xrf2)  }
0x86: {  	v33 =	vld [tilespmem:s31+$0x6A40];
	v13 =	vnsel vm0, $0x3F800000, v13;
	v11 =	vmul.f32 v11, v10;
	v50, _, _ =	vpop (xrf2)  }
0x87: {  	v62 =	vmul.f32 v30, v30;
	v15 =	vbroadcast v49, $0xF;
	v13 =	vsel vm1, v13, v14;
	v52, _, _ =	vpop (xrf2)  }
0x88: {  	v32 =	vld [tilespmem:s31+$0x6A30];
	v51 =	vbroadcast v50, $0xF;
	v11 =	vsub.f32 $1.500000000e+00, v11;
	v53 =	vbroadcast v52, $0xF;
	v54, _, _ =	vpop (xrf2)  }
0x89: {  	v13 =	vsel vm2, v13, v15;
	v52 =	vmul.f32 v34, v34;
	v55 =	vbroadcast v54, $0xF  }
0x8a: {  	v16 =	vld [tilespmem:s31+$0x6AA0];
	v13 =	vsel vm3, v13, v51;
	v56, _, _ =	vpop (xrf2);
	v51 =	vmul.f32 v31, v31;
	v42 =	vmul.f32 v11, v10  }
0x8b: {  	v54 =	vmul.f32 v33, v33;
	v57 =	vsel vm4, v13, v53;
	v58 =	vbroadcast v56, $0xF;
	v59, _, _ =	vpop (xrf2)  }
0x8c: {  	v14 =	vld [tilespmem:s31+$0x6A50];
	v10 =	vsel vm5, v57, v55;
	v13 =	vbroadcast v59, $0xF;
	v60 =	vbroadcast v42, $0x0  }
0x8d: {  	v15 =	vld [tilespmem:s31+$0x6A80];
	v53 =	vmul.f32 v32, v32;
	v51 =	vadd.f32 v51, v62;
	v10 =	vsel vm6, v10, v58  }
0x8e: {  	v11 =	vld [tilespmem:s31+$0x6A60];
	v44 =	vbroadcast v42, $0x1;
	v13 =	vsel vm7, v10, v13;
	v45 =	vmul.f32 v60, v12  }
0x8f: {  	v62 =	vmul.f32 v16, v16;
	v10 =	vld [tilespmem:s31+$0x6A70];
	v61 =	vshra.s32 v13, $0x1;
	v46 =	vmul.f32 $5.000000000e-01, v13  }
0x90: {  	v3 =	vmul.f32 v60, v3;
	v8 =	vmul.f32 v44, v8;
	v12 =	vld [tilespmem:s31+$0x6A90];
	v45 =	vadd.f32 $0.0e+00, v45  }
0x91: {  	v48 =	vbroadcast v42, $0x2;
	v2 =	vmul.f32 v44, v2;
	v13 =	vld [tilespmem:s31+$0x6AB0];
	v47 =	vsub.s32 $0x5F3759DF, v61  }
0x92: {  	v49 =	vmul.f32 v47, v46;
	v3 =	vadd.f32 $0.0e+00, v3;
	v44 =	vadd.f32 v45, v8;
	v8 =	vld [tilespmem:s31+$0x6AC0]  }
0x93: {  	v55 =	vmul.f32 v14, v14;
	v52 =	vadd.f32 v53, v52;
	v45 =	vmul.f32 v48, v1;
	v1 =	vld [tilespmem:s31+$0x6AD0]  }
0x94: {  	v57 =	vbroadcast v42, $0x3;
	v49 =	vmul.f32 v47, v49;
	v50 =	vadd.f32 v3, v2;
	v2 =	vld [tilespmem:s31+$0x6AE0]  }
0x95: {  	(xrf2) =	vadd.scan.msk.f32 $0xffff, v51;
	v51 =	vadd.f32 v55, v54;
	v63 =	vmul.f32 v11, v11;
	v3 =	vld [tilespmem:s31+$0x6AF0];
	v56 =	vmul.f32 v10, v10  }
0x96: {  	v54 =	vmul.f32 v15, v15;
	v60 =	vmul.f32 v12, v12;
	v49 =	vsub.f32 $1.500000000e+00, v49  }
0x97: {  	v59 =	vbroadcast v42, $0x4;
	(xrf2) =	vadd.scan.msk.f32 $0xffff, v52;
	v61 =	vadd.f32 v56, v63;
	v63 =	vmul.f32 v13, v13  }
0x98: {  	v41 =	vmul.f32 v48, v41;
	(xrf2) =	vadd.scan.msk.f32 $0xffff, v51;
	v51 =	vadd.f32 v60, v54;
	v47 =	vmul.f32 v47, v49  }
0x99: {  	(xrf2) =	vadd.scan.msk.f32 $0xffff, v61;
	v61 =	vadd.f32 v63, v62;
	v54 =	vmul.f32 v8, v8;
	v60 =	vmul.f32 v1, v1  }
0x9a: {  	v62 =	vmul.f32 v2, v2;
	v63 =	vmul.f32 v3, v3;
	(xrf2) =	vadd.scan.msk.f32 $0xffff, v51  }
0x9b: {  	v40 =	vmul.f32 v57, v40;
	(xrf2) =	vadd.scan.msk.f32 $0xffff, v61;
	v61 =	vmul.f32 v47, v46;
	v58 =	vadd.f32 v60, v54  }
0x9c: {  	v21 =	vmul.f32 v57, v21;
	v44 =	vadd.f32 v44, v45;
	v60 =	vadd.f32 v63, v62  }
0x9d: {  	v22 =	vmul.f32 v59, v22;
	v41 =	vadd.f32 v50, v41;
	v45 =	vmul.f32 v61, v47;
	(xrf2) =	vadd.scan.msk.f32 $0xffff, v58  }
0x9e: {  	v57 =	vbroadcast v42, $0x6;
	v40 =	vadd.f32 v44, v40;
	v62 =	vbroadcast v42, $0x5;
	(xrf2) =	vadd.scan.msk.f32 $0xffff, v60  }
0x9f: {  	v18 =	vmul.f32 v59, v18;
	v21 =	vadd.f32 v41, v21;
	v63 =	vsub.f32 $1.500000000e+00, v45  }
0xa0: {  	v6 =	vmul.f32 v57, v6;
	v22 =	vadd.f32 v40, v22;
	v17 =	vmul.f32 v62, v17  }
0xa1: {  	v18 =	vadd.f32 v21, v18;
	v7 =	vmul.f32 v62, v7;
	v45, _, _ =	vpop (xrf2);
	v50 =	vmul.f32 v63, v47  }
0xa2: {  	v5 =	vmul.f32 v57, v5;
	v17 =	vadd.f32 v22, v17;
	v48 =	vbroadcast v45, $0xF;
	v49, _, _ =	vpop (xrf2)  }
0xa3: {  	v7 =	vadd.f32 v18, v7;
	v51 =	vbroadcast v49, $0xF;
	v52, _, _ =	vpop (xrf2);
	v54 =	vmul.f32 v50, v46  }
0xa4: {  	v6 =	vadd.f32 v17, v6;
	v21 =	vnsel vm0, $0x3F800000, v48;
	v41 =	vbroadcast v52, $0xF;
	v53, _, _ =	vpop (xrf2)  }
0xa5: {  	v40 =	vld [tilespmem:s31+$0x6B00];
	v21 =	vsel vm1, v21, v51;
	v55 =	vbroadcast v53, $0xF;
	v56, _, _ =	vpop (xrf2);
	v45 =	vmul.f32 v54, v50  }
0xa6: {  	v49 =	vbroadcast v42, $0x7;
	v21 =	vsel vm2, v21, v41;
	v58 =	vbroadcast v56, $0xF;
	v59, _, _ =	vpop (xrf2)  }
0xa7: {  	v21 =	vsel vm3, v21, v55;
	v60 =	vbroadcast v59, $0xF;
	v45 =	vsub.f32 $1.500000000e+00, v45;
	v61, _, _ =	vpop (xrf2)  }
0xa8: {  	v4 =	vmul.f32 v49, v4;
	v21 =	vsel vm4, v21, v58;
	v62 =	vbroadcast v61, $0xF;
	v63, _, _ =	vpop (xrf2)  }
0xa9: {  	v21 =	vsel vm5, v21, v60;
	v45 =	vmul.f32 v45, v50;
	v44 =	vbroadcast v63, $0xF  }
0xaa: {  	v0 =	vmul.f32 v49, v0;
	v63 =	vmul.f32 v40, v40;
	v48 =	vsel vm6, v21, v62  }
0xab: {  	v18 =	vld [tilespmem:s31+$0x6B50];
	v51 =	vbroadcast v45, $0x0;
	v55 =	vbroadcast v45, $0x1;
	v17 =	vsel vm7, v48, v44  }
0xac: {  	v22 =	vld [tilespmem:s31+$0x6B60];
	v5 =	vadd.f32 v7, v5;
	v58 =	vbroadcast v45, $0x2;
	v44 =	vmul.f32 $5.000000000e-01, v17  }
0xad: {  	v41 =	vld [tilespmem:s31+$0x6B10];
	v4 =	vadd.f32 v6, v4;
	v54 =	vmul.f32 v51, v43;
	v56 =	vmul.f32 v51, v19  }
0xae: {  	v21 =	vld [tilespmem:s31+$0x6B30];
	v50 =	vshra.s32 v17, $0x1;
	v57 =	vmul.f32 v55, v23;
	v59 =	vmul.f32 v55, v24  }
0xaf: {  	v42 =	vld [tilespmem:s31+$0x6B20];
	v43 =	vbroadcast v45, $0x3;
	v60 =	vmul.f32 v58, v9;
	v52 =	vsub.s32 $0x5F3759DF, v50  }
0xb0: {  	v0 =	vadd.f32 v5, v0;
	v17 =	vld [tilespmem:s31+$0x6B40];
	v61 =	vmul.f32 v58, v38;
	v53 =	vmul.f32 v52, v44  }
0xb1: {  	v5 =	vld [tilespmem:s31+$0x6BE0];
	v4 =	vadd.f32 v54, v4;
	v62 =	vmul.f32 v43, v39;
	v39 =	vbroadcast v45, $0x4  }
0xb2: {  	v19 =	vld [tilespmem:s31+$0x6B70];
	v0 =	vadd.f32 v56, v0;
	v56 =	vmul.f32 v41, v41;
	v36 =	vmul.f32 v43, v36  }
0xb3: {  	v23 =	vld [tilespmem:s31+$0x6B80];
	v58 =	vmul.f32 v21, v21;
	v7 =	vmul.f32 v52, v53  }
0xb4: {  	v24 =	vld [tilespmem:s31+$0x6B90];
	v4 =	vadd.f32 v4, v57;
	v0 =	vadd.f32 v0, v59;
	v57 =	vmul.f32 v42, v42  }
0xb5: {  	v9 =	vld [tilespmem:s31+$0x6BA0];
	v49 =	vadd.f32 v56, v63;
	v59 =	vmul.f32 v17, v17;
	v7 =	vsub.f32 $1.500000000e+00, v7  }
0xb6: {  	v6 =	vadd.f32 v4, v60;
	v4 =	vld [tilespmem:s31+$0x6BC0];
	v48 =	vadd.f32 v0, v61;
	v60 =	vmul.f32 v18, v18  }
0xb7: {  	v51 =	vadd.f32 v58, v57;
	v61 =	vmul.f32 v22, v22;
	v47 =	vmul.f32 v52, v7;
	v7 =	vld [tilespmem:s31+$0x6BB0]  }
0xb8: {  	v0 =	vld [tilespmem:s31+$0x6BD0];
	v57 =	vmul.f32 v23, v23;
	v38 =	vadd.f32 v6, v62;
	v62 =	vmul.f32 v19, v19  }
0xb9: {  	(xrf2) =	vadd.scan.msk.f32 $0xffff, v49;
	v58 =	vmul.f32 v24, v24;
	v6 =	vld [tilespmem:s31+$0x6BF0];
	v63 =	vadd.f32 v60, v59;
	v46 =	vmul.f32 v47, v44  }
0xba: {  	v37 =	vmul.f32 v39, v37;
	v35 =	vmul.f32 v39, v35;
	(xrf2) =	vadd.scan.msk.f32 $0xffff, v51;
	v59 =	vadd.f32 v62, v61  }
0xbb: {  	v60 =	vmul.f32 v9, v9;
	(xrf2) =	vadd.scan.msk.f32 $0xffff, v63;
	v62 =	vadd.f32 v58, v57;
	v46 =	vmul.f32 v46, v47  }
0xbc: {  	v36 =	vadd.f32 v48, v36;
	v63 =	vmul.f32 v4, v4;
	(xrf2) =	vadd.scan.msk.f32 $0xffff, v59;
	v61 =	vmul.f32 v7, v7  }
0xbd: {  	v57 =	vmul.f32 v0, v0;
	v59 =	vmul.f32 v5, v5;
	(xrf2) =	vadd.scan.msk.f32 $0xffff, v62;
	v52 =	vsub.f32 $1.500000000e+00, v46  }
0xbe: {  	v62 =	vbroadcast v45, $0x5;
	v58 =	vadd.f32 v61, v60;
	v60 =	vmul.f32 v6, v6  }
0xbf: {  	v37 =	vadd.f32 v38, v37;
	v61 =	vadd.f32 v57, v63;
	v38 =	vmul.f32 v52, v47  }
0xc0: {  	v53 =	vbroadcast v45, $0x6;
	v29 =	vmul.f32 v62, v29;
	(xrf2) =	vadd.scan.msk.f32 $0xffff, v58;
	v63 =	vadd.f32 v60, v59  }
0xc1: {  	v35 =	vadd.f32 v36, v35;
	v28 =	vmul.f32 v62, v28;
	(xrf2) =	vadd.scan.msk.f32 $0xffff, v61;
	v55 =	vmul.f32 v38, v44  }
0xc2: {  	v26 =	vmul.f32 v53, v26;
	v29 =	vadd.f32 v37, v29;
	(xrf2) =	vadd.scan.msk.f32 $0xffff, v63  }
0xc3: {  	v27 =	vmul.f32 v53, v27;
	v54, _, _ =	vpop (xrf2);
	v28 =	vadd.f32 v35, v28;
	v36 =	vmul.f32 v55, v38  }
0xc4: {  	v35 =	vbroadcast v54, $0xF;
	v56, _, _ =	vpop (xrf2);
	v61 =	vbroadcast v45, $0x7;
	v29 =	vadd.f32 v29, v26;
	v26 =	vld [tilespmem:s31+$0x6C00]  }
0xc5: {  	v27 =	vadd.f32 v28, v27;
	v57 =	vbroadcast v56, $0xF;
	v58, _, _ =	vpop (xrf2);
	v63 =	vsub.f32 $1.500000000e+00, v36  }
0xc6: {  	v35 =	vnsel vm0, $0x3F800000, v35;
	v25 =	vmul.f32 v61, v25;
	v20 =	vmul.f32 v61, v20;
	v60, _, _ =	vpop (xrf2)  }
0xc7: {  	v59 =	vbroadcast v58, $0xF;
	v35 =	vsel vm1, v35, v57;
	v62, _, _ =	vpop (xrf2);
	v43 =	vmul.f32 v63, v38  }
0xc8: {  	v37 =	vld [tilespmem:s31+$0x6C30];
	v25 =	vadd.f32 v29, v25;
	v39 =	vbroadcast v60, $0xF;
	v48 =	vbroadcast v62, $0xF  }
0xc9: {  	v28 =	vld [tilespmem:s31+$0x6C10];
	v27 =	vadd.f32 v27, v20;
	v63 =	vmul.f32 v26, v26;
	v55 =	vbroadcast v43, $0x0  }
0xca: {  	v36 =	vld [tilespmem:s31+$0x6C20];
	v35 =	vsel vm2, v35, v59;
	v57 =	vbroadcast v43, $0x1;
	v47 =	vbroadcast v43, $0x2;
	v49, _, _ =	vpop (xrf2)  }
0xcb: {  	v29 =	vld [tilespmem:s31+$0x6C70];
	v35 =	vsel vm3, v35, v39;
	v50 =	vbroadcast v49, $0xF;
	v51, _, _ =	vpop (xrf2);
	v59 =	vmul.f32 v55, v30  }
0xcc: {  	v20 =	vld [tilespmem:s31+$0x6C90];
	v35 =	vsel vm4, v35, v48;
	v31 =	vmul.f32 v55, v31;
	v52 =	vbroadcast v51, $0xF;
	v53, _, _ =	vpop (xrf2)  }
0xcd: {  	v38 =	vld [tilespmem:s31+$0x6C40];
	v34 =	vmul.f32 v57, v34;
	v35 =	vsel vm5, v35, v50;
	v54 =	vbroadcast v53, $0xF  }
0xce: {  	v39 =	vld [tilespmem:s31+$0x6C50];
	v32 =	vmul.f32 v57, v32;
	v45 =	vmul.f32 v47, v33;
	v56 =	vsel vm6, v35, v52  }
0xcf: {  	v30 =	vld [tilespmem:s31+$0x6C80];
	v57 =	vmul.f32 v28, v28;
	v14 =	vmul.f32 v47, v14;
	v58 =	vsel vm7, v56, v54  }
0xd0: {  	v33 =	vld [tilespmem:s31+$0x6CC0];
	v44 =	vadd.f32 v59, v25;
	v60 =	vshra.s32 v58, $0x1;
	v48 =	vmul.f32 $5.000000000e-01, v58  }
0xd1: {  	v27 =	vadd.f32 v31, v27;
	v59 =	vmul.f32 v37, v37;
	v35 =	vld [tilespmem:s31+$0x6C60];
	v46 =	vsub.s32 $0x5F3759DF, v60  }
0xd2: {  	v25 =	vld [tilespmem:s31+$0x6CA0];
	v50 =	vadd.f32 v57, v63;
	v63 =	vmul.f32 v29, v29;
	v61 =	vmul.f32 v46, v48  }
0xd3: {  	v31 =	vld [tilespmem:s31+$0x6CB0];
	v57 =	vbroadcast v43, $0x3;
	v58 =	vmul.f32 v36, v36  }
0xd4: {  	v44 =	vadd.f32 v44, v34;
	v49 =	vadd.f32 v27, v32;
	v27 =	vld [tilespmem:s31+$0x6CD0];
	v62 =	vmul.f32 v46, v61  }
0xd5: {  	v32 =	vld [tilespmem:s31+$0x6CE0];
	v60 =	vmul.f32 v38, v38;
	v53 =	vadd.f32 v59, v58;
	v61 =	vmul.f32 v39, v39  }
0xd6: {  	v34 =	vld [tilespmem:s31+$0x6CF0];
	(xrf2) =	vadd.scan.msk.f32 $0xffff, v50;
	v11 =	vmul.f32 v57, v11;
	v52 =	vsub.f32 $1.500000000e+00, v62;
	v62 =	vmul.f32 v35, v35  }
0xd7: {  	(xrf2) =	vadd.scan.msk.f32 $0xffff, v53;
	v50 =	vadd.f32 v61, v60;
	v60 =	vmul.f32 v30, v30;
	v61 =	vmul.f32 v20, v20  }
0xd8: {  	v10 =	vmul.f32 v57, v10;
	v53 =	vadd.f32 v63, v62;
	v62 =	vmul.f32 v25, v25  }
0xd9: {  	v63 =	vmul.f32 v31, v31;
	(xrf2) =	vadd.scan.msk.f32 $0xffff, v50;
	v50 =	vadd.f32 v61, v60;
	v60 =	vmul.f32 v33, v33  }
0xda: {  	v44 =	vadd.f32 v44, v45;
	v61 =	vmul.f32 v27, v27;
	v46 =	vmul.f32 v46, v52  }
0xdb: {  	(xrf2) =	vadd.scan.msk.f32 $0xffff, v53;
	v53 =	vadd.f32 v63, v62;
	v62 =	vmul.f32 v32, v32;
	v63 =	vmul.f32 v34, v34  }
0xdc: {  	v14 =	vadd.f32 v49, v14;
	v60 =	vadd.f32 v61, v60;
	v61 =	vbroadcast v43, $0x4;
	(xrf2) =	vadd.scan.msk.f32 $0xffff, v50  }
0xdd: {  	v50 =	vbroadcast v43, $0x5;
	(xrf2) =	vadd.scan.msk.f32 $0xffff, v53;
	v62 =	vadd.f32 v63, v62;
	v63 =	vmul.f32 v46, v48  }
0xde: {  	v11 =	vadd.f32 v44, v11;
	v15 =	vmul.f32 v61, v15;
	v12 =	vmul.f32 v61, v12;
	(xrf2) =	vadd.scan.msk.f32 $0xffff, v60  }
0xdf: {  	v10 =	vadd.f32 v14, v10;
	v51 =	vmul.f32 v50, v16;
	(xrf2) =	vadd.scan.msk.f32 $0xffff, v62;
	v45 =	vmul.f32 v63, v46  }
0xe0: {  	v54 =	vmul.f32 v50, v13;
	v11 =	vadd.f32 v11, v15;
	v53, _, _ =	vpop (xrf2);
	v63 =	vbroadcast v43, $0x6  }
0xe1: {  	v43 =	vbroadcast v43, $0x7;
	v55 =	vbroadcast v53, $0xF;
	v56, _, _ =	vpop (xrf2);
	v52 =	vsub.f32 $1.500000000e+00, v45  }
0xe2: {  	v10 =	vadd.f32 v10, v12;
	v57 =	vbroadcast v56, $0xF;
	v56 =	vmul.f32 v63, v8  }
0xe3: {  	v44 =	vadd.f32 v11, v51;
	v47 =	vmul.f32 v63, v1;
	v45 =	vmul.f32 v52, v46  }
0xe4: {  	v63 =	vmul.f32 v43, v2;
	v43 =	vmul.f32 v43, v3;
	v59 =	vnsel vm0, $0x3F800000, v55;
	v58, _, _ =	vpop (xrf2)  }
0xe5: {  	v11 =	vld [tilespmem:s31+$0x6D10];
	v46 =	vadd.f32 v10, v54;
	v60 =	vbroadcast v58, $0xF;
	v61, _, _ =	vpop (xrf2);
	v15 =	vmul.f32 v45, v48  }
0xe6: {  	v10 =	vld [tilespmem:s31+$0x6D00];
	v12 =	vsel vm1, v59, v57;
	v44 =	vadd.f32 v44, v56;
	v14 =	vbroadcast v61, $0xF;
	v62, _, _ =	vpop (xrf2)  }
0xe7: {  	v13 =	vsel vm2, v12, v60;
	v12 =	vld [tilespmem:s31+$0x6D20];
	v16 =	vbroadcast v62, $0xF;
	v54, _, _ =	vpop (xrf2);
	v15 =	vmul.f32 v15, v45  }
0xe8: {  	v8 =	vld [tilespmem:s31+$0x6D50];
	v46 =	vadd.f32 v46, v47;
	v14 =	vsel vm3, v13, v14;
	v48 =	vbroadcast v54, $0xF;
	v55, _, _ =	vpop (xrf2)  }
0xe9: {  	v13 =	vld [tilespmem:s31+$0x6D30];
	v57 =	vsel vm4, v14, v16;
	v58 =	vbroadcast v55, $0xF;
	v59, _, _ =	vpop (xrf2);
	v60 =	vsub.f32 $1.500000000e+00, v15  }
0xea: {  	v44 =	vadd.f32 v44, v63;
	v14 =	vld [tilespmem:s31+$0x6D40];
	v61 =	vsel vm5, v57, v48;
	v62 =	vbroadcast v59, $0xF  }
0xeb: {  	v16 =	vsel vm6, v61, v58;
	v45 =	vmul.f32 v60, v45;
	v60 =	vmul.f32 v10, v10  }
0xec: {  	v2 =	vld [tilespmem:s31+$0x6D90];
	v61 =	vmul.f32 v11, v11;
	v16 =	vsel vm7, v16, v62;
	v62 =	vmul.f32 v12, v12  }
0xed: {  	v15 =	vld [tilespmem:s31+$0x6D60];
	v56 =	vshra.s32 v16, $0x1;
	v49 =	vmul.f32 $5.000000000e-01, v16;
	v57 =	vbroadcast v45, $0x0  }
0xee: {  	v1 =	vld [tilespmem:s31+$0x6D70];
	v47 =	vbroadcast v45, $0x1;
	v63 =	vmul.f32 v13, v13;
	v53 =	vadd.f32 v61, v60  }
0xef: {  	v3 =	vld [tilespmem:s31+$0x6DA0];
	v61 =	vmul.f32 v8, v8;
	v51 =	vsub.s32 $0x5F3759DF, v56;
	v60 =	vmul.f32 v14, v14  }
0xf0: {  	v16 =	vld [tilespmem:s31+$0x6D80];
	v58 =	vmul.f32 v51, v49;
	v59 =	vmul.f32 v57, v40  }
0xf1: {  	v43 =	vadd.f32 v46, v43;
	v50 =	vmul.f32 v57, v41;
	v40 =	vld [tilespmem:s31+$0x6DB0];
	v46 =	vmul.f32 v47, v42  }
0xf2: {  	v42 =	vld [tilespmem:s31+$0x6DC0];
	v54 =	vadd.f32 v63, v62;
	v62 =	vmul.f32 v15, v15;
	v63 =	vmul.f32 v2, v2  }
0xf3: {  	v41 =	vld [tilespmem:s31+$0x6DD0];
	v21 =	vmul.f32 v47, v21;
	v57 =	vbroadcast v45, $0x3  }
0xf4: {  	v52 =	vmul.f32 v51, v58;
	v50 =	vadd.f32 v50, v43;
	v43 =	vld [tilespmem:s31+$0x6DE0];
	v58 =	vmul.f32 v1, v1  }
0xf5: {  	(xrf2) =	vadd.scan.msk.f32 $0xffff, v53;
	v53 =	vadd.f32 v61, v60;
	v61 =	vmul.f32 v3, v3;
	v48 =	vadd.f32 v59, v44;
	v44 =	vld [tilespmem:s31+$0x6DF0]  }
0xf6: {  	v59 =	vbroadcast v45, $0x2;
	v56 =	vmul.f32 v16, v16;
	v60 =	vadd.f32 v58, v62  }
0xf7: {  	(xrf2) =	vadd.scan.msk.f32 $0xffff, v54;
	v22 =	vmul.f32 v57, v22;
	v52 =	vsub.f32 $1.500000000e+00, v52;
	v46 =	vadd.f32 v48, v46  }
0xf8: {  	(xrf2) =	vadd.scan.msk.f32 $0xffff, v53;
	v17 =	vmul.f32 v59, v17;
	v62 =	vmul.f32 v40, v40;
	v53 =	vadd.f32 v63, v56  }
0xf9: {  	v21 =	vadd.f32 v50, v21;
	v56 =	vmul.f32 v42, v42;
	v63 =	vmul.f32 v41, v41;
	(xrf2) =	vadd.scan.msk.f32 $0xffff, v60  }
0xfa: {  	v60 =	vadd.f32 v62, v61;
	v61 =	vmul.f32 v43, v43;
	v62 =	vmul.f32 v44, v44;
	(xrf2) =	vadd.scan.msk.f32 $0xffff, v53  }
0xfb: {  	v18 =	vmul.f32 v59, v18;
	v48 =	vmul.f32 v51, v52;
	v63 =	vadd.f32 v63, v56  }
0xfc: {  	v17 =	vadd.f32 v46, v17;
	(xrf2) =	vadd.scan.msk.f32 $0xffff, v60;
	v58 =	vadd.f32 v62, v61;
	v60 =	vbroadcast v45, $0x4  }
0xfd: {  	v19 =	vmul.f32 v57, v19;
	v18 =	vadd.f32 v21, v18;
	v61 =	vmul.f32 v48, v49;
	(xrf2) =	vadd.scan.msk.f32 $0xffff, v63  }
0xfe: {  	v17 =	vadd.f32 v17, v22;
	(xrf2) =	vadd.scan.msk.f32 $0xffff, v58;
	v62 =	vmul.f32 v60, v23  }
0xff: {  	v18 =	vadd.f32 v18, v19;
	v50, _, _ =	vpop (xrf2);
	v63 =	vmul.f32 v61, v48;
	v51 =	vmul.f32 v60, v24  }
0x100: {  	v23 =	vbroadcast v50, $0xF;
	v50 =	vbroadcast v45, $0x5;
	v46 =	vadd.f32 v17, v62;
	v17 =	vld [tilespmem:s31+$0x6E00]  }
0x101: {  	v52, _, _ =	vpop (xrf2);
	v53 =	vsub.f32 $1.500000000e+00, v63;
	v47 =	vadd.f32 v18, v51;
	v18 =	vld [tilespmem:s31+$0x6E10]  }
0x102: {  	v21 =	vld [tilespmem:s31+$0x6E30];
	v54 =	vbroadcast v52, $0xF;
	v55, _, _ =	vpop (xrf2);
	v9 =	vmul.f32 v50, v9  }
0x103: {  	v19 =	vld [tilespmem:s31+$0x6E20];
	v7 =	vmul.f32 v50, v7;
	v48 =	vmul.f32 v53, v48;
	v58, _, _ =	vpop (xrf2)  }
0x104: {  	v56 =	vnsel vm0, $0x3F800000, v23;
	v57 =	vbroadcast v55, $0xF;
	v60 =	vbroadcast v58, $0xF;
	v61, _, _ =	vpop (xrf2)  }
0x105: {  	v59 =	vsel vm1, v56, v54;
	v49 =	vmul.f32 v48, v49;
	v24 =	vbroadcast v61, $0xF  }
0x106: {  	v23 =	vsel vm2, v59, v57;
	v58 =	vmul.f32 v17, v17;
	v59 =	vmul.f32 v18, v18;
	v62, _, _ =	vpop (xrf2)  }
0x107: {  	v61 =	vmul.f32 v21, v21;
	v22 =	vsel vm3, v23, v60;
	v63 =	vbroadcast v62, $0xF;
	v54, _, _ =	vpop (xrf2)  }
0x108: {  	v60 =	vmul.f32 v19, v19;
	v22 =	vsel vm4, v22, v24;
	v55 =	vbroadcast v54, $0xF;
	v56, _, _ =	vpop (xrf2)  }
0x109: {  	v49 =	vmul.f32 v49, v48;
	v22 =	vsel vm5, v22, v63;
	v57 =	vbroadcast v56, $0xF  }
0x10a: {  	v24 =	vadd.f32 v59, v58;
	v23 =	vadd.f32 v61, v60;
	v22 =	vsel vm6, v22, v55  }
0x10b: {  	v49 =	vsub.f32 $1.500000000e+00, v49;
	v54 =	vbroadcast v45, $0x7;
	v22 =	vsel vm7, v22, v57  }
0x10c: {  	v63 =	vbroadcast v45, $0x6;
	(xrf2) =	vadd.scan.msk.f32 $0xffff, v24;
	v62 =	vshra.s32 v22, $0x1;
	v22 =	vmul.f32 $5.000000000e-01, v22  }
0x10d: {  	(xrf2) =	vadd.scan.msk.f32 $0xffff, v23;
	v23 =	vmul.f32 v49, v48;
	v5 =	vmul.f32 v54, v5;
	v53 =	vsub.s32 $0x5F3759DF, v62  }
0x10e: {  	v6 =	vmul.f32 v54, v6;
	v52 =	vmul.f32 v53, v22  }
0x10f: {  	v4 =	vmul.f32 v63, v4;
	v0 =	vmul.f32 v63, v0  }
0x110: {  	v7 =	vadd.f32 v47, v7;
	v56 =	vbroadcast v23, $0x0;
	v55 =	vmul.f32 v53, v52  }
0x111: {  	v9 =	vadd.f32 v46, v9;
	v57 =	vbroadcast v23, $0x1;
	v46 =	vbroadcast v23, $0x3  }
0x112: {  	v50 =	vbroadcast v23, $0x4;
	v0 =	vadd.f32 v7, v0;
	v45 =	vsub.f32 $1.500000000e+00, v55  }
0x113: {  	v62 =	vbroadcast v23, $0x2;
	v58 =	vmul.f32 v56, v26  }
0x114: {  	v60 =	vmul.f32 v56, v28;
	v0 =	vadd.f32 v0, v6;
	v59 =	vmul.f32 v53, v45  }
0x115: {  	v4 =	vadd.f32 v9, v4;
	v61 =	vmul.f32 v57, v36;
	v28 =	vmul.f32 v57, v37  }
0x116: {  	v36 =	vmul.f32 v62, v38;
	v0 =	vadd.f32 v60, v0;
	v38, _, _ =	vpop (xrf2);
	v63 =	vmul.f32 v59, v22  }
0x117: {  	v4 =	vadd.f32 v4, v5;
	v5 =	vmul.f32 v62, v39;
	v39 =	vbroadcast v38, $0xF;
	v45, _, _ =	vpop (xrf2)  }
0x118: {  	v0 =	vadd.f32 v0, v28;
	v26 =	vbroadcast v45, $0xF;
	v37 =	vmul.f32 v63, v59  }
0x119: {  	v48 =	vmul.f32 v46, v35;
	v57 =	vbroadcast v23, $0x6;
	v47 =	vnsel vm0, $0x3F800000, v39  }
0x11a: {  	v0 =	vadd.f32 v0, v5;
	v5 =	vsel vm8, v47, v26;
	v9 =	vsub.f32 $1.500000000e+00, v37  }
0x11b: {  	v4 =	vadd.f32 v58, v4;
	v51 =	vshra.s32 v5, $0x1;
	v5 =	vmul.f32 $5.000000000e-01, v5  }
0x11c: {  	v52 =	vmul.f32 v46, v29;
	v24 =	vsub.s32 $0x5F3759DF, v51;
	v49 =	vmul.f32 v9, v59  }
0x11d: {  	v58 =	vmul.f32 v57, v33;
	v4 =	vadd.f32 v4, v61;
	v54 =	vmul.f32 v24, v5  }
0x11e: {  	v55 =	vbroadcast v23, $0x5;
	v22 =	vmul.f32 v49, v22  }
0x11f: {  	v61 =	vmul.f32 v57, v27;
	v4 =	vadd.f32 v4, v36;
	v56 =	vmul.f32 v24, v54  }
0x120: {  	v53 =	vmul.f32 v50, v30;
	v22 =	vmul.f32 v22, v49  }
0x121: {  	v25 =	vmul.f32 v55, v25;
	v4 =	vadd.f32 v4, v48;
	v26 =	vsub.f32 $1.500000000e+00, v56  }
0x122: {  	v0 =	vadd.f32 v0, v52;
	v9 =	vmul.f32 v50, v20;
	v22 =	vsub.f32 $1.500000000e+00, v22  }
0x123: {  	v4 =	vadd.f32 v4, v53;
	v59 =	vbroadcast v23, $0x7;
	v60 =	vmul.f32 v24, v26  }
0x124: {  	v6 =	vmul.f32 v55, v31;
	v0 =	vadd.f32 v0, v9;
	v7 =	vmul.f32 v22, v49  }
0x125: {  	v4 =	vadd.f32 v4, v25;
	v63 =	vmul.f32 v59, v32;
	v24 =	vmul.f32 v60, v5  }
0x126: {  	v0 =	vadd.f32 v0, v6;
	v26 =	vmul.f32 v59, v34;
	v62 =	vbroadcast v7, $0x0  }
0x127: {  	v4 =	vadd.f32 v4, v58;
	v27 =	vbroadcast v7, $0x1;
	v28 =	vmul.f32 v24, v60  }
0x128: {  	v0 =	vadd.f32 v0, v61;
	v30 =	vbroadcast v7, $0x2;
	v35 =	vbroadcast v7, $0x3  }
0x129: {  	v4 =	vadd.f32 v4, v63;
	v37 =	vbroadcast v7, $0x4;
	v45 =	vbroadcast v7, $0x5  }
0x12a: {  	v0 =	vadd.f32 v0, v26;
	v10 =	vmul.f32 v62, v10;
	v29 =	vmul.f32 v62, v11  }
0x12b: {  	v47 =	vbroadcast v7, $0x6;
	v31 =	vmul.f32 v27, v12;
	v32 =	vsub.f32 $1.500000000e+00, v28  }
0x12c: {  	v33 =	vmul.f32 v27, v13;
	v4 =	vadd.f32 v10, v4;
	v0 =	vadd.f32 v29, v0  }
0x12d: {  	v34 =	vmul.f32 v30, v14;
	v12 =	vmul.f32 v32, v60  }
0x12e: {  	v36 =	vmul.f32 v30, v8;
	v4 =	vadd.f32 v4, v31;
	v0 =	vadd.f32 v0, v33  }
0x12f: {  	v38 =	vmul.f32 v35, v15;
	v5 =	vmul.f32 v12, v5  }
0x130: {  	v1 =	vmul.f32 v35, v1;
	v4 =	vadd.f32 v4, v34;
	v0 =	vadd.f32 v0, v36  }
0x131: {  	v39 =	vmul.f32 v37, v16;
	v5 =	vmul.f32 v5, v12  }
0x132: {  	v46 =	vmul.f32 v37, v2;
	v4 =	vadd.f32 v4, v38;
	v0 =	vadd.f32 v0, v1  }
0x133: {  	v50 =	vbroadcast v7, $0x7;
	v3 =	vmul.f32 v45, v3;
	v5 =	vsub.f32 $1.500000000e+00, v5  }
0x134: {  	v48 =	vmul.f32 v45, v40;
	v4 =	vadd.f32 v4, v39;
	v0 =	vadd.f32 v0, v46  }
0x135: {  	v49 =	vmul.f32 v47, v42;
	v5 =	vmul.f32 v5, v12  }
0x136: {  	v51 =	vmul.f32 v47, v41;
	v3 =	vadd.f32 v4, v3;
	v0 =	vadd.f32 v0, v48  }
0x137: {  	v53 =	vmul.f32 v50, v43;
	v54 =	vbroadcast v5, $0x0  }
0x138: {  	v55 =	vmul.f32 v50, v44;
	v52 =	vadd.f32 v3, v49;
	v0 =	vadd.f32 v0, v51  }
0x139: {  	v58 =	vbroadcast v5, $0x1;
	v56 =	vmul.f32 v54, v17  }
0x13a: {  	v57 =	vmul.f32 v54, v18;
	v2 =	vadd.f32 v52, v53;
	v0 =	vadd.f32 v0, v55  }
0x13b: {  	v59 =	vmul.f32 v58, v19  }
0x13c: {  	v60 =	vmul.f32 v58, v21;
	v2 =	vadd.f32 v2, v56;
	v0 =	vadd.f32 v0, v57;
	_ =	sdelay $0x1  }
0x13d: {  	v1 =	vadd.f32 v2, v59;
	v0 =	vadd.f32 v0, v60;
	_ =	sdelay $0x1  }
0x13e: {  	v2 =	vmul.f32 v1, v1;
	v3 =	vmul.f32 v0, v0;
	_ =	sdelay $0x1  }
0x13f: {  	v2 =	vadd.f32 v3, v2;
	_ =	sdelay $0x1  }
0x140: {  	(xrf2) =	vadd.scan.msk.f32 $0xffff, v2;
	_ =	sdelay $0x9  }
0x141: {  	v2, _, _ =	vpop (xrf2)  }
0x142: {  	(v2sf) =	vpush v2, $0xF;
	_ =	sdelay $0xe  }
0x143: {  	s9 =	spop (v2sf)  }
0x144: {  	s0 =	sshra.s32 s9, $0x1;
	s1 =	smul.f32 $5.000000000e-01, s9  }
0x145: {  	s0 =	ssub.s32 $0x5F3759DF, s0  }
0x146: {  	s9 =	smul.f32 s0, s1;
	_ =	sdelay $0x1  }
0x147: {  	s9 =	smul.f32 s0, s9;
	_ =	sdelay $0x1  }
0x148: {  	s9 =	ssub.f32 $1.500000000e+00, s9;
	_ =	sdelay $0x1  }
0x149: {  	s0 =	smul.f32 s0, s9;
	_ =	sdelay $0x1  }
0x14a: {  	s9 =	smul.f32 s0, s1;
	_ =	sdelay $0x1  }
0x14b: {  	s9 =	smul.f32 s9, s0;
	_ =	sdelay $0x1  }
0x14c: {  	s9 =	ssub.f32 $1.500000000e+00, s9;
	_ =	sdelay $0x1  }
0x14d: {  	s0 =	smul.f32 s9, s0;
	_ =	sdelay $0x1  }
0x14e: {  	s1 =	smul.f32 s0, s1;
	_ =	sdelay $0x1  }
0x14f: {  	s1 =	smul.f32 s1, s0;
	_ =	sdelay $0x1  }
0x150: {  	s1 =	ssub.f32 $1.500000000e+00, s1;
	_ =	sdelay $0x1  }
0x151: {  	s0 =	smul.f32 s1, s0;
	_ =	sdelay $0x1  }
0x152: {  	v1 =	vmul.f32 s0, v1  }
0x153: {  	v0 =	vmul.f32 s0, v0  }
0x154: {  	[tilespmem:s28+$0xFFFFFFE0] =	vst v1  }
0x155: {  	[tilespmem:s28+$0xFFFFFFF0] =	vst v0  }
0x156: {  	v15 =	vld [tilespmem:s31+$0x6E40]  }
0x157: {  	v14 =	vld [tilespmem:s31+$0x6E50]  }
0x158: {  	v13 =	vld [tilespmem:s31+$0x6E60]  }
0x159: {  	v9 =	vld [tilespmem:s31+$0x6E70]  }
0x15a: {  	v11 =	vld [tilespmem:s31+$0x6E80]  }
0x15b: {  	v6 =	vld [tilespmem:s31+$0x6E90]  }
0x15c: {  	v7 =	vld [tilespmem:s31+$0x6EA0]  }
0x15d: {  	v10 =	vld [tilespmem:s31+$0x6EB0]  }
0x15e: {  	v12 =	vld [tilespmem:s31+$0x6EC0]  }
0x15f: {  	v8 =	vld [tilespmem:s31+$0x6ED0]  }
0x160: {  	v5 =	vld [tilespmem:s31+$0x6EE0]  }
0x161: {  	v4 =	vld [tilespmem:s31+$0x6EF0]  }
0x162: {  	v3 =	vld [tilespmem:s31+$0x6F00]  }
0x163: {  	v2 =	vld [tilespmem:s31+$0x6F10];
	v61 =	vmul.f32 v15, v15;
	v62 =	vmul.f32 v14, v14  }
0x164: {  	v1 =	vld [tilespmem:s31+$0x6F20];
	v63 =	vmul.f32 v13, v13;
	v24 =	vmul.f32 v9, v9  }
0x165: {  	v0 =	vld [tilespmem:s31+$0x6F30];
	v25 =	vmul.f32 v11, v11;
	v26 =	vmul.f32 v6, v6;
	v16 =	vadd.f32 v62, v61  }
0x166: {  	v27 =	vmul.f32 v7, v7;
	v28 =	vmul.f32 v10, v10;
	v17 =	vadd.f32 v24, v63  }
0x167: {  	v30 =	vmul.f32 v12, v12;
	v31 =	vmul.f32 v8, v8;
	v29 =	vadd.f32 v26, v25;
	(xrf2) =	vadd.scan.msk.f32 $0xffff, v16  }
0x168: {  	v33 =	vmul.f32 v5, v5;
	v34 =	vmul.f32 v4, v4;
	v32 =	vadd.f32 v28, v27;
	(xrf2) =	vadd.scan.msk.f32 $0xffff, v17  }
0x169: {  	v36 =	vmul.f32 v3, v3;
	v37 =	vmul.f32 v2, v2;
	v35 =	vadd.f32 v31, v30;
	(xrf2) =	vadd.scan.msk.f32 $0xffff, v29  }
0x16a: {  	v39 =	vmul.f32 v1, v1;
	v40 =	vmul.f32 v0, v0;
	v38 =	vadd.f32 v34, v33;
	(xrf2) =	vadd.scan.msk.f32 $0xffff, v32  }
0x16b: {  	v41 =	vadd.f32 v37, v36;
	(xrf2) =	vadd.scan.msk.f32 $0xffff, v35  }
0x16c: {  	v42 =	vadd.f32 v40, v39;
	(xrf2) =	vadd.scan.msk.f32 $0xffff, v38  }
0x16d: {  	(xrf2) =	vadd.scan.msk.f32 $0xffff, v41  }
0x16e: {  	(xrf2) =	vadd.scan.msk.f32 $0xffff, v42;
	_ =	sdelay $0x2  }
0x16f: {  	v43, _, _ =	vpop (xrf2)  }
0x170: {  	v16 =	vbroadcast v43, $0xF;
	v44, _, _ =	vpop (xrf2)  }
0x171: {  	v17 =	vbroadcast v44, $0xF;
	v45, _, _ =	vpop (xrf2)  }
0x172: {  	v22 =	vld [tilespmem:s31+$0x7000];
	v16 =	vnsel vm0, $0x3F800000, v16;
	v18 =	vbroadcast v45, $0xF;
	v46, _, _ =	vpop (xrf2)  }
0x173: {  	v40 =	vld [tilespmem:s31+$0x6F70];
	v16 =	vsel vm1, v16, v17;
	v47 =	vbroadcast v46, $0xF;
	v48, _, _ =	vpop (xrf2)  }
0x174: {  	v39 =	vld [tilespmem:s31+$0x6F80];
	v16 =	vsel vm2, v16, v18;
	v49 =	vbroadcast v48, $0xF;
	v50, _, _ =	vpop (xrf2)  }
0x175: {  	v36 =	vld [tilespmem:s31+$0x6FA0];
	v16 =	vsel vm3, v16, v47;
	v51 =	vbroadcast v50, $0xF;
	v52, _, _ =	vpop (xrf2)  }
0x176: {  	v34 =	vld [tilespmem:s31+$0x6FC0];
	v16 =	vsel vm4, v16, v49;
	v53 =	vbroadcast v52, $0xF;
	v54, _, _ =	vpop (xrf2)  }
0x177: {  	v33 =	vld [tilespmem:s31+$0x6FD0];
	v16 =	vsel vm5, v16, v51;
	v55 =	vbroadcast v54, $0xF  }
0x178: {  	v42 =	vld [tilespmem:s31+$0x6F50];
	v16 =	vsel vm6, v16, v53  }
0x179: {  	v47 =	vld [tilespmem:s31+$0x6F40];
	v16 =	vsel vm7, v16, v55  }
0x17a: {  	v41 =	vld [tilespmem:s31+$0x6F60];
	v17 =	vshra.s32 v16, $0x1;
	v16 =	vmul.f32 $5.000000000e-01, v16  }
0x17b: {  	v38 =	vld [tilespmem:s31+$0x6F90];
	v17 =	vsub.s32 $0x5F3759DF, v17  }
0x17c: {  	v60 =	vmul.f32 v40, v40;
	v35 =	vld [tilespmem:s31+$0x6FB0];
	v56 =	vmul.f32 v17, v16  }
0x17d: {  	v30 =	vld [tilespmem:s31+$0x6FF0];
	v61 =	vmul.f32 v39, v39;
	v58 =	vmul.f32 v42, v42  }
0x17e: {  	v32 =	vld [tilespmem:s31+$0x6FE0];
	v57 =	vmul.f32 v47, v47;
	v18 =	vmul.f32 v17, v56  }
0x17f: {  	v21 =	vld [tilespmem:s31+$0x7010];
	v63 =	vmul.f32 v36, v36;
	v59 =	vmul.f32 v41, v41  }
0x180: {  	v62 =	vmul.f32 v38, v38;
	v20 =	vadd.f32 v58, v57;
	v18 =	vsub.f32 $1.500000000e+00, v18  }
0x181: {  	v19 =	vld [tilespmem:s31+$0x7030];
	v31 =	vmul.f32 v35, v35;
	v43 =	vmul.f32 v34, v34;
	v23 =	vadd.f32 v60, v59  }
0x182: {  	v37 =	vadd.f32 v62, v61;
	v44 =	vmul.f32 v33, v33;
	(xrf2) =	vadd.scan.msk.f32 $0xffff, v20;
	v17 =	vmul.f32 v17, v18;
	v18 =	vld [tilespmem:s31+$0x7020]  }
0x183: {  	v45 =	vadd.f32 v31, v63;
	v46 =	vmul.f32 v32, v32;
	v48 =	vmul.f32 v30, v30;
	(xrf2) =	vadd.scan.msk.f32 $0xffff, v23  }
0x184: {  	v50 =	vmul.f32 v22, v22;
	v49 =	vadd.f32 v44, v43;
	v51 =	vmul.f32 v21, v21;
	(xrf2) =	vadd.scan.msk.f32 $0xffff, v37  }
0x185: {  	v52 =	vadd.f32 v48, v46;
	(xrf2) =	vadd.scan.msk.f32 $0xffff, v45  }
0x186: {  	v54 =	vmul.f32 v19, v19;
	v55 =	vadd.f32 v51, v50;
	(xrf2) =	vadd.scan.msk.f32 $0xffff, v49  }
0x187: {  	(xrf2) =	vadd.scan.msk.f32 $0xffff, v52;
	v56 =	vmul.f32 v17, v16;
	v53 =	vmul.f32 v18, v18  }
0x188: {  	(xrf2) =	vadd.scan.msk.f32 $0xffff, v55  }
0x189: {  	v58 =	vmul.f32 v56, v17;
	v57 =	vadd.f32 v54, v53;
	_ =	sdelay $0x1  }
0x18a: {  	v20 =	vsub.f32 $1.500000000e+00, v58;
	(xrf2) =	vadd.scan.msk.f32 $0xffff, v57  }
0x18b: {  	v59, _, _ =	vpop (xrf2)  }
0x18c: {  	v60 =	vbroadcast v59, $0xF;
	v61, _, _ =	vpop (xrf2);
	v17 =	vmul.f32 v20, v17  }
0x18d: {  	v46 =	vld [tilespmem:s31+$0x7040];
	v23 =	vbroadcast v61, $0xF;
	v62, _, _ =	vpop (xrf2)  }
0x18e: {  	v44 =	vld [tilespmem:s31+$0x7050];
	v20 =	vnsel vm0, $0x3F800000, v60;
	v24 =	vbroadcast v62, $0xF;
	v63, _, _ =	vpop (xrf2);
	v16 =	vmul.f32 v17, v16  }
0x18f: {  	v20 =	vsel vm1, v20, v23;
	v28 =	vbroadcast v63, $0xF;
	v29, _, _ =	vpop (xrf2)  }
0x190: {  	v20 =	vsel vm2, v20, v24;
	v31 =	vbroadcast v29, $0xF;
	v37, _, _ =	vpop (xrf2);
	v24 =	vld [tilespmem:s31+$0x70C0];
	v16 =	vmul.f32 v16, v17  }
0x191: {  	v20 =	vsel vm3, v20, v28;
	v43 =	vbroadcast v37, $0xF;
	v48, _, _ =	vpop (xrf2)  }
0x192: {  	v20 =	vsel vm4, v20, v31;
	v49 =	vbroadcast v48, $0xF;
	v16 =	vsub.f32 $1.500000000e+00, v16  }
0x193: {  	v27 =	vld [tilespmem:s31+$0x70A0];
	v62 =	vmul.f32 v46, v46;
	v63 =	vmul.f32 v44, v44;
	v20 =	vsel vm5, v20, v43  }
0x194: {  	v25 =	vld [tilespmem:s31+$0x70D0];
	v52 =	vsel vm6, v20, v49;
	v16 =	vmul.f32 v16, v17;
	v50, _, _ =	vpop (xrf2)  }
0x195: {  	v26 =	vld [tilespmem:s31+$0x70E0];
	v20 =	vadd.f32 v63, v62;
	v63 =	vmul.f32 v24, v24;
	v51 =	vbroadcast v50, $0xF  }
0x196: {  	v45 =	vld [tilespmem:s31+$0x7080];
	v53 =	vbroadcast v16, $0x0;
	v56 =	vbroadcast v16, $0x1  }
0x197: {  	v43 =	vld [tilespmem:s31+$0x7060];
	v57 =	vbroadcast v16, $0x2;
	v48 =	vbroadcast v16, $0x3;
	v17 =	vsel vm7, v52, v51  }
0x198: {  	v37 =	vld [tilespmem:s31+$0x7070];
	v15 =	vmul.f32 v53, v15;
	v23 =	vshra.s32 v17, $0x1;
	v17 =	vmul.f32 $5.000000000e-01, v17  }
0x199: {  	v28 =	vld [tilespmem:s31+$0x7090];
	v14 =	vmul.f32 v53, v14;
	v13 =	vmul.f32 v56, v13;
	v54 =	vsub.s32 $0x5F3759DF, v23  }
0x19a: {  	v9 =	vmul.f32 v56, v9;
	v15 =	vadd.f32 $0.0e+00, v15;
	v23 =	vld [tilespmem:s31+$0x70B0];
	v55 =	vmul.f32 v54, v17  }
0x19b: {  	v29 =	vld [tilespmem:s31+$0x70F0];
	v59 =	vmul.f32 v57, v11;
	v6 =	vmul.f32 v57, v6;
	v14 =	vadd.f32 $0.0e+00, v14  }
0x19c: {  	v11 =	vld [tilespmem:s31+$0x7100];
	v56 =	vmul.f32 v43, v43;
	v13 =	vadd.f32 v15, v13;
	v58 =	vmul.f32 v54, v55  }
0x19d: {  	v57 =	vmul.f32 v37, v37;
	v15 =	vmul.f32 v48, v7;
	v61 =	vadd.f32 v14, v9;
	v9 =	vld [tilespmem:s31+$0x7110]  }
0x19e: {  	(xrf2) =	vadd.scan.msk.f32 $0xffff, v20;
	v7 =	vld [tilespmem:s31+$0x7130];
	v13 =	vadd.f32 v13, v59;
	v59 =	vmul.f32 v28, v28;
	v60 =	vsub.f32 $1.500000000e+00, v58  }
0x19f: {  	v50 =	vadd.f32 v61, v6;
	v6 =	vld [tilespmem:s31+$0x7120];
	v58 =	vmul.f32 v45, v45;
	v61 =	vmul.f32 v23, v23  }
0x1a0: {  	v51 =	vadd.f32 v57, v56;
	v31 =	vmul.f32 v54, v60;
	v60 =	vmul.f32 v27, v27  }
0x1a1: {  	v57 =	vmul.f32 v25, v25;
	v14 =	vbroadcast v16, $0x4;
	v62 =	vadd.f32 v59, v58  }
0x1a2: {  	(xrf2) =	vadd.scan.msk.f32 $0xffff, v51;
	v59 =	vmul.f32 v26, v26;
	v58 =	vadd.f32 v61, v60;
	v60 =	vmul.f32 v29, v29  }
0x1a3: {  	(xrf2) =	vadd.scan.msk.f32 $0xffff, v62;
	v61 =	vadd.f32 v57, v63;
	v62 =	vmul.f32 v11, v11;
	v63 =	vmul.f32 v9, v9  }
0x1a4: {  	(xrf2) =	vadd.scan.msk.f32 $0xffff, v58;
	v57 =	vadd.f32 v60, v59;
	v58 =	vmul.f32 v6, v6;
	v59 =	vmul.f32 v7, v7  }
0x1a5: {  	v10 =	vmul.f32 v48, v10;
	v60 =	vmul.f32 v31, v17;
	(xrf2) =	vadd.scan.msk.f32 $0xffff, v61;
	v61 =	vadd.f32 v63, v62  }
0x1a6: {  	v12 =	vmul.f32 v14, v12;
	v13 =	vadd.f32 v13, v15;
	(xrf2) =	vadd.scan.msk.f32 $0xffff, v57;
	v62 =	vadd.f32 v59, v58  }
0x1a7: {  	v10 =	vadd.f32 v50, v10;
	v50 =	vbroadcast v16, $0x6;
	v15 =	vmul.f32 v60, v31;
	(xrf2) =	vadd.scan.msk.f32 $0xffff, v61  }
0x1a8: {  	v8 =	vmul.f32 v14, v8;
	v52, _, _ =	vpop (xrf2);
	v63 =	vbroadcast v16, $0x5;
	(xrf2) =	vadd.scan.msk.f32 $0xffff, v62  }
0x1a9: {  	v53 =	vbroadcast v52, $0xF;
	v3 =	vmul.f32 v50, v3;
	v51 =	vsub.f32 $1.500000000e+00, v15  }
0x1aa: {  	v12 =	vadd.f32 v13, v12;
	v60 =	vbroadcast v16, $0x7;
	v5 =	vmul.f32 v63, v5  }
0x1ab: {  	v8 =	vadd.f32 v10, v8;
	v4 =	vmul.f32 v63, v4;
	v10 =	vmul.f32 v51, v31  }
0x1ac: {  	v2 =	vmul.f32 v50, v2;
	v54, _, _ =	vpop (xrf2);
	v1 =	vmul.f32 v60, v1;
	v5 =	vadd.f32 v12, v5  }
0x1ad: {  	v4 =	vadd.f32 v8, v4;
	v12 =	vbroadcast v54, $0xF;
	v55 =	vmul.f32 v10, v17;
	v56, _, _ =	vpop (xrf2)  }
0x1ae: {  	v8 =	vnsel vm0, $0x3F800000, v53;
	v3 =	vadd.f32 v5, v3;
	v57 =	vbroadcast v56, $0xF;
	v58, _, _ =	vpop (xrf2)  }
0x1af: {  	v31 =	vld [tilespmem:s31+$0x7140];
	v8 =	vsel vm1, v8, v12;
	v5 =	vmul.f32 v55, v10;
	v14 =	vbroadcast v58, $0xF;
	v59, _, _ =	vpop (xrf2)  }
0x1b0: {  	v0 =	vmul.f32 v60, v0;
	v12 =	vld [tilespmem:s31+$0x7150];
	v8 =	vsel vm2, v8, v57;
	v15 =	vbroadcast v59, $0xF;
	v61, _, _ =	vpop (xrf2)  }
0x1b1: {  	v13 =	vld [tilespmem:s31+$0x7160];
	v5 =	vsub.f32 $1.500000000e+00, v5;
	v8 =	vsel vm3, v8, v14;
	v16 =	vbroadcast v61, $0xF;
	v62, _, _ =	vpop (xrf2)  }
0x1b2: {  	v20 =	vld [tilespmem:s31+$0x71B0];
	v1 =	vadd.f32 v3, v1;
	v8 =	vsel vm4, v8, v15;
	v17 =	vbroadcast v62, $0xF;
	v63, _, _ =	vpop (xrf2)  }
0x1b3: {  	v3 =	vld [tilespmem:s31+$0x71F0];
	v49 =	vmul.f32 v5, v10;
	v52 =	vsel vm5, v8, v16;
	v53 =	vbroadcast v63, $0xF  }
0x1b4: {  	v2 =	vadd.f32 v4, v2;
	v14 =	vld [tilespmem:s31+$0x7170];
	v61 =	vmul.f32 v31, v31;
	v54 =	vsel vm6, v52, v17  }
0x1b5: {  	v15 =	vld [tilespmem:s31+$0x7180];
	v62 =	vmul.f32 v12, v12;
	v55 =	vbroadcast v49, $0x0;
	v4 =	vsel vm7, v54, v53  }
0x1b6: {  	v16 =	vld [tilespmem:s31+$0x7190];
	v63 =	vmul.f32 v13, v13;
	v56 =	vshra.s32 v4, $0x1;
	v48 =	vmul.f32 $5.000000000e-01, v4  }
0x1b7: {  	v10 =	vld [tilespmem:s31+$0x71C0];
	v52 =	vbroadcast v49, $0x2;
	v57 =	vmul.f32 v55, v47;
	v50 =	vsub.s32 $0x5F3759DF, v56  }
0x1b8: {  	v0 =	vadd.f32 v2, v0;
	v5 =	vld [tilespmem:s31+$0x71E0];
	v47 =	vbroadcast v49, $0x1;
	v59 =	vmul.f32 v50, v48  }
0x1b9: {  	v17 =	vld [tilespmem:s31+$0x71A0];
	v58 =	vmul.f32 v55, v42;
	v42 =	vadd.f32 v62, v61;
	v38 =	vmul.f32 v52, v38  }
0x1ba: {  	v8 =	vld [tilespmem:s31+$0x71D0];
	v61 =	vmul.f32 v15, v15;
	v4 =	vadd.f32 v57, v1;
	v60 =	vmul.f32 v50, v59  }
0x1bb: {  	v41 =	vmul.f32 v47, v41;
	v51 =	vadd.f32 v58, v0;
	v1 =	vld [tilespmem:s31+$0x7200];
	v62 =	vmul.f32 v16, v16  }
0x1bc: {  	v0 =	vld [tilespmem:s31+$0x7210];
	v40 =	vmul.f32 v47, v40;
	v53 =	vsub.f32 $1.500000000e+00, v60;
	v60 =	vmul.f32 v14, v14  }
0x1bd: {  	v2 =	vld [tilespmem:s31+$0x7220];
	(xrf2) =	vadd.scan.msk.f32 $0xffff, v42;
	v41 =	vadd.f32 v4, v41;
	v42 =	vadd.f32 v62, v61;
	v61 =	vmul.f32 v10, v10  }
0x1be: {  	v4 =	vld [tilespmem:s31+$0x7230];
	v54 =	vadd.f32 v60, v63;
	v63 =	vmul.f32 v17, v17;
	v60 =	vmul.f32 v20, v20  }
0x1bf: {  	v62 =	vmul.f32 v8, v8;
	v40 =	vadd.f32 v51, v40;
	v47 =	vmul.f32 v50, v53  }
0x1c0: {  	(xrf2) =	vadd.scan.msk.f32 $0xffff, v54;
	v54 =	vadd.f32 v60, v63;
	v63 =	vmul.f32 v5, v5;
	v60 =	vmul.f32 v3, v3  }
0x1c1: {  	(xrf2) =	vadd.scan.msk.f32 $0xffff, v42;
	v42 =	vadd.f32 v62, v61;
	v61 =	vmul.f32 v1, v1;
	v62 =	vmul.f32 v0, v0  }
0x1c2: {  	v55 =	vmul.f32 v47, v48;
	(xrf2) =	vadd.scan.msk.f32 $0xffff, v54;
	v54 =	vadd.f32 v60, v63;
	v63 =	vmul.f32 v2, v2  }
0x1c3: {  	v60 =	vmul.f32 v4, v4;
	v61 =	vadd.f32 v62, v61;
	v62 =	vbroadcast v49, $0x3  }
0x1c4: {  	v39 =	vmul.f32 v52, v39;
	v56 =	vbroadcast v49, $0x4;
	v38 =	vadd.f32 v40, v38;
	(xrf2) =	vadd.scan.msk.f32 $0xffff, v42  }
0x1c5: {  	v57 =	vmul.f32 v55, v47;
	(xrf2) =	vadd.scan.msk.f32 $0xffff, v54;
	v63 =	vadd.f32 v60, v63;
	v35 =	vmul.f32 v62, v35  }
0x1c6: {  	v34 =	vmul.f32 v56, v34;
	v39 =	vadd.f32 v41, v39;
	(xrf2) =	vadd.scan.msk.f32 $0xffff, v61;
	v36 =	vmul.f32 v62, v36  }
0x1c7: {  	v33 =	vmul.f32 v56, v33;
	v59, _, _ =	vpop (xrf2);
	v58 =	vsub.f32 $1.500000000e+00, v57;
	(xrf2) =	vadd.scan.msk.f32 $0xffff, v63;
	v35 =	vadd.f32 v38, v35  }
0x1c8: {  	v60 =	vbroadcast v49, $0x5;
	v36 =	vadd.f32 v39, v36;
	v39 =	vbroadcast v59, $0xF  }
0x1c9: {  	v59 =	vbroadcast v49, $0x6;
	v33 =	vadd.f32 v35, v33;
	v35 =	vmul.f32 v58, v47  }
0x1ca: {  	v32 =	vmul.f32 v60, v32;
	v30 =	vmul.f32 v60, v30;
	v34 =	vadd.f32 v36, v34  }
0x1cb: {  	v39 =	vnsel vm0, $0x3F800000, v39;
	v22 =	vmul.f32 v59, v22;
	v61, _, _ =	vpop (xrf2);
	v50 =	vmul.f32 v35, v48  }
0x1cc: {  	v21 =	vmul.f32 v59, v21;
	v62 =	vbroadcast v61, $0xF;
	v63, _, _ =	vpop (xrf2);
	v34 =	vadd.f32 v34, v32  }
0x1cd: {  	v30 =	vadd.f32 v33, v30;
	v40 =	vbroadcast v63, $0xF;
	v47, _, _ =	vpop (xrf2);
	v56 =	vmul.f32 v50, v35  }
0x1ce: {  	v38 =	vsel vm1, v39, v62;
	v51 =	vbroadcast v47, $0xF;
	v52, _, _ =	vpop (xrf2);
	v34 =	vadd.f32 v34, v22  }
0x1cf: {  	v41 =	vld [tilespmem:s31+$0x7260];
	v53 =	vsel vm2, v38, v40;
	v54 =	vbroadcast v52, $0xF;
	v55, _, _ =	vpop (xrf2);
	v62 =	vsub.f32 $1.500000000e+00, v56  }
0x1d0: {  	v40 =	vld [tilespmem:s31+$0x7240];
	v36 =	vsel vm3, v53, v51;
	v57 =	vbroadcast v55, $0xF;
	v58, _, _ =	vpop (xrf2);
	v53 =	vbroadcast v49, $0x7  }
0x1d1: {  	v21 =	vadd.f32 v30, v21;
	v38 =	vld [tilespmem:s31+$0x7250];
	v60 =	vbroadcast v58, $0xF;
	v61, _, _ =	vpop (xrf2);
	v48 =	vmul.f32 v62, v35  }
0x1d2: {  	v36 =	vsel vm4, v36, v54;
	v63 =	vbroadcast v61, $0xF;
	v18 =	vmul.f32 v53, v18  }
0x1d3: {  	v36 =	vsel vm5, v36, v57;
	v19 =	vmul.f32 v53, v19;
	v55 =	vbroadcast v48, $0x0  }
0x1d4: {  	v52 =	vsel vm6, v36, v60;
	v59 =	vbroadcast v48, $0x1;
	v47 =	vbroadcast v48, $0x2  }
0x1d5: {  	v39 =	vld [tilespmem:s31+$0x72B0];
	v32 =	vsel vm7, v52, v63;
	v50 =	vbroadcast v48, $0x3;
	v61 =	vmul.f32 v40, v40  }
0x1d6: {  	v42 =	vld [tilespmem:s31+$0x7270];
	v58 =	vadd.f32 v34, v18;
	v62 =	vmul.f32 v38, v38;
	v63 =	vmul.f32 v41, v41  }
0x1d7: {  	v33 =	vld [tilespmem:s31+$0x72E0];
	v21 =	vadd.f32 v21, v19;
	v49 =	vmul.f32 $5.000000000e-01, v32;
	v57 =	vmul.f32 v55, v46  }
0x1d8: {  	v22 =	vld [tilespmem:s31+$0x72A0];
	v54 =	vshra.s32 v32, $0x1;
	v44 =	vmul.f32 v55, v44;
	v43 =	vmul.f32 v59, v43  }
0x1d9: {  	v36 =	vld [tilespmem:s31+$0x7290];
	v35 =	vsub.s32 $0x5F3759DF, v54;
	v37 =	vmul.f32 v59, v37;
	v45 =	vmul.f32 v47, v45  }
0x1da: {  	v32 =	vld [tilespmem:s31+$0x7280];
	v51 =	vadd.f32 v62, v61;
	v61 =	vmul.f32 v39, v39;
	v28 =	vmul.f32 v47, v28  }
0x1db: {  	v18 =	vld [tilespmem:s31+$0x72C0];
	v27 =	vmul.f32 v50, v27;
	v56 =	vmul.f32 v35, v49  }
0x1dc: {  	v19 =	vld [tilespmem:s31+$0x72D0];
	v54 =	vbroadcast v48, $0x5;
	v30 =	vadd.f32 v57, v58;
	v44 =	vadd.f32 v44, v21  }
0x1dd: {  	v34 =	vld [tilespmem:s31+$0x72F0];
	v57 =	vmul.f32 v42, v42;
	v60 =	vmul.f32 v35, v56  }
0x1de: {  	v59 =	vmul.f32 v36, v36;
	v43 =	vadd.f32 v30, v43;
	v44 =	vadd.f32 v44, v37  }
0x1df: {  	v21 =	vld [tilespmem:s31+$0x7300];
	(xrf2) =	vadd.scan.msk.f32 $0xffff, v51;
	v58 =	vmul.f32 v32, v32;
	v46 =	vsub.f32 $1.500000000e+00, v60;
	v60 =	vmul.f32 v22, v22  }
0x1e0: {  	v30 =	vld [tilespmem:s31+$0x7310];
	v43 =	vadd.f32 v43, v45;
	v45 =	vadd.f32 v57, v63;
	v63 =	vmul.f32 v18, v18  }
0x1e1: {  	v37 =	vld [tilespmem:s31+$0x7330];
	v62 =	vadd.f32 v59, v58;
	v57 =	vmul.f32 v19, v19;
	v59 =	vmul.f32 v33, v33  }
0x1e2: {  	v46 =	vmul.f32 v35, v46;
	v35 =	vld [tilespmem:s31+$0x7320];
	v58 =	vadd.f32 v61, v60;
	v60 =	vmul.f32 v34, v34  }
0x1e3: {  	v23 =	vmul.f32 v50, v23;
	v26 =	vmul.f32 v54, v26;
	(xrf2) =	vadd.scan.msk.f32 $0xffff, v45  }
0x1e4: {  	v61 =	vadd.f32 v57, v63;
	(xrf2) =	vadd.scan.msk.f32 $0xffff, v62;
	v57 =	vadd.f32 v60, v59;
	v60 =	vmul.f32 v46, v49  }
0x1e5: {  	v28 =	vadd.f32 v44, v28;
	v62 =	vmul.f32 v21, v21;
	v63 =	vmul.f32 v30, v30;
	(xrf2) =	vadd.scan.msk.f32 $0xffff, v58  }
0x1e6: {  	v27 =	vadd.f32 v43, v27;
	v59 =	vmul.f32 v37, v37;
	(xrf2) =	vadd.scan.msk.f32 $0xffff, v61;
	v52 =	vmul.f32 v60, v46  }
0x1e7: {  	v61 =	vadd.f32 v63, v62;
	v62 =	vbroadcast v48, $0x4;
	v58 =	vmul.f32 v35, v35;
	(xrf2) =	vadd.scan.msk.f32 $0xffff, v57  }
0x1e8: {  	v56 =	vmul.f32 v54, v29;
	v23 =	vadd.f32 v28, v23;
	v55 =	vsub.f32 $1.500000000e+00, v52  }
0x1e9: {  	(xrf2) =	vadd.scan.msk.f32 $0xffff, v61;
	v24 =	vmul.f32 v62, v24;
	v25 =	vmul.f32 v62, v25;
	v57, _, _ =	vpop (xrf2);
	v63 =	vadd.f32 v59, v58  }
0x1ea: {  	v58 =	vbroadcast v57, $0xF;
	v28 =	vmul.f32 v55, v46  }
0x1eb: {  	v24 =	vadd.f32 v27, v24;
	v25 =	vadd.f32 v23, v25;
	(xrf2) =	vadd.scan.msk.f32 $0xffff, v63;
	v63 =	vbroadcast v48, $0x6  }
0x1ec: {  	v48 =	vbroadcast v48, $0x7;
	v60 =	vmul.f32 v28, v49  }
0x1ed: {  	v23 =	vld [tilespmem:s31+$0x7340];
	v29 =	vadd.f32 v24, v26;
	v44 =	vadd.f32 v25, v56;
	v59, _, _ =	vpop (xrf2);
	v57 =	vmul.f32 v63, v11  }
0x1ee: {  	v24 =	vld [tilespmem:s31+$0x7350];
	v26 =	vnsel vm0, $0x3F800000, v58;
	v61 =	vbroadcast v59, $0xF;
	v62, _, _ =	vpop (xrf2);
	v27 =	vmul.f32 v60, v28  }
0x1ef: {  	v25 =	vld [tilespmem:s31+$0x7360];
	v45 =	vmul.f32 v63, v9;
	v54 =	vbroadcast v62, $0xF;
	v55, _, _ =	vpop (xrf2);
	v50 =	vadd.f32 v29, v57  }
0x1f0: {  	v11 =	vld [tilespmem:s31+$0x7380];
	v43 =	vsel vm1, v26, v61;
	v47 =	vbroadcast v55, $0xF;
	v56, _, _ =	vpop (xrf2);
	v60 =	vsub.f32 $1.500000000e+00, v27  }
0x1f1: {  	v45 =	vadd.f32 v44, v45;
	v27 =	vld [tilespmem:s31+$0x7390];
	v43 =	vsel vm2, v43, v54;
	v58 =	vbroadcast v56, $0xF;
	v59, _, _ =	vpop (xrf2)  }
0x1f2: {  	v9 =	vld [tilespmem:s31+$0x73A0];
	v43 =	vsel vm3, v43, v47;
	v49 =	vbroadcast v59, $0xF;
	v47 =	vmul.f32 v60, v28  }
0x1f3: {  	v29 =	vld [tilespmem:s31+$0x73D0];
	v61, _, _ =	vpop (xrf2);
	v59 =	vmul.f32 v48, v6;
	v48 =	vmul.f32 v48, v7;
	v43 =	vsel vm4, v43, v58  }
0x1f4: {  	v44 =	vld [tilespmem:s31+$0x7400];
	v62 =	vbroadcast v61, $0xF;
	v61 =	vmul.f32 v23, v23;
	v43 =	vsel vm5, v43, v49  }
0x1f5: {  	v26 =	vld [tilespmem:s31+$0x7370];
	v51 =	vbroadcast v47, $0x0;
	v46 =	vadd.f32 v50, v59;
	v50 =	vbroadcast v47, $0x1  }
0x1f6: {  	v28 =	vld [tilespmem:s31+$0x73B0];
	v63, _, _ =	vpop (xrf2);
	v57 =	vsel vm6, v43, v62;
	v62 =	vmul.f32 v24, v24;
	v59 =	vmul.f32 v27, v27  }
0x1f7: {  	v6 =	vld [tilespmem:s31+$0x73E0];
	v56 =	vbroadcast v63, $0xF;
	v60 =	vmul.f32 v51, v31  }
0x1f8: {  	v48 =	vadd.f32 v45, v48;
	v43 =	vld [tilespmem:s31+$0x73C0];
	v63 =	vmul.f32 v25, v25;
	v12 =	vmul.f32 v51, v12  }
0x1f9: {  	v7 =	vld [tilespmem:s31+$0x73F0];
	v13 =	vmul.f32 v50, v13;
	v14 =	vmul.f32 v50, v14;
	v55 =	vadd.f32 v62, v61  }
0x1fa: {  	v45 =	vld [tilespmem:s31+$0x7420];
	v58 =	vsel vm7, v57, v56;
	v53 =	vadd.f32 v60, v46;
	v60 =	vmul.f32 v26, v26  }
0x1fb: {  	v31 =	vld [tilespmem:s31+$0x7410];
	v56 =	vmul.f32 v11, v11;
	v49 =	vshra.s32 v58, $0x1;
	v52 =	vmul.f32 $5.000000000e-01, v58  }
0x1fc: {  	v46 =	vld [tilespmem:s31+$0x7430];
	v58 =	vmul.f32 v9, v9;
	v49 =	vsub.s32 $0x5F3759DF, v49;
	v57 =	vadd.f32 v60, v63  }
0x1fd: {  	(xrf2) =	vadd.scan.msk.f32 $0xffff, v55;
	v60 =	vmul.f32 v28, v28;
	v55 =	vadd.f32 v59, v56;
	v56 =	vmul.f32 v43, v43  }
0x1fe: {  	v59 =	vmul.f32 v29, v29;
	v54 =	vmul.f32 v49, v52  }
0x1ff: {  	(xrf2) =	vadd.scan.msk.f32 $0xffff, v57;
	v57 =	vadd.f32 v60, v58;
	v58 =	vmul.f32 v6, v6;
	v60 =	vmul.f32 v7, v7  }
0x200: {  	(xrf2) =	vadd.scan.msk.f32 $0xffff, v55;
	v55 =	vadd.f32 v59, v56;
	v56 =	vmul.f32 v44, v44;
	v59 =	vmul.f32 v31, v31  }
0x201: {  	(xrf2) =	vadd.scan.msk.f32 $0xffff, v57;
	v57 =	vadd.f32 v60, v58;
	v58 =	vmul.f32 v45, v45;
	v60 =	vmul.f32 v46, v46  }
0x202: {  	v62 =	vbroadcast v47, $0x2;
	v54 =	vmul.f32 v49, v54;
	(xrf2) =	vadd.scan.msk.f32 $0xffff, v55;
	v51 =	vadd.f32 v59, v56  }
0x203: {  	v13 =	vadd.f32 v53, v13;
	v53 =	vbroadcast v47, $0x5;
	(xrf2) =	vadd.scan.msk.f32 $0xffff, v57;
	v61 =	vadd.f32 v60, v58  }
0x204: {  	v12 =	vadd.f32 v12, v48;
	v15 =	vmul.f32 v62, v15;
	v63 =	vsub.f32 $1.500000000e+00, v54;
	(xrf2) =	vadd.scan.msk.f32 $0xffff, v51  }
0x205: {  	v5 =	vmul.f32 v53, v5;
	v54 =	vbroadcast v47, $0x3;
	(xrf2) =	vadd.scan.msk.f32 $0xffff, v61  }
0x206: {  	v12 =	vadd.f32 v12, v14;
	v57 =	vmul.f32 v62, v16;
	v16 =	vmul.f32 v49, v63  }
0x207: {  	v13 =	vadd.f32 v13, v15;
	v58 =	vmul.f32 v54, v17;
	v63 =	vbroadcast v47, $0x4  }
0x208: {  	v60 =	vmul.f32 v54, v20;
	v12 =	vadd.f32 v12, v57;
	v59, _, _ =	vpop (xrf2);
	v61 =	vmul.f32 v16, v52  }
0x209: {  	v15 =	vadd.f32 v13, v58;
	v51 =	vmul.f32 v63, v10;
	v55 =	vbroadcast v59, $0xF;
	v62, _, _ =	vpop (xrf2)  }
0x20a: {  	v14 =	vadd.f32 v12, v60;
	v12 =	vld [tilespmem:s31+$0x7440];
	v20 =	vmul.f32 v61, v16;
	v56, _, _ =	vpop (xrf2);
	v48 =	vbroadcast v62, $0xF  }
0x20b: {  	v10 =	vld [tilespmem:s31+$0x7450];
	v49 =	vmul.f32 v63, v8;
	v13 =	vnsel vm0, $0x3F800000, v55;
	v57, _, _ =	vpop (xrf2);
	v17 =	vbroadcast v56, $0xF  }
0x20c: {  	v8 =	vld [tilespmem:s31+$0x7470];
	v20 =	vsub.f32 $1.500000000e+00, v20;
	v58, _, _ =	vpop (xrf2);
	v48 =	vsel vm1, v13, v48;
	v50 =	vbroadcast v57, $0xF  }
0x20d: {  	v3 =	vmul.f32 v53, v3;
	v13 =	vld [tilespmem:s31+$0x7460];
	v59, _, _ =	vpop (xrf2);
	v17 =	vsel vm2, v48, v17;
	v60 =	vbroadcast v58, $0xF  }
0x20e: {  	v16 =	vmul.f32 v20, v16;
	v17 =	vsel vm3, v17, v50;
	v61 =	vbroadcast v59, $0xF;
	v62, _, _ =	vpop (xrf2)  }
0x20f: {  	v58 =	vmul.f32 v12, v12;
	v17 =	vsel vm4, v17, v60;
	v63 =	vbroadcast v62, $0xF;
	v56, _, _ =	vpop (xrf2)  }
0x210: {  	v59 =	vmul.f32 v10, v10;
	v17 =	vsel vm5, v17, v61;
	v57 =	vbroadcast v56, $0xF  }
0x211: {  	v52 =	vmul.f32 v16, v52;
	v61 =	vmul.f32 v8, v8;
	v17 =	vsel vm6, v17, v63  }
0x212: {  	v48 =	vadd.f32 v59, v58;
	v60 =	vmul.f32 v13, v13;
	v17 =	vsel vm7, v17, v57  }
0x213: {  	v62 =	vmul.f32 v52, v16;
	v63 =	vshra.s32 v17, $0x1;
	v17 =	vmul.f32 $5.000000000e-01, v17  }
0x214: {  	v56 =	vbroadcast v47, $0x6;
	v20 =	vadd.f32 v61, v60;
	v52 =	vsub.s32 $0x5F3759DF, v63  }
0x215: {  	v58 =	vbroadcast v47, $0x7;
	(xrf2) =	vadd.scan.msk.f32 $0xffff, v48;
	v50 =	vsub.f32 $1.500000000e+00, v62;
	v57 =	vmul.f32 v52, v17  }
0x216: {  	v15 =	vadd.f32 v15, v51;
	v1 =	vmul.f32 v56, v1;
	v0 =	vmul.f32 v56, v0;
	(xrf2) =	vadd.scan.msk.f32 $0xffff, v20  }
0x217: {  	v14 =	vadd.f32 v14, v49;
	v16 =	vmul.f32 v50, v16;
	v20 =	vmul.f32 v52, v57  }
0x218: {  	v5 =	vadd.f32 v15, v5;
	v2 =	vmul.f32 v58, v2;
	v61 =	vmul.f32 v58, v4  }
0x219: {  	v59 =	vbroadcast v16, $0x0;
	v49 =	vbroadcast v16, $0x2;
	v60 =	vsub.f32 $1.500000000e+00, v20  }
0x21a: {  	v3 =	vadd.f32 v14, v3;
	v53 =	vbroadcast v16, $0x3;
	v58 =	vbroadcast v16, $0x4  }
0x21b: {  	v1 =	vadd.f32 v5, v1;
	v20 =	vbroadcast v16, $0x1;
	v63 =	vmul.f32 v52, v60  }
0x21c: {  	v0 =	vadd.f32 v3, v0;
	v62 =	vmul.f32 v59, v40;
	v38 =	vmul.f32 v59, v38  }
0x21d: {  	v1 =	vadd.f32 v1, v2;
	v40 =	vmul.f32 v20, v41;
	v41 =	vmul.f32 v63, v17  }
0x21e: {  	v0 =	vadd.f32 v0, v61;
	v5 =	vmul.f32 v49, v36;
	v59 =	vbroadcast v16, $0x5  }
0x21f: {  	v55 =	vmul.f32 v53, v22;
	v1 =	vadd.f32 v62, v1;
	v47, _, _ =	vpop (xrf2);
	v14 =	vmul.f32 v41, v63  }
0x220: {  	v0 =	vadd.f32 v38, v0;
	v61 =	vmul.f32 v59, v33;
	v15 =	vbroadcast v47, $0xF;
	v50, _, _ =	vpop (xrf2)  }
0x221: {  	v62 =	vmul.f32 v59, v34;
	v51 =	vbroadcast v50, $0xF;
	v14 =	vsub.f32 $1.500000000e+00, v14  }
0x222: {  	v48 =	vmul.f32 v20, v42;
	v52 =	vmul.f32 v49, v32;
	v15 =	vnsel vm0, $0x3F800000, v15  }
0x223: {  	v1 =	vadd.f32 v1, v40;
	v3 =	vsel vm8, v15, v51;
	v2 =	vmul.f32 v14, v63  }
0x224: {  	v0 =	vadd.f32 v0, v48;
	v54 =	vshra.s32 v3, $0x1;
	v3 =	vmul.f32 $5.000000000e-01, v3  }
0x225: {  	v1 =	vadd.f32 v1, v52;
	v14 =	vsub.s32 $0x5F3759DF, v54;
	v56 =	vmul.f32 v2, v17  }
0x226: {  	v0 =	vadd.f32 v0, v5;
	v15 =	vmul.f32 v53, v39;
	v57 =	vmul.f32 v14, v3  }
0x227: {  	v60 =	vmul.f32 v58, v18;
	v1 =	vadd.f32 v1, v55;
	v4 =	vmul.f32 v56, v2  }
0x228: {  	v5 =	vmul.f32 v58, v19;
	v0 =	vadd.f32 v0, v15;
	v17 =	vmul.f32 v14, v57  }
0x229: {  	v1 =	vadd.f32 v1, v60;
	v63 =	vbroadcast v16, $0x6;
	v4 =	vsub.f32 $1.500000000e+00, v4  }
0x22a: {  	v33 =	vbroadcast v16, $0x7;
	v0 =	vadd.f32 v0, v5;
	v17 =	vsub.f32 $1.500000000e+00, v17  }
0x22b: {  	v1 =	vadd.f32 v1, v61;
	v32 =	vmul.f32 v63, v21;
	v2 =	vmul.f32 v4, v2  }
0x22c: {  	v34 =	vmul.f32 v63, v30;
	v0 =	vadd.f32 v0, v62;
	v22 =	vmul.f32 v14, v17  }
0x22d: {  	v38 =	vmul.f32 v33, v35;
	v1 =	vadd.f32 v1, v32;
	v36 =	vbroadcast v2, $0x0  }
0x22e: {  	v0 =	vadd.f32 v0, v34;
	v14 =	vmul.f32 v33, v37;
	v17 =	vmul.f32 v22, v3  }
0x22f: {  	v1 =	vadd.f32 v1, v38;
	v40 =	vbroadcast v2, $0x1;
	v39 =	vmul.f32 v36, v23  }
0x230: {  	v0 =	vadd.f32 v0, v14;
	v17 =	vmul.f32 v17, v22;
	v41 =	vmul.f32 v36, v24  }
0x231: {  	v42 =	vbroadcast v2, $0x2;
	v47 =	vmul.f32 v40, v25;
	v1 =	vadd.f32 v39, v1  }
0x232: {  	v5 =	vmul.f32 v40, v26;
	v17 =	vsub.f32 $1.500000000e+00, v17;
	v0 =	vadd.f32 v41, v0  }
0x233: {  	v48 =	vbroadcast v2, $0x3;
	v11 =	vmul.f32 v42, v11;
	v1 =	vadd.f32 v1, v47  }
0x234: {  	v49 =	vmul.f32 v42, v27;
	v4 =	vmul.f32 v17, v22;
	v0 =	vadd.f32 v0, v5  }
0x235: {  	v50 =	vbroadcast v2, $0x4;
	v9 =	vmul.f32 v48, v9;
	v1 =	vadd.f32 v1, v11  }
0x236: {  	v51 =	vmul.f32 v48, v28;
	v3 =	vmul.f32 v4, v3;
	v0 =	vadd.f32 v0, v49  }
0x237: {  	v53 =	vbroadcast v2, $0x5;
	v52 =	vmul.f32 v50, v43;
	v1 =	vadd.f32 v1, v9  }
0x238: {  	v54 =	vmul.f32 v50, v29;
	v3 =	vmul.f32 v3, v4;
	v0 =	vadd.f32 v0, v51  }
0x239: {  	v55 =	vbroadcast v2, $0x6;
	v6 =	vmul.f32 v53, v6;
	v1 =	vadd.f32 v1, v52  }
0x23a: {  	v56 =	vmul.f32 v53, v7;
	v3 =	vsub.f32 $1.500000000e+00, v3;
	v0 =	vadd.f32 v0, v54  }
0x23b: {  	v2 =	vbroadcast v2, $0x7;
	v57 =	vmul.f32 v55, v44;
	v1 =	vadd.f32 v1, v6  }
0x23c: {  	v58 =	vmul.f32 v55, v31;
	v3 =	vmul.f32 v3, v4;
	v0 =	vadd.f32 v0, v56  }
0x23d: {  	v59 =	vmul.f32 v2, v45;
	v1 =	vadd.f32 v1, v57  }
0x23e: {  	v2 =	vmul.f32 v2, v46;
	v60 =	vbroadcast v3, $0x0;
	v0 =	vadd.f32 v0, v58  }
0x23f: {  	v3 =	vbroadcast v3, $0x1;
	v1 =	vadd.f32 v1, v59  }
0x240: {  	v61 =	vmul.f32 v60, v12;
	v0 =	vadd.f32 v0, v2;
	v62 =	vmul.f32 v60, v10  }
0x241: {  	v63 =	vmul.f32 v3, v13  }
0x242: {  	v3 =	vmul.f32 v3, v8;
	v1 =	vadd.f32 v1, v61;
	v0 =	vadd.f32 v0, v62;
	_ =	sdelay $0x1  }
0x243: {  	v1 =	vadd.f32 v1, v63;
	v0 =	vadd.f32 v0, v3;
	_ =	sdelay $0x1  }
0x244: {  	v2 =	vmul.f32 v1, v1;
	v3 =	vmul.f32 v0, v0;
	_ =	sdelay $0x1  }
0x245: {  	v2 =	vadd.f32 v3, v2;
	_ =	sdelay $0x1  }
0x246: {  	(xrf2) =	vadd.scan.msk.f32 $0xffff, v2;
	_ =	sdelay $0x9  }
0x247: {  	v2, _, _ =	vpop (xrf2)  }
0x248: {  	(v2sf) =	vpush v2, $0xF;
	_ =	sdelay $0xe  }
0x249: {  	s1 =	spop (v2sf)  }
0x24a: {  	s9 =	sshra.s32 s1, $0x1;
	s0 =	smul.f32 $5.000000000e-01, s1  }
0x24b: {  	s1 =	ssub.s32 $0x5F3759DF, s9  }
0x24c: {  	s31 =	smul.f32 s1, s0;
	_ =	sdelay $0x1  }
0x24d: {  	s9 =	smul.f32 s1, s31;
	_ =	sdelay $0x1  }
0x24e: {  	s9 =	ssub.f32 $1.500000000e+00, s9;
	_ =	sdelay $0x1  }
0x24f: {  	s1 =	smul.f32 s1, s9;
	_ =	sdelay $0x1  }
0x250: {  	s9 =	smul.f32 s1, s0;
	_ =	sdelay $0x1  }
0x251: {  	s9 =	smul.f32 s9, s1;
	_ =	sdelay $0x1  }
0x252: {  	s9 =	ssub.f32 $1.500000000e+00, s9;
	_ =	sdelay $0x1  }
0x253: {  	s1 =	smul.f32 s9, s1;
	_ =	sdelay $0x1  }
0x254: {  	s0 =	smul.f32 s1, s0;
	_ =	sdelay $0x1  }
0x255: {  	s0 =	smul.f32 s0, s1;
	_ =	sdelay $0x1  }
0x256: {  	s0 =	ssub.f32 $1.500000000e+00, s0;
	_ =	sdelay $0x1  }
0x257: {  	s0 =	smul.f32 s0, s1;
	_ =	sdelay $0x1  }
0x258: {  	p6 =	sgt.u32 s29, $0xF7;
	v1 =	vmul.f32 s0, v1  }
0x259: {  	p0 =	sne.s32 @!p6 s30, $0x0;
	v0 =	vmul.f32 s0, v0  }
0x25a: {  	p0 =	por p0, p6;
	[tilespmem:s28+$0x0] =	vst v1  }
0x25b: {  	s1 =	simm.s32 @!p0 $0x6800;
	s0 =	simm.s32 @!p0 $0x64;
	[tilespmem:s28+$0x10] =	vst v0  }
0x25c: {  	[tilespmem:s1], [sflag:$0x1] =	stream.indirect.gather @!p0 [hbm4b:s3+s0], $0x20, s26, s0, $0xb8;
	[tilespmem:$0x10C00] =	vst v63  }
0x25d: {  	p0 =	por !p1, p6  }
0x25e: {  	s9 =	sld [smem:$0x7FD];
	s0 =	simm.s32 @!p0 $0x64;
	s1 =	simm.s32 @!p0 $0x7480  }
0x25f: {  	[tilespmem:s1], [sflag:$0x2] =	stream.indirect.gather @!p0 [hbm4b:s3+s0], $0x20, s26, s0, $0xb8;
	[tilespmem:$0x10C00] =	vst v63  }
0x260: {  	p0 =	por !p4, p6  }
0x261: {  	p2 =	seq.s32 s9, $0x1;
	s0 =	simm.s32 @!p0 $0x64;
	s1 =	simm.s32 @!p0 $0x8100  }
0x262: {  	[tilespmem:s1], [sflag:$0x3] =	stream.indirect.gather @!p0 [hbm4b:s3+s0], $0x20, s26, s0, $0xb8;
	[tilespmem:$0x10C00] =	vst v63  }
0x263: {  	p0 =	por !p2, p6  }
0x264: {  	s30 =	sld [smem:$0x7FC];
	s0 =	simm.s32 @!p0 $0x64;
	s1 =	simm.s32 @!p0 $0x8D80  }
0x265: {  	[tilespmem:s1], [sflag:$0x4] =	stream.indirect.gather @!p0 [hbm4b:s3+s0], $0x20, s26, s0, $0xb8;
	[tilespmem:$0x10C00] =	vst v63  }
0x266: {  	p0 =	por !p3, p6  }
0x267: {  	p4 =	seq.s32 s30, $0x1;
	s0 =	simm.s32 @!p0 $0x64;
	s1 =	simm.s32 @!p0 $0x9A00  }
0x268: {  	[tilespmem:s1], [sflag:$0x5] =	stream.indirect.gather @!p0 [hbm4b:s3+s0], $0x20, s26, s0, $0xb8;
	[tilespmem:$0x10C00] =	vst v63  }
0x269: {  	p0 =	por !p4, p6  }
0x26a: {  	s31 =	sld [smem:$0x7FB];
	s0 =	simm.s32 @!p0 $0x64;
	s1 =	simm.s32 @!p0 $0xA680  }
0x26b: {  	[tilespmem:s1], [sflag:$0x6] =	stream.indirect.gather @!p0 [hbm4b:s3+s0], $0x20, s26, s0, $0xb8;
	[tilespmem:$0x10C00] =	vst v63  }
0x26c: {  	p0 =	por !p5, p6  }
0x26d: {  	p5 =	seq.s32 s31, $0x1;
	s0 =	simm.s32 @!p0 $0x64;
	s1 =	simm.s32 @!p0 $0xB300  }
0x26e: {  	[tilespmem:s1], [sflag:$0x7] =	stream.indirect.gather @!p0 [hbm4b:s3+s0], $0x20, s26, s0, $0xb8;
	[tilespmem:$0x10C00] =	vst v63  }
0x26f: {  	p0 =	por !p5, p6  }
0x270: {  	s29 =	sadd.s32 $0x1, s29;
	s0 =	simm.s32 @!p0 $0x64;
	s1 =	simm.s32 @!p0 $0xBF80  }
0x271: {  	[tilespmem:s1], [sflag:$0x8] =	stream.indirect.gather @!p0 [hbm4b:s3+s0], $0x20, s26, s0, $0xb8;
	[tilespmem:$0x10C00] =	vst v63  }
0x272: {  	p0 =	sne.s32 s29, $0x100  }
.Ltmp3:
0x273: {  	_ = 	snop;
	(pc) =	sbr.rel @!p0 .LBB2_6-.Ltmp3, $2  }
0x274: {  	_ =	sdelay $0x2  }
0x275: {  	s28 =	sadd.s32 $0x40, s28;
	s26 =	sadd.s32 $0x68, s26  }
.LBB2_2:
0x276: {  	s30 =	sand.u32 $0x7, s29  }
0x277: {  	p0 =	sgt.s32 s30, $0x3  }
.Ltmp4:
0x278: {  	_ = 	snop;
	(pc) =	sbr.rel @p0 .LBB2_4-.Ltmp4, $1  }
0x279: {  	_ =	sdelay $0x3  }
0x27a: {  	p6 =	sgt.s32 s30, $0x1  }
0x27b: {  	p0 =	seq.s32 @p6 s30, $0x2  }
0x27c: {  	p2 =	por p0, !p6;
	p0 =	por !p0, !p6  }
0x27d: {  	p3 =	por @!p0 $0x0, $0x0;
	p1 =	por @!p2 $0x1, $0x1  }
0x27e: {  	s31 =	simm.s32 $0x1;
	p4 =	por @!p2 $0x0, $0x0;
	p1 =	por @!p0 p3, p3  }
0x27f: {  	s1 =	simm.s32 @!p0 $0x3;
	p5 =	por p4, p4;
	s0 =	simm.s32 @!p1 $0x0  }
0x280: {  	s1 =	simm.s32 @p0 $0x4;
	s0 =	simm.s32 @p1 $0x1;
	p1 =	por @!p0 $0x1, $0x1  }
0x281: {  	p5 =	por @!p0 p3, p3;
	p4 =	por @!p0 p1, p1;
	p0 =	seq.s32 @!p6 s30, $0x0  }
0x282: {  	p1 =	por $0x0, $0x0;
	p2 =	por p0, p6;
	p0 =	por !p0, p6  }
0x283: {  	p3 =	por @!p2 $0x1, $0x1;
	p2 =	por @!p2 $0x0, $0x0;
	s31 =	simm.s32 @p0 $0x2  }
0x284: {  	p2 =	por @!p0 p1, p1;
	p3 =	por @!p0 p1, p1;
	p0 =	por p5, p5  }
0x285: {  	p0 =	por @!p6 p2, p2  }
0x286: {  	[smem:$0x7FD] =	sst s0;
	s0 =	simm.s32 @!p0 $0x0  }
0x287: {  	s9 =	sld [smem:$0x7FD];
	s0 =	simm.s32 @p0 $0x1;
	p0 =	por p5, p5  }
0x288: {  	p0 =	por @!p6 p2, p2  }
0x289: {  	[smem:$0x7FB] =	sst s0;
	s0 =	simm.s32 @!p0 $0x0  }
.Ltmp5:
0x28a: {  	s0 =	simm.s32 @p0 $0x1;
	p0 =	seq.s32 s9, $0x1;
	(pc) =	sbr.rel .LBB2_5-.Ltmp5, $4  }
0x28b: {  	p1 =	por p5, p5;
	s31 =	smov.u32 @p6 s1;
	p0 =	por @!p6 p2, p2  }
0x28c: {  	p1 =	por @!p6 p3, p3;
	[smem:$0x7FC] =	sst s0;
	s0 =	simm.s32 @!p0 $0x0  }
0x28d: {  	p3 =	por p5, p5;
	p4 =	por @!p6 p2, p2;
	s0 =	simm.s32 @p0 $0x1  }
0x28e: {  	p3 =	por @!p6 p2, p2;
	p5 =	por @!p6 p2, p2;
	[smem:$0x7FD] =	sst s0  }
.LBB2_7:
0x28f: {  	_ =	sfence.sel $0x180000  }
0x290: {  	[bflag:$0x0] =	sbarrier.arrive $0xFFFF  }
0x291: {  	_ =	strace $0x90000047  }
0x292: {  	s0 =	stileid.u32;
	[bflag:$0x2] =	sbarrier.arrive $0xFFFF  }
0x293: {  	p0 =	sne.s32 s0, $0x0;
	s0 =	rddreg [dreg:$0x2]  }
0x294: {  	s0 =	sadd.s32 @!p0 $0x100000, s0  }
0x295: {  	[sflag:s0] =	ssyncadd.tile.s32 @!p0 $0x1;
	_ =	shalt  }
.Lfunc_end2:
_tile_overlayer_lowered:
.L_overlay_start_2:
0x296: {  	(tag) =	ssettag $0x2  }
0x297: {  	s0 =	rddreg [dreg:$0x0];
	s2 =	stileid.u32  }
0x298: {  	s1 =	rddreg [dreg:$0x1];
	p0 =	sne.s32 s2, $0x0  }
0x299: {  	s3 =	rddreg [dreg:$0x2];
	[bflag:$0x3] =	sbarrier.arrive $0xFFFF;
	s2 =	simm.s32 @!p0 $0x1C09  }
0x29a: {  	[timem:s3], [sflag:s2] =	dma.local @!p0 [hbm:s0], s1  }
0x29b: {  	s0 =	simm.s32 @!p0 $0x9  }
0x29c: {  	_ =	swait.ge @!p0 [sflag:s0], s1  }
0x29d: {  	s1 =	ssub.s32 @!p0 $0x0, s1;
	[sflag:s0] =	ssyncset.done @!p0 $0x0  }
0x29e: {  	[sflag:s0] =	ssyncadd.s32 @!p0 s1  }
0x29f: {  	[bflag:$0x3] =	sbarrier.arrive $0xFFFF  }
0x2a0: {  	_ =	shalt  }

</sc_bundles>
